<compile_context>
chip_gen: v7x
topology: tpu7x:2x2x1
jax: 0.10.2.dev20260603
libtpu: 0.0.44.dev20260713+nightly
codegen_flags: <defaults>
</compile_context>

<pallas_src>
import functools

import jax
import jax.numpy as jnp
from jax import lax
from jax.experimental import pallas as pl
from jax.experimental.pallas import tpu as pltpu
from jax.experimental.pallas import tpu_sc as plsc

N_NODES = 10000
N_EDGES = 320000
D_IN = 128
D_HID = 64
N_CLS = 16

NC = 2
NS = 16
NW = NC * NS
CHUNK = 128
CHUNKS_PER_TILE = 80
E_PAD = NW * CHUNKS_PER_TILE * CHUNK
N_PAD = 10240
ROWS_PER_TILE = N_PAD // NS
DEGW = 16
NBUF = 8
NODES_PER_TILE = N_PAD // NW


def _sc_mesh():
    return plsc.VectorSubcoreMesh(
        core_axis_name="c", subcore_axis_name="s", num_cores=NC, num_subcores=NS
    )


def _newton_rsqrt(d):
    scale = jnp.ones_like(d)
    m = d
    for _ in range(10):
        big = m > 2.0
        m = jnp.where(big, m * 0.25, m)
        scale = jnp.where(big, scale * 0.5, scale)
    y = jnp.ones_like(m)
    for _ in range(5):
        y = y * (1.5 - 0.5 * m * y * y)
    return y * scale


def _dinv_sc(dst_all):
    nchunks = 2 * CHUNKS_PER_TILE

    @functools.partial(
        pl.kernel,
        mesh=_sc_mesh(),
        out_type=[
            jax.ShapeDtypeStruct((N_PAD // 2, 128), jnp.float32),
            jax.ShapeDtypeStruct((N_PAD, DEGW), jnp.float32),
        ],
        scratch_types=[
            pltpu.VMEM((nchunks, CHUNK), jnp.int32),
            pltpu.VMEM((CHUNK, DEGW), jnp.float32),
            pltpu.VMEM((ROWS_PER_TILE, DEGW), jnp.float32),
            pltpu.VMEM((NODES_PER_TILE, DEGW), jnp.float32),
            pltpu.VMEM((NODES_PER_TILE // 2, 128), jnp.float32),
            pltpu.VMEM((NODES_PER_TILE,), jnp.float32),
            pltpu.VMEM_SHARED((N_PAD, DEGW), jnp.float32),
            pltpu.SemaphoreType.DMA,
        ],
        compiler_params=pltpu.CompilerParams(
            use_tc_tiling_on_sc=False, needs_layout_passes=False
        ),
    )
    def deg_kernel(dst_hbm, d64_hbm, d16_hbm, idxv, onesv, slicev, d16v, d64v,
                   dflat, acc_sh, sem):
        c = lax.axis_index("c")
        s = lax.axis_index("s")

        def fill_ones(j, carry):
            onesv[j, :] = jnp.ones((DEGW,), jnp.float32)
            return carry

        lax.fori_loop(0, CHUNK, fill_ones, 0)

        def fill_zero(i, carry):
            slicev[i, :] = jnp.zeros((DEGW,), jnp.float32)
            return carry

        lax.fori_loop(0, ROWS_PER_TILE, fill_zero, 0)
        pltpu.sync_copy(slicev, acc_sh.at[pl.ds(s * ROWS_PER_TILE, ROWS_PER_TILE)])
        plsc.subcore_barrier()

        pltpu.sync_copy(dst_hbm.at[2 * s], idxv.at[pl.ds(0, CHUNKS_PER_TILE)])
        pltpu.sync_copy(
            dst_hbm.at[2 * s + 1], idxv.at[pl.ds(CHUNKS_PER_TILE, CHUNKS_PER_TILE)]
        )

        win = 8

        def start(j, carry):
            pltpu.async_copy(onesv, acc_sh.at[idxv.at[j]], sem, add=True)
            return carry

        def slide(j, carry):
            pltpu.make_async_copy(onesv, acc_sh.at[idxv.at[j - win]], sem).wait()
            pltpu.async_copy(onesv, acc_sh.at[idxv.at[j]], sem, add=True)
            return carry

        def drain(j, carry):
            pltpu.make_async_copy(onesv, acc_sh.at[idxv.at[j]], sem).wait()
            return carry

        lax.fori_loop(0, win, start, 0)
        lax.fori_loop(win, nchunks, slide, 0)
        lax.fori_loop(nchunks - win, nchunks, drain, 0)
        plsc.subcore_barrier()

        base_n = (c * NS + s) * NODES_PER_TILE
        base_h = (c * NS + s) * (NODES_PER_TILE // 2)
        pltpu.sync_copy(acc_sh.at[pl.ds(base_n, NODES_PER_TILE)], d16v)

        iota16 = lax.iota(jnp.int32, 16)
        zero16 = jnp.zeros((16,), jnp.int32)

        def dinv_vec(v, carry):
            dg = plsc.load_gather(d16v, [v * 16 + iota16, zero16])
            y = _newton_rsqrt(dg + 1.0)
            dflat[pl.ds(v * 16, 16)] = y
            return carry

        lax.fori_loop(0, NODES_PER_TILE // 16, dinv_vec, 0)

        def dinv_node(i, carry):
            bv = plsc.load_gather(dflat, [jnp.full((16,), i, jnp.int32)])
            d16v[i, :] = bv
            r = i // 2
            h = (i % 2) * 64
            for k in range(4):
                d64v[r, pl.ds(h + k * 16, 16)] = bv
            return carry

        lax.fori_loop(0, NODES_PER_TILE, dinv_node, 0)
        pltpu.sync_copy(d16v, d16_hbm.at[pl.ds(base_n, NODES_PER_TILE)])
        pltpu.sync_copy(d64v, d64_hbm.at[pl.ds(base_h, NODES_PER_TILE // 2)])

    return deg_kernel(dst_all)


def _aggregate_sc(y, src_all, dst_all, d):

    @functools.partial(
        pl.kernel,
        mesh=_sc_mesh(),
        out_type=jax.ShapeDtypeStruct((NC, N_PAD, d), jnp.float32),
        scratch_types=[
            pltpu.VMEM((CHUNKS_PER_TILE, CHUNK), jnp.int32),
            pltpu.VMEM((CHUNKS_PER_TILE, CHUNK), jnp.int32),
            pltpu.VMEM((NBUF, CHUNK, d), jnp.float32),
            pltpu.VMEM_SHARED((N_PAD, d), jnp.float32),
            [pltpu.SemaphoreType.DMA] * NBUF,
            [pltpu.SemaphoreType.DMA] * NBUF,
        ],
        compiler_params=pltpu.CompilerParams(use_tc_tiling_on_sc=False),
    )
    def agg_kernel(y_hbm, src_hbm, dst_hbm, out_hbm, srcv, dstv, rows, acc_sh, semg, sems):
        c = lax.axis_index("c")
        s = lax.axis_index("s")
        wid = s * NC + c
        pieces = ROWS_PER_TILE // CHUNK

        def fill_zero(i, carry):
            for k in range(d // 16):
                rows[0, i, pl.ds(k * 16, 16)] = jnp.zeros((16,), jnp.float32)
            return carry

        lax.fori_loop(0, CHUNK, fill_zero, 0)

        def zero_piece(p, carry):
            pltpu.sync_copy(
                rows.at[0], acc_sh.at[pl.ds(s * ROWS_PER_TILE + p * CHUNK, CHUNK)]
            )
            return carry

        lax.fori_loop(0, pieces, zero_piece, 0)
        plsc.subcore_barrier()

        pltpu.sync_copy(src_hbm.at[wid], srcv)
        pltpu.sync_copy(dst_hbm.at[wid], dstv)

        ngroups = CHUNKS_PER_TILE // NBUF

        def group(g, carry):
            base = g * NBUF
            gath = []
            for b in range(NBUF):
                @pl.when(g > 0)
                def _wait_prev(b=b, base=base):
                    pltpu.make_async_copy(
                        rows.at[b], acc_sh.at[dstv.at[base - NBUF + b]], sems[b]
                    ).wait()

                gath.append(
                    pltpu.async_copy(
                        y_hbm.at[srcv.at[base + b]], rows.at[b], semg[b]
                    )
                )
            for b in range(NBUF):
                gath[b].wait()
                pltpu.async_copy(
                    rows.at[b], acc_sh.at[dstv.at[base + b]], sems[b], add=True
                )
            return carry

        lax.fori_loop(0, ngroups, group, 0)
        last = (ngroups - 1) * NBUF
        for b in range(NBUF):
            pltpu.make_async_copy(
                rows.at[b], acc_sh.at[dstv.at[last + b]], sems[b]
            ).wait()
        plsc.subcore_barrier()

        def read_piece(p, carry):
            off = s * ROWS_PER_TILE + p * CHUNK
            pltpu.sync_copy(acc_sh.at[pl.ds(off, CHUNK)], rows.at[0])
            pltpu.sync_copy(rows.at[0], out_hbm.at[c, pl.ds(off, CHUNK)])
            return carry

        lax.fori_loop(0, pieces, read_piece, 0)

    return agg_kernel(y, src_all, dst_all)


_R = 512


def _mm1_body(x_ref, w_ref, d64_ref, y_ref):
    y_ref[...] = (
        jnp.dot(x_ref[...], w_ref[...], preferred_element_type=jnp.float32)
        * d64_ref[...]
    )


def _mid_body(p_ref, y1_ref, b1_ref, w2_ref, d64_ref, y2_ref):
    p = p_ref[...]
    d64 = d64_ref[...]
    h = jnp.maximum((p[0] + p[1] + y1_ref[...]) * d64 + b1_ref[...], 0.0)
    y2_ref[...] = jnp.dot(
        h * d64, w2_ref[...], preferred_element_type=jnp.float32
    )


def _out_body(p_ref, y2_ref, b2_ref, d16_ref, o_ref):
    p = p_ref[...]
    z = (p[0] + p[1] + y2_ref[...]) * d16_ref[...] + b2_ref[...]
    m = jnp.max(z, axis=1, keepdims=True)
    lse = jnp.log(jnp.sum(jnp.exp(z - m), axis=1, keepdims=True)) + m
    o_ref[...] = z - lse


def _tc_mm1(x_packed, Wbd1, d64p):
    n = N_PAD // 2
    return pl.pallas_call(
        _mm1_body,
        grid=(n // _R,),
        in_specs=[
            pl.BlockSpec((_R, 2 * D_IN), lambda i: (i, 0)),
            pl.BlockSpec((2 * D_IN, 2 * D_HID), lambda i: (0, 0)),
            pl.BlockSpec((_R, 128), lambda i: (i, 0)),
        ],
        out_specs=pl.BlockSpec((_R, 128), lambda i: (i, 0)),
        out_shape=jax.ShapeDtypeStruct((n, 128), jnp.float32),
    )(x_packed, Wbd1, d64p)


def _tc_mid(p1p, y1p, b1p, Wbd2, d64p):
    n = N_PAD // 2
    return pl.pallas_call(
        _mid_body,
        grid=(n // _R,),
        in_specs=[
            pl.BlockSpec((NC, _R, 128), lambda i: (0, i, 0)),
            pl.BlockSpec((_R, 128), lambda i: (i, 0)),
            pl.BlockSpec((1, 128), lambda i: (0, 0)),
            pl.BlockSpec((128, 2 * N_CLS), lambda i: (0, 0)),
            pl.BlockSpec((_R, 128), lambda i: (i, 0)),
        ],
        out_specs=pl.BlockSpec((_R, 2 * N_CLS), lambda i: (i, 0)),
        out_shape=jax.ShapeDtypeStruct((n, 2 * N_CLS), jnp.float32),
    )(p1p, y1p, b1p, Wbd2, d64p)


_R3 = 1024


def _tc_out(p2, y2_16, b2, d16):
    return pl.pallas_call(
        _out_body,
        grid=(N_PAD // _R3,),
        in_specs=[
            pl.BlockSpec((NC, _R3, N_CLS), lambda i: (0, i, 0)),
            pl.BlockSpec((_R3, N_CLS), lambda i: (i, 0)),
            pl.BlockSpec((1, N_CLS), lambda i: (0, 0)),
            pl.BlockSpec((_R3, N_CLS), lambda i: (i, 0)),
        ],
        out_specs=pl.BlockSpec((_R3, N_CLS), lambda i: (i, 0)),
        out_shape=jax.ShapeDtypeStruct((N_PAD, N_CLS), jnp.float32),
    )(p2, y2_16, b2.reshape(1, N_CLS), d16)


def _blockdiag2(W):
    k, m = W.shape
    Z = jnp.zeros((k, m), W.dtype)
    return jnp.concatenate(
        [jnp.concatenate([W, Z], axis=1), jnp.concatenate([Z, W], axis=1)], axis=0
    )


def kernel(x, edge_index, W1, b1, W2, b2):
    ei = edge_index.astype(jnp.int32)
    src, dst = ei[0], ei[1]
    n_extra = E_PAD - N_EDGES
    pad_ar = jnp.arange(n_extra, dtype=jnp.int32)
    src_all = jnp.concatenate([src, pad_ar % N_NODES]).reshape(
        NW, CHUNKS_PER_TILE, CHUNK
    )
    dst_all = jnp.concatenate(
        [dst, N_NODES + pad_ar % (N_PAD - N_NODES)]
    ).reshape(NW, CHUNKS_PER_TILE, CHUNK)
    x_packed = jnp.pad(x, ((0, N_PAD - N_NODES), (0, 0))).reshape(
        N_PAD // 2, 2 * D_IN
    )

    d64p, d16 = _dinv_sc(dst_all)
    y1p = _tc_mm1(x_packed, _blockdiag2(W1), d64p)
    p1 = _aggregate_sc(y1p.reshape(N_PAD, D_HID), src_all, dst_all, D_HID)
    y2p = _tc_mid(
        p1.reshape(NC, N_PAD // 2, 128),
        y1p,
        jnp.concatenate([b1, b1]).reshape(1, 128),
        _blockdiag2(W2),
        d64p,
    )
    p2 = _aggregate_sc(y2p.reshape(N_PAD, N_CLS), src_all, dst_all, N_CLS)
    out = _tc_out(p2, y2p.reshape(N_PAD, N_CLS), b2, d16)
    return out[:N_NODES]

# --- scband reference (transcript-rebuilt; emitter-appended) ---
"""Pipeline reference for scband-gcn-5823975653928 (READ-ONLY COPY).

The authoritative reference and input builder live on the scoring server;
editing this copy changes nothing except your own understanding.
"""

import jax, jax.numpy as jnp
import numpy as np

N_NODES = 10000
N_EDGES = 320000
D_IN = 128
D_HID = 64
N_CLASSES = 16


def gcn_conv(x, edge_index, W, b, num_nodes):
    # GCNConv: add self-loops, symmetric normalization, linear transform, scatter-add aggregate
    src = edge_index[0]
    dst = edge_index[1]
    loop = jnp.arange(num_nodes, dtype=edge_index.dtype)
    src = jnp.concatenate([src, loop])
    dst = jnp.concatenate([dst, loop])
    deg = jnp.zeros((num_nodes,), dtype=x.dtype).at[dst].add(1.0)
    dinv = jnp.where(deg > 0, jax.lax.rsqrt(deg), 0.0)
    norm = dinv[src] * dinv[dst]
    xw = x @ W
    msg = xw[src] * norm[:, None]
    out = jnp.zeros((num_nodes, xw.shape[1]), dtype=x.dtype).at[dst].add(msg)
    return out + b


def setup_inputs(seed: int = 0) -> dict:
    key = jax.random.key(seed)
    k1, k2, k3, k4, k5, k6 = jax.random.split(key, 6)
    x = jax.random.normal(k1, (N_NODES, D_IN), dtype=jnp.float32)
    edge_index = jax.random.randint(k2, (2, N_EDGES), 0, N_NODES, dtype=jnp.int64)
    s1 = 1.0 / np.sqrt(D_IN)
    s2 = 1.0 / np.sqrt(D_HID)
    W1 = jax.random.uniform(k3, (D_IN, D_HID), dtype=jnp.float32, minval=-s1, maxval=s1)
    b1 = jax.random.uniform(k4, (D_HID,), dtype=jnp.float32, minval=-s1, maxval=s1)
    W2 = jax.random.uniform(k5, (D_HID, N_CLASSES), dtype=jnp.float32, minval=-s2, maxval=s2)
    b2 = jax.random.uniform(k6, (N_CLASSES,), dtype=jnp.float32, minval=-s2, maxval=s2)
    return {"x": x, "edge_index": edge_index, "W1": W1, "b1": b1, "W2": W2, "b2": b2}


def reference(x, edge_index, W1, b1, W2, b2):
    h = gcn_conv(x, edge_index, W1, b1, N_NODES)
    h = jax.nn.relu(h)
    # F.dropout with training=self.training; eval mode -> identity
    h = gcn_conv(h, edge_index, W2, b2, N_NODES)
    return jax.nn.log_softmax(h, axis=1)

if __name__ == "__main__":
    import jax
    _d = setup_inputs()
    print(jax.jit(kernel)(*tuple(_d.values())))

</pallas_src>

<mosaic_0001>
#map = affine_map<(d0, d1) -> (0, 0)>
#map1 = affine_map<(d0, d1) -> (0, 0, 0)>
module attributes {stable_mosaic.version = 14 : i64} {
  func.func @agg_kernel(%arg0: i32, %arg1: i32, %arg2: memref<10240x16xf32, #tpu.memory_space<hbm>>, %arg3: memref<32x80x128xi32, #tpu.memory_space<hbm>>, %arg4: memref<32x80x128xi32, #tpu.memory_space<hbm>>, %arg5: memref<2x10240x16xf32, #tpu.memory_space<hbm>>, %arg6: memref<80x128xi32, #tpu.memory_space<vmem>>, %arg7: memref<80x128xi32, #tpu.memory_space<vmem>>, %arg8: memref<8x128x16xf32, #tpu.memory_space<vmem>>, %arg9: memref<10240x16xf32, #tpu.memory_space<vmem_shared>>, %arg10: memref<!tpu.dma_semaphore, #tpu.memory_space<semaphore_mem>>, %arg11: memref<!tpu.dma_semaphore, #tpu.memory_space<semaphore_mem>>, %arg12: memref<!tpu.dma_semaphore, #tpu.memory_space<semaphore_mem>>, %arg13: memref<!tpu.dma_semaphore, #tpu.memory_space<semaphore_mem>>, %arg14: memref<!tpu.dma_semaphore, #tpu.memory_space<semaphore_mem>>, %arg15: memref<!tpu.dma_semaphore, #tpu.memory_space<semaphore_mem>>, %arg16: memref<!tpu.dma_semaphore, #tpu.memory_space<semaphore_mem>>, %arg17: memref<!tpu.dma_semaphore, #tpu.memory_space<semaphore_mem>>, %arg18: memref<!tpu.dma_semaphore, #tpu.memory_space<semaphore_mem>>, %arg19: memref<!tpu.dma_semaphore, #tpu.memory_space<semaphore_mem>>, %arg20: memref<!tpu.dma_semaphore, #tpu.memory_space<semaphore_mem>>, %arg21: memref<!tpu.dma_semaphore, #tpu.memory_space<semaphore_mem>>, %arg22: memref<!tpu.dma_semaphore, #tpu.memory_space<semaphore_mem>>, %arg23: memref<!tpu.dma_semaphore, #tpu.memory_space<semaphore_mem>>, %arg24: memref<!tpu.dma_semaphore, #tpu.memory_space<semaphore_mem>>, %arg25: memref<!tpu.dma_semaphore, #tpu.memory_space<semaphore_mem>>) attributes {dimension_semantics = [#tpu.dimension_semantics<core_parallel>, #tpu.dimension_semantics<subcore_parallel>], iteration_bounds = array<i64: 2, 16>, scalar_prefetch = 0 : i64, scratch_operands = 20 : i64, tpu.core_type = #tpu.core_type<sc_vector_subcore>, window_params = [{transform_indices = #map}, {transform_indices = #map1}, {transform_indices = #map1}, {transform_indices = #map1}]} {
    %mul3A = arith.constant 2 : i32
    %mul3A_0 = arith.muli %arg1, %mul3A : i32
    %add3A = arith.addi %mul3A_0, %arg0 : i32
    %scan3A = arith.constant 0 : i32
    %scan3A_1 = arith.constant 0 : i32
    %scan3A_2 = arith.constant 128 : i32
    %scan3A_3 = arith.addi %scan3A_1, %scan3A_2 : i32
    %scan3A_4 = arith.constant 1 : i32
    scf.for %scan3A_120 = %scan3A_1 to %scan3A_3 step %scan3A_4  : i32 {
      %broadcast_in_dim3A = arith.constant 0.000000e+00 : f32
      %broadcast_in_dim3A_121 = vector.broadcast %broadcast_in_dim3A : f32 to vector<16xf32>
      %swap3A = arith.constant 0 : i32
      %swap3A_122 = arith.index_cast %swap3A : i32 to index
      %swap3A_123 = arith.index_cast %scan3A_120 : i32 to index
      %swap3A_124 = arith.constant 0 : index
      %swap3A_125 = tpu.vector_load %arg8[%swap3A_122, %swap3A_123, %swap3A_124] {strides = array<i32>} : memref<8x128x16xf32, #tpu.memory_space<vmem>>, vector<1x1x16xf32>,
      %swap3A_126 = vector.shape_cast %swap3A_125 : vector<1x1x16xf32> to vector<16xf32>
      %swap3A_127 = vector.shape_cast %broadcast_in_dim3A_121 : vector<16xf32> to vector<1x1x16xf32>
      tpu.vector_store %arg8[%swap3A_122, %swap3A_123, %swap3A_124], %swap3A_127 {strides = array<i32>} : memref<8x128x16xf32, #tpu.memory_space<vmem>>, vector<1x1x16xf32>,
    }
    %scan3A_5 = arith.constant 128 : i32
    %scan3A_6 = arith.constant 0 : i32
    %scan3A_7 = arith.constant 0 : i32
    %scan3A_8 = arith.constant 5 : i32
    %scan3A_9 = arith.addi %scan3A_7, %scan3A_8 : i32
    %scan3A_10 = arith.constant 1 : i32
    scf.for %scan3A_120 = %scan3A_7 to %scan3A_9 step %scan3A_10  : i32 {
      %mul3A_121 = arith.constant 640 : i32
      %mul3A_122 = arith.muli %arg1, %mul3A_121 : i32
      %mul3A_123 = arith.constant 128 : i32
      %mul3A_124 = arith.muli %scan3A_120, %mul3A_123 : i32
      %add3A_125 = arith.addi %mul3A_122, %mul3A_124 : i32
      %run_scoped3A = arith.constant 0 : i32
      "tpu.region"() ({
        %run_scoped3A_126 = tpu.sem_alloc : memref<!tpu.dma_semaphore, #tpu.memory_space<semaphore_mem>>
        %dma_start3A = arith.constant 0 : i32
        %dma_start3A_127 = arith.constant 0 : i32
        %dma_start3A_128 = tpu.memref_slice %arg8[%run_scoped3A, %dma_start3A, %dma_start3A_127] : memref<8x128x16xf32, #tpu.memory_space<vmem>> -> memref<1x128x16xf32, #tpu.memory_space<vmem>>
        %dma_start3A_129 = tpu.memref_squeeze %dma_start3A_128 : memref<1x128x16xf32, #tpu.memory_space<vmem>> -> memref<128x16xf32, #tpu.memory_space<vmem>>
        %dma_start3A_130 = arith.constant 0 : i32
        %dma_start3A_131 = tpu.memref_slice %arg9[%add3A_125, %dma_start3A_130] : memref<10240x16xf32, #tpu.memory_space<vmem_shared>> -> memref<128x16xf32, #tpu.memory_space<vmem_shared>>
        %dma_start3A_132 = arith.constant 0 : i32
        %dma_start3A_133 = tpu.memref_slice %arg9[%add3A_125, %dma_start3A_132] : memref<10240x16xf32, #tpu.memory_space<vmem_shared>> -> memref<128x16xf32, #tpu.memory_space<vmem_shared>>
        %dma_start3A_134 = arith.constant 0 : i32
        %dma_start3A_135 = arith.constant 0 : i32
        %dma_start3A_136 = tpu.memref_slice %arg8[%run_scoped3A, %dma_start3A_134, %dma_start3A_135] : memref<8x128x16xf32, #tpu.memory_space<vmem>> -> memref<1x128x16xf32, #tpu.memory_space<vmem>>
        %dma_start3A_137 = tpu.memref_squeeze %dma_start3A_136 : memref<1x128x16xf32, #tpu.memory_space<vmem>> -> memref<128x16xf32, #tpu.memory_space<vmem>>
        tpu.enqueue_dma source(%dma_start3A_137 : memref<128x16xf32, #tpu.memory_space<vmem>>) target(%dma_start3A_133 : memref<128x16xf32, #tpu.memory_space<vmem_shared>>) target_semaphore(%run_scoped3A_126 : memref<!tpu.dma_semaphore, #tpu.memory_space<semaphore_mem>>)
        %dma_wait3A_138 = arith.constant 0 : i32
        %dma_wait3A_139 = arith.constant 0 : i32
        %dma_wait3A_140 = tpu.memref_slice %arg8[%run_scoped3A, %dma_wait3A_138, %dma_wait3A_139] : memref<8x128x16xf32, #tpu.memory_space<vmem>> -> memref<1x128x16xf32, #tpu.memory_space<vmem>>
        %dma_wait3A_141 = tpu.memref_squeeze %dma_wait3A_140 : memref<1x128x16xf32, #tpu.memory_space<vmem>> -> memref<128x16xf32, #tpu.memory_space<vmem>>
        %dma_wait3A_142 = arith.constant 0 : i32
        %dma_wait3A_143 = tpu.memref_slice %arg9[%add3A_125, %dma_wait3A_142] : memref<10240x16xf32, #tpu.memory_space<vmem_shared>> -> memref<128x16xf32, #tpu.memory_space<vmem_shared>>
        %dma_wait3A_144 = arith.constant 0 : i32
        %dma_wait3A_145 = tpu.memref_slice %arg9[%add3A_125, %dma_wait3A_144] : memref<10240x16xf32, #tpu.memory_space<vmem_shared>> -> memref<128x16xf32, #tpu.memory_space<vmem_shared>>
        %dma_wait3A_146 = arith.constant 0 : i32
        %dma_wait3A_147 = arith.constant 0 : i32
        %dma_wait3A_148 = tpu.memref_slice %arg8[%run_scoped3A, %dma_wait3A_146, %dma_wait3A_147] : memref<8x128x16xf32, #tpu.memory_space<vmem>> -> memref<1x128x16xf32, #tpu.memory_space<vmem>>
        %dma_wait3A_149 = tpu.memref_squeeze %dma_wait3A_148 : memref<1x128x16xf32, #tpu.memory_space<vmem>> -> memref<128x16xf32, #tpu.memory_space<vmem>>
        tpu.wait_dma2 semaphore(%run_scoped3A_126 : memref<!tpu.dma_semaphore, #tpu.memory_space<semaphore_mem>>) src(%dma_wait3A_149 : memref<128x16xf32, #tpu.memory_space<vmem>>) dst(%dma_wait3A_145 : memref<128x16xf32, #tpu.memory_space<vmem_shared>>)
        tpu.yield
      }) : () -> ()
    }
    %scan3A_11 = arith.constant 5 : i32
    %barrier3A = arith.constant 0 : index
    tpu.barrier barrier_id(%barrier3A)
    "tpu.region"() ({
      %run_scoped3A = tpu.sem_alloc : memref<!tpu.dma_semaphore, #tpu.memory_space<semaphore_mem>>
      %dma_start3A = arith.constant 0 : i32
      %dma_start3A_120 = arith.constant 0 : i32
      %dma_start3A_121 = tpu.memref_slice %arg3[%add3A, %dma_start3A, %dma_start3A_120] : memref<32x80x128xi32, #tpu.memory_space<hbm>> -> memref<1x80x128xi32, #tpu.memory_space<hbm>>
      %dma_start3A_122 = tpu.memref_squeeze %dma_start3A_121 : memref<1x80x128xi32, #tpu.memory_space<hbm>> -> memref<80x128xi32, #tpu.memory_space<hbm>>
      %dma_start3A_123 = arith.constant 0 : i32
      %dma_start3A_124 = arith.constant 0 : i32
      %dma_start3A_125 = tpu.memref_slice %arg3[%add3A, %dma_start3A_123, %dma_start3A_124] : memref<32x80x128xi32, #tpu.memory_space<hbm>> -> memref<1x80x128xi32, #tpu.memory_space<hbm>>
      %dma_start3A_126 = tpu.memref_squeeze %dma_start3A_125 : memref<1x80x128xi32, #tpu.memory_space<hbm>> -> memref<80x128xi32, #tpu.memory_space<hbm>>
      tpu.enqueue_dma source(%dma_start3A_126 : memref<80x128xi32, #tpu.memory_space<hbm>>) target(%arg6 : memref<80x128xi32, #tpu.memory_space<vmem>>) target_semaphore(%run_scoped3A : memref<!tpu.dma_semaphore, #tpu.memory_space<semaphore_mem>>)
      %dma_wait3A_127 = arith.constant 0 : i32
      %dma_wait3A_128 = arith.constant 0 : i32
      %dma_wait3A_129 = tpu.memref_slice %arg3[%add3A, %dma_wait3A_127, %dma_wait3A_128] : memref<32x80x128xi32, #tpu.memory_space<hbm>> -> memref<1x80x128xi32, #tpu.memory_space<hbm>>
      %dma_wait3A_130 = tpu.memref_squeeze %dma_wait3A_129 : memref<1x80x128xi32, #tpu.memory_space<hbm>> -> memref<80x128xi32, #tpu.memory_space<hbm>>
      %dma_wait3A_131 = arith.constant 0 : i32
      %dma_wait3A_132 = arith.constant 0 : i32
      %dma_wait3A_133 = tpu.memref_slice %arg3[%add3A, %dma_wait3A_131, %dma_wait3A_132] : memref<32x80x128xi32, #tpu.memory_space<hbm>> -> memref<1x80x128xi32, #tpu.memory_space<hbm>>
      %dma_wait3A_134 = tpu.memref_squeeze %dma_wait3A_133 : memref<1x80x128xi32, #tpu.memory_space<hbm>> -> memref<80x128xi32, #tpu.memory_space<hbm>>
      tpu.wait_dma2 semaphore(%run_scoped3A : memref<!tpu.dma_semaphore, #tpu.memory_space<semaphore_mem>>) src(%dma_wait3A_134 : memref<80x128xi32, #tpu.memory_space<hbm>>) dst(%arg6 : memref<80x128xi32, #tpu.memory_space<vmem>>)
      tpu.yield
    }) : () -> ()
    "tpu.region"() ({
      %run_scoped3A = tpu.sem_alloc : memref<!tpu.dma_semaphore, #tpu.memory_space<semaphore_mem>>
      %dma_start3A = arith.constant 0 : i32
      %dma_start3A_120 = arith.constant 0 : i32
      %dma_start3A_121 = tpu.memref_slice %arg4[%add3A, %dma_start3A, %dma_start3A_120] : memref<32x80x128xi32, #tpu.memory_space<hbm>> -> memref<1x80x128xi32, #tpu.memory_space<hbm>>
      %dma_start3A_122 = tpu.memref_squeeze %dma_start3A_121 : memref<1x80x128xi32, #tpu.memory_space<hbm>> -> memref<80x128xi32, #tpu.memory_space<hbm>>
      %dma_start3A_123 = arith.constant 0 : i32
      %dma_start3A_124 = arith.constant 0 : i32
      %dma_start3A_125 = tpu.memref_slice %arg4[%add3A, %dma_start3A_123, %dma_start3A_124] : memref<32x80x128xi32, #tpu.memory_space<hbm>> -> memref<1x80x128xi32, #tpu.memory_space<hbm>>
      %dma_start3A_126 = tpu.memref_squeeze %dma_start3A_125 : memref<1x80x128xi32, #tpu.memory_space<hbm>> -> memref<80x128xi32, #tpu.memory_space<hbm>>
      tpu.enqueue_dma source(%dma_start3A_126 : memref<80x128xi32, #tpu.memory_space<hbm>>) target(%arg7 : memref<80x128xi32, #tpu.memory_space<vmem>>) target_semaphore(%run_scoped3A : memref<!tpu.dma_semaphore, #tpu.memory_space<semaphore_mem>>)
      %dma_wait3A_127 = arith.constant 0 : i32
      %dma_wait3A_128 = arith.constant 0 : i32
      %dma_wait3A_129 = tpu.memref_slice %arg4[%add3A, %dma_wait3A_127, %dma_wait3A_128] : memref<32x80x128xi32, #tpu.memory_space<hbm>> -> memref<1x80x128xi32, #tpu.memory_space<hbm>>
      %dma_wait3A_130 = tpu.memref_squeeze %dma_wait3A_129 : memref<1x80x128xi32, #tpu.memory_space<hbm>> -> memref<80x128xi32, #tpu.memory_space<hbm>>
      %dma_wait3A_131 = arith.constant 0 : i32
      %dma_wait3A_132 = arith.constant 0 : i32
      %dma_wait3A_133 = tpu.memref_slice %arg4[%add3A, %dma_wait3A_131, %dma_wait3A_132] : memref<32x80x128xi32, #tpu.memory_space<hbm>> -> memref<1x80x128xi32, #tpu.memory_space<hbm>>
      %dma_wait3A_134 = tpu.memref_squeeze %dma_wait3A_133 : memref<1x80x128xi32, #tpu.memory_space<hbm>> -> memref<80x128xi32, #tpu.memory_space<hbm>>
      tpu.wait_dma2 semaphore(%run_scoped3A : memref<!tpu.dma_semaphore, #tpu.memory_space<semaphore_mem>>) src(%dma_wait3A_134 : memref<80x128xi32, #tpu.memory_space<hbm>>) dst(%arg7 : memref<80x128xi32, #tpu.memory_space<vmem>>)
      tpu.yield
    }) : () -> ()
    %scan3A_12 = arith.constant 0 : i32
    %scan3A_13 = arith.constant 0 : i32
    %scan3A_14 = arith.constant 10 : i32
    %scan3A_15 = arith.addi %scan3A_13, %scan3A_14 : i32
    %scan3A_16 = arith.constant 1 : i32
    scf.for %scan3A_120 = %scan3A_13 to %scan3A_15 step %scan3A_16  : i32 {
      %mul3A_121 = arith.constant 8 : i32
      %mul3A_122 = arith.muli %scan3A_120, %mul3A_121 : i32
      %gt3A = arith.constant 0 : i32
      %gt3A_123 = arith.cmpi sgt, %scan3A_120, %gt3A : i32
      %convert_element_type3A = arith.extui %gt3A_123 : i1 to i32
      %cond3A = arith.constant 0 : i32
      %cond3A_124 = arith.cmpi ne, %convert_element_type3A, %cond3A : i32
      scf.if %cond3A_124 {
        %sub3A = arith.constant 8 : i32
        %sub3A_455 = arith.subi %mul3A_122, %sub3A : i32
        %add3A_456 = arith.constant 0 : i32
        %add3A_457 = arith.addi %sub3A_455, %add3A_456 : i32
        %dma_wait3A_458 = arith.constant 0 : i32
        %dma_wait3A_459 = arith.constant 0 : i32
        %dma_wait3A_460 = arith.constant 0 : i32
        %dma_wait3A_461 = tpu.memref_slice %arg8[%dma_wait3A_458, %dma_wait3A_459, %dma_wait3A_460] : memref<8x128x16xf32, #tpu.memory_space<vmem>> -> memref<1x128x16xf32, #tpu.memory_space<vmem>>
        %dma_wait3A_462 = tpu.memref_squeeze %dma_wait3A_461 : memref<1x128x16xf32, #tpu.memory_space<vmem>> -> memref<128x16xf32, #tpu.memory_space<vmem>>
        %dma_wait3A_463 = arith.constant 0 : i32
        %dma_wait3A_464 = tpu.memref_slice %arg7[%add3A_457, %dma_wait3A_463] : memref<80x128xi32, #tpu.memory_space<vmem>> -> memref<1x128xi32, #tpu.memory_space<vmem>>
        %dma_wait3A_465 = tpu.memref_squeeze %dma_wait3A_464 : memref<1x128xi32, #tpu.memory_space<vmem>> -> memref<128xi32, #tpu.memory_space<vmem>>
        %dma_wait3A_466 = arith.constant 0 : i32
        %dma_wait3A_467 = arith.constant 0 : i32
        %dma_wait3A_468 = tpu.memref_slice %arg9[%dma_wait3A_466, %dma_wait3A_467] : memref<10240x16xf32, #tpu.memory_space<vmem_shared>> -> memref<10240x16xf32, #tpu.memory_space<vmem_shared>>
        tpu.wait_indirect_dma semaphore(%arg18 : memref<!tpu.dma_semaphore, #tpu.memory_space<semaphore_mem>>) src(%dma_wait3A_462 : memref<128x16xf32, #tpu.memory_space<vmem>>) dst(%dma_wait3A_468 : memref<10240x16xf32, #tpu.memory_space<vmem_shared>>)
      } else {
      }
      %add3A_125 = arith.constant 0 : i32
      %add3A_126 = arith.addi %mul3A_122, %add3A_125 : i32
      %dma_start3A = arith.constant 0 : i32
      %dma_start3A_127 = arith.constant 0 : i32
      %dma_start3A_128 = arith.constant 0 : i32
      %dma_start3A_129 = tpu.memref_slice %arg8[%dma_start3A, %dma_start3A_127, %dma_start3A_128] : memref<8x128x16xf32, #tpu.memory_space<vmem>> -> memref<1x128x16xf32, #tpu.memory_space<vmem>>
      %dma_start3A_130 = tpu.memref_squeeze %dma_start3A_129 : memref<1x128x16xf32, #tpu.memory_space<vmem>> -> memref<128x16xf32, #tpu.memory_space<vmem>>
      %dma_start3A_131 = arith.constant 0 : i32
      %dma_start3A_132 = tpu.memref_slice %arg6[%add3A_126, %dma_start3A_131] : memref<80x128xi32, #tpu.memory_space<vmem>> -> memref<1x128xi32, #tpu.memory_space<vmem>>
      %dma_start3A_133 = tpu.memref_squeeze %dma_start3A_132 : memref<1x128xi32, #tpu.memory_space<vmem>> -> memref<128xi32, #tpu.memory_space<vmem>>
      %dma_start3A_134 = arith.constant 0 : i32
      %dma_start3A_135 = arith.constant 0 : i32
      %dma_start3A_136 = tpu.memref_slice %arg2[%dma_start3A_134, %dma_start3A_135] : memref<10240x16xf32, #tpu.memory_space<hbm>> -> memref<10240x16xf32, #tpu.memory_space<hbm>>
      tpu.enqueue_indirect_dma source(%dma_start3A_136 : memref<10240x16xf32, #tpu.memory_space<hbm>>) target(%dma_start3A_130 : memref<128x16xf32, #tpu.memory_space<vmem>>) offsets(%dma_start3A_133 : memref<128xi32, #tpu.memory_space<vmem>>) semaphore(%arg10 : memref<!tpu.dma_semaphore, #tpu.memory_space<semaphore_mem>>)
      %gt3A_137 = arith.constant 0 : i32
      %gt3A_138 = arith.cmpi sgt, %scan3A_120, %gt3A_137 : i32
      %convert_element_type3A_139 = arith.extui %gt3A_138 : i1 to i32
      %cond3A_140 = arith.constant 0 : i32
      %cond3A_141 = arith.cmpi ne, %convert_element_type3A_139, %cond3A_140 : i32
      scf.if %cond3A_141 {
        %sub3A = arith.constant 8 : i32
        %sub3A_455 = arith.subi %mul3A_122, %sub3A : i32
        %add3A_456 = arith.constant 1 : i32
        %add3A_457 = arith.addi %sub3A_455, %add3A_456 : i32
        %dma_wait3A_458 = arith.constant 1 : i32
        %dma_wait3A_459 = arith.constant 0 : i32
        %dma_wait3A_460 = arith.constant 0 : i32
        %dma_wait3A_461 = tpu.memref_slice %arg8[%dma_wait3A_458, %dma_wait3A_459, %dma_wait3A_460] : memref<8x128x16xf32, #tpu.memory_space<vmem>> -> memref<1x128x16xf32, #tpu.memory_space<vmem>>
        %dma_wait3A_462 = tpu.memref_squeeze %dma_wait3A_461 : memref<1x128x16xf32, #tpu.memory_space<vmem>> -> memref<128x16xf32, #tpu.memory_space<vmem>>
        %dma_wait3A_463 = arith.constant 0 : i32
        %dma_wait3A_464 = tpu.memref_slice %arg7[%add3A_457, %dma_wait3A_463] : memref<80x128xi32, #tpu.memory_space<vmem>> -> memref<1x128xi32, #tpu.memory_space<vmem>>
        %dma_wait3A_465 = tpu.memref_squeeze %dma_wait3A_464 : memref<1x128xi32, #tpu.memory_space<vmem>> -> memref<128xi32, #tpu.memory_space<vmem>>
        %dma_wait3A_466 = arith.constant 0 : i32
        %dma_wait3A_467 = arith.constant 0 : i32
        %dma_wait3A_468 = tpu.memref_slice %arg9[%dma_wait3A_466, %dma_wait3A_467] : memref<10240x16xf32, #tpu.memory_space<vmem_shared>> -> memref<10240x16xf32, #tpu.memory_space<vmem_shared>>
        tpu.wait_indirect_dma semaphore(%arg19 : memref<!tpu.dma_semaphore, #tpu.memory_space<semaphore_mem>>) src(%dma_wait3A_462 : memref<128x16xf32, #tpu.memory_space<vmem>>) dst(%dma_wait3A_468 : memref<10240x16xf32, #tpu.memory_space<vmem_shared>>)
      } else {
      }
      %add3A_142 = arith.constant 1 : i32
      %add3A_143 = arith.addi %mul3A_122, %add3A_142 : i32
      %dma_start3A_144 = arith.constant 1 : i32
      %dma_start3A_145 = arith.constant 0 : i32
      %dma_start3A_146 = arith.constant 0 : i32
      %dma_start3A_147 = tpu.memref_slice %arg8[%dma_start3A_144, %dma_start3A_145, %dma_start3A_146] : memref<8x128x16xf32, #tpu.memory_space<vmem>> -> memref<1x128x16xf32, #tpu.memory_space<vmem>>
      %dma_start3A_148 = tpu.memref_squeeze %dma_start3A_147 : memref<1x128x16xf32, #tpu.memory_space<vmem>> -> memref<128x16xf32, #tpu.memory_space<vmem>>
      %dma_start3A_149 = arith.constant 0 : i32
      %dma_start3A_150 = tpu.memref_slice %arg6[%add3A_143, %dma_start3A_149] : memref<80x128xi32, #tpu.memory_space<vmem>> -> memref<1x128xi32, #tpu.memory_space<vmem>>
      %dma_start3A_151 = tpu.memref_squeeze %dma_start3A_150 : memref<1x128xi32, #tpu.memory_space<vmem>> -> memref<128xi32, #tpu.memory_space<vmem>>
      %dma_start3A_152 = arith.constant 0 : i32
      %dma_start3A_153 = arith.constant 0 : i32
      %dma_start3A_154 = tpu.memref_slice %arg2[%dma_start3A_152, %dma_start3A_153] : memref<10240x16xf32, #tpu.memory_space<hbm>> -> memref<10240x16xf32, #tpu.memory_space<hbm>>
      tpu.enqueue_indirect_dma source(%dma_start3A_154 : memref<10240x16xf32, #tpu.memory_space<hbm>>) target(%dma_start3A_148 : memref<128x16xf32, #tpu.memory_space<vmem>>) offsets(%dma_start3A_151 : memref<128xi32, #tpu.memory_space<vmem>>) semaphore(%arg11 : memref<!tpu.dma_semaphore, #tpu.memory_space<semaphore_mem>>)
      %gt3A_155 = arith.constant 0 : i32
      %gt3A_156 = arith.cmpi sgt, %scan3A_120, %gt3A_155 : i32
      %convert_element_type3A_157 = arith.extui %gt3A_156 : i1 to i32
      %cond3A_158 = arith.constant 0 : i32
      %cond3A_159 = arith.cmpi ne, %convert_element_type3A_157, %cond3A_158 : i32
      scf.if %cond3A_159 {
        %sub3A = arith.constant 8 : i32
        %sub3A_455 = arith.subi %mul3A_122, %sub3A : i32
        %add3A_456 = arith.constant 2 : i32
        %add3A_457 = arith.addi %sub3A_455, %add3A_456 : i32
        %dma_wait3A_458 = arith.constant 2 : i32
        %dma_wait3A_459 = arith.constant 0 : i32
        %dma_wait3A_460 = arith.constant 0 : i32
        %dma_wait3A_461 = tpu.memref_slice %arg8[%dma_wait3A_458, %dma_wait3A_459, %dma_wait3A_460] : memref<8x128x16xf32, #tpu.memory_space<vmem>> -> memref<1x128x16xf32, #tpu.memory_space<vmem>>
        %dma_wait3A_462 = tpu.memref_squeeze %dma_wait3A_461 : memref<1x128x16xf32, #tpu.memory_space<vmem>> -> memref<128x16xf32, #tpu.memory_space<vmem>>
        %dma_wait3A_463 = arith.constant 0 : i32
        %dma_wait3A_464 = tpu.memref_slice %arg7[%add3A_457, %dma_wait3A_463] : memref<80x128xi32, #tpu.memory_space<vmem>> -> memref<1x128xi32, #tpu.memory_space<vmem>>
        %dma_wait3A_465 = tpu.memref_squeeze %dma_wait3A_464 : memref<1x128xi32, #tpu.memory_space<vmem>> -> memref<128xi32, #tpu.memory_space<vmem>>
        %dma_wait3A_466 = arith.constant 0 : i32
        %dma_wait3A_467 = arith.constant 0 : i32
        %dma_wait3A_468 = tpu.memref_slice %arg9[%dma_wait3A_466, %dma_wait3A_467] : memref<10240x16xf32, #tpu.memory_space<vmem_shared>> -> memref<10240x16xf32, #tpu.memory_space<vmem_shared>>
        tpu.wait_indirect_dma semaphore(%arg20 : memref<!tpu.dma_semaphore, #tpu.memory_space<semaphore_mem>>) src(%dma_wait3A_462 : memref<128x16xf32, #tpu.memory_space<vmem>>) dst(%dma_wait3A_468 : memref<10240x16xf32, #tpu.memory_space<vmem_shared>>)
      } else {
      }
      %add3A_160 = arith.constant 2 : i32
      %add3A_161 = arith.addi %mul3A_122, %add3A_160 : i32
      %dma_start3A_162 = arith.constant 2 : i32
      %dma_start3A_163 = arith.constant 0 : i32
      %dma_start3A_164 = arith.constant 0 : i32
      %dma_start3A_165 = tpu.memref_slice %arg8[%dma_start3A_162, %dma_start3A_163, %dma_start3A_164] : memref<8x128x16xf32, #tpu.memory_space<vmem>> -> memref<1x128x16xf32, #tpu.memory_space<vmem>>
      %dma_start3A_166 = tpu.memref_squeeze %dma_start3A_165 : memref<1x128x16xf32, #tpu.memory_space<vmem>> -> memref<128x16xf32, #tpu.memory_space<vmem>>
      %dma_start3A_167 = arith.constant 0 : i32
      %dma_start3A_168 = tpu.memref_slice %arg6[%add3A_161, %dma_start3A_167] : memref<80x128xi32, #tpu.memory_space<vmem>> -> memref<1x128xi32, #tpu.memory_space<vmem>>
      %dma_start3A_169 = tpu.memref_squeeze %dma_start3A_168 : memref<1x128xi32, #tpu.memory_space<vmem>> -> memref<128xi32, #tpu.memory_space<vmem>>
      %dma_start3A_170 = arith.constant 0 : i32
      %dma_start3A_171 = arith.constant 0 : i32
      %dma_start3A_172 = tpu.memref_slice %arg2[%dma_start3A_170, %dma_start3A_171] : memref<10240x16xf32, #tpu.memory_space<hbm>> -> memref<10240x16xf32, #tpu.memory_space<hbm>>
      tpu.enqueue_indirect_dma source(%dma_start3A_172 : memref<10240x16xf32, #tpu.memory_space<hbm>>) target(%dma_start3A_166 : memref<128x16xf32, #tpu.memory_space<vmem>>) offsets(%dma_start3A_169 : memref<128xi32, #tpu.memory_space<vmem>>) semaphore(%arg12 : memref<!tpu.dma_semaphore, #tpu.memory_space<semaphore_mem>>)
      %gt3A_173 = arith.constant 0 : i32
      %gt3A_174 = arith.cmpi sgt, %scan3A_120, %gt3A_173 : i32
      %convert_element_type3A_175 = arith.extui %gt3A_174 : i1 to i32
      %cond3A_176 = arith.constant 0 : i32
      %cond3A_177 = arith.cmpi ne, %convert_element_type3A_175, %cond3A_176 : i32
      scf.if %cond3A_177 {
        %sub3A = arith.constant 8 : i32
        %sub3A_455 = arith.subi %mul3A_122, %sub3A : i32
        %add3A_456 = arith.constant 3 : i32
        %add3A_457 = arith.addi %sub3A_455, %add3A_456 : i32
        %dma_wait3A_458 = arith.constant 3 : i32
        %dma_wait3A_459 = arith.constant 0 : i32
        %dma_wait3A_460 = arith.constant 0 : i32
        %dma_wait3A_461 = tpu.memref_slice %arg8[%dma_wait3A_458, %dma_wait3A_459, %dma_wait3A_460] : memref<8x128x16xf32, #tpu.memory_space<vmem>> -> memref<1x128x16xf32, #tpu.memory_space<vmem>>
        %dma_wait3A_462 = tpu.memref_squeeze %dma_wait3A_461 : memref<1x128x16xf32, #tpu.memory_space<vmem>> -> memref<128x16xf32, #tpu.memory_space<vmem>>
        %dma_wait3A_463 = arith.constant 0 : i32
        %dma_wait3A_464 = tpu.memref_slice %arg7[%add3A_457, %dma_wait3A_463] : memref<80x128xi32, #tpu.memory_space<vmem>> -> memref<1x128xi32, #tpu.memory_space<vmem>>
        %dma_wait3A_465 = tpu.memref_squeeze %dma_wait3A_464 : memref<1x128xi32, #tpu.memory_space<vmem>> -> memref<128xi32, #tpu.memory_space<vmem>>
        %dma_wait3A_466 = arith.constant 0 : i32
        %dma_wait3A_467 = arith.constant 0 : i32
        %dma_wait3A_468 = tpu.memref_slice %arg9[%dma_wait3A_466, %dma_wait3A_467] : memref<10240x16xf32, #tpu.memory_space<vmem_shared>> -> memref<10240x16xf32, #tpu.memory_space<vmem_shared>>
        tpu.wait_indirect_dma semaphore(%arg21 : memref<!tpu.dma_semaphore, #tpu.memory_space<semaphore_mem>>) src(%dma_wait3A_462 : memref<128x16xf32, #tpu.memory_space<vmem>>) dst(%dma_wait3A_468 : memref<10240x16xf32, #tpu.memory_space<vmem_shared>>)
      } else {
      }
      %add3A_178 = arith.constant 3 : i32
      %add3A_179 = arith.addi %mul3A_122, %add3A_178 : i32
      %dma_start3A_180 = arith.constant 3 : i32
      %dma_start3A_181 = arith.constant 0 : i32
      %dma_start3A_182 = arith.constant 0 : i32
      %dma_start3A_183 = tpu.memref_slice %arg8[%dma_start3A_180, %dma_start3A_181, %dma_start3A_182] : memref<8x128x16xf32, #tpu.memory_space<vmem>> -> memref<1x128x16xf32, #tpu.memory_space<vmem>>
      %dma_start3A_184 = tpu.memref_squeeze %dma_start3A_183 : memref<1x128x16xf32, #tpu.memory_space<vmem>> -> memref<128x16xf32, #tpu.memory_space<vmem>>
      %dma_start3A_185 = arith.constant 0 : i32
      %dma_start3A_186 = tpu.memref_slice %arg6[%add3A_179, %dma_start3A_185] : memref<80x128xi32, #tpu.memory_space<vmem>> -> memref<1x128xi32, #tpu.memory_space<vmem>>
      %dma_start3A_187 = tpu.memref_squeeze %dma_start3A_186 : memref<1x128xi32, #tpu.memory_space<vmem>> -> memref<128xi32, #tpu.memory_space<vmem>>
      %dma_start3A_188 = arith.constant 0 : i32
      %dma_start3A_189 = arith.constant 0 : i32
      %dma_start3A_190 = tpu.memref_slice %arg2[%dma_start3A_188, %dma_start3A_189] : memref<10240x16xf32, #tpu.memory_space<hbm>> -> memref<10240x16xf32, #tpu.memory_space<hbm>>
      tpu.enqueue_indirect_dma source(%dma_start3A_190 : memref<10240x16xf32, #tpu.memory_space<hbm>>) target(%dma_start3A_184 : memref<128x16xf32, #tpu.memory_space<vmem>>) offsets(%dma_start3A_187 : memref<128xi32, #tpu.memory_space<vmem>>) semaphore(%arg13 : memref<!tpu.dma_semaphore, #tpu.memory_space<semaphore_mem>>)
      %gt3A_191 = arith.constant 0 : i32
      %gt3A_192 = arith.cmpi sgt, %scan3A_120, %gt3A_191 : i32
      %convert_element_type3A_193 = arith.extui %gt3A_192 : i1 to i32
      %cond3A_194 = arith.constant 0 : i32
      %cond3A_195 = arith.cmpi ne, %convert_element_type3A_193, %cond3A_194 : i32
      scf.if %cond3A_195 {
        %sub3A = arith.constant 8 : i32
        %sub3A_455 = arith.subi %mul3A_122, %sub3A : i32
        %add3A_456 = arith.constant 4 : i32
        %add3A_457 = arith.addi %sub3A_455, %add3A_456 : i32
        %dma_wait3A_458 = arith.constant 4 : i32
        %dma_wait3A_459 = arith.constant 0 : i32
        %dma_wait3A_460 = arith.constant 0 : i32
        %dma_wait3A_461 = tpu.memref_slice %arg8[%dma_wait3A_458, %dma_wait3A_459, %dma_wait3A_460] : memref<8x128x16xf32, #tpu.memory_space<vmem>> -> memref<1x128x16xf32, #tpu.memory_space<vmem>>
        %dma_wait3A_462 = tpu.memref_squeeze %dma_wait3A_461 : memref<1x128x16xf32, #tpu.memory_space<vmem>> -> memref<128x16xf32, #tpu.memory_space<vmem>>
        %dma_wait3A_463 = arith.constant 0 : i32
        %dma_wait3A_464 = tpu.memref_slice %arg7[%add3A_457, %dma_wait3A_463] : memref<80x128xi32, #tpu.memory_space<vmem>> -> memref<1x128xi32, #tpu.memory_space<vmem>>
        %dma_wait3A_465 = tpu.memref_squeeze %dma_wait3A_464 : memref<1x128xi32, #tpu.memory_space<vmem>> -> memref<128xi32, #tpu.memory_space<vmem>>
        %dma_wait3A_466 = arith.constant 0 : i32
        %dma_wait3A_467 = arith.constant 0 : i32
        %dma_wait3A_468 = tpu.memref_slice %arg9[%dma_wait3A_466, %dma_wait3A_467] : memref<10240x16xf32, #tpu.memory_space<vmem_shared>> -> memref<10240x16xf32, #tpu.memory_space<vmem_shared>>
        tpu.wait_indirect_dma semaphore(%arg22 : memref<!tpu.dma_semaphore, #tpu.memory_space<semaphore_mem>>) src(%dma_wait3A_462 : memref<128x16xf32, #tpu.memory_space<vmem>>) dst(%dma_wait3A_468 : memref<10240x16xf32, #tpu.memory_space<vmem_shared>>)
      } else {
      }
      %add3A_196 = arith.constant 4 : i32
      %add3A_197 = arith.addi %mul3A_122, %add3A_196 : i32
      %dma_start3A_198 = arith.constant 4 : i32
      %dma_start3A_199 = arith.constant 0 : i32
      %dma_start3A_200 = arith.constant 0 : i32
      %dma_start3A_201 = tpu.memref_slice %arg8[%dma_start3A_198, %dma_start3A_199, %dma_start3A_200] : memref<8x128x16xf32, #tpu.memory_space<vmem>> -> memref<1x128x16xf32, #tpu.memory_space<vmem>>
      %dma_start3A_202 = tpu.memref_squeeze %dma_start3A_201 : memref<1x128x16xf32, #tpu.memory_space<vmem>> -> memref<128x16xf32, #tpu.memory_space<vmem>>
      %dma_start3A_203 = arith.constant 0 : i32
      %dma_start3A_204 = tpu.memref_slice %arg6[%add3A_197, %dma_start3A_203] : memref<80x128xi32, #tpu.memory_space<vmem>> -> memref<1x128xi32, #tpu.memory_space<vmem>>
      %dma_start3A_205 = tpu.memref_squeeze %dma_start3A_204 : memref<1x128xi32, #tpu.memory_space<vmem>> -> memref<128xi32, #tpu.memory_space<vmem>>
      %dma_start3A_206 = arith.constant 0 : i32
      %dma_start3A_207 = arith.constant 0 : i32
      %dma_start3A_208 = tpu.memref_slice %arg2[%dma_start3A_206, %dma_start3A_207] : memref<10240x16xf32, #tpu.memory_space<hbm>> -> memref<10240x16xf32, #tpu.memory_space<hbm>>
      tpu.enqueue_indirect_dma source(%dma_start3A_208 : memref<10240x16xf32, #tpu.memory_space<hbm>>) target(%dma_start3A_202 : memref<128x16xf32, #tpu.memory_space<vmem>>) offsets(%dma_start3A_205 : memref<128xi32, #tpu.memory_space<vmem>>) semaphore(%arg14 : memref<!tpu.dma_semaphore, #tpu.memory_space<semaphore_mem>>)
      %gt3A_209 = arith.constant 0 : i32
      %gt3A_210 = arith.cmpi sgt, %scan3A_120, %gt3A_209 : i32
      %convert_element_type3A_211 = arith.extui %gt3A_210 : i1 to i32
      %cond3A_212 = arith.constant 0 : i32
      %cond3A_213 = arith.cmpi ne, %convert_element_type3A_211, %cond3A_212 : i32
      scf.if %cond3A_213 {
        %sub3A = arith.constant 8 : i32
        %sub3A_455 = arith.subi %mul3A_122, %sub3A : i32
        %add3A_456 = arith.constant 5 : i32
        %add3A_457 = arith.addi %sub3A_455, %add3A_456 : i32
        %dma_wait3A_458 = arith.constant 5 : i32
        %dma_wait3A_459 = arith.constant 0 : i32
        %dma_wait3A_460 = arith.constant 0 : i32
        %dma_wait3A_461 = tpu.memref_slice %arg8[%dma_wait3A_458, %dma_wait3A_459, %dma_wait3A_460] : memref<8x128x16xf32, #tpu.memory_space<vmem>> -> memref<1x128x16xf32, #tpu.memory_space<vmem>>
        %dma_wait3A_462 = tpu.memref_squeeze %dma_wait3A_461 : memref<1x128x16xf32, #tpu.memory_space<vmem>> -> memref<128x16xf32, #tpu.memory_space<vmem>>
        %dma_wait3A_463 = arith.constant 0 : i32
        %dma_wait3A_464 = tpu.memref_slice %arg7[%add3A_457, %dma_wait3A_463] : memref<80x128xi32, #tpu.memory_space<vmem>> -> memref<1x128xi32, #tpu.memory_space<vmem>>
        %dma_wait3A_465 = tpu.memref_squeeze %dma_wait3A_464 : memref<1x128xi32, #tpu.memory_space<vmem>> -> memref<128xi32, #tpu.memory_space<vmem>>
        %dma_wait3A_466 = arith.constant 0 : i32
        %dma_wait3A_467 = arith.constant 0 : i32
        %dma_wait3A_468 = tpu.memref_slice %arg9[%dma_wait3A_466, %dma_wait3A_467] : memref<10240x16xf32, #tpu.memory_space<vmem_shared>> -> memref<10240x16xf32, #tpu.memory_space<vmem_shared>>
        tpu.wait_indirect_dma semaphore(%arg23 : memref<!tpu.dma_semaphore, #tpu.memory_space<semaphore_mem>>) src(%dma_wait3A_462 : memref<128x16xf32, #tpu.memory_space<vmem>>) dst(%dma_wait3A_468 : memref<10240x16xf32, #tpu.memory_space<vmem_shared>>)
      } else {
      }
      %add3A_214 = arith.constant 5 : i32
      %add3A_215 = arith.addi %mul3A_122, %add3A_214 : i32
      %dma_start3A_216 = arith.constant 5 : i32
      %dma_start3A_217 = arith.constant 0 : i32
      %dma_start3A_218 = arith.constant 0 : i32
      %dma_start3A_219 = tpu.memref_slice %arg8[%dma_start3A_216, %dma_start3A_217, %dma_start3A_218] : memref<8x128x16xf32, #tpu.memory_space<vmem>> -> memref<1x128x16xf32, #tpu.memory_space<vmem>>
      %dma_start3A_220 = tpu.memref_squeeze %dma_start3A_219 : memref<1x128x16xf32, #tpu.memory_space<vmem>> -> memref<128x16xf32, #tpu.memory_space<vmem>>
      %dma_start3A_221 = arith.constant 0 : i32
      %dma_start3A_222 = tpu.memref_slice %arg6[%add3A_215, %dma_start3A_221] : memref<80x128xi32, #tpu.memory_space<vmem>> -> memref<1x128xi32, #tpu.memory_space<vmem>>
      %dma_start3A_223 = tpu.memref_squeeze %dma_start3A_222 : memref<1x128xi32, #tpu.memory_space<vmem>> -> memref<128xi32, #tpu.memory_space<vmem>>
      %dma_start3A_224 = arith.constant 0 : i32
      %dma_start3A_225 = arith.constant 0 : i32
      %dma_start3A_226 = tpu.memref_slice %arg2[%dma_start3A_224, %dma_start3A_225] : memref<10240x16xf32, #tpu.memory_space<hbm>> -> memref<10240x16xf32, #tpu.memory_space<hbm>>
      tpu.enqueue_indirect_dma source(%dma_start3A_226 : memref<10240x16xf32, #tpu.memory_space<hbm>>) target(%dma_start3A_220 : memref<128x16xf32, #tpu.memory_space<vmem>>) offsets(%dma_start3A_223 : memref<128xi32, #tpu.memory_space<vmem>>) semaphore(%arg15 : memref<!tpu.dma_semaphore, #tpu.memory_space<semaphore_mem>>)
      %gt3A_227 = arith.constant 0 : i32
      %gt3A_228 = arith.cmpi sgt, %scan3A_120, %gt3A_227 : i32
      %convert_element_type3A_229 = arith.extui %gt3A_228 : i1 to i32
      %cond3A_230 = arith.constant 0 : i32
      %cond3A_231 = arith.cmpi ne, %convert_element_type3A_229, %cond3A_230 : i32
      scf.if %cond3A_231 {
        %sub3A = arith.constant 8 : i32
        %sub3A_455 = arith.subi %mul3A_122, %sub3A : i32
        %add3A_456 = arith.constant 6 : i32
        %add3A_457 = arith.addi %sub3A_455, %add3A_456 : i32
        %dma_wait3A_458 = arith.constant 6 : i32
        %dma_wait3A_459 = arith.constant 0 : i32
        %dma_wait3A_460 = arith.constant 0 : i32
        %dma_wait3A_461 = tpu.memref_slice %arg8[%dma_wait3A_458, %dma_wait3A_459, %dma_wait3A_460] : memref<8x128x16xf32, #tpu.memory_space<vmem>> -> memref<1x128x16xf32, #tpu.memory_space<vmem>>
        %dma_wait3A_462 = tpu.memref_squeeze %dma_wait3A_461 : memref<1x128x16xf32, #tpu.memory_space<vmem>> -> memref<128x16xf32, #tpu.memory_space<vmem>>
        %dma_wait3A_463 = arith.constant 0 : i32
        %dma_wait3A_464 = tpu.memref_slice %arg7[%add3A_457, %dma_wait3A_463] : memref<80x128xi32, #tpu.memory_space<vmem>> -> memref<1x128xi32, #tpu.memory_space<vmem>>
        %dma_wait3A_465 = tpu.memref_squeeze %dma_wait3A_464 : memref<1x128xi32, #tpu.memory_space<vmem>> -> memref<128xi32, #tpu.memory_space<vmem>>
        %dma_wait3A_466 = arith.constant 0 : i32
        %dma_wait3A_467 = arith.constant 0 : i32
        %dma_wait3A_468 = tpu.memref_slice %arg9[%dma_wait3A_466, %dma_wait3A_467] : memref<10240x16xf32, #tpu.memory_space<vmem_shared>> -> memref<10240x16xf32, #tpu.memory_space<vmem_shared>>
        tpu.wait_indirect_dma semaphore(%arg24 : memref<!tpu.dma_semaphore, #tpu.memory_space<semaphore_mem>>) src(%dma_wait3A_462 : memref<128x16xf32, #tpu.memory_space<vmem>>) dst(%dma_wait3A_468 : memref<10240x16xf32, #tpu.memory_space<vmem_shared>>)
      } else {
      }
      %add3A_232 = arith.constant 6 : i32
      %add3A_233 = arith.addi %mul3A_122, %add3A_232 : i32
      %dma_start3A_234 = arith.constant 6 : i32
      %dma_start3A_235 = arith.constant 0 : i32
      %dma_start3A_236 = arith.constant 0 : i32
      %dma_start3A_237 = tpu.memref_slice %arg8[%dma_start3A_234, %dma_start3A_235, %dma_start3A_236] : memref<8x128x16xf32, #tpu.memory_space<vmem>> -> memref<1x128x16xf32, #tpu.memory_space<vmem>>
      %dma_start3A_238 = tpu.memref_squeeze %dma_start3A_237 : memref<1x128x16xf32, #tpu.memory_space<vmem>> -> memref<128x16xf32, #tpu.memory_space<vmem>>
      %dma_start3A_239 = arith.constant 0 : i32
      %dma_start3A_240 = tpu.memref_slice %arg6[%add3A_233, %dma_start3A_239] : memref<80x128xi32, #tpu.memory_space<vmem>> -> memref<1x128xi32, #tpu.memory_space<vmem>>
      %dma_start3A_241 = tpu.memref_squeeze %dma_start3A_240 : memref<1x128xi32, #tpu.memory_space<vmem>> -> memref<128xi32, #tpu.memory_space<vmem>>
      %dma_start3A_242 = arith.constant 0 : i32
      %dma_start3A_243 = arith.constant 0 : i32
      %dma_start3A_244 = tpu.memref_slice %arg2[%dma_start3A_242, %dma_start3A_243] : memref<10240x16xf32, #tpu.memory_space<hbm>> -> memref<10240x16xf32, #tpu.memory_space<hbm>>
      tpu.enqueue_indirect_dma source(%dma_start3A_244 : memref<10240x16xf32, #tpu.memory_space<hbm>>) target(%dma_start3A_238 : memref<128x16xf32, #tpu.memory_space<vmem>>) offsets(%dma_start3A_241 : memref<128xi32, #tpu.memory_space<vmem>>) semaphore(%arg16 : memref<!tpu.dma_semaphore, #tpu.memory_space<semaphore_mem>>)
      %gt3A_245 = arith.constant 0 : i32
      %gt3A_246 = arith.cmpi sgt, %scan3A_120, %gt3A_245 : i32
      %convert_element_type3A_247 = arith.extui %gt3A_246 : i1 to i32
      %cond3A_248 = arith.constant 0 : i32
      %cond3A_249 = arith.cmpi ne, %convert_element_type3A_247, %cond3A_248 : i32
      scf.if %cond3A_249 {
        %sub3A = arith.constant 8 : i32
        %sub3A_455 = arith.subi %mul3A_122, %sub3A : i32
        %add3A_456 = arith.constant 7 : i32
        %add3A_457 = arith.addi %sub3A_455, %add3A_456 : i32
        %dma_wait3A_458 = arith.constant 7 : i32
        %dma_wait3A_459 = arith.constant 0 : i32
        %dma_wait3A_460 = arith.constant 0 : i32
        %dma_wait3A_461 = tpu.memref_slice %arg8[%dma_wait3A_458, %dma_wait3A_459, %dma_wait3A_460] : memref<8x128x16xf32, #tpu.memory_space<vmem>> -> memref<1x128x16xf32, #tpu.memory_space<vmem>>
        %dma_wait3A_462 = tpu.memref_squeeze %dma_wait3A_461 : memref<1x128x16xf32, #tpu.memory_space<vmem>> -> memref<128x16xf32, #tpu.memory_space<vmem>>
        %dma_wait3A_463 = arith.constant 0 : i32
        %dma_wait3A_464 = tpu.memref_slice %arg7[%add3A_457, %dma_wait3A_463] : memref<80x128xi32, #tpu.memory_space<vmem>> -> memref<1x128xi32, #tpu.memory_space<vmem>>
        %dma_wait3A_465 = tpu.memref_squeeze %dma_wait3A_464 : memref<1x128xi32, #tpu.memory_space<vmem>> -> memref<128xi32, #tpu.memory_space<vmem>>
        %dma_wait3A_466 = arith.constant 0 : i32
        %dma_wait3A_467 = arith.constant 0 : i32
        %dma_wait3A_468 = tpu.memref_slice %arg9[%dma_wait3A_466, %dma_wait3A_467] : memref<10240x16xf32, #tpu.memory_space<vmem_shared>> -> memref<10240x16xf32, #tpu.memory_space<vmem_shared>>
        tpu.wait_indirect_dma semaphore(%arg25 : memref<!tpu.dma_semaphore, #tpu.memory_space<semaphore_mem>>) src(%dma_wait3A_462 : memref<128x16xf32, #tpu.memory_space<vmem>>) dst(%dma_wait3A_468 : memref<10240x16xf32, #tpu.memory_space<vmem_shared>>)
      } else {
      }
      %add3A_250 = arith.constant 7 : i32
      %add3A_251 = arith.addi %mul3A_122, %add3A_250 : i32
      %dma_start3A_252 = arith.constant 7 : i32
      %dma_start3A_253 = arith.constant 0 : i32
      %dma_start3A_254 = arith.constant 0 : i32
      %dma_start3A_255 = tpu.memref_slice %arg8[%dma_start3A_252, %dma_start3A_253, %dma_start3A_254] : memref<8x128x16xf32, #tpu.memory_space<vmem>> -> memref<1x128x16xf32, #tpu.memory_space<vmem>>
      %dma_start3A_256 = tpu.memref_squeeze %dma_start3A_255 : memref<1x128x16xf32, #tpu.memory_space<vmem>> -> memref<128x16xf32, #tpu.memory_space<vmem>>
      %dma_start3A_257 = arith.constant 0 : i32
      %dma_start3A_258 = tpu.memref_slice %arg6[%add3A_251, %dma_start3A_257] : memref<80x128xi32, #tpu.memory_space<vmem>> -> memref<1x128xi32, #tpu.memory_space<vmem>>
      %dma_start3A_259 = tpu.memref_squeeze %dma_start3A_258 : memref<1x128xi32, #tpu.memory_space<vmem>> -> memref<128xi32, #tpu.memory_space<vmem>>
      %dma_start3A_260 = arith.constant 0 : i32
      %dma_start3A_261 = arith.constant 0 : i32
      %dma_start3A_262 = tpu.memref_slice %arg2[%dma_start3A_260, %dma_start3A_261] : memref<10240x16xf32, #tpu.memory_space<hbm>> -> memref<10240x16xf32, #tpu.memory_space<hbm>>
      tpu.enqueue_indirect_dma source(%dma_start3A_262 : memref<10240x16xf32, #tpu.memory_space<hbm>>) target(%dma_start3A_256 : memref<128x16xf32, #tpu.memory_space<vmem>>) offsets(%dma_start3A_259 : memref<128xi32, #tpu.memory_space<vmem>>) semaphore(%arg17 : memref<!tpu.dma_semaphore, #tpu.memory_space<semaphore_mem>>)
      %dma_wait3A_263 = arith.constant 0 : i32
      %dma_wait3A_264 = arith.constant 0 : i32
      %dma_wait3A_265 = arith.constant 0 : i32
      %dma_wait3A_266 = tpu.memref_slice %arg8[%dma_wait3A_263, %dma_wait3A_264, %dma_wait3A_265] : memref<8x128x16xf32, #tpu.memory_space<vmem>> -> memref<1x128x16xf32, #tpu.memory_space<vmem>>
      %dma_wait3A_267 = tpu.memref_squeeze %dma_wait3A_266 : memref<1x128x16xf32, #tpu.memory_space<vmem>> -> memref<128x16xf32, #tpu.memory_space<vmem>>
      %dma_wait3A_268 = arith.constant 0 : i32
      %dma_wait3A_269 = tpu.memref_slice %arg6[%add3A_126, %dma_wait3A_268] : memref<80x128xi32, #tpu.memory_space<vmem>> -> memref<1x128xi32, #tpu.memory_space<vmem>>
      %dma_wait3A_270 = tpu.memref_squeeze %dma_wait3A_269 : memref<1x128xi32, #tpu.memory_space<vmem>> -> memref<128xi32, #tpu.memory_space<vmem>>
      %dma_wait3A_271 = arith.constant 0 : i32
      %dma_wait3A_272 = arith.constant 0 : i32
      %dma_wait3A_273 = tpu.memref_slice %arg2[%dma_wait3A_271, %dma_wait3A_272] : memref<10240x16xf32, #tpu.memory_space<hbm>> -> memref<10240x16xf32, #tpu.memory_space<hbm>>
      tpu.wait_indirect_dma semaphore(%arg10 : memref<!tpu.dma_semaphore, #tpu.memory_space<semaphore_mem>>) src(%dma_wait3A_273 : memref<10240x16xf32, #tpu.memory_space<hbm>>) dst(%dma_wait3A_267 : memref<128x16xf32, #tpu.memory_space<vmem>>)
      %add3A_274 = arith.constant 0 : i32
      %add3A_275 = arith.addi %mul3A_122, %add3A_274 : i32
      %dma_start3A_276 = arith.constant 0 : i32
      %dma_start3A_277 = arith.constant 0 : i32
      %dma_start3A_278 = arith.constant 0 : i32
      %dma_start3A_279 = tpu.memref_slice %arg8[%dma_start3A_276, %dma_start3A_277, %dma_start3A_278] : memref<8x128x16xf32, #tpu.memory_space<vmem>> -> memref<1x128x16xf32, #tpu.memory_space<vmem>>
      %dma_start3A_280 = tpu.memref_squeeze %dma_start3A_279 : memref<1x128x16xf32, #tpu.memory_space<vmem>> -> memref<128x16xf32, #tpu.memory_space<vmem>>
      %dma_start3A_281 = arith.constant 0 : i32
      %dma_start3A_282 = tpu.memref_slice %arg7[%add3A_275, %dma_start3A_281] : memref<80x128xi32, #tpu.memory_space<vmem>> -> memref<1x128xi32, #tpu.memory_space<vmem>>
      %dma_start3A_283 = tpu.memref_squeeze %dma_start3A_282 : memref<1x128xi32, #tpu.memory_space<vmem>> -> memref<128xi32, #tpu.memory_space<vmem>>
      %dma_start3A_284 = arith.constant 0 : i32
      %dma_start3A_285 = arith.constant 0 : i32
      %dma_start3A_286 = tpu.memref_slice %arg9[%dma_start3A_284, %dma_start3A_285] : memref<10240x16xf32, #tpu.memory_space<vmem_shared>> -> memref<10240x16xf32, #tpu.memory_space<vmem_shared>>
      tpu.enqueue_indirect_dma source(%dma_start3A_280 : memref<128x16xf32, #tpu.memory_space<vmem>>) target(%dma_start3A_286 : memref<10240x16xf32, #tpu.memory_space<vmem_shared>>) offsets(%dma_start3A_283 : memref<128xi32, #tpu.memory_space<vmem>>) semaphore(%arg18 : memref<!tpu.dma_semaphore, #tpu.memory_space<semaphore_mem>>) {add = true}
      %dma_wait3A_287 = arith.constant 1 : i32
      %dma_wait3A_288 = arith.constant 0 : i32
      %dma_wait3A_289 = arith.constant 0 : i32
      %dma_wait3A_290 = tpu.memref_slice %arg8[%dma_wait3A_287, %dma_wait3A_288, %dma_wait3A_289] : memref<8x128x16xf32, #tpu.memory_space<vmem>> -> memref<1x128x16xf32, #tpu.memory_space<vmem>>
      %dma_wait3A_291 = tpu.memref_squeeze %dma_wait3A_290 : memref<1x128x16xf32, #tpu.memory_space<vmem>> -> memref<128x16xf32, #tpu.memory_space<vmem>>
      %dma_wait3A_292 = arith.constant 0 : i32
      %dma_wait3A_293 = tpu.memref_slice %arg6[%add3A_143, %dma_wait3A_292] : memref<80x128xi32, #tpu.memory_space<vmem>> -> memref<1x128xi32, #tpu.memory_space<vmem>>
      %dma_wait3A_294 = tpu.memref_squeeze %dma_wait3A_293 : memref<1x128xi32, #tpu.memory_space<vmem>> -> memref<128xi32, #tpu.memory_space<vmem>>
      %dma_wait3A_295 = arith.constant 0 : i32
      %dma_wait3A_296 = arith.constant 0 : i32
      %dma_wait3A_297 = tpu.memref_slice %arg2[%dma_wait3A_295, %dma_wait3A_296] : memref<10240x16xf32, #tpu.memory_space<hbm>> -> memref<10240x16xf32, #tpu.memory_space<hbm>>
      tpu.wait_indirect_dma semaphore(%arg11 : memref<!tpu.dma_semaphore, #tpu.memory_space<semaphore_mem>>) src(%dma_wait3A_297 : memref<10240x16xf32, #tpu.memory_space<hbm>>) dst(%dma_wait3A_291 : memref<128x16xf32, #tpu.memory_space<vmem>>)
      %add3A_298 = arith.constant 1 : i32
      %add3A_299 = arith.addi %mul3A_122, %add3A_298 : i32
      %dma_start3A_300 = arith.constant 1 : i32
      %dma_start3A_301 = arith.constant 0 : i32
      %dma_start3A_302 = arith.constant 0 : i32
      %dma_start3A_303 = tpu.memref_slice %arg8[%dma_start3A_300, %dma_start3A_301, %dma_start3A_302] : memref<8x128x16xf32, #tpu.memory_space<vmem>> -> memref<1x128x16xf32, #tpu.memory_space<vmem>>
      %dma_start3A_304 = tpu.memref_squeeze %dma_start3A_303 : memref<1x128x16xf32, #tpu.memory_space<vmem>> -> memref<128x16xf32, #tpu.memory_space<vmem>>
      %dma_start3A_305 = arith.constant 0 : i32
      %dma_start3A_306 = tpu.memref_slice %arg7[%add3A_299, %dma_start3A_305] : memref<80x128xi32, #tpu.memory_space<vmem>> -> memref<1x128xi32, #tpu.memory_space<vmem>>
      %dma_start3A_307 = tpu.memref_squeeze %dma_start3A_306 : memref<1x128xi32, #tpu.memory_space<vmem>> -> memref<128xi32, #tpu.memory_space<vmem>>
      %dma_start3A_308 = arith.constant 0 : i32
      %dma_start3A_309 = arith.constant 0 : i32
      %dma_start3A_310 = tpu.memref_slice %arg9[%dma_start3A_308, %dma_start3A_309] : memref<10240x16xf32, #tpu.memory_space<vmem_shared>> -> memref<10240x16xf32, #tpu.memory_space<vmem_shared>>
      tpu.enqueue_indirect_dma source(%dma_start3A_304 : memref<128x16xf32, #tpu.memory_space<vmem>>) target(%dma_start3A_310 : memref<10240x16xf32, #tpu.memory_space<vmem_shared>>) offsets(%dma_start3A_307 : memref<128xi32, #tpu.memory_space<vmem>>) semaphore(%arg19 : memref<!tpu.dma_semaphore, #tpu.memory_space<semaphore_mem>>) {add = true}
      %dma_wait3A_311 = arith.constant 2 : i32
      %dma_wait3A_312 = arith.constant 0 : i32
      %dma_wait3A_313 = arith.constant 0 : i32
      %dma_wait3A_314 = tpu.memref_slice %arg8[%dma_wait3A_311, %dma_wait3A_312, %dma_wait3A_313] : memref<8x128x16xf32, #tpu.memory_space<vmem>> -> memref<1x128x16xf32, #tpu.memory_space<vmem>>
      %dma_wait3A_315 = tpu.memref_squeeze %dma_wait3A_314 : memref<1x128x16xf32, #tpu.memory_space<vmem>> -> memref<128x16xf32, #tpu.memory_space<vmem>>
      %dma_wait3A_316 = arith.constant 0 : i32
      %dma_wait3A_317 = tpu.memref_slice %arg6[%add3A_161, %dma_wait3A_316] : memref<80x128xi32, #tpu.memory_space<vmem>> -> memref<1x128xi32, #tpu.memory_space<vmem>>
      %dma_wait3A_318 = tpu.memref_squeeze %dma_wait3A_317 : memref<1x128xi32, #tpu.memory_space<vmem>> -> memref<128xi32, #tpu.memory_space<vmem>>
      %dma_wait3A_319 = arith.constant 0 : i32
      %dma_wait3A_320 = arith.constant 0 : i32
      %dma_wait3A_321 = tpu.memref_slice %arg2[%dma_wait3A_319, %dma_wait3A_320] : memref<10240x16xf32, #tpu.memory_space<hbm>> -> memref<10240x16xf32, #tpu.memory_space<hbm>>
      tpu.wait_indirect_dma semaphore(%arg12 : memref<!tpu.dma_semaphore, #tpu.memory_space<semaphore_mem>>) src(%dma_wait3A_321 : memref<10240x16xf32, #tpu.memory_space<hbm>>) dst(%dma_wait3A_315 : memref<128x16xf32, #tpu.memory_space<vmem>>)
      %add3A_322 = arith.constant 2 : i32
      %add3A_323 = arith.addi %mul3A_122, %add3A_322 : i32
      %dma_start3A_324 = arith.constant 2 : i32
      %dma_start3A_325 = arith.constant 0 : i32
      %dma_start3A_326 = arith.constant 0 : i32
      %dma_start3A_327 = tpu.memref_slice %arg8[%dma_start3A_324, %dma_start3A_325, %dma_start3A_326] : memref<8x128x16xf32, #tpu.memory_space<vmem>> -> memref<1x128x16xf32, #tpu.memory_space<vmem>>
      %dma_start3A_328 = tpu.memref_squeeze %dma_start3A_327 : memref<1x128x16xf32, #tpu.memory_space<vmem>> -> memref<128x16xf32, #tpu.memory_space<vmem>>
      %dma_start3A_329 = arith.constant 0 : i32
      %dma_start3A_330 = tpu.memref_slice %arg7[%add3A_323, %dma_start3A_329] : memref<80x128xi32, #tpu.memory_space<vmem>> -> memref<1x128xi32, #tpu.memory_space<vmem>>
      %dma_start3A_331 = tpu.memref_squeeze %dma_start3A_330 : memref<1x128xi32, #tpu.memory_space<vmem>> -> memref<128xi32, #tpu.memory_space<vmem>>
      %dma_start3A_332 = arith.constant 0 : i32
      %dma_start3A_333 = arith.constant 0 : i32
      %dma_start3A_334 = tpu.memref_slice %arg9[%dma_start3A_332, %dma_start3A_333] : memref<10240x16xf32, #tpu.memory_space<vmem_shared>> -> memref<10240x16xf32, #tpu.memory_space<vmem_shared>>
      tpu.enqueue_indirect_dma source(%dma_start3A_328 : memref<128x16xf32, #tpu.memory_space<vmem>>) target(%dma_start3A_334 : memref<10240x16xf32, #tpu.memory_space<vmem_shared>>) offsets(%dma_start3A_331 : memref<128xi32, #tpu.memory_space<vmem>>) semaphore(%arg20 : memref<!tpu.dma_semaphore, #tpu.memory_space<semaphore_mem>>) {add = true}
      %dma_wait3A_335 = arith.constant 3 : i32
      %dma_wait3A_336 = arith.constant 0 : i32
      %dma_wait3A_337 = arith.constant 0 : i32
      %dma_wait3A_338 = tpu.memref_slice %arg8[%dma_wait3A_335, %dma_wait3A_336, %dma_wait3A_337] : memref<8x128x16xf32, #tpu.memory_space<vmem>> -> memref<1x128x16xf32, #tpu.memory_space<vmem>>
      %dma_wait3A_339 = tpu.memref_squeeze %dma_wait3A_338 : memref<1x128x16xf32, #tpu.memory_space<vmem>> -> memref<128x16xf32, #tpu.memory_space<vmem>>
      %dma_wait3A_340 = arith.constant 0 : i32
      %dma_wait3A_341 = tpu.memref_slice %arg6[%add3A_179, %dma_wait3A_340] : memref<80x128xi32, #tpu.memory_space<vmem>> -> memref<1x128xi32, #tpu.memory_space<vmem>>
      %dma_wait3A_342 = tpu.memref_squeeze %dma_wait3A_341 : memref<1x128xi32, #tpu.memory_space<vmem>> -> memref<128xi32, #tpu.memory_space<vmem>>
      %dma_wait3A_343 = arith.constant 0 : i32
      %dma_wait3A_344 = arith.constant 0 : i32
      %dma_wait3A_345 = tpu.memref_slice %arg2[%dma_wait3A_343, %dma_wait3A_344] : memref<10240x16xf32, #tpu.memory_space<hbm>> -> memref<10240x16xf32, #tpu.memory_space<hbm>>
      tpu.wait_indirect_dma semaphore(%arg13 : memref<!tpu.dma_semaphore, #tpu.memory_space<semaphore_mem>>) src(%dma_wait3A_345 : memref<10240x16xf32, #tpu.memory_space<hbm>>) dst(%dma_wait3A_339 : memref<128x16xf32, #tpu.memory_space<vmem>>)
      %add3A_346 = arith.constant 3 : i32
      %add3A_347 = arith.addi %mul3A_122, %add3A_346 : i32
      %dma_start3A_348 = arith.constant 3 : i32
      %dma_start3A_349 = arith.constant 0 : i32
      %dma_start3A_350 = arith.constant 0 : i32
      %dma_start3A_351 = tpu.memref_slice %arg8[%dma_start3A_348, %dma_start3A_349, %dma_start3A_350] : memref<8x128x16xf32, #tpu.memory_space<vmem>> -> memref<1x128x16xf32, #tpu.memory_space<vmem>>
      %dma_start3A_352 = tpu.memref_squeeze %dma_start3A_351 : memref<1x128x16xf32, #tpu.memory_space<vmem>> -> memref<128x16xf32, #tpu.memory_space<vmem>>
      %dma_start3A_353 = arith.constant 0 : i32
      %dma_start3A_354 = tpu.memref_slice %arg7[%add3A_347, %dma_start3A_353] : memref<80x128xi32, #tpu.memory_space<vmem>> -> memref<1x128xi32, #tpu.memory_space<vmem>>
      %dma_start3A_355 = tpu.memref_squeeze %dma_start3A_354 : memref<1x128xi32, #tpu.memory_space<vmem>> -> memref<128xi32, #tpu.memory_space<vmem>>
      %dma_start3A_356 = arith.constant 0 : i32
      %dma_start3A_357 = arith.constant 0 : i32
      %dma_start3A_358 = tpu.memref_slice %arg9[%dma_start3A_356, %dma_start3A_357] : memref<10240x16xf32, #tpu.memory_space<vmem_shared>> -> memref<10240x16xf32, #tpu.memory_space<vmem_shared>>
      tpu.enqueue_indirect_dma source(%dma_start3A_352 : memref<128x16xf32, #tpu.memory_space<vmem>>) target(%dma_start3A_358 : memref<10240x16xf32, #tpu.memory_space<vmem_shared>>) offsets(%dma_start3A_355 : memref<128xi32, #tpu.memory_space<vmem>>) semaphore(%arg21 : memref<!tpu.dma_semaphore, #tpu.memory_space<semaphore_mem>>) {add = true}
      %dma_wait3A_359 = arith.constant 4 : i32
      %dma_wait3A_360 = arith.constant 0 : i32
      %dma_wait3A_361 = arith.constant 0 : i32
      %dma_wait3A_362 = tpu.memref_slice %arg8[%dma_wait3A_359, %dma_wait3A_360, %dma_wait3A_361] : memref<8x128x16xf32, #tpu.memory_space<vmem>> -> memref<1x128x16xf32, #tpu.memory_space<vmem>>
      %dma_wait3A_363 = tpu.memref_squeeze %dma_wait3A_362 : memref<1x128x16xf32, #tpu.memory_space<vmem>> -> memref<128x16xf32, #tpu.memory_space<vmem>>
      %dma_wait3A_364 = arith.constant 0 : i32
      %dma_wait3A_365 = tpu.memref_slice %arg6[%add3A_197, %dma_wait3A_364] : memref<80x128xi32, #tpu.memory_space<vmem>> -> memref<1x128xi32, #tpu.memory_space<vmem>>
      %dma_wait3A_366 = tpu.memref_squeeze %dma_wait3A_365 : memref<1x128xi32, #tpu.memory_space<vmem>> -> memref<128xi32, #tpu.memory_space<vmem>>
      %dma_wait3A_367 = arith.constant 0 : i32
      %dma_wait3A_368 = arith.constant 0 : i32
      %dma_wait3A_369 = tpu.memref_slice %arg2[%dma_wait3A_367, %dma_wait3A_368] : memref<10240x16xf32, #tpu.memory_space<hbm>> -> memref<10240x16xf32, #tpu.memory_space<hbm>>
      tpu.wait_indirect_dma semaphore(%arg14 : memref<!tpu.dma_semaphore, #tpu.memory_space<semaphore_mem>>) src(%dma_wait3A_369 : memref<10240x16xf32, #tpu.memory_space<hbm>>) dst(%dma_wait3A_363 : memref<128x16xf32, #tpu.memory_space<vmem>>)
      %add3A_370 = arith.constant 4 : i32
      %add3A_371 = arith.addi %mul3A_122, %add3A_370 : i32
      %dma_start3A_372 = arith.constant 4 : i32
      %dma_start3A_373 = arith.constant 0 : i32
      %dma_start3A_374 = arith.constant 0 : i32
      %dma_start3A_375 = tpu.memref_slice %arg8[%dma_start3A_372, %dma_start3A_373, %dma_start3A_374] : memref<8x128x16xf32, #tpu.memory_space<vmem>> -> memref<1x128x16xf32, #tpu.memory_space<vmem>>
      %dma_start3A_376 = tpu.memref_squeeze %dma_start3A_375 : memref<1x128x16xf32, #tpu.memory_space<vmem>> -> memref<128x16xf32, #tpu.memory_space<vmem>>
      %dma_start3A_377 = arith.constant 0 : i32
      %dma_start3A_378 = tpu.memref_slice %arg7[%add3A_371, %dma_start3A_377] : memref<80x128xi32, #tpu.memory_space<vmem>> -> memref<1x128xi32, #tpu.memory_space<vmem>>
      %dma_start3A_379 = tpu.memref_squeeze %dma_start3A_378 : memref<1x128xi32, #tpu.memory_space<vmem>> -> memref<128xi32, #tpu.memory_space<vmem>>
      %dma_start3A_380 = arith.constant 0 : i32
      %dma_start3A_381 = arith.constant 0 : i32
      %dma_start3A_382 = tpu.memref_slice %arg9[%dma_start3A_380, %dma_start3A_381] : memref<10240x16xf32, #tpu.memory_space<vmem_shared>> -> memref<10240x16xf32, #tpu.memory_space<vmem_shared>>
      tpu.enqueue_indirect_dma source(%dma_start3A_376 : memref<128x16xf32, #tpu.memory_space<vmem>>) target(%dma_start3A_382 : memref<10240x16xf32, #tpu.memory_space<vmem_shared>>) offsets(%dma_start3A_379 : memref<128xi32, #tpu.memory_space<vmem>>) semaphore(%arg22 : memref<!tpu.dma_semaphore, #tpu.memory_space<semaphore_mem>>) {add = true}
      %dma_wait3A_383 = arith.constant 5 : i32
      %dma_wait3A_384 = arith.constant 0 : i32
      %dma_wait3A_385 = arith.constant 0 : i32
      %dma_wait3A_386 = tpu.memref_slice %arg8[%dma_wait3A_383, %dma_wait3A_384, %dma_wait3A_385] : memref<8x128x16xf32, #tpu.memory_space<vmem>> -> memref<1x128x16xf32, #tpu.memory_space<vmem>>
      %dma_wait3A_387 = tpu.memref_squeeze %dma_wait3A_386 : memref<1x128x16xf32, #tpu.memory_space<vmem>> -> memref<128x16xf32, #tpu.memory_space<vmem>>
      %dma_wait3A_388 = arith.constant 0 : i32
      %dma_wait3A_389 = tpu.memref_slice %arg6[%add3A_215, %dma_wait3A_388] : memref<80x128xi32, #tpu.memory_space<vmem>> -> memref<1x128xi32, #tpu.memory_space<vmem>>
      %dma_wait3A_390 = tpu.memref_squeeze %dma_wait3A_389 : memref<1x128xi32, #tpu.memory_space<vmem>> -> memref<128xi32, #tpu.memory_space<vmem>>
      %dma_wait3A_391 = arith.constant 0 : i32
      %dma_wait3A_392 = arith.constant 0 : i32
      %dma_wait3A_393 = tpu.memref_slice %arg2[%dma_wait3A_391, %dma_wait3A_392] : memref<10240x16xf32, #tpu.memory_space<hbm>> -> memref<10240x16xf32, #tpu.memory_space<hbm>>
      tpu.wait_indirect_dma semaphore(%arg15 : memref<!tpu.dma_semaphore, #tpu.memory_space<semaphore_mem>>) src(%dma_wait3A_393 : memref<10240x16xf32, #tpu.memory_space<hbm>>) dst(%dma_wait3A_387 : memref<128x16xf32, #tpu.memory_space<vmem>>)
      %add3A_394 = arith.constant 5 : i32
      %add3A_395 = arith.addi %mul3A_122, %add3A_394 : i32
      %dma_start3A_396 = arith.constant 5 : i32
      %dma_start3A_397 = arith.constant 0 : i32
      %dma_start3A_398 = arith.constant 0 : i32
      %dma_start3A_399 = tpu.memref_slice %arg8[%dma_start3A_396, %dma_start3A_397, %dma_start3A_398] : memref<8x128x16xf32, #tpu.memory_space<vmem>> -> memref<1x128x16xf32, #tpu.memory_space<vmem>>
      %dma_start3A_400 = tpu.memref_squeeze %dma_start3A_399 : memref<1x128x16xf32, #tpu.memory_space<vmem>> -> memref<128x16xf32, #tpu.memory_space<vmem>>
      %dma_start3A_401 = arith.constant 0 : i32
      %dma_start3A_402 = tpu.memref_slice %arg7[%add3A_395, %dma_start3A_401] : memref<80x128xi32, #tpu.memory_space<vmem>> -> memref<1x128xi32, #tpu.memory_space<vmem>>
      %dma_start3A_403 = tpu.memref_squeeze %dma_start3A_402 : memref<1x128xi32, #tpu.memory_space<vmem>> -> memref<128xi32, #tpu.memory_space<vmem>>
      %dma_start3A_404 = arith.constant 0 : i32
      %dma_start3A_405 = arith.constant 0 : i32
      %dma_start3A_406 = tpu.memref_slice %arg9[%dma_start3A_404, %dma_start3A_405] : memref<10240x16xf32, #tpu.memory_space<vmem_shared>> -> memref<10240x16xf32, #tpu.memory_space<vmem_shared>>
      tpu.enqueue_indirect_dma source(%dma_start3A_400 : memref<128x16xf32, #tpu.memory_space<vmem>>) target(%dma_start3A_406 : memref<10240x16xf32, #tpu.memory_space<vmem_shared>>) offsets(%dma_start3A_403 : memref<128xi32, #tpu.memory_space<vmem>>) semaphore(%arg23 : memref<!tpu.dma_semaphore, #tpu.memory_space<semaphore_mem>>) {add = true}
      %dma_wait3A_407 = arith.constant 6 : i32
      %dma_wait3A_408 = arith.constant 0 : i32
      %dma_wait3A_409 = arith.constant 0 : i32
      %dma_wait3A_410 = tpu.memref_slice %arg8[%dma_wait3A_407, %dma_wait3A_408, %dma_wait3A_409] : memref<8x128x16xf32, #tpu.memory_space<vmem>> -> memref<1x128x16xf32, #tpu.memory_space<vmem>>
      %dma_wait3A_411 = tpu.memref_squeeze %dma_wait3A_410 : memref<1x128x16xf32, #tpu.memory_space<vmem>> -> memref<128x16xf32, #tpu.memory_space<vmem>>
      %dma_wait3A_412 = arith.constant 0 : i32
      %dma_wait3A_413 = tpu.memref_slice %arg6[%add3A_233, %dma_wait3A_412] : memref<80x128xi32, #tpu.memory_space<vmem>> -> memref<1x128xi32, #tpu.memory_space<vmem>>
      %dma_wait3A_414 = tpu.memref_squeeze %dma_wait3A_413 : memref<1x128xi32, #tpu.memory_space<vmem>> -> memref<128xi32, #tpu.memory_space<vmem>>
      %dma_wait3A_415 = arith.constant 0 : i32
      %dma_wait3A_416 = arith.constant 0 : i32
      %dma_wait3A_417 = tpu.memref_slice %arg2[%dma_wait3A_415, %dma_wait3A_416] : memref<10240x16xf32, #tpu.memory_space<hbm>> -> memref<10240x16xf32, #tpu.memory_space<hbm>>
      tpu.wait_indirect_dma semaphore(%arg16 : memref<!tpu.dma_semaphore, #tpu.memory_space<semaphore_mem>>) src(%dma_wait3A_417 : memref<10240x16xf32, #tpu.memory_space<hbm>>) dst(%dma_wait3A_411 : memref<128x16xf32, #tpu.memory_space<vmem>>)
      %add3A_418 = arith.constant 6 : i32
      %add3A_419 = arith.addi %mul3A_122, %add3A_418 : i32
      %dma_start3A_420 = arith.constant 6 : i32
      %dma_start3A_421 = arith.constant 0 : i32
      %dma_start3A_422 = arith.constant 0 : i32
      %dma_start3A_423 = tpu.memref_slice %arg8[%dma_start3A_420, %dma_start3A_421, %dma_start3A_422] : memref<8x128x16xf32, #tpu.memory_space<vmem>> -> memref<1x128x16xf32, #tpu.memory_space<vmem>>
      %dma_start3A_424 = tpu.memref_squeeze %dma_start3A_423 : memref<1x128x16xf32, #tpu.memory_space<vmem>> -> memref<128x16xf32, #tpu.memory_space<vmem>>
      %dma_start3A_425 = arith.constant 0 : i32
      %dma_start3A_426 = tpu.memref_slice %arg7[%add3A_419, %dma_start3A_425] : memref<80x128xi32, #tpu.memory_space<vmem>> -> memref<1x128xi32, #tpu.memory_space<vmem>>
      %dma_start3A_427 = tpu.memref_squeeze %dma_start3A_426 : memref<1x128xi32, #tpu.memory_space<vmem>> -> memref<128xi32, #tpu.memory_space<vmem>>
      %dma_start3A_428 = arith.constant 0 : i32
      %dma_start3A_429 = arith.constant 0 : i32
      %dma_start3A_430 = tpu.memref_slice %arg9[%dma_start3A_428, %dma_start3A_429] : memref<10240x16xf32, #tpu.memory_space<vmem_shared>> -> memref<10240x16xf32, #tpu.memory_space<vmem_shared>>
      tpu.enqueue_indirect_dma source(%dma_start3A_424 : memref<128x16xf32, #tpu.memory_space<vmem>>) target(%dma_start3A_430 : memref<10240x16xf32, #tpu.memory_space<vmem_shared>>) offsets(%dma_start3A_427 : memref<128xi32, #tpu.memory_space<vmem>>) semaphore(%arg24 : memref<!tpu.dma_semaphore, #tpu.memory_space<semaphore_mem>>) {add = true}
      %dma_wait3A_431 = arith.constant 7 : i32
      %dma_wait3A_432 = arith.constant 0 : i32
      %dma_wait3A_433 = arith.constant 0 : i32
      %dma_wait3A_434 = tpu.memref_slice %arg8[%dma_wait3A_431, %dma_wait3A_432, %dma_wait3A_433] : memref<8x128x16xf32, #tpu.memory_space<vmem>> -> memref<1x128x16xf32, #tpu.memory_space<vmem>>
      %dma_wait3A_435 = tpu.memref_squeeze %dma_wait3A_434 : memref<1x128x16xf32, #tpu.memory_space<vmem>> -> memref<128x16xf32, #tpu.memory_space<vmem>>
      %dma_wait3A_436 = arith.constant 0 : i32
      %dma_wait3A_437 = tpu.memref_slice %arg6[%add3A_251, %dma_wait3A_436] : memref<80x128xi32, #tpu.memory_space<vmem>> -> memref<1x128xi32, #tpu.memory_space<vmem>>
      %dma_wait3A_438 = tpu.memref_squeeze %dma_wait3A_437 : memref<1x128xi32, #tpu.memory_space<vmem>> -> memref<128xi32, #tpu.memory_space<vmem>>
      %dma_wait3A_439 = arith.constant 0 : i32
      %dma_wait3A_440 = arith.constant 0 : i32
      %dma_wait3A_441 = tpu.memref_slice %arg2[%dma_wait3A_439, %dma_wait3A_440] : memref<10240x16xf32, #tpu.memory_space<hbm>> -> memref<10240x16xf32, #tpu.memory_space<hbm>>
      tpu.wait_indirect_dma semaphore(%arg17 : memref<!tpu.dma_semaphore, #tpu.memory_space<semaphore_mem>>) src(%dma_wait3A_441 : memref<10240x16xf32, #tpu.memory_space<hbm>>) dst(%dma_wait3A_435 : memref<128x16xf32, #tpu.memory_space<vmem>>)
      %add3A_442 = arith.constant 7 : i32
      %add3A_443 = arith.addi %mul3A_122, %add3A_442 : i32
      %dma_start3A_444 = arith.constant 7 : i32
      %dma_start3A_445 = arith.constant 0 : i32
      %dma_start3A_446 = arith.constant 0 : i32
      %dma_start3A_447 = tpu.memref_slice %arg8[%dma_start3A_444, %dma_start3A_445, %dma_start3A_446] : memref<8x128x16xf32, #tpu.memory_space<vmem>> -> memref<1x128x16xf32, #tpu.memory_space<vmem>>
      %dma_start3A_448 = tpu.memref_squeeze %dma_start3A_447 : memref<1x128x16xf32, #tpu.memory_space<vmem>> -> memref<128x16xf32, #tpu.memory_space<vmem>>
      %dma_start3A_449 = arith.constant 0 : i32
      %dma_start3A_450 = tpu.memref_slice %arg7[%add3A_443, %dma_start3A_449] : memref<80x128xi32, #tpu.memory_space<vmem>> -> memref<1x128xi32, #tpu.memory_space<vmem>>
      %dma_start3A_451 = tpu.memref_squeeze %dma_start3A_450 : memref<1x128xi32, #tpu.memory_space<vmem>> -> memref<128xi32, #tpu.memory_space<vmem>>
      %dma_start3A_452 = arith.constant 0 : i32
      %dma_start3A_453 = arith.constant 0 : i32
      %dma_start3A_454 = tpu.memref_slice %arg9[%dma_start3A_452, %dma_start3A_453] : memref<10240x16xf32, #tpu.memory_space<vmem_shared>> -> memref<10240x16xf32, #tpu.memory_space<vmem_shared>>
      tpu.enqueue_indirect_dma source(%dma_start3A_448 : memref<128x16xf32, #tpu.memory_space<vmem>>) target(%dma_start3A_454 : memref<10240x16xf32, #tpu.memory_space<vmem_shared>>) offsets(%dma_start3A_451 : memref<128xi32, #tpu.memory_space<vmem>>) semaphore(%arg25 : memref<!tpu.dma_semaphore, #tpu.memory_space<semaphore_mem>>) {add = true}
    }
    %scan3A_17 = arith.constant 10 : i32
    %dma_wait3A = arith.constant 0 : i32
    %dma_wait3A_18 = arith.constant 72 : i32
    %dma_wait3A_19 = arith.constant 0 : i32
    %dma_wait3A_20 = arith.constant 0 : i32
    %dma_wait3A_21 = tpu.memref_slice %arg8[%dma_wait3A, %dma_wait3A_19, %dma_wait3A_20] : memref<8x128x16xf32, #tpu.memory_space<vmem>> -> memref<1x128x16xf32, #tpu.memory_space<vmem>>
    %dma_wait3A_22 = tpu.memref_squeeze %dma_wait3A_21 : memref<1x128x16xf32, #tpu.memory_space<vmem>> -> memref<128x16xf32, #tpu.memory_space<vmem>>
    %dma_wait3A_23 = arith.constant 0 : i32
    %dma_wait3A_24 = tpu.memref_slice %arg7[%dma_wait3A_18, %dma_wait3A_23] : memref<80x128xi32, #tpu.memory_space<vmem>> -> memref<1x128xi32, #tpu.memory_space<vmem>>
    %dma_wait3A_25 = tpu.memref_squeeze %dma_wait3A_24 : memref<1x128xi32, #tpu.memory_space<vmem>> -> memref<128xi32, #tpu.memory_space<vmem>>
    %dma_wait3A_26 = arith.constant 0 : i32
    %dma_wait3A_27 = arith.constant 0 : i32
    %dma_wait3A_28 = tpu.memref_slice %arg9[%dma_wait3A_26, %dma_wait3A_27] : memref<10240x16xf32, #tpu.memory_space<vmem_shared>> -> memref<10240x16xf32, #tpu.memory_space<vmem_shared>>
    tpu.wait_indirect_dma semaphore(%arg18 : memref<!tpu.dma_semaphore, #tpu.memory_space<semaphore_mem>>) src(%dma_wait3A_22 : memref<128x16xf32, #tpu.memory_space<vmem>>) dst(%dma_wait3A_28 : memref<10240x16xf32, #tpu.memory_space<vmem_shared>>)
    %dma_wait3A_29 = arith.constant 1 : i32
    %dma_wait3A_30 = arith.constant 73 : i32
    %dma_wait3A_31 = arith.constant 0 : i32
    %dma_wait3A_32 = arith.constant 0 : i32
    %dma_wait3A_33 = tpu.memref_slice %arg8[%dma_wait3A_29, %dma_wait3A_31, %dma_wait3A_32] : memref<8x128x16xf32, #tpu.memory_space<vmem>> -> memref<1x128x16xf32, #tpu.memory_space<vmem>>
    %dma_wait3A_34 = tpu.memref_squeeze %dma_wait3A_33 : memref<1x128x16xf32, #tpu.memory_space<vmem>> -> memref<128x16xf32, #tpu.memory_space<vmem>>
    %dma_wait3A_35 = arith.constant 0 : i32
    %dma_wait3A_36 = tpu.memref_slice %arg7[%dma_wait3A_30, %dma_wait3A_35] : memref<80x128xi32, #tpu.memory_space<vmem>> -> memref<1x128xi32, #tpu.memory_space<vmem>>
    %dma_wait3A_37 = tpu.memref_squeeze %dma_wait3A_36 : memref<1x128xi32, #tpu.memory_space<vmem>> -> memref<128xi32, #tpu.memory_space<vmem>>
    %dma_wait3A_38 = arith.constant 0 : i32
    %dma_wait3A_39 = arith.constant 0 : i32
    %dma_wait3A_40 = tpu.memref_slice %arg9[%dma_wait3A_38, %dma_wait3A_39] : memref<10240x16xf32, #tpu.memory_space<vmem_shared>> -> memref<10240x16xf32, #tpu.memory_space<vmem_shared>>
    tpu.wait_indirect_dma semaphore(%arg19 : memref<!tpu.dma_semaphore, #tpu.memory_space<semaphore_mem>>) src(%dma_wait3A_34 : memref<128x16xf32, #tpu.memory_space<vmem>>) dst(%dma_wait3A_40 : memref<10240x16xf32, #tpu.memory_space<vmem_shared>>)
    %dma_wait3A_41 = arith.constant 2 : i32
    %dma_wait3A_42 = arith.constant 74 : i32
    %dma_wait3A_43 = arith.constant 0 : i32
    %dma_wait3A_44 = arith.constant 0 : i32
    %dma_wait3A_45 = tpu.memref_slice %arg8[%dma_wait3A_41, %dma_wait3A_43, %dma_wait3A_44] : memref<8x128x16xf32, #tpu.memory_space<vmem>> -> memref<1x128x16xf32, #tpu.memory_space<vmem>>
    %dma_wait3A_46 = tpu.memref_squeeze %dma_wait3A_45 : memref<1x128x16xf32, #tpu.memory_space<vmem>> -> memref<128x16xf32, #tpu.memory_space<vmem>>
    %dma_wait3A_47 = arith.constant 0 : i32
    %dma_wait3A_48 = tpu.memref_slice %arg7[%dma_wait3A_42, %dma_wait3A_47] : memref<80x128xi32, #tpu.memory_space<vmem>> -> memref<1x128xi32, #tpu.memory_space<vmem>>
    %dma_wait3A_49 = tpu.memref_squeeze %dma_wait3A_48 : memref<1x128xi32, #tpu.memory_space<vmem>> -> memref<128xi32, #tpu.memory_space<vmem>>
    %dma_wait3A_50 = arith.constant 0 : i32
    %dma_wait3A_51 = arith.constant 0 : i32
    %dma_wait3A_52 = tpu.memref_slice %arg9[%dma_wait3A_50, %dma_wait3A_51] : memref<10240x16xf32, #tpu.memory_space<vmem_shared>> -> memref<10240x16xf32, #tpu.memory_space<vmem_shared>>
    tpu.wait_indirect_dma semaphore(%arg20 : memref<!tpu.dma_semaphore, #tpu.memory_space<semaphore_mem>>) src(%dma_wait3A_46 : memref<128x16xf32, #tpu.memory_space<vmem>>) dst(%dma_wait3A_52 : memref<10240x16xf32, #tpu.memory_space<vmem_shared>>)
    %dma_wait3A_53 = arith.constant 3 : i32
    %dma_wait3A_54 = arith.constant 75 : i32
    %dma_wait3A_55 = arith.constant 0 : i32
    %dma_wait3A_56 = arith.constant 0 : i32
    %dma_wait3A_57 = tpu.memref_slice %arg8[%dma_wait3A_53, %dma_wait3A_55, %dma_wait3A_56] : memref<8x128x16xf32, #tpu.memory_space<vmem>> -> memref<1x128x16xf32, #tpu.memory_space<vmem>>
    %dma_wait3A_58 = tpu.memref_squeeze %dma_wait3A_57 : memref<1x128x16xf32, #tpu.memory_space<vmem>> -> memref<128x16xf32, #tpu.memory_space<vmem>>
    %dma_wait3A_59 = arith.constant 0 : i32
    %dma_wait3A_60 = tpu.memref_slice %arg7[%dma_wait3A_54, %dma_wait3A_59] : memref<80x128xi32, #tpu.memory_space<vmem>> -> memref<1x128xi32, #tpu.memory_space<vmem>>
    %dma_wait3A_61 = tpu.memref_squeeze %dma_wait3A_60 : memref<1x128xi32, #tpu.memory_space<vmem>> -> memref<128xi32, #tpu.memory_space<vmem>>
    %dma_wait3A_62 = arith.constant 0 : i32
    %dma_wait3A_63 = arith.constant 0 : i32
    %dma_wait3A_64 = tpu.memref_slice %arg9[%dma_wait3A_62, %dma_wait3A_63] : memref<10240x16xf32, #tpu.memory_space<vmem_shared>> -> memref<10240x16xf32, #tpu.memory_space<vmem_shared>>
    tpu.wait_indirect_dma semaphore(%arg21 : memref<!tpu.dma_semaphore, #tpu.memory_space<semaphore_mem>>) src(%dma_wait3A_58 : memref<128x16xf32, #tpu.memory_space<vmem>>) dst(%dma_wait3A_64 : memref<10240x16xf32, #tpu.memory_space<vmem_shared>>)
    %dma_wait3A_65 = arith.constant 4 : i32
    %dma_wait3A_66 = arith.constant 76 : i32
    %dma_wait3A_67 = arith.constant 0 : i32
    %dma_wait3A_68 = arith.constant 0 : i32
    %dma_wait3A_69 = tpu.memref_slice %arg8[%dma_wait3A_65, %dma_wait3A_67, %dma_wait3A_68] : memref<8x128x16xf32, #tpu.memory_space<vmem>> -> memref<1x128x16xf32, #tpu.memory_space<vmem>>
    %dma_wait3A_70 = tpu.memref_squeeze %dma_wait3A_69 : memref<1x128x16xf32, #tpu.memory_space<vmem>> -> memref<128x16xf32, #tpu.memory_space<vmem>>
    %dma_wait3A_71 = arith.constant 0 : i32
    %dma_wait3A_72 = tpu.memref_slice %arg7[%dma_wait3A_66, %dma_wait3A_71] : memref<80x128xi32, #tpu.memory_space<vmem>> -> memref<1x128xi32, #tpu.memory_space<vmem>>
    %dma_wait3A_73 = tpu.memref_squeeze %dma_wait3A_72 : memref<1x128xi32, #tpu.memory_space<vmem>> -> memref<128xi32, #tpu.memory_space<vmem>>
    %dma_wait3A_74 = arith.constant 0 : i32
    %dma_wait3A_75 = arith.constant 0 : i32
    %dma_wait3A_76 = tpu.memref_slice %arg9[%dma_wait3A_74, %dma_wait3A_75] : memref<10240x16xf32, #tpu.memory_space<vmem_shared>> -> memref<10240x16xf32, #tpu.memory_space<vmem_shared>>
    tpu.wait_indirect_dma semaphore(%arg22 : memref<!tpu.dma_semaphore, #tpu.memory_space<semaphore_mem>>) src(%dma_wait3A_70 : memref<128x16xf32, #tpu.memory_space<vmem>>) dst(%dma_wait3A_76 : memref<10240x16xf32, #tpu.memory_space<vmem_shared>>)
    %dma_wait3A_77 = arith.constant 5 : i32
    %dma_wait3A_78 = arith.constant 77 : i32
    %dma_wait3A_79 = arith.constant 0 : i32
    %dma_wait3A_80 = arith.constant 0 : i32
    %dma_wait3A_81 = tpu.memref_slice %arg8[%dma_wait3A_77, %dma_wait3A_79, %dma_wait3A_80] : memref<8x128x16xf32, #tpu.memory_space<vmem>> -> memref<1x128x16xf32, #tpu.memory_space<vmem>>
    %dma_wait3A_82 = tpu.memref_squeeze %dma_wait3A_81 : memref<1x128x16xf32, #tpu.memory_space<vmem>> -> memref<128x16xf32, #tpu.memory_space<vmem>>
    %dma_wait3A_83 = arith.constant 0 : i32
    %dma_wait3A_84 = tpu.memref_slice %arg7[%dma_wait3A_78, %dma_wait3A_83] : memref<80x128xi32, #tpu.memory_space<vmem>> -> memref<1x128xi32, #tpu.memory_space<vmem>>
    %dma_wait3A_85 = tpu.memref_squeeze %dma_wait3A_84 : memref<1x128xi32, #tpu.memory_space<vmem>> -> memref<128xi32, #tpu.memory_space<vmem>>
    %dma_wait3A_86 = arith.constant 0 : i32
    %dma_wait3A_87 = arith.constant 0 : i32
    %dma_wait3A_88 = tpu.memref_slice %arg9[%dma_wait3A_86, %dma_wait3A_87] : memref<10240x16xf32, #tpu.memory_space<vmem_shared>> -> memref<10240x16xf32, #tpu.memory_space<vmem_shared>>
    tpu.wait_indirect_dma semaphore(%arg23 : memref<!tpu.dma_semaphore, #tpu.memory_space<semaphore_mem>>) src(%dma_wait3A_82 : memref<128x16xf32, #tpu.memory_space<vmem>>) dst(%dma_wait3A_88 : memref<10240x16xf32, #tpu.memory_space<vmem_shared>>)
    %dma_wait3A_89 = arith.constant 6 : i32
    %dma_wait3A_90 = arith.constant 78 : i32
    %dma_wait3A_91 = arith.constant 0 : i32
    %dma_wait3A_92 = arith.constant 0 : i32
    %dma_wait3A_93 = tpu.memref_slice %arg8[%dma_wait3A_89, %dma_wait3A_91, %dma_wait3A_92] : memref<8x128x16xf32, #tpu.memory_space<vmem>> -> memref<1x128x16xf32, #tpu.memory_space<vmem>>
    %dma_wait3A_94 = tpu.memref_squeeze %dma_wait3A_93 : memref<1x128x16xf32, #tpu.memory_space<vmem>> -> memref<128x16xf32, #tpu.memory_space<vmem>>
    %dma_wait3A_95 = arith.constant 0 : i32
    %dma_wait3A_96 = tpu.memref_slice %arg7[%dma_wait3A_90, %dma_wait3A_95] : memref<80x128xi32, #tpu.memory_space<vmem>> -> memref<1x128xi32, #tpu.memory_space<vmem>>
    %dma_wait3A_97 = tpu.memref_squeeze %dma_wait3A_96 : memref<1x128xi32, #tpu.memory_space<vmem>> -> memref<128xi32, #tpu.memory_space<vmem>>
    %dma_wait3A_98 = arith.constant 0 : i32
    %dma_wait3A_99 = arith.constant 0 : i32
    %dma_wait3A_100 = tpu.memref_slice %arg9[%dma_wait3A_98, %dma_wait3A_99] : memref<10240x16xf32, #tpu.memory_space<vmem_shared>> -> memref<10240x16xf32, #tpu.memory_space<vmem_shared>>
    tpu.wait_indirect_dma semaphore(%arg24 : memref<!tpu.dma_semaphore, #tpu.memory_space<semaphore_mem>>) src(%dma_wait3A_94 : memref<128x16xf32, #tpu.memory_space<vmem>>) dst(%dma_wait3A_100 : memref<10240x16xf32, #tpu.memory_space<vmem_shared>>)
    %dma_wait3A_101 = arith.constant 7 : i32
    %dma_wait3A_102 = arith.constant 79 : i32
    %dma_wait3A_103 = arith.constant 0 : i32
    %dma_wait3A_104 = arith.constant 0 : i32
    %dma_wait3A_105 = tpu.memref_slice %arg8[%dma_wait3A_101, %dma_wait3A_103, %dma_wait3A_104] : memref<8x128x16xf32, #tpu.memory_space<vmem>> -> memref<1x128x16xf32, #tpu.memory_space<vmem>>
    %dma_wait3A_106 = tpu.memref_squeeze %dma_wait3A_105 : memref<1x128x16xf32, #tpu.memory_space<vmem>> -> memref<128x16xf32, #tpu.memory_space<vmem>>
    %dma_wait3A_107 = arith.constant 0 : i32
    %dma_wait3A_108 = tpu.memref_slice %arg7[%dma_wait3A_102, %dma_wait3A_107] : memref<80x128xi32, #tpu.memory_space<vmem>> -> memref<1x128xi32, #tpu.memory_space<vmem>>
    %dma_wait3A_109 = tpu.memref_squeeze %dma_wait3A_108 : memref<1x128xi32, #tpu.memory_space<vmem>> -> memref<128xi32, #tpu.memory_space<vmem>>
    %dma_wait3A_110 = arith.constant 0 : i32
    %dma_wait3A_111 = arith.constant 0 : i32
    %dma_wait3A_112 = tpu.memref_slice %arg9[%dma_wait3A_110, %dma_wait3A_111] : memref<10240x16xf32, #tpu.memory_space<vmem_shared>> -> memref<10240x16xf32, #tpu.memory_space<vmem_shared>>
    tpu.wait_indirect_dma semaphore(%arg25 : memref<!tpu.dma_semaphore, #tpu.memory_space<semaphore_mem>>) src(%dma_wait3A_106 : memref<128x16xf32, #tpu.memory_space<vmem>>) dst(%dma_wait3A_112 : memref<10240x16xf32, #tpu.memory_space<vmem_shared>>)
    %barrier3A_113 = arith.constant 0 : index
    tpu.barrier barrier_id(%barrier3A_113)
    %scan3A_114 = arith.constant 0 : i32
    %scan3A_115 = arith.constant 0 : i32
    %scan3A_116 = arith.constant 5 : i32
    %scan3A_117 = arith.addi %scan3A_115, %scan3A_116 : i32
    %scan3A_118 = arith.constant 1 : i32
    scf.for %scan3A_120 = %scan3A_115 to %scan3A_117 step %scan3A_118  : i32 {
      %mul3A_121 = arith.constant 640 : i32
      %mul3A_122 = arith.muli %arg1, %mul3A_121 : i32
      %mul3A_123 = arith.constant 128 : i32
      %mul3A_124 = arith.muli %scan3A_120, %mul3A_123 : i32
      %add3A_125 = arith.addi %mul3A_122, %mul3A_124 : i32
      %run_scoped3A = arith.constant 0 : i32
      "tpu.region"() ({
        %run_scoped3A_127 = tpu.sem_alloc : memref<!tpu.dma_semaphore, #tpu.memory_space<semaphore_mem>>
        %dma_start3A = arith.constant 0 : i32
        %dma_start3A_128 = arith.constant 0 : i32
        %dma_start3A_129 = tpu.memref_slice %arg8[%run_scoped3A, %dma_start3A, %dma_start3A_128] : memref<8x128x16xf32, #tpu.memory_space<vmem>> -> memref<1x128x16xf32, #tpu.memory_space<vmem>>
        %dma_start3A_130 = tpu.memref_squeeze %dma_start3A_129 : memref<1x128x16xf32, #tpu.memory_space<vmem>> -> memref<128x16xf32, #tpu.memory_space<vmem>>
        %dma_start3A_131 = arith.constant 0 : i32
        %dma_start3A_132 = tpu.memref_slice %arg9[%add3A_125, %dma_start3A_131] : memref<10240x16xf32, #tpu.memory_space<vmem_shared>> -> memref<128x16xf32, #tpu.memory_space<vmem_shared>>
        %dma_start3A_133 = arith.constant 0 : i32
        %dma_start3A_134 = arith.constant 0 : i32
        %dma_start3A_135 = tpu.memref_slice %arg8[%run_scoped3A, %dma_start3A_133, %dma_start3A_134] : memref<8x128x16xf32, #tpu.memory_space<vmem>> -> memref<1x128x16xf32, #tpu.memory_space<vmem>>
        %dma_start3A_136 = tpu.memref_squeeze %dma_start3A_135 : memref<1x128x16xf32, #tpu.memory_space<vmem>> -> memref<128x16xf32, #tpu.memory_space<vmem>>
        %dma_start3A_137 = arith.constant 0 : i32
        %dma_start3A_138 = tpu.memref_slice %arg9[%add3A_125, %dma_start3A_137] : memref<10240x16xf32, #tpu.memory_space<vmem_shared>> -> memref<128x16xf32, #tpu.memory_space<vmem_shared>>
        tpu.enqueue_dma source(%dma_start3A_138 : memref<128x16xf32, #tpu.memory_space<vmem_shared>>) target(%dma_start3A_136 : memref<128x16xf32, #tpu.memory_space<vmem>>) target_semaphore(%run_scoped3A_127 : memref<!tpu.dma_semaphore, #tpu.memory_space<semaphore_mem>>)
        %dma_wait3A_139 = arith.constant 0 : i32
        %dma_wait3A_140 = arith.constant 0 : i32
        %dma_wait3A_141 = tpu.memref_slice %arg8[%run_scoped3A, %dma_wait3A_139, %dma_wait3A_140] : memref<8x128x16xf32, #tpu.memory_space<vmem>> -> memref<1x128x16xf32, #tpu.memory_space<vmem>>
        %dma_wait3A_142 = tpu.memref_squeeze %dma_wait3A_141 : memref<1x128x16xf32, #tpu.memory_space<vmem>> -> memref<128x16xf32, #tpu.memory_space<vmem>>
        %dma_wait3A_143 = arith.constant 0 : i32
        %dma_wait3A_144 = tpu.memref_slice %arg9[%add3A_125, %dma_wait3A_143] : memref<10240x16xf32, #tpu.memory_space<vmem_shared>> -> memref<128x16xf32, #tpu.memory_space<vmem_shared>>
        %dma_wait3A_145 = arith.constant 0 : i32
        %dma_wait3A_146 = arith.constant 0 : i32
        %dma_wait3A_147 = tpu.memref_slice %arg8[%run_scoped3A, %dma_wait3A_145, %dma_wait3A_146] : memref<8x128x16xf32, #tpu.memory_space<vmem>> -> memref<1x128x16xf32, #tpu.memory_space<vmem>>
        %dma_wait3A_148 = tpu.memref_squeeze %dma_wait3A_147 : memref<1x128x16xf32, #tpu.memory_space<vmem>> -> memref<128x16xf32, #tpu.memory_space<vmem>>
        %dma_wait3A_149 = arith.constant 0 : i32
        %dma_wait3A_150 = tpu.memref_slice %arg9[%add3A_125, %dma_wait3A_149] : memref<10240x16xf32, #tpu.memory_space<vmem_shared>> -> memref<128x16xf32, #tpu.memory_space<vmem_shared>>
        tpu.wait_dma2 semaphore(%run_scoped3A_127 : memref<!tpu.dma_semaphore, #tpu.memory_space<semaphore_mem>>) src(%dma_wait3A_150 : memref<128x16xf32, #tpu.memory_space<vmem_shared>>) dst(%dma_wait3A_148 : memref<128x16xf32, #tpu.memory_space<vmem>>)
        tpu.yield
      }) : () -> ()
      %run_scoped3A_126 = arith.constant 0 : i32
      "tpu.region"() ({
        %run_scoped3A_127 = tpu.sem_alloc : memref<!tpu.dma_semaphore, #tpu.memory_space<semaphore_mem>>
        %dma_start3A = arith.constant 0 : i32
        %dma_start3A_128 = arith.constant 0 : i32
        %dma_start3A_129 = tpu.memref_slice %arg8[%run_scoped3A_126, %dma_start3A, %dma_start3A_128] : memref<8x128x16xf32, #tpu.memory_space<vmem>> -> memref<1x128x16xf32, #tpu.memory_space<vmem>>
        %dma_start3A_130 = tpu.memref_squeeze %dma_start3A_129 : memref<1x128x16xf32, #tpu.memory_space<vmem>> -> memref<128x16xf32, #tpu.memory_space<vmem>>
        %dma_start3A_131 = arith.constant 0 : i32
        %dma_start3A_132 = tpu.memref_slice %arg5[%arg0, %add3A_125, %dma_start3A_131] : memref<2x10240x16xf32, #tpu.memory_space<hbm>> -> memref<1x128x16xf32, #tpu.memory_space<hbm>>
        %dma_start3A_133 = tpu.memref_squeeze %dma_start3A_132 : memref<1x128x16xf32, #tpu.memory_space<hbm>> -> memref<128x16xf32, #tpu.memory_space<hbm>>
        %dma_start3A_134 = arith.constant 0 : i32
        %dma_start3A_135 = tpu.memref_slice %arg5[%arg0, %add3A_125, %dma_start3A_134] : memref<2x10240x16xf32, #tpu.memory_space<hbm>> -> memref<1x128x16xf32, #tpu.memory_space<hbm>>
        %dma_start3A_136 = tpu.memref_squeeze %dma_start3A_135 : memref<1x128x16xf32, #tpu.memory_space<hbm>> -> memref<128x16xf32, #tpu.memory_space<hbm>>
        %dma_start3A_137 = arith.constant 0 : i32
        %dma_start3A_138 = arith.constant 0 : i32
        %dma_start3A_139 = tpu.memref_slice %arg8[%run_scoped3A_126, %dma_start3A_137, %dma_start3A_138] : memref<8x128x16xf32, #tpu.memory_space<vmem>> -> memref<1x128x16xf32, #tpu.memory_space<vmem>>
        %dma_start3A_140 = tpu.memref_squeeze %dma_start3A_139 : memref<1x128x16xf32, #tpu.memory_space<vmem>> -> memref<128x16xf32, #tpu.memory_space<vmem>>
        tpu.enqueue_dma source(%dma_start3A_140 : memref<128x16xf32, #tpu.memory_space<vmem>>) target(%dma_start3A_136 : memref<128x16xf32, #tpu.memory_space<hbm>>) target_semaphore(%run_scoped3A_127 : memref<!tpu.dma_semaphore, #tpu.memory_space<semaphore_mem>>)
        %dma_wait3A_141 = arith.constant 0 : i32
        %dma_wait3A_142 = arith.constant 0 : i32
        %dma_wait3A_143 = tpu.memref_slice %arg8[%run_scoped3A_126, %dma_wait3A_141, %dma_wait3A_142] : memref<8x128x16xf32, #tpu.memory_space<vmem>> -> memref<1x128x16xf32, #tpu.memory_space<vmem>>
        %dma_wait3A_144 = tpu.memref_squeeze %dma_wait3A_143 : memref<1x128x16xf32, #tpu.memory_space<vmem>> -> memref<128x16xf32, #tpu.memory_space<vmem>>
        %dma_wait3A_145 = arith.constant 0 : i32
        %dma_wait3A_146 = tpu.memref_slice %arg5[%arg0, %add3A_125, %dma_wait3A_145] : memref<2x10240x16xf32, #tpu.memory_space<hbm>> -> memref<1x128x16xf32, #tpu.memory_space<hbm>>
        %dma_wait3A_147 = tpu.memref_squeeze %dma_wait3A_146 : memref<1x128x16xf32, #tpu.memory_space<hbm>> -> memref<128x16xf32, #tpu.memory_space<hbm>>
        %dma_wait3A_148 = arith.constant 0 : i32
        %dma_wait3A_149 = tpu.memref_slice %arg5[%arg0, %add3A_125, %dma_wait3A_148] : memref<2x10240x16xf32, #tpu.memory_space<hbm>> -> memref<1x128x16xf32, #tpu.memory_space<hbm>>
        %dma_wait3A_150 = tpu.memref_squeeze %dma_wait3A_149 : memref<1x128x16xf32, #tpu.memory_space<hbm>> -> memref<128x16xf32, #tpu.memory_space<hbm>>
        %dma_wait3A_151 = arith.constant 0 : i32
        %dma_wait3A_152 = arith.constant 0 : i32
        %dma_wait3A_153 = tpu.memref_slice %arg8[%run_scoped3A_126, %dma_wait3A_151, %dma_wait3A_152] : memref<8x128x16xf32, #tpu.memory_space<vmem>> -> memref<1x128x16xf32, #tpu.memory_space<vmem>>
        %dma_wait3A_154 = tpu.memref_squeeze %dma_wait3A_153 : memref<1x128x16xf32, #tpu.memory_space<vmem>> -> memref<128x16xf32, #tpu.memory_space<vmem>>
        tpu.wait_dma2 semaphore(%run_scoped3A_127 : memref<!tpu.dma_semaphore, #tpu.memory_space<semaphore_mem>>) src(%dma_wait3A_154 : memref<128x16xf32, #tpu.memory_space<vmem>>) dst(%dma_wait3A_150 : memref<128x16xf32, #tpu.memory_space<hbm>>)
        tpu.yield
      }) : () -> ()
    }
    %scan3A_119 = arith.constant 5 : i32
    return
  }
}

#map = affine_map<(d0, d1) -> (0, 0, 0)>
#map1 = affine_map<(d0, d1) -> (0, 0)>
module attributes {stable_mosaic.version = 14 : i64} {
  func.func @deg_kernel(%arg0: i32, %arg1: i32, %arg2: memref<32x80x128xi32, #tpu.memory_space<hbm>>, %arg3: memref<5120x128xf32, #tpu.memory_space<hbm>>, %arg4: memref<10240x16xf32, #tpu.memory_space<hbm>>, %arg5: memref<160x128xi32, #tpu.memory_space<vmem>>, %arg6: memref<128x16xf32, #tpu.memory_space<vmem>>, %arg7: memref<640x16xf32, #tpu.memory_space<vmem>>, %arg8: memref<320x16xf32, #tpu.memory_space<vmem>>, %arg9: memref<160x128xf32, #tpu.memory_space<vmem>>, %arg10: memref<320xf32, #tpu.memory_space<vmem>>, %arg11: memref<10240x16xf32, #tpu.memory_space<vmem_shared>>, %arg12: memref<!tpu.dma_semaphore, #tpu.memory_space<semaphore_mem>>) attributes {dimension_semantics = [#tpu.dimension_semantics<core_parallel>, #tpu.dimension_semantics<subcore_parallel>], iteration_bounds = array<i64: 2, 16>, scalar_prefetch = 0 : i64, scratch_operands = 8 : i64, tpu.core_type = #tpu.core_type<sc_vector_subcore>, window_params = [{transform_indices = #map}, {transform_indices = #map1}, {transform_indices = #map1}]} {
    %scan3A = arith.constant 0 : i32
    %scan3A_0 = arith.constant 0 : i32
    %scan3A_1 = arith.constant 128 : i32
    %scan3A_2 = arith.addi %scan3A_0, %scan3A_1 : i32
    %scan3A_3 = arith.constant 1 : i32
    scf.for %scan3A_59 = %scan3A_0 to %scan3A_2 step %scan3A_3  : i32 {
      %broadcast_in_dim3A_60 = arith.constant 1.000000e+00 : f32
      %broadcast_in_dim3A_61 = vector.broadcast %broadcast_in_dim3A_60 : f32 to vector<16xf32>
      %swap3A = arith.index_cast %scan3A_59 : i32 to index
      %swap3A_62 = arith.constant 0 : index
      %swap3A_63 = tpu.vector_load %arg6[%swap3A, %swap3A_62] {strides = array<i32>} : memref<128x16xf32, #tpu.memory_space<vmem>>, vector<16xf32>,
      tpu.vector_store %arg6[%swap3A, %swap3A_62], %broadcast_in_dim3A_61 {strides = array<i32>} : memref<128x16xf32, #tpu.memory_space<vmem>>, vector<16xf32>,
    }
    %scan3A_4 = arith.constant 128 : i32
    %scan3A_5 = arith.constant 0 : i32
    %scan3A_6 = arith.constant 0 : i32
    %scan3A_7 = arith.constant 640 : i32
    %scan3A_8 = arith.addi %scan3A_6, %scan3A_7 : i32
    %scan3A_9 = arith.constant 1 : i32
    scf.for %scan3A_59 = %scan3A_6 to %scan3A_8 step %scan3A_9  : i32 {
      %broadcast_in_dim3A_60 = arith.constant 0.000000e+00 : f32
      %broadcast_in_dim3A_61 = vector.broadcast %broadcast_in_dim3A_60 : f32 to vector<16xf32>
      %swap3A = arith.index_cast %scan3A_59 : i32 to index
      %swap3A_62 = arith.constant 0 : index
      %swap3A_63 = tpu.vector_load %arg7[%swap3A, %swap3A_62] {strides = array<i32>} : memref<640x16xf32, #tpu.memory_space<vmem>>, vector<16xf32>,
      tpu.vector_store %arg7[%swap3A, %swap3A_62], %broadcast_in_dim3A_61 {strides = array<i32>} : memref<640x16xf32, #tpu.memory_space<vmem>>, vector<16xf32>,
    }
    %scan3A_10 = arith.constant 640 : i32
    %mul3A = arith.constant 640 : i32
    %mul3A_11 = arith.muli %arg1, %mul3A : i32
    "tpu.region"() ({
      %run_scoped3A = tpu.sem_alloc : memref<!tpu.dma_semaphore, #tpu.memory_space<semaphore_mem>>
      %dma_start3A = arith.constant 0 : i32
      %dma_start3A_59 = tpu.memref_slice %arg11[%mul3A_11, %dma_start3A] : memref<10240x16xf32, #tpu.memory_space<vmem_shared>> -> memref<640x16xf32, #tpu.memory_space<vmem_shared>>
      %dma_start3A_60 = arith.constant 0 : i32
      %dma_start3A_61 = tpu.memref_slice %arg11[%mul3A_11, %dma_start3A_60] : memref<10240x16xf32, #tpu.memory_space<vmem_shared>> -> memref<640x16xf32, #tpu.memory_space<vmem_shared>>
      tpu.enqueue_dma source(%arg7 : memref<640x16xf32, #tpu.memory_space<vmem>>) target(%dma_start3A_61 : memref<640x16xf32, #tpu.memory_space<vmem_shared>>) target_semaphore(%run_scoped3A : memref<!tpu.dma_semaphore, #tpu.memory_space<semaphore_mem>>)
      %dma_wait3A = arith.constant 0 : i32
      %dma_wait3A_62 = tpu.memref_slice %arg11[%mul3A_11, %dma_wait3A] : memref<10240x16xf32, #tpu.memory_space<vmem_shared>> -> memref<640x16xf32, #tpu.memory_space<vmem_shared>>
      %dma_wait3A_63 = arith.constant 0 : i32
      %dma_wait3A_64 = tpu.memref_slice %arg11[%mul3A_11, %dma_wait3A_63] : memref<10240x16xf32, #tpu.memory_space<vmem_shared>> -> memref<640x16xf32, #tpu.memory_space<vmem_shared>>
      tpu.wait_dma2 semaphore(%run_scoped3A : memref<!tpu.dma_semaphore, #tpu.memory_space<semaphore_mem>>) src(%arg7 : memref<640x16xf32, #tpu.memory_space<vmem>>) dst(%dma_wait3A_64 : memref<640x16xf32, #tpu.memory_space<vmem_shared>>)
      tpu.yield
    }) : () -> ()
    %barrier3A = arith.constant 0 : index
    tpu.barrier barrier_id(%barrier3A)
    %mul3A_12 = arith.constant 2 : i32
    %mul3A_13 = arith.muli %mul3A_12, %arg1 : i32
    "tpu.region"() ({
      %run_scoped3A = tpu.sem_alloc : memref<!tpu.dma_semaphore, #tpu.memory_space<semaphore_mem>>
      %dma_start3A = arith.constant 0 : i32
      %dma_start3A_59 = arith.constant 0 : i32
      %dma_start3A_60 = tpu.memref_slice %arg5[%dma_start3A, %dma_start3A_59] : memref<160x128xi32, #tpu.memory_space<vmem>> -> memref<80x128xi32, #tpu.memory_space<vmem>>
      %dma_start3A_61 = arith.constant 0 : i32
      %dma_start3A_62 = arith.constant 0 : i32
      %dma_start3A_63 = tpu.memref_slice %arg2[%mul3A_13, %dma_start3A_61, %dma_start3A_62] : memref<32x80x128xi32, #tpu.memory_space<hbm>> -> memref<1x80x128xi32, #tpu.memory_space<hbm>>
      %dma_start3A_64 = tpu.memref_squeeze %dma_start3A_63 : memref<1x80x128xi32, #tpu.memory_space<hbm>> -> memref<80x128xi32, #tpu.memory_space<hbm>>
      %dma_start3A_65 = arith.constant 0 : i32
      %dma_start3A_66 = arith.constant 0 : i32
      %dma_start3A_67 = tpu.memref_slice %arg5[%dma_start3A_65, %dma_start3A_66] : memref<160x128xi32, #tpu.memory_space<vmem>> -> memref<80x128xi32, #tpu.memory_space<vmem>>
      %dma_start3A_68 = arith.constant 0 : i32
      %dma_start3A_69 = arith.constant 0 : i32
      %dma_start3A_70 = tpu.memref_slice %arg2[%mul3A_13, %dma_start3A_68, %dma_start3A_69] : memref<32x80x128xi32, #tpu.memory_space<hbm>> -> memref<1x80x128xi32, #tpu.memory_space<hbm>>
      %dma_start3A_71 = tpu.memref_squeeze %dma_start3A_70 : memref<1x80x128xi32, #tpu.memory_space<hbm>> -> memref<80x128xi32, #tpu.memory_space<hbm>>
      tpu.enqueue_dma source(%dma_start3A_71 : memref<80x128xi32, #tpu.memory_space<hbm>>) target(%dma_start3A_67 : memref<80x128xi32, #tpu.memory_space<vmem>>) target_semaphore(%run_scoped3A : memref<!tpu.dma_semaphore, #tpu.memory_space<semaphore_mem>>)
      %dma_wait3A = arith.constant 0 : i32
      %dma_wait3A_72 = arith.constant 0 : i32
      %dma_wait3A_73 = tpu.memref_slice %arg5[%dma_wait3A, %dma_wait3A_72] : memref<160x128xi32, #tpu.memory_space<vmem>> -> memref<80x128xi32, #tpu.memory_space<vmem>>
      %dma_wait3A_74 = arith.constant 0 : i32
      %dma_wait3A_75 = arith.constant 0 : i32
      %dma_wait3A_76 = tpu.memref_slice %arg2[%mul3A_13, %dma_wait3A_74, %dma_wait3A_75] : memref<32x80x128xi32, #tpu.memory_space<hbm>> -> memref<1x80x128xi32, #tpu.memory_space<hbm>>
      %dma_wait3A_77 = tpu.memref_squeeze %dma_wait3A_76 : memref<1x80x128xi32, #tpu.memory_space<hbm>> -> memref<80x128xi32, #tpu.memory_space<hbm>>
      %dma_wait3A_78 = arith.constant 0 : i32
      %dma_wait3A_79 = arith.constant 0 : i32
      %dma_wait3A_80 = tpu.memref_slice %arg5[%dma_wait3A_78, %dma_wait3A_79] : memref<160x128xi32, #tpu.memory_space<vmem>> -> memref<80x128xi32, #tpu.memory_space<vmem>>
      %dma_wait3A_81 = arith.constant 0 : i32
      %dma_wait3A_82 = arith.constant 0 : i32
      %dma_wait3A_83 = tpu.memref_slice %arg2[%mul3A_13, %dma_wait3A_81, %dma_wait3A_82] : memref<32x80x128xi32, #tpu.memory_space<hbm>> -> memref<1x80x128xi32, #tpu.memory_space<hbm>>
      %dma_wait3A_84 = tpu.memref_squeeze %dma_wait3A_83 : memref<1x80x128xi32, #tpu.memory_space<hbm>> -> memref<80x128xi32, #tpu.memory_space<hbm>>
      tpu.wait_dma2 semaphore(%run_scoped3A : memref<!tpu.dma_semaphore, #tpu.memory_space<semaphore_mem>>) src(%dma_wait3A_84 : memref<80x128xi32, #tpu.memory_space<hbm>>) dst(%dma_wait3A_80 : memref<80x128xi32, #tpu.memory_space<vmem>>)
      tpu.yield
    }) : () -> ()
    %mul3A_14 = arith.constant 2 : i32
    %mul3A_15 = arith.muli %mul3A_14, %arg1 : i32
    %add3A = arith.constant 1 : i32
    %add3A_16 = arith.addi %mul3A_15, %add3A : i32
    "tpu.region"() ({
      %run_scoped3A = tpu.sem_alloc : memref<!tpu.dma_semaphore, #tpu.memory_space<semaphore_mem>>
      %dma_start3A = arith.constant 80 : i32
      %dma_start3A_59 = arith.constant 0 : i32
      %dma_start3A_60 = tpu.memref_slice %arg5[%dma_start3A, %dma_start3A_59] : memref<160x128xi32, #tpu.memory_space<vmem>> -> memref<80x128xi32, #tpu.memory_space<vmem>>
      %dma_start3A_61 = arith.constant 0 : i32
      %dma_start3A_62 = arith.constant 0 : i32
      %dma_start3A_63 = tpu.memref_slice %arg2[%add3A_16, %dma_start3A_61, %dma_start3A_62] : memref<32x80x128xi32, #tpu.memory_space<hbm>> -> memref<1x80x128xi32, #tpu.memory_space<hbm>>
      %dma_start3A_64 = tpu.memref_squeeze %dma_start3A_63 : memref<1x80x128xi32, #tpu.memory_space<hbm>> -> memref<80x128xi32, #tpu.memory_space<hbm>>
      %dma_start3A_65 = arith.constant 80 : i32
      %dma_start3A_66 = arith.constant 0 : i32
      %dma_start3A_67 = tpu.memref_slice %arg5[%dma_start3A_65, %dma_start3A_66] : memref<160x128xi32, #tpu.memory_space<vmem>> -> memref<80x128xi32, #tpu.memory_space<vmem>>
      %dma_start3A_68 = arith.constant 0 : i32
      %dma_start3A_69 = arith.constant 0 : i32
      %dma_start3A_70 = tpu.memref_slice %arg2[%add3A_16, %dma_start3A_68, %dma_start3A_69] : memref<32x80x128xi32, #tpu.memory_space<hbm>> -> memref<1x80x128xi32, #tpu.memory_space<hbm>>
      %dma_start3A_71 = tpu.memref_squeeze %dma_start3A_70 : memref<1x80x128xi32, #tpu.memory_space<hbm>> -> memref<80x128xi32, #tpu.memory_space<hbm>>
      tpu.enqueue_dma source(%dma_start3A_71 : memref<80x128xi32, #tpu.memory_space<hbm>>) target(%dma_start3A_67 : memref<80x128xi32, #tpu.memory_space<vmem>>) target_semaphore(%run_scoped3A : memref<!tpu.dma_semaphore, #tpu.memory_space<semaphore_mem>>)
      %dma_wait3A = arith.constant 80 : i32
      %dma_wait3A_72 = arith.constant 0 : i32
      %dma_wait3A_73 = tpu.memref_slice %arg5[%dma_wait3A, %dma_wait3A_72] : memref<160x128xi32, #tpu.memory_space<vmem>> -> memref<80x128xi32, #tpu.memory_space<vmem>>
      %dma_wait3A_74 = arith.constant 0 : i32
      %dma_wait3A_75 = arith.constant 0 : i32
      %dma_wait3A_76 = tpu.memref_slice %arg2[%add3A_16, %dma_wait3A_74, %dma_wait3A_75] : memref<32x80x128xi32, #tpu.memory_space<hbm>> -> memref<1x80x128xi32, #tpu.memory_space<hbm>>
      %dma_wait3A_77 = tpu.memref_squeeze %dma_wait3A_76 : memref<1x80x128xi32, #tpu.memory_space<hbm>> -> memref<80x128xi32, #tpu.memory_space<hbm>>
      %dma_wait3A_78 = arith.constant 80 : i32
      %dma_wait3A_79 = arith.constant 0 : i32
      %dma_wait3A_80 = tpu.memref_slice %arg5[%dma_wait3A_78, %dma_wait3A_79] : memref<160x128xi32, #tpu.memory_space<vmem>> -> memref<80x128xi32, #tpu.memory_space<vmem>>
      %dma_wait3A_81 = arith.constant 0 : i32
      %dma_wait3A_82 = arith.constant 0 : i32
      %dma_wait3A_83 = tpu.memref_slice %arg2[%add3A_16, %dma_wait3A_81, %dma_wait3A_82] : memref<32x80x128xi32, #tpu.memory_space<hbm>> -> memref<1x80x128xi32, #tpu.memory_space<hbm>>
      %dma_wait3A_84 = tpu.memref_squeeze %dma_wait3A_83 : memref<1x80x128xi32, #tpu.memory_space<hbm>> -> memref<80x128xi32, #tpu.memory_space<hbm>>
      tpu.wait_dma2 semaphore(%run_scoped3A : memref<!tpu.dma_semaphore, #tpu.memory_space<semaphore_mem>>) src(%dma_wait3A_84 : memref<80x128xi32, #tpu.memory_space<hbm>>) dst(%dma_wait3A_80 : memref<80x128xi32, #tpu.memory_space<vmem>>)
      tpu.yield
    }) : () -> ()
    %scan3A_17 = arith.constant 0 : i32
    %scan3A_18 = arith.constant 0 : i32
    %scan3A_19 = arith.constant 8 : i32
    %scan3A_20 = arith.addi %scan3A_18, %scan3A_19 : i32
    %scan3A_21 = arith.constant 1 : i32
    scf.for %scan3A_59 = %scan3A_18 to %scan3A_20 step %scan3A_21  : i32 {
      %dma_start3A = arith.constant 0 : i32
      %dma_start3A_60 = tpu.memref_slice %arg5[%scan3A_59, %dma_start3A] : memref<160x128xi32, #tpu.memory_space<vmem>> -> memref<1x128xi32, #tpu.memory_space<vmem>>
      %dma_start3A_61 = tpu.memref_squeeze %dma_start3A_60 : memref<1x128xi32, #tpu.memory_space<vmem>> -> memref<128xi32, #tpu.memory_space<vmem>>
      %dma_start3A_62 = arith.constant 0 : i32
      %dma_start3A_63 = arith.constant 0 : i32
      %dma_start3A_64 = tpu.memref_slice %arg11[%dma_start3A_62, %dma_start3A_63] : memref<10240x16xf32, #tpu.memory_space<vmem_shared>> -> memref<10240x16xf32, #tpu.memory_space<vmem_shared>>
      tpu.enqueue_indirect_dma source(%arg6 : memref<128x16xf32, #tpu.memory_space<vmem>>) target(%dma_start3A_64 : memref<10240x16xf32, #tpu.memory_space<vmem_shared>>) offsets(%dma_start3A_61 : memref<128xi32, #tpu.memory_space<vmem>>) semaphore(%arg12 : memref<!tpu.dma_semaphore, #tpu.memory_space<semaphore_mem>>) {add = true}
    }
    %scan3A_22 = arith.constant 8 : i32
    %scan3A_23 = arith.constant 0 : i32
    %scan3A_24 = arith.constant 8 : i32
    %scan3A_25 = arith.constant 152 : i32
    %scan3A_26 = arith.addi %scan3A_24, %scan3A_25 : i32
    %scan3A_27 = arith.constant 1 : i32
    scf.for %scan3A_59 = %scan3A_24 to %scan3A_26 step %scan3A_27  : i32 {
      %sub3A = arith.constant 8 : i32
      %sub3A_60 = arith.subi %scan3A_59, %sub3A : i32
      %dma_wait3A = arith.constant 0 : i32
      %dma_wait3A_61 = tpu.memref_slice %arg5[%sub3A_60, %dma_wait3A] : memref<160x128xi32, #tpu.memory_space<vmem>> -> memref<1x128xi32, #tpu.memory_space<vmem>>
      %dma_wait3A_62 = tpu.memref_squeeze %dma_wait3A_61 : memref<1x128xi32, #tpu.memory_space<vmem>> -> memref<128xi32, #tpu.memory_space<vmem>>
      %dma_wait3A_63 = arith.constant 0 : i32
      %dma_wait3A_64 = arith.constant 0 : i32
      %dma_wait3A_65 = tpu.memref_slice %arg11[%dma_wait3A_63, %dma_wait3A_64] : memref<10240x16xf32, #tpu.memory_space<vmem_shared>> -> memref<10240x16xf32, #tpu.memory_space<vmem_shared>>
      tpu.wait_indirect_dma semaphore(%arg12 : memref<!tpu.dma_semaphore, #tpu.memory_space<semaphore_mem>>) src(%arg6 : memref<128x16xf32, #tpu.memory_space<vmem>>) dst(%dma_wait3A_65 : memref<10240x16xf32, #tpu.memory_space<vmem_shared>>)
      %dma_start3A = arith.constant 0 : i32
      %dma_start3A_66 = tpu.memref_slice %arg5[%scan3A_59, %dma_start3A] : memref<160x128xi32, #tpu.memory_space<vmem>> -> memref<1x128xi32, #tpu.memory_space<vmem>>
      %dma_start3A_67 = tpu.memref_squeeze %dma_start3A_66 : memref<1x128xi32, #tpu.memory_space<vmem>> -> memref<128xi32, #tpu.memory_space<vmem>>
      %dma_start3A_68 = arith.constant 0 : i32
      %dma_start3A_69 = arith.constant 0 : i32
      %dma_start3A_70 = tpu.memref_slice %arg11[%dma_start3A_68, %dma_start3A_69] : memref<10240x16xf32, #tpu.memory_space<vmem_shared>> -> memref<10240x16xf32, #tpu.memory_space<vmem_shared>>
      tpu.enqueue_indirect_dma source(%arg6 : memref<128x16xf32, #tpu.memory_space<vmem>>) target(%dma_start3A_70 : memref<10240x16xf32, #tpu.memory_space<vmem_shared>>) offsets(%dma_start3A_67 : memref<128xi32, #tpu.memory_space<vmem>>) semaphore(%arg12 : memref<!tpu.dma_semaphore, #tpu.memory_space<semaphore_mem>>) {add = true}
    }
    %scan3A_28 = arith.constant 152 : i32
    %scan3A_29 = arith.constant 0 : i32
    %scan3A_30 = arith.constant 152 : i32
    %scan3A_31 = arith.constant 8 : i32
    %scan3A_32 = arith.addi %scan3A_30, %scan3A_31 : i32
    %scan3A_33 = arith.constant 1 : i32
    scf.for %scan3A_59 = %scan3A_30 to %scan3A_32 step %scan3A_33  : i32 {
      %dma_wait3A = arith.constant 0 : i32
      %dma_wait3A_60 = tpu.memref_slice %arg5[%scan3A_59, %dma_wait3A] : memref<160x128xi32, #tpu.memory_space<vmem>> -> memref<1x128xi32, #tpu.memory_space<vmem>>
      %dma_wait3A_61 = tpu.memref_squeeze %dma_wait3A_60 : memref<1x128xi32, #tpu.memory_space<vmem>> -> memref<128xi32, #tpu.memory_space<vmem>>
      %dma_wait3A_62 = arith.constant 0 : i32
      %dma_wait3A_63 = arith.constant 0 : i32
      %dma_wait3A_64 = tpu.memref_slice %arg11[%dma_wait3A_62, %dma_wait3A_63] : memref<10240x16xf32, #tpu.memory_space<vmem_shared>> -> memref<10240x16xf32, #tpu.memory_space<vmem_shared>>
      tpu.wait_indirect_dma semaphore(%arg12 : memref<!tpu.dma_semaphore, #tpu.memory_space<semaphore_mem>>) src(%arg6 : memref<128x16xf32, #tpu.memory_space<vmem>>) dst(%dma_wait3A_64 : memref<10240x16xf32, #tpu.memory_space<vmem_shared>>)
    }
    %scan3A_34 = arith.constant 8 : i32
    %barrier3A_35 = arith.constant 0 : index
    tpu.barrier barrier_id(%barrier3A_35)
    %mul3A_36 = arith.constant 16 : i32
    %mul3A_37 = arith.muli %arg0, %mul3A_36 : i32
    %add3A_38 = arith.addi %mul3A_37, %arg1 : i32
    %mul3A_39 = arith.constant 320 : i32
    %mul3A_40 = arith.muli %add3A_38, %mul3A_39 : i32
    %mul3A_41 = arith.constant 16 : i32
    %mul3A_42 = arith.muli %arg0, %mul3A_41 : i32
    %add3A_43 = arith.addi %mul3A_42, %arg1 : i32
    %mul3A_44 = arith.constant 160 : i32
    %mul3A_45 = arith.muli %add3A_43, %mul3A_44 : i32
    "tpu.region"() ({
      %run_scoped3A = tpu.sem_alloc : memref<!tpu.dma_semaphore, #tpu.memory_space<semaphore_mem>>
      %dma_start3A = arith.constant 0 : i32
      %dma_start3A_59 = tpu.memref_slice %arg11[%mul3A_40, %dma_start3A] : memref<10240x16xf32, #tpu.memory_space<vmem_shared>> -> memref<320x16xf32, #tpu.memory_space<vmem_shared>>
      %dma_start3A_60 = arith.constant 0 : i32
      %dma_start3A_61 = tpu.memref_slice %arg11[%mul3A_40, %dma_start3A_60] : memref<10240x16xf32, #tpu.memory_space<vmem_shared>> -> memref<320x16xf32, #tpu.memory_space<vmem_shared>>
      tpu.enqueue_dma source(%dma_start3A_61 : memref<320x16xf32, #tpu.memory_space<vmem_shared>>) target(%arg8 : memref<320x16xf32, #tpu.memory_space<vmem>>) target_semaphore(%run_scoped3A : memref<!tpu.dma_semaphore, #tpu.memory_space<semaphore_mem>>)
      %dma_wait3A = arith.constant 0 : i32
      %dma_wait3A_62 = tpu.memref_slice %arg11[%mul3A_40, %dma_wait3A] : memref<10240x16xf32, #tpu.memory_space<vmem_shared>> -> memref<320x16xf32, #tpu.memory_space<vmem_shared>>
      %dma_wait3A_63 = arith.constant 0 : i32
      %dma_wait3A_64 = tpu.memref_slice %arg11[%mul3A_40, %dma_wait3A_63] : memref<10240x16xf32, #tpu.memory_space<vmem_shared>> -> memref<320x16xf32, #tpu.memory_space<vmem_shared>>
      tpu.wait_dma2 semaphore(%run_scoped3A : memref<!tpu.dma_semaphore, #tpu.memory_space<semaphore_mem>>) src(%dma_wait3A_64 : memref<320x16xf32, #tpu.memory_space<vmem_shared>>) dst(%arg8 : memref<320x16xf32, #tpu.memory_space<vmem>>)
      tpu.yield
    }) : () -> ()
    %iota3A = tpu.iota {dimensions = array<i32: 0>} : vector<16xi32>
    %broadcast_in_dim3A = arith.constant 0 : i32
    %broadcast_in_dim3A_46 = vector.broadcast %broadcast_in_dim3A : i32 to vector<16xi32>
    %scan3A_47 = arith.constant 0 : i32
    %scan3A_48 = arith.constant 0 : i32
    %scan3A_49 = arith.constant 20 : i32
    %scan3A_50 = arith.addi %scan3A_48, %scan3A_49 : i32
    %scan3A_51 = arith.constant 1 : i32
    scf.for %scan3A_59 = %scan3A_48 to %scan3A_50 step %scan3A_51  : i32 {
      %mul3A_60 = arith.constant 16 : i32
      %mul3A_61 = arith.muli %scan3A_59, %mul3A_60 : i32
      %add3A_62 = vector.broadcast %mul3A_61 : i32 to vector<16xi32>
      %add3A_63 = arith.addi %add3A_62, %iota3A : vector<16xi32>
      %gather3A = tpu.vector_load_idx %arg8[%add3A_63, %broadcast_in_dim3A_46] : memref<320x16xf32, #tpu.memory_space<vmem>>[vector<16xi32>, vector<16xi32>], vector<16xf32>,
      %add3A_64 = arith.constant 1.000000e+00 : f32
      %add3A_65 = vector.broadcast %add3A_64 : f32 to vector<16xf32>
      %add3A_66 = arith.addf %gather3A, %add3A_65 : vector<16xf32>
      %broadcast_in_dim3A_67 = arith.constant 1.000000e+00 : f32
      %broadcast_in_dim3A_68 = vector.broadcast %broadcast_in_dim3A_67 : f32 to vector<16xf32>
      %gt3A = arith.constant 2.000000e+00 : f32
      %gt3A_69 = vector.broadcast %gt3A : f32 to vector<16xf32>
      %gt3A_70 = arith.cmpf ogt, %add3A_66, %gt3A_69 : vector<16xf32>
      %mul3A_71 = arith.constant 2.500000e-01 : f32
      %mul3A_72 = vector.broadcast %mul3A_71 : f32 to vector<16xf32>
      %mul3A_73 = arith.mulf %add3A_66, %mul3A_72 : vector<16xf32>
      %select_n3A = arith.select %gt3A_70, %mul3A_73, %add3A_66 : vector<16xi1>, vector<16xf32>
      %mul3A_74 = arith.constant 5.000000e-01 : f32
      %mul3A_75 = vector.broadcast %mul3A_74 : f32 to vector<16xf32>
      %mul3A_76 = arith.mulf %broadcast_in_dim3A_68, %mul3A_75 : vector<16xf32>
      %select_n3A_77 = arith.select %gt3A_70, %mul3A_76, %broadcast_in_dim3A_68 : vector<16xi1>, vector<16xf32>
      %gt3A_78 = arith.constant 2.000000e+00 : f32
      %gt3A_79 = vector.broadcast %gt3A_78 : f32 to vector<16xf32>
      %gt3A_80 = arith.cmpf ogt, %select_n3A, %gt3A_79 : vector<16xf32>
      %mul3A_81 = arith.constant 2.500000e-01 : f32
      %mul3A_82 = vector.broadcast %mul3A_81 : f32 to vector<16xf32>
      %mul3A_83 = arith.mulf %select_n3A, %mul3A_82 : vector<16xf32>
      %select_n3A_84 = arith.select %gt3A_80, %mul3A_83, %select_n3A : vector<16xi1>, vector<16xf32>
      %mul3A_85 = arith.constant 5.000000e-01 : f32
      %mul3A_86 = vector.broadcast %mul3A_85 : f32 to vector<16xf32>
      %mul3A_87 = arith.mulf %select_n3A_77, %mul3A_86 : vector<16xf32>
      %select_n3A_88 = arith.select %gt3A_80, %mul3A_87, %select_n3A_77 : vector<16xi1>, vector<16xf32>
      %gt3A_89 = arith.constant 2.000000e+00 : f32
      %gt3A_90 = vector.broadcast %gt3A_89 : f32 to vector<16xf32>
      %gt3A_91 = arith.cmpf ogt, %select_n3A_84, %gt3A_90 : vector<16xf32>
      %mul3A_92 = arith.constant 2.500000e-01 : f32
      %mul3A_93 = vector.broadcast %mul3A_92 : f32 to vector<16xf32>
      %mul3A_94 = arith.mulf %select_n3A_84, %mul3A_93 : vector<16xf32>
      %select_n3A_95 = arith.select %gt3A_91, %mul3A_94, %select_n3A_84 : vector<16xi1>, vector<16xf32>
      %mul3A_96 = arith.constant 5.000000e-01 : f32
      %mul3A_97 = vector.broadcast %mul3A_96 : f32 to vector<16xf32>
      %mul3A_98 = arith.mulf %select_n3A_88, %mul3A_97 : vector<16xf32>
      %select_n3A_99 = arith.select %gt3A_91, %mul3A_98, %select_n3A_88 : vector<16xi1>, vector<16xf32>
      %gt3A_100 = arith.constant 2.000000e+00 : f32
      %gt3A_101 = vector.broadcast %gt3A_100 : f32 to vector<16xf32>
      %gt3A_102 = arith.cmpf ogt, %select_n3A_95, %gt3A_101 : vector<16xf32>
      %mul3A_103 = arith.constant 2.500000e-01 : f32
      %mul3A_104 = vector.broadcast %mul3A_103 : f32 to vector<16xf32>
      %mul3A_105 = arith.mulf %select_n3A_95, %mul3A_104 : vector<16xf32>
      %select_n3A_106 = arith.select %gt3A_102, %mul3A_105, %select_n3A_95 : vector<16xi1>, vector<16xf32>
      %mul3A_107 = arith.constant 5.000000e-01 : f32
      %mul3A_108 = vector.broadcast %mul3A_107 : f32 to vector<16xf32>
      %mul3A_109 = arith.mulf %select_n3A_99, %mul3A_108 : vector<16xf32>
      %select_n3A_110 = arith.select %gt3A_102, %mul3A_109, %select_n3A_99 : vector<16xi1>, vector<16xf32>
      %gt3A_111 = arith.constant 2.000000e+00 : f32
      %gt3A_112 = vector.broadcast %gt3A_111 : f32 to vector<16xf32>
      %gt3A_113 = arith.cmpf ogt, %select_n3A_106, %gt3A_112 : vector<16xf32>
      %mul3A_114 = arith.constant 2.500000e-01 : f32
      %mul3A_115 = vector.broadcast %mul3A_114 : f32 to vector<16xf32>
      %mul3A_116 = arith.mulf %select_n3A_106, %mul3A_115 : vector<16xf32>
      %select_n3A_117 = arith.select %gt3A_113, %mul3A_116, %select_n3A_106 : vector<16xi1>, vector<16xf32>
      %mul3A_118 = arith.constant 5.000000e-01 : f32
      %mul3A_119 = vector.broadcast %mul3A_118 : f32 to vector<16xf32>
      %mul3A_120 = arith.mulf %select_n3A_110, %mul3A_119 : vector<16xf32>
      %select_n3A_121 = arith.select %gt3A_113, %mul3A_120, %select_n3A_110 : vector<16xi1>, vector<16xf32>
      %gt3A_122 = arith.constant 2.000000e+00 : f32
      %gt3A_123 = vector.broadcast %gt3A_122 : f32 to vector<16xf32>
      %gt3A_124 = arith.cmpf ogt, %select_n3A_117, %gt3A_123 : vector<16xf32>
      %mul3A_125 = arith.constant 2.500000e-01 : f32
      %mul3A_126 = vector.broadcast %mul3A_125 : f32 to vector<16xf32>
      %mul3A_127 = arith.mulf %select_n3A_117, %mul3A_126 : vector<16xf32>
      %select_n3A_128 = arith.select %gt3A_124, %mul3A_127, %select_n3A_117 : vector<16xi1>, vector<16xf32>
      %mul3A_129 = arith.constant 5.000000e-01 : f32
      %mul3A_130 = vector.broadcast %mul3A_129 : f32 to vector<16xf32>
      %mul3A_131 = arith.mulf %select_n3A_121, %mul3A_130 : vector<16xf32>
      %select_n3A_132 = arith.select %gt3A_124, %mul3A_131, %select_n3A_121 : vector<16xi1>, vector<16xf32>
      %gt3A_133 = arith.constant 2.000000e+00 : f32
      %gt3A_134 = vector.broadcast %gt3A_133 : f32 to vector<16xf32>
      %gt3A_135 = arith.cmpf ogt, %select_n3A_128, %gt3A_134 : vector<16xf32>
      %mul3A_136 = arith.constant 2.500000e-01 : f32
      %mul3A_137 = vector.broadcast %mul3A_136 : f32 to vector<16xf32>
      %mul3A_138 = arith.mulf %select_n3A_128, %mul3A_137 : vector<16xf32>
      %select_n3A_139 = arith.select %gt3A_135, %mul3A_138, %select_n3A_128 : vector<16xi1>, vector<16xf32>
      %mul3A_140 = arith.constant 5.000000e-01 : f32
      %mul3A_141 = vector.broadcast %mul3A_140 : f32 to vector<16xf32>
      %mul3A_142 = arith.mulf %select_n3A_132, %mul3A_141 : vector<16xf32>
      %select_n3A_143 = arith.select %gt3A_135, %mul3A_142, %select_n3A_132 : vector<16xi1>, vector<16xf32>
      %gt3A_144 = arith.constant 2.000000e+00 : f32
      %gt3A_145 = vector.broadcast %gt3A_144 : f32 to vector<16xf32>
      %gt3A_146 = arith.cmpf ogt, %select_n3A_139, %gt3A_145 : vector<16xf32>
      %mul3A_147 = arith.constant 2.500000e-01 : f32
      %mul3A_148 = vector.broadcast %mul3A_147 : f32 to vector<16xf32>
      %mul3A_149 = arith.mulf %select_n3A_139, %mul3A_148 : vector<16xf32>
      %select_n3A_150 = arith.select %gt3A_146, %mul3A_149, %select_n3A_139 : vector<16xi1>, vector<16xf32>
      %mul3A_151 = arith.constant 5.000000e-01 : f32
      %mul3A_152 = vector.broadcast %mul3A_151 : f32 to vector<16xf32>
      %mul3A_153 = arith.mulf %select_n3A_143, %mul3A_152 : vector<16xf32>
      %select_n3A_154 = arith.select %gt3A_146, %mul3A_153, %select_n3A_143 : vector<16xi1>, vector<16xf32>
      %gt3A_155 = arith.constant 2.000000e+00 : f32
      %gt3A_156 = vector.broadcast %gt3A_155 : f32 to vector<16xf32>
      %gt3A_157 = arith.cmpf ogt, %select_n3A_150, %gt3A_156 : vector<16xf32>
      %mul3A_158 = arith.constant 2.500000e-01 : f32
      %mul3A_159 = vector.broadcast %mul3A_158 : f32 to vector<16xf32>
      %mul3A_160 = arith.mulf %select_n3A_150, %mul3A_159 : vector<16xf32>
      %select_n3A_161 = arith.select %gt3A_157, %mul3A_160, %select_n3A_150 : vector<16xi1>, vector<16xf32>
      %mul3A_162 = arith.constant 5.000000e-01 : f32
      %mul3A_163 = vector.broadcast %mul3A_162 : f32 to vector<16xf32>
      %mul3A_164 = arith.mulf %select_n3A_154, %mul3A_163 : vector<16xf32>
      %select_n3A_165 = arith.select %gt3A_157, %mul3A_164, %select_n3A_154 : vector<16xi1>, vector<16xf32>
      %gt3A_166 = arith.constant 2.000000e+00 : f32
      %gt3A_167 = vector.broadcast %gt3A_166 : f32 to vector<16xf32>
      %gt3A_168 = arith.cmpf ogt, %select_n3A_161, %gt3A_167 : vector<16xf32>
      %mul3A_169 = arith.constant 2.500000e-01 : f32
      %mul3A_170 = vector.broadcast %mul3A_169 : f32 to vector<16xf32>
      %mul3A_171 = arith.mulf %select_n3A_161, %mul3A_170 : vector<16xf32>
      %select_n3A_172 = arith.select %gt3A_168, %mul3A_171, %select_n3A_161 : vector<16xi1>, vector<16xf32>
      %mul3A_173 = arith.constant 5.000000e-01 : f32
      %mul3A_174 = vector.broadcast %mul3A_173 : f32 to vector<16xf32>
      %mul3A_175 = arith.mulf %select_n3A_165, %mul3A_174 : vector<16xf32>
      %select_n3A_176 = arith.select %gt3A_168, %mul3A_175, %select_n3A_165 : vector<16xi1>, vector<16xf32>
      %broadcast_in_dim3A_177 = arith.constant 1.000000e+00 : f32
      %broadcast_in_dim3A_178 = vector.broadcast %broadcast_in_dim3A_177 : f32 to vector<16xf32>
      %mul3A_179 = arith.constant 5.000000e-01 : f32
      %mul3A_180 = vector.broadcast %mul3A_179 : f32 to vector<16xf32>
      %mul3A_181 = arith.mulf %mul3A_180, %select_n3A_172 : vector<16xf32>
      %mul3A_182 = arith.mulf %mul3A_181, %broadcast_in_dim3A_178 : vector<16xf32>
      %mul3A_183 = arith.mulf %mul3A_182, %broadcast_in_dim3A_178 : vector<16xf32>
      %sub3A = arith.constant 1.500000e+00 : f32
      %sub3A_184 = vector.broadcast %sub3A : f32 to vector<16xf32>
      %sub3A_185 = arith.subf %sub3A_184, %mul3A_183 : vector<16xf32>
      %mul3A_186 = arith.mulf %broadcast_in_dim3A_178, %sub3A_185 : vector<16xf32>
      %mul3A_187 = arith.constant 5.000000e-01 : f32
      %mul3A_188 = vector.broadcast %mul3A_187 : f32 to vector<16xf32>
      %mul3A_189 = arith.mulf %mul3A_188, %select_n3A_172 : vector<16xf32>
      %mul3A_190 = arith.mulf %mul3A_189, %mul3A_186 : vector<16xf32>
      %mul3A_191 = arith.mulf %mul3A_190, %mul3A_186 : vector<16xf32>
      %sub3A_192 = arith.constant 1.500000e+00 : f32
      %sub3A_193 = vector.broadcast %sub3A_192 : f32 to vector<16xf32>
      %sub3A_194 = arith.subf %sub3A_193, %mul3A_191 : vector<16xf32>
      %mul3A_195 = arith.mulf %mul3A_186, %sub3A_194 : vector<16xf32>
      %mul3A_196 = arith.constant 5.000000e-01 : f32
      %mul3A_197 = vector.broadcast %mul3A_196 : f32 to vector<16xf32>
      %mul3A_198 = arith.mulf %mul3A_197, %select_n3A_172 : vector<16xf32>
      %mul3A_199 = arith.mulf %mul3A_198, %mul3A_195 : vector<16xf32>
      %mul3A_200 = arith.mulf %mul3A_199, %mul3A_195 : vector<16xf32>
      %sub3A_201 = arith.constant 1.500000e+00 : f32
      %sub3A_202 = vector.broadcast %sub3A_201 : f32 to vector<16xf32>
      %sub3A_203 = arith.subf %sub3A_202, %mul3A_200 : vector<16xf32>
      %mul3A_204 = arith.mulf %mul3A_195, %sub3A_203 : vector<16xf32>
      %mul3A_205 = arith.constant 5.000000e-01 : f32
      %mul3A_206 = vector.broadcast %mul3A_205 : f32 to vector<16xf32>
      %mul3A_207 = arith.mulf %mul3A_206, %select_n3A_172 : vector<16xf32>
      %mul3A_208 = arith.mulf %mul3A_207, %mul3A_204 : vector<16xf32>
      %mul3A_209 = arith.mulf %mul3A_208, %mul3A_204 : vector<16xf32>
      %sub3A_210 = arith.constant 1.500000e+00 : f32
      %sub3A_211 = vector.broadcast %sub3A_210 : f32 to vector<16xf32>
      %sub3A_212 = arith.subf %sub3A_211, %mul3A_209 : vector<16xf32>
      %mul3A_213 = arith.mulf %mul3A_204, %sub3A_212 : vector<16xf32>
      %mul3A_214 = arith.constant 5.000000e-01 : f32
      %mul3A_215 = vector.broadcast %mul3A_214 : f32 to vector<16xf32>
      %mul3A_216 = arith.mulf %mul3A_215, %select_n3A_172 : vector<16xf32>
      %mul3A_217 = arith.mulf %mul3A_216, %mul3A_213 : vector<16xf32>
      %mul3A_218 = arith.mulf %mul3A_217, %mul3A_213 : vector<16xf32>
      %sub3A_219 = arith.constant 1.500000e+00 : f32
      %sub3A_220 = vector.broadcast %sub3A_219 : f32 to vector<16xf32>
      %sub3A_221 = arith.subf %sub3A_220, %mul3A_218 : vector<16xf32>
      %mul3A_222 = arith.mulf %mul3A_213, %sub3A_221 : vector<16xf32>
      %mul3A_223 = arith.mulf %mul3A_222, %select_n3A_176 : vector<16xf32>
      %mul3A_224 = arith.constant 16 : i32
      %mul3A_225 = arith.muli %scan3A_59, %mul3A_224 : i32
      %swap3A = arith.index_cast %mul3A_225 : i32 to index
      %swap3A_226 = tpu.vector_load %arg10[%swap3A] {strides = array<i32>} : memref<320xf32, #tpu.memory_space<vmem>>, vector<16xf32>,
      tpu.vector_store %arg10[%swap3A], %mul3A_223 {strides = array<i32>} : memref<320xf32, #tpu.memory_space<vmem>>, vector<16xf32>,
    }
    %scan3A_52 = arith.constant 20 : i32
    %scan3A_53 = arith.constant 0 : i32
    %scan3A_54 = arith.constant 0 : i32
    %scan3A_55 = arith.constant 320 : i32
    %scan3A_56 = arith.addi %scan3A_54, %scan3A_55 : i32
    %scan3A_57 = arith.constant 1 : i32
    scf.for %scan3A_59 = %scan3A_54 to %scan3A_56 step %scan3A_57  : i32 {
      %broadcast_in_dim3A_60 = vector.broadcast %scan3A_59 : i32 to vector<16xi32>
      %gather3A = tpu.vector_load_idx %arg10[%broadcast_in_dim3A_60] : memref<320xf32, #tpu.memory_space<vmem>>[vector<16xi32>], vector<16xf32>,
      %swap3A = arith.index_cast %scan3A_59 : i32 to index
      %swap3A_61 = arith.constant 0 : index
      %swap3A_62 = tpu.vector_load %arg8[%swap3A, %swap3A_61] {strides = array<i32>} : memref<320x16xf32, #tpu.memory_space<vmem>>, vector<16xf32>,
      tpu.vector_store %arg8[%swap3A, %swap3A_61], %gather3A {strides = array<i32>} : memref<320x16xf32, #tpu.memory_space<vmem>>, vector<16xf32>,
      %jit3A = arith.constant 2 : i32
      %div3A = arith.divsi %scan3A_59, %jit3A : i32
      %sign3A = arith.constant 0 : i32
      %sign3A_63 = arith.cmpi sgt, %scan3A_59, %sign3A : i32
      %sign3A_64 = arith.extui %sign3A_63 : i1 to i32
      %sign3A_65 = arith.constant 0 : i32
      %sign3A_66 = arith.cmpi slt, %scan3A_59, %sign3A_65 : i32
      %sign3A_67 = arith.extui %sign3A_66 : i1 to i32
      %sign3A_68 = arith.subi %sign3A_64, %sign3A_67 : i32
      %sign3A_69 = arith.constant 0 : i32
      %sign3A_70 = arith.cmpi sgt, %jit3A, %sign3A_69 : i32
      %sign3A_71 = arith.extui %sign3A_70 : i1 to i32
      %sign3A_72 = arith.constant 0 : i32
      %sign3A_73 = arith.cmpi slt, %jit3A, %sign3A_72 : i32
      %sign3A_74 = arith.extui %sign3A_73 : i1 to i32
      %sign3A_75 = arith.subi %sign3A_71, %sign3A_74 : i32
      %ne3A = arith.cmpi ne, %sign3A_68, %sign3A_75 : i32
      %rem3A = arith.remsi %scan3A_59, %jit3A : i32
      %ne3A_76 = arith.constant 0 : i32
      %ne3A_77 = arith.cmpi ne, %rem3A, %ne3A_76 : i32
      %and3A = arith.andi %ne3A, %ne3A_77 : i1
      %sub3A = arith.constant 1 : i32
      %sub3A_78 = arith.subi %div3A, %sub3A : i32
      %select_n3A = arith.select %and3A, %sub3A_78, %div3A : i32
      %jit3A_79 = arith.constant 2 : i32
      %eq3A = arith.constant 0 : i32
      %eq3A_80 = arith.cmpi eq, %jit3A_79, %eq3A : i32
      %jit3A_81 = arith.constant 1 : i32
      %select_n3A_82 = arith.select %eq3A_80, %jit3A_81, %jit3A_79 : i32
      %rem3A_83 = arith.remsi %scan3A_59, %select_n3A_82 : i32
      %ne3A_84 = arith.constant 0 : i32
      %ne3A_85 = arith.cmpi ne, %rem3A_83, %ne3A_84 : i32
      %lt3A = arith.constant 0 : i32
      %lt3A_86 = arith.cmpi slt, %rem3A_83, %lt3A : i32
      %lt3A_87 = arith.constant 0 : i32
      %lt3A_88 = arith.cmpi slt, %select_n3A_82, %lt3A_87 : i32
      %ne3A_89 = arith.xori %lt3A_86, %lt3A_88 : i1
      %and3A_90 = arith.andi %ne3A_89, %ne3A_85 : i1
      %add3A_91 = arith.addi %rem3A_83, %select_n3A_82 : i32
      %select_n3A_92 = arith.select %and3A_90, %add3A_91, %rem3A_83 : i32
      %mul3A_93 = arith.constant 64 : i32
      %mul3A_94 = arith.muli %select_n3A_92, %mul3A_93 : i32
      %add3A_95 = arith.constant 0 : i32
      %add3A_96 = arith.addi %mul3A_94, %add3A_95 : i32
      %swap3A_97 = arith.index_cast %select_n3A : i32 to index
      %swap3A_98 = arith.index_cast %add3A_96 : i32 to index
      %swap3A_99 = tpu.vector_load %arg9[%swap3A_97, %swap3A_98] {strides = array<i32>} : memref<160x128xf32, #tpu.memory_space<vmem>>, vector<16xf32>,
      tpu.vector_store %arg9[%swap3A_97, %swap3A_98], %gather3A {strides = array<i32>} : memref<160x128xf32, #tpu.memory_space<vmem>>, vector<16xf32>,
      %add3A_100 = arith.constant 16 : i32
      %add3A_101 = arith.addi %mul3A_94, %add3A_100 : i32
      %swap3A_102 = arith.index_cast %select_n3A : i32 to index
      %swap3A_103 = arith.index_cast %add3A_101 : i32 to index
      %swap3A_104 = tpu.vector_load %arg9[%swap3A_102, %swap3A_103] {strides = array<i32>} : memref<160x128xf32, #tpu.memory_space<vmem>>, vector<16xf32>,
      tpu.vector_store %arg9[%swap3A_102, %swap3A_103], %gather3A {strides = array<i32>} : memref<160x128xf32, #tpu.memory_space<vmem>>, vector<16xf32>,
      %add3A_105 = arith.constant 32 : i32
      %add3A_106 = arith.addi %mul3A_94, %add3A_105 : i32
      %swap3A_107 = arith.index_cast %select_n3A : i32 to index
      %swap3A_108 = arith.index_cast %add3A_106 : i32 to index
      %swap3A_109 = tpu.vector_load %arg9[%swap3A_107, %swap3A_108] {strides = array<i32>} : memref<160x128xf32, #tpu.memory_space<vmem>>, vector<16xf32>,
      tpu.vector_store %arg9[%swap3A_107, %swap3A_108], %gather3A {strides = array<i32>} : memref<160x128xf32, #tpu.memory_space<vmem>>, vector<16xf32>,
      %add3A_110 = arith.constant 48 : i32
      %add3A_111 = arith.addi %mul3A_94, %add3A_110 : i32
      %swap3A_112 = arith.index_cast %select_n3A : i32 to index
      %swap3A_113 = arith.index_cast %add3A_111 : i32 to index
      %swap3A_114 = tpu.vector_load %arg9[%swap3A_112, %swap3A_113] {strides = array<i32>} : memref<160x128xf32, #tpu.memory_space<vmem>>, vector<16xf32>,
      tpu.vector_store %arg9[%swap3A_112, %swap3A_113], %gather3A {strides = array<i32>} : memref<160x128xf32, #tpu.memory_space<vmem>>, vector<16xf32>,
    }
    %scan3A_58 = arith.constant 320 : i32
    "tpu.region"() ({
      %run_scoped3A = tpu.sem_alloc : memref<!tpu.dma_semaphore, #tpu.memory_space<semaphore_mem>>
      %dma_start3A = arith.constant 0 : i32
      %dma_start3A_59 = tpu.memref_slice %arg4[%mul3A_40, %dma_start3A] : memref<10240x16xf32, #tpu.memory_space<hbm>> -> memref<320x16xf32, #tpu.memory_space<hbm>>
      %dma_start3A_60 = arith.constant 0 : i32
      %dma_start3A_61 = tpu.memref_slice %arg4[%mul3A_40, %dma_start3A_60] : memref<10240x16xf32, #tpu.memory_space<hbm>> -> memref<320x16xf32, #tpu.memory_space<hbm>>
      tpu.enqueue_dma source(%arg8 : memref<320x16xf32, #tpu.memory_space<vmem>>) target(%dma_start3A_61 : memref<320x16xf32, #tpu.memory_space<hbm>>) target_semaphore(%run_scoped3A : memref<!tpu.dma_semaphore, #tpu.memory_space<semaphore_mem>>)
      %dma_wait3A = arith.constant 0 : i32
      %dma_wait3A_62 = tpu.memref_slice %arg4[%mul3A_40, %dma_wait3A] : memref<10240x16xf32, #tpu.memory_space<hbm>> -> memref<320x16xf32, #tpu.memory_space<hbm>>
      %dma_wait3A_63 = arith.constant 0 : i32
      %dma_wait3A_64 = tpu.memref_slice %arg4[%mul3A_40, %dma_wait3A_63] : memref<10240x16xf32, #tpu.memory_space<hbm>> -> memref<320x16xf32, #tpu.memory_space<hbm>>
      tpu.wait_dma2 semaphore(%run_scoped3A : memref<!tpu.dma_semaphore, #tpu.memory_space<semaphore_mem>>) src(%arg8 : memref<320x16xf32, #tpu.memory_space<vmem>>) dst(%dma_wait3A_64 : memref<320x16xf32, #tpu.memory_space<hbm>>)
      tpu.yield
    }) : () -> ()
    "tpu.region"() ({
      %run_scoped3A = tpu.sem_alloc : memref<!tpu.dma_semaphore, #tpu.memory_space<semaphore_mem>>
      %dma_start3A = arith.constant 0 : i32
      %dma_start3A_59 = tpu.memref_slice %arg3[%mul3A_45, %dma_start3A] : memref<5120x128xf32, #tpu.memory_space<hbm>> -> memref<160x128xf32, #tpu.memory_space<hbm>>
      %dma_start3A_60 = arith.constant 0 : i32
      %dma_start3A_61 = tpu.memref_slice %arg3[%mul3A_45, %dma_start3A_60] : memref<5120x128xf32, #tpu.memory_space<hbm>> -> memref<160x128xf32, #tpu.memory_space<hbm>>
      tpu.enqueue_dma source(%arg9 : memref<160x128xf32, #tpu.memory_space<vmem>>) target(%dma_start3A_61 : memref<160x128xf32, #tpu.memory_space<hbm>>) target_semaphore(%run_scoped3A : memref<!tpu.dma_semaphore, #tpu.memory_space<semaphore_mem>>)
      %dma_wait3A = arith.constant 0 : i32
      %dma_wait3A_62 = tpu.memref_slice %arg3[%mul3A_45, %dma_wait3A] : memref<5120x128xf32, #tpu.memory_space<hbm>> -> memref<160x128xf32, #tpu.memory_space<hbm>>
      %dma_wait3A_63 = arith.constant 0 : i32
      %dma_wait3A_64 = tpu.memref_slice %arg3[%mul3A_45, %dma_wait3A_63] : memref<5120x128xf32, #tpu.memory_space<hbm>> -> memref<160x128xf32, #tpu.memory_space<hbm>>
      tpu.wait_dma2 semaphore(%run_scoped3A : memref<!tpu.dma_semaphore, #tpu.memory_space<semaphore_mem>>) src(%arg9 : memref<160x128xf32, #tpu.memory_space<vmem>>) dst(%dma_wait3A_64 : memref<160x128xf32, #tpu.memory_space<hbm>>)
      tpu.yield
    }) : () -> ()
    return
  }
}

#map = affine_map<(d0, d1) -> (0, 0)>
#map1 = affine_map<(d0, d1) -> (0, 0, 0)>
module attributes {stable_mosaic.version = 14 : i64} {
  func.func @agg_kernel(%arg0: i32, %arg1: i32, %arg2: memref<10240x64xf32, #tpu.memory_space<hbm>>, %arg3: memref<32x80x128xi32, #tpu.memory_space<hbm>>, %arg4: memref<32x80x128xi32, #tpu.memory_space<hbm>>, %arg5: memref<2x10240x64xf32, #tpu.memory_space<hbm>>, %arg6: memref<80x128xi32, #tpu.memory_space<vmem>>, %arg7: memref<80x128xi32, #tpu.memory_space<vmem>>, %arg8: memref<8x128x64xf32, #tpu.memory_space<vmem>>, %arg9: memref<10240x64xf32, #tpu.memory_space<vmem_shared>>, %arg10: memref<!tpu.dma_semaphore, #tpu.memory_space<semaphore_mem>>, %arg11: memref<!tpu.dma_semaphore, #tpu.memory_space<semaphore_mem>>, %arg12: memref<!tpu.dma_semaphore, #tpu.memory_space<semaphore_mem>>, %arg13: memref<!tpu.dma_semaphore, #tpu.memory_space<semaphore_mem>>, %arg14: memref<!tpu.dma_semaphore, #tpu.memory_space<semaphore_mem>>, %arg15: memref<!tpu.dma_semaphore, #tpu.memory_space<semaphore_mem>>, %arg16: memref<!tpu.dma_semaphore, #tpu.memory_space<semaphore_mem>>, %arg17: memref<!tpu.dma_semaphore, #tpu.memory_space<semaphore_mem>>, %arg18: memref<!tpu.dma_semaphore, #tpu.memory_space<semaphore_mem>>, %arg19: memref<!tpu.dma_semaphore, #tpu.memory_space<semaphore_mem>>, %arg20: memref<!tpu.dma_semaphore, #tpu.memory_space<semaphore_mem>>, %arg21: memref<!tpu.dma_semaphore, #tpu.memory_space<semaphore_mem>>, %arg22: memref<!tpu.dma_semaphore, #tpu.memory_space<semaphore_mem>>, %arg23: memref<!tpu.dma_semaphore, #tpu.memory_space<semaphore_mem>>, %arg24: memref<!tpu.dma_semaphore, #tpu.memory_space<semaphore_mem>>, %arg25: memref<!tpu.dma_semaphore, #tpu.memory_space<semaphore_mem>>) attributes {dimension_semantics = [#tpu.dimension_semantics<core_parallel>, #tpu.dimension_semantics<subcore_parallel>], iteration_bounds = array<i64: 2, 16>, scalar_prefetch = 0 : i64, scratch_operands = 20 : i64, tpu.core_type = #tpu.core_type<sc_vector_subcore>, window_params = [{transform_indices = #map}, {transform_indices = #map1}, {transform_indices = #map1}, {transform_indices = #map1}]} {
    %mul3A = arith.constant 2 : i32
    %mul3A_0 = arith.muli %arg1, %mul3A : i32
    %add3A = arith.addi %mul3A_0, %arg0 : i32
    %scan3A = arith.constant 0 : i32
    %scan3A_1 = arith.constant 0 : i32
    %scan3A_2 = arith.constant 128 : i32
    %scan3A_3 = arith.addi %scan3A_1, %scan3A_2 : i32
    %scan3A_4 = arith.constant 1 : i32
    scf.for %scan3A_120 = %scan3A_1 to %scan3A_3 step %scan3A_4  : i32 {
      %broadcast_in_dim3A = arith.constant 0.000000e+00 : f32
      %broadcast_in_dim3A_121 = vector.broadcast %broadcast_in_dim3A : f32 to vector<16xf32>
      %swap3A = arith.constant 0 : i32
      %swap3A_122 = arith.index_cast %swap3A : i32 to index
      %swap3A_123 = arith.index_cast %scan3A_120 : i32 to index
      %swap3A_124 = arith.constant 0 : index
      %swap3A_125 = tpu.vector_load %arg8[%swap3A_122, %swap3A_123, %swap3A_124] {strides = array<i32>} : memref<8x128x64xf32, #tpu.memory_space<vmem>>, vector<1x1x16xf32>,
      %swap3A_126 = vector.shape_cast %swap3A_125 : vector<1x1x16xf32> to vector<16xf32>
      %swap3A_127 = vector.shape_cast %broadcast_in_dim3A_121 : vector<16xf32> to vector<1x1x16xf32>
      tpu.vector_store %arg8[%swap3A_122, %swap3A_123, %swap3A_124], %swap3A_127 {strides = array<i32>} : memref<8x128x64xf32, #tpu.memory_space<vmem>>, vector<1x1x16xf32>,
      %broadcast_in_dim3A_128 = arith.constant 0.000000e+00 : f32
      %broadcast_in_dim3A_129 = vector.broadcast %broadcast_in_dim3A_128 : f32 to vector<16xf32>
      %swap3A_130 = arith.constant 0 : i32
      %swap3A_131 = arith.index_cast %swap3A_130 : i32 to index
      %swap3A_132 = arith.index_cast %scan3A_120 : i32 to index
      %swap3A_133 = arith.constant 16 : index
      %swap3A_134 = tpu.vector_load %arg8[%swap3A_131, %swap3A_132, %swap3A_133] {strides = array<i32>} : memref<8x128x64xf32, #tpu.memory_space<vmem>>, vector<1x1x16xf32>,
      %swap3A_135 = vector.shape_cast %swap3A_134 : vector<1x1x16xf32> to vector<16xf32>
      %swap3A_136 = vector.shape_cast %broadcast_in_dim3A_129 : vector<16xf32> to vector<1x1x16xf32>
      tpu.vector_store %arg8[%swap3A_131, %swap3A_132, %swap3A_133], %swap3A_136 {strides = array<i32>} : memref<8x128x64xf32, #tpu.memory_space<vmem>>, vector<1x1x16xf32>,
      %broadcast_in_dim3A_137 = arith.constant 0.000000e+00 : f32
      %broadcast_in_dim3A_138 = vector.broadcast %broadcast_in_dim3A_137 : f32 to vector<16xf32>
      %swap3A_139 = arith.constant 0 : i32
      %swap3A_140 = arith.index_cast %swap3A_139 : i32 to index
      %swap3A_141 = arith.index_cast %scan3A_120 : i32 to index
      %swap3A_142 = arith.constant 32 : index
      %swap3A_143 = tpu.vector_load %arg8[%swap3A_140, %swap3A_141, %swap3A_142] {strides = array<i32>} : memref<8x128x64xf32, #tpu.memory_space<vmem>>, vector<1x1x16xf32>,
      %swap3A_144 = vector.shape_cast %swap3A_143 : vector<1x1x16xf32> to vector<16xf32>
      %swap3A_145 = vector.shape_cast %broadcast_in_dim3A_138 : vector<16xf32> to vector<1x1x16xf32>
      tpu.vector_store %arg8[%swap3A_140, %swap3A_141, %swap3A_142], %swap3A_145 {strides = array<i32>} : memref<8x128x64xf32, #tpu.memory_space<vmem>>, vector<1x1x16xf32>,
      %broadcast_in_dim3A_146 = arith.constant 0.000000e+00 : f32
      %broadcast_in_dim3A_147 = vector.broadcast %broadcast_in_dim3A_146 : f32 to vector<16xf32>
      %swap3A_148 = arith.constant 0 : i32
      %swap3A_149 = arith.index_cast %swap3A_148 : i32 to index
      %swap3A_150 = arith.index_cast %scan3A_120 : i32 to index
      %swap3A_151 = arith.constant 48 : index
      %swap3A_152 = tpu.vector_load %arg8[%swap3A_149, %swap3A_150, %swap3A_151] {strides = array<i32>} : memref<8x128x64xf32, #tpu.memory_space<vmem>>, vector<1x1x16xf32>,
      %swap3A_153 = vector.shape_cast %swap3A_152 : vector<1x1x16xf32> to vector<16xf32>
      %swap3A_154 = vector.shape_cast %broadcast_in_dim3A_147 : vector<16xf32> to vector<1x1x16xf32>
      tpu.vector_store %arg8[%swap3A_149, %swap3A_150, %swap3A_151], %swap3A_154 {strides = array<i32>} : memref<8x128x64xf32, #tpu.memory_space<vmem>>, vector<1x1x16xf32>,
    }
    %scan3A_5 = arith.constant 128 : i32
    %scan3A_6 = arith.constant 0 : i32
    %scan3A_7 = arith.constant 0 : i32
    %scan3A_8 = arith.constant 5 : i32
    %scan3A_9 = arith.addi %scan3A_7, %scan3A_8 : i32
    %scan3A_10 = arith.constant 1 : i32
    scf.for %scan3A_120 = %scan3A_7 to %scan3A_9 step %scan3A_10  : i32 {
      %mul3A_121 = arith.constant 640 : i32
      %mul3A_122 = arith.muli %arg1, %mul3A_121 : i32
      %mul3A_123 = arith.constant 128 : i32
      %mul3A_124 = arith.muli %scan3A_120, %mul3A_123 : i32
      %add3A_125 = arith.addi %mul3A_122, %mul3A_124 : i32
      %run_scoped3A = arith.constant 0 : i32
      "tpu.region"() ({
        %run_scoped3A_126 = tpu.sem_alloc : memref<!tpu.dma_semaphore, #tpu.memory_space<semaphore_mem>>
        %dma_start3A = arith.constant 0 : i32
        %dma_start3A_127 = arith.constant 0 : i32
        %dma_start3A_128 = tpu.memref_slice %arg8[%run_scoped3A, %dma_start3A, %dma_start3A_127] : memref<8x128x64xf32, #tpu.memory_space<vmem>> -> memref<1x128x64xf32, #tpu.memory_space<vmem>>
        %dma_start3A_129 = tpu.memref_squeeze %dma_start3A_128 : memref<1x128x64xf32, #tpu.memory_space<vmem>> -> memref<128x64xf32, #tpu.memory_space<vmem>>
        %dma_start3A_130 = arith.constant 0 : i32
        %dma_start3A_131 = tpu.memref_slice %arg9[%add3A_125, %dma_start3A_130] : memref<10240x64xf32, #tpu.memory_space<vmem_shared>> -> memref<128x64xf32, #tpu.memory_space<vmem_shared>>
        %dma_start3A_132 = arith.constant 0 : i32
        %dma_start3A_133 = tpu.memref_slice %arg9[%add3A_125, %dma_start3A_132] : memref<10240x64xf32, #tpu.memory_space<vmem_shared>> -> memref<128x64xf32, #tpu.memory_space<vmem_shared>>
        %dma_start3A_134 = arith.constant 0 : i32
        %dma_start3A_135 = arith.constant 0 : i32
        %dma_start3A_136 = tpu.memref_slice %arg8[%run_scoped3A, %dma_start3A_134, %dma_start3A_135] : memref<8x128x64xf32, #tpu.memory_space<vmem>> -> memref<1x128x64xf32, #tpu.memory_space<vmem>>
        %dma_start3A_137 = tpu.memref_squeeze %dma_start3A_136 : memref<1x128x64xf32, #tpu.memory_space<vmem>> -> memref<128x64xf32, #tpu.memory_space<vmem>>
        tpu.enqueue_dma source(%dma_start3A_137 : memref<128x64xf32, #tpu.memory_space<vmem>>) target(%dma_start3A_133 : memref<128x64xf32, #tpu.memory_space<vmem_shared>>) target_semaphore(%run_scoped3A_126 : memref<!tpu.dma_semaphore, #tpu.memory_space<semaphore_mem>>)
        %dma_wait3A_138 = arith.constant 0 : i32
        %dma_wait3A_139 = arith.constant 0 : i32
        %dma_wait3A_140 = tpu.memref_slice %arg8[%run_scoped3A, %dma_wait3A_138, %dma_wait3A_139] : memref<8x128x64xf32, #tpu.memory_space<vmem>> -> memref<1x128x64xf32, #tpu.memory_space<vmem>>
        %dma_wait3A_141 = tpu.memref_squeeze %dma_wait3A_140 : memref<1x128x64xf32, #tpu.memory_space<vmem>> -> memref<128x64xf32, #tpu.memory_space<vmem>>
        %dma_wait3A_142 = arith.constant 0 : i32
        %dma_wait3A_143 = tpu.memref_slice %arg9[%add3A_125, %dma_wait3A_142] : memref<10240x64xf32, #tpu.memory_space<vmem_shared>> -> memref<128x64xf32, #tpu.memory_space<vmem_shared>>
        %dma_wait3A_144 = arith.constant 0 : i32
        %dma_wait3A_145 = tpu.memref_slice %arg9[%add3A_125, %dma_wait3A_144] : memref<10240x64xf32, #tpu.memory_space<vmem_shared>> -> memref<128x64xf32, #tpu.memory_space<vmem_shared>>
        %dma_wait3A_146 = arith.constant 0 : i32
        %dma_wait3A_147 = arith.constant 0 : i32
        %dma_wait3A_148 = tpu.memref_slice %arg8[%run_scoped3A, %dma_wait3A_146, %dma_wait3A_147] : memref<8x128x64xf32, #tpu.memory_space<vmem>> -> memref<1x128x64xf32, #tpu.memory_space<vmem>>
        %dma_wait3A_149 = tpu.memref_squeeze %dma_wait3A_148 : memref<1x128x64xf32, #tpu.memory_space<vmem>> -> memref<128x64xf32, #tpu.memory_space<vmem>>
        tpu.wait_dma2 semaphore(%run_scoped3A_126 : memref<!tpu.dma_semaphore, #tpu.memory_space<semaphore_mem>>) src(%dma_wait3A_149 : memref<128x64xf32, #tpu.memory_space<vmem>>) dst(%dma_wait3A_145 : memref<128x64xf32, #tpu.memory_space<vmem_shared>>)
        tpu.yield
      }) : () -> ()
    }
    %scan3A_11 = arith.constant 5 : i32
    %barrier3A = arith.constant 0 : index
    tpu.barrier barrier_id(%barrier3A)
    "tpu.region"() ({
      %run_scoped3A = tpu.sem_alloc : memref<!tpu.dma_semaphore, #tpu.memory_space<semaphore_mem>>
      %dma_start3A = arith.constant 0 : i32
      %dma_start3A_120 = arith.constant 0 : i32
      %dma_start3A_121 = tpu.memref_slice %arg3[%add3A, %dma_start3A, %dma_start3A_120] : memref<32x80x128xi32, #tpu.memory_space<hbm>> -> memref<1x80x128xi32, #tpu.memory_space<hbm>>
      %dma_start3A_122 = tpu.memref_squeeze %dma_start3A_121 : memref<1x80x128xi32, #tpu.memory_space<hbm>> -> memref<80x128xi32, #tpu.memory_space<hbm>>
      %dma_start3A_123 = arith.constant 0 : i32
      %dma_start3A_124 = arith.constant 0 : i32
      %dma_start3A_125 = tpu.memref_slice %arg3[%add3A, %dma_start3A_123, %dma_start3A_124] : memref<32x80x128xi32, #tpu.memory_space<hbm>> -> memref<1x80x128xi32, #tpu.memory_space<hbm>>
      %dma_start3A_126 = tpu.memref_squeeze %dma_start3A_125 : memref<1x80x128xi32, #tpu.memory_space<hbm>> -> memref<80x128xi32, #tpu.memory_space<hbm>>
      tpu.enqueue_dma source(%dma_start3A_126 : memref<80x128xi32, #tpu.memory_space<hbm>>) target(%arg6 : memref<80x128xi32, #tpu.memory_space<vmem>>) target_semaphore(%run_scoped3A : memref<!tpu.dma_semaphore, #tpu.memory_space<semaphore_mem>>)
      %dma_wait3A_127 = arith.constant 0 : i32
      %dma_wait3A_128 = arith.constant 0 : i32
      %dma_wait3A_129 = tpu.memref_slice %arg3[%add3A, %dma_wait3A_127, %dma_wait3A_128] : memref<32x80x128xi32, #tpu.memory_space<hbm>> -> memref<1x80x128xi32, #tpu.memory_space<hbm>>
      %dma_wait3A_130 = tpu.memref_squeeze %dma_wait3A_129 : memref<1x80x128xi32, #tpu.memory_space<hbm>> -> memref<80x128xi32, #tpu.memory_space<hbm>>
      %dma_wait3A_131 = arith.constant 0 : i32
      %dma_wait3A_132 = arith.constant 0 : i32
      %dma_wait3A_133 = tpu.memref_slice %arg3[%add3A, %dma_wait3A_131, %dma_wait3A_132] : memref<32x80x128xi32, #tpu.memory_space<hbm>> -> memref<1x80x128xi32, #tpu.memory_space<hbm>>
      %dma_wait3A_134 = tpu.memref_squeeze %dma_wait3A_133 : memref<1x80x128xi32, #tpu.memory_space<hbm>> -> memref<80x128xi32, #tpu.memory_space<hbm>>
      tpu.wait_dma2 semaphore(%run_scoped3A : memref<!tpu.dma_semaphore, #tpu.memory_space<semaphore_mem>>) src(%dma_wait3A_134 : memref<80x128xi32, #tpu.memory_space<hbm>>) dst(%arg6 : memref<80x128xi32, #tpu.memory_space<vmem>>)
      tpu.yield
    }) : () -> ()
    "tpu.region"() ({
      %run_scoped3A = tpu.sem_alloc : memref<!tpu.dma_semaphore, #tpu.memory_space<semaphore_mem>>
      %dma_start3A = arith.constant 0 : i32
      %dma_start3A_120 = arith.constant 0 : i32
      %dma_start3A_121 = tpu.memref_slice %arg4[%add3A, %dma_start3A, %dma_start3A_120] : memref<32x80x128xi32, #tpu.memory_space<hbm>> -> memref<1x80x128xi32, #tpu.memory_space<hbm>>
      %dma_start3A_122 = tpu.memref_squeeze %dma_start3A_121 : memref<1x80x128xi32, #tpu.memory_space<hbm>> -> memref<80x128xi32, #tpu.memory_space<hbm>>
      %dma_start3A_123 = arith.constant 0 : i32
      %dma_start3A_124 = arith.constant 0 : i32
      %dma_start3A_125 = tpu.memref_slice %arg4[%add3A, %dma_start3A_123, %dma_start3A_124] : memref<32x80x128xi32, #tpu.memory_space<hbm>> -> memref<1x80x128xi32, #tpu.memory_space<hbm>>
      %dma_start3A_126 = tpu.memref_squeeze %dma_start3A_125 : memref<1x80x128xi32, #tpu.memory_space<hbm>> -> memref<80x128xi32, #tpu.memory_space<hbm>>
      tpu.enqueue_dma source(%dma_start3A_126 : memref<80x128xi32, #tpu.memory_space<hbm>>) target(%arg7 : memref<80x128xi32, #tpu.memory_space<vmem>>) target_semaphore(%run_scoped3A : memref<!tpu.dma_semaphore, #tpu.memory_space<semaphore_mem>>)
      %dma_wait3A_127 = arith.constant 0 : i32
      %dma_wait3A_128 = arith.constant 0 : i32
      %dma_wait3A_129 = tpu.memref_slice %arg4[%add3A, %dma_wait3A_127, %dma_wait3A_128] : memref<32x80x128xi32, #tpu.memory_space<hbm>> -> memref<1x80x128xi32, #tpu.memory_space<hbm>>
      %dma_wait3A_130 = tpu.memref_squeeze %dma_wait3A_129 : memref<1x80x128xi32, #tpu.memory_space<hbm>> -> memref<80x128xi32, #tpu.memory_space<hbm>>
      %dma_wait3A_131 = arith.constant 0 : i32
      %dma_wait3A_132 = arith.constant 0 : i32
      %dma_wait3A_133 = tpu.memref_slice %arg4[%add3A, %dma_wait3A_131, %dma_wait3A_132] : memref<32x80x128xi32, #tpu.memory_space<hbm>> -> memref<1x80x128xi32, #tpu.memory_space<hbm>>
      %dma_wait3A_134 = tpu.memref_squeeze %dma_wait3A_133 : memref<1x80x128xi32, #tpu.memory_space<hbm>> -> memref<80x128xi32, #tpu.memory_space<hbm>>
      tpu.wait_dma2 semaphore(%run_scoped3A : memref<!tpu.dma_semaphore, #tpu.memory_space<semaphore_mem>>) src(%dma_wait3A_134 : memref<80x128xi32, #tpu.memory_space<hbm>>) dst(%arg7 : memref<80x128xi32, #tpu.memory_space<vmem>>)
      tpu.yield
    }) : () -> ()
    %scan3A_12 = arith.constant 0 : i32
    %scan3A_13 = arith.constant 0 : i32
    %scan3A_14 = arith.constant 10 : i32
    %scan3A_15 = arith.addi %scan3A_13, %scan3A_14 : i32
    %scan3A_16 = arith.constant 1 : i32
    scf.for %scan3A_120 = %scan3A_13 to %scan3A_15 step %scan3A_16  : i32 {
      %mul3A_121 = arith.constant 8 : i32
      %mul3A_122 = arith.muli %scan3A_120, %mul3A_121 : i32
      %gt3A = arith.constant 0 : i32
      %gt3A_123 = arith.cmpi sgt, %scan3A_120, %gt3A : i32
      %convert_element_type3A = arith.extui %gt3A_123 : i1 to i32
      %cond3A = arith.constant 0 : i32
      %cond3A_124 = arith.cmpi ne, %convert_element_type3A, %cond3A : i32
      scf.if %cond3A_124 {
        %sub3A = arith.constant 8 : i32
        %sub3A_455 = arith.subi %mul3A_122, %sub3A : i32
        %add3A_456 = arith.constant 0 : i32
        %add3A_457 = arith.addi %sub3A_455, %add3A_456 : i32
        %dma_wait3A_458 = arith.constant 0 : i32
        %dma_wait3A_459 = arith.constant 0 : i32
        %dma_wait3A_460 = arith.constant 0 : i32
        %dma_wait3A_461 = tpu.memref_slice %arg8[%dma_wait3A_458, %dma_wait3A_459, %dma_wait3A_460] : memref<8x128x64xf32, #tpu.memory_space<vmem>> -> memref<1x128x64xf32, #tpu.memory_space<vmem>>
        %dma_wait3A_462 = tpu.memref_squeeze %dma_wait3A_461 : memref<1x128x64xf32, #tpu.memory_space<vmem>> -> memref<128x64xf32, #tpu.memory_space<vmem>>
        %dma_wait3A_463 = arith.constant 0 : i32
        %dma_wait3A_464 = tpu.memref_slice %arg7[%add3A_457, %dma_wait3A_463] : memref<80x128xi32, #tpu.memory_space<vmem>> -> memref<1x128xi32, #tpu.memory_space<vmem>>
        %dma_wait3A_465 = tpu.memref_squeeze %dma_wait3A_464 : memref<1x128xi32, #tpu.memory_space<vmem>> -> memref<128xi32, #tpu.memory_space<vmem>>
        %dma_wait3A_466 = arith.constant 0 : i32
        %dma_wait3A_467 = arith.constant 0 : i32
        %dma_wait3A_468 = tpu.memref_slice %arg9[%dma_wait3A_466, %dma_wait3A_467] : memref<10240x64xf32, #tpu.memory_space<vmem_shared>> -> memref<10240x64xf32, #tpu.memory_space<vmem_shared>>
        tpu.wait_indirect_dma semaphore(%arg18 : memref<!tpu.dma_semaphore, #tpu.memory_space<semaphore_mem>>) src(%dma_wait3A_462 : memref<128x64xf32, #tpu.memory_space<vmem>>) dst(%dma_wait3A_468 : memref<10240x64xf32, #tpu.memory_space<vmem_shared>>)
      } else {
      }
      %add3A_125 = arith.constant 0 : i32
      %add3A_126 = arith.addi %mul3A_122, %add3A_125 : i32
      %dma_start3A = arith.constant 0 : i32
      %dma_start3A_127 = arith.constant 0 : i32
      %dma_start3A_128 = arith.constant 0 : i32
      %dma_start3A_129 = tpu.memref_slice %arg8[%dma_start3A, %dma_start3A_127, %dma_start3A_128] : memref<8x128x64xf32, #tpu.memory_space<vmem>> -> memref<1x128x64xf32, #tpu.memory_space<vmem>>
      %dma_start3A_130 = tpu.memref_squeeze %dma_start3A_129 : memref<1x128x64xf32, #tpu.memory_space<vmem>> -> memref<128x64xf32, #tpu.memory_space<vmem>>
      %dma_start3A_131 = arith.constant 0 : i32
      %dma_start3A_132 = tpu.memref_slice %arg6[%add3A_126, %dma_start3A_131] : memref<80x128xi32, #tpu.memory_space<vmem>> -> memref<1x128xi32, #tpu.memory_space<vmem>>
      %dma_start3A_133 = tpu.memref_squeeze %dma_start3A_132 : memref<1x128xi32, #tpu.memory_space<vmem>> -> memref<128xi32, #tpu.memory_space<vmem>>
      %dma_start3A_134 = arith.constant 0 : i32
      %dma_start3A_135 = arith.constant 0 : i32
      %dma_start3A_136 = tpu.memref_slice %arg2[%dma_start3A_134, %dma_start3A_135] : memref<10240x64xf32, #tpu.memory_space<hbm>> -> memref<10240x64xf32, #tpu.memory_space<hbm>>
      tpu.enqueue_indirect_dma source(%dma_start3A_136 : memref<10240x64xf32, #tpu.memory_space<hbm>>) target(%dma_start3A_130 : memref<128x64xf32, #tpu.memory_space<vmem>>) offsets(%dma_start3A_133 : memref<128xi32, #tpu.memory_space<vmem>>) semaphore(%arg10 : memref<!tpu.dma_semaphore, #tpu.memory_space<semaphore_mem>>)
      %gt3A_137 = arith.constant 0 : i32
      %gt3A_138 = arith.cmpi sgt, %scan3A_120, %gt3A_137 : i32
      %convert_element_type3A_139 = arith.extui %gt3A_138 : i1 to i32
      %cond3A_140 = arith.constant 0 : i32
      %cond3A_141 = arith.cmpi ne, %convert_element_type3A_139, %cond3A_140 : i32
      scf.if %cond3A_141 {
        %sub3A = arith.constant 8 : i32
        %sub3A_455 = arith.subi %mul3A_122, %sub3A : i32
        %add3A_456 = arith.constant 1 : i32
        %add3A_457 = arith.addi %sub3A_455, %add3A_456 : i32
        %dma_wait3A_458 = arith.constant 1 : i32
        %dma_wait3A_459 = arith.constant 0 : i32
        %dma_wait3A_460 = arith.constant 0 : i32
        %dma_wait3A_461 = tpu.memref_slice %arg8[%dma_wait3A_458, %dma_wait3A_459, %dma_wait3A_460] : memref<8x128x64xf32, #tpu.memory_space<vmem>> -> memref<1x128x64xf32, #tpu.memory_space<vmem>>
        %dma_wait3A_462 = tpu.memref_squeeze %dma_wait3A_461 : memref<1x128x64xf32, #tpu.memory_space<vmem>> -> memref<128x64xf32, #tpu.memory_space<vmem>>
        %dma_wait3A_463 = arith.constant 0 : i32
        %dma_wait3A_464 = tpu.memref_slice %arg7[%add3A_457, %dma_wait3A_463] : memref<80x128xi32, #tpu.memory_space<vmem>> -> memref<1x128xi32, #tpu.memory_space<vmem>>
        %dma_wait3A_465 = tpu.memref_squeeze %dma_wait3A_464 : memref<1x128xi32, #tpu.memory_space<vmem>> -> memref<128xi32, #tpu.memory_space<vmem>>
        %dma_wait3A_466 = arith.constant 0 : i32
        %dma_wait3A_467 = arith.constant 0 : i32
        %dma_wait3A_468 = tpu.memref_slice %arg9[%dma_wait3A_466, %dma_wait3A_467] : memref<10240x64xf32, #tpu.memory_space<vmem_shared>> -> memref<10240x64xf32, #tpu.memory_space<vmem_shared>>
        tpu.wait_indirect_dma semaphore(%arg19 : memref<!tpu.dma_semaphore, #tpu.memory_space<semaphore_mem>>) src(%dma_wait3A_462 : memref<128x64xf32, #tpu.memory_space<vmem>>) dst(%dma_wait3A_468 : memref<10240x64xf32, #tpu.memory_space<vmem_shared>>)
      } else {
      }
      %add3A_142 = arith.constant 1 : i32
      %add3A_143 = arith.addi %mul3A_122, %add3A_142 : i32
      %dma_start3A_144 = arith.constant 1 : i32
      %dma_start3A_145 = arith.constant 0 : i32
      %dma_start3A_146 = arith.constant 0 : i32
      %dma_start3A_147 = tpu.memref_slice %arg8[%dma_start3A_144, %dma_start3A_145, %dma_start3A_146] : memref<8x128x64xf32, #tpu.memory_space<vmem>> -> memref<1x128x64xf32, #tpu.memory_space<vmem>>
      %dma_start3A_148 = tpu.memref_squeeze %dma_start3A_147 : memref<1x128x64xf32, #tpu.memory_space<vmem>> -> memref<128x64xf32, #tpu.memory_space<vmem>>
      %dma_start3A_149 = arith.constant 0 : i32
      %dma_start3A_150 = tpu.memref_slice %arg6[%add3A_143, %dma_start3A_149] : memref<80x128xi32, #tpu.memory_space<vmem>> -> memref<1x128xi32, #tpu.memory_space<vmem>>
      %dma_start3A_151 = tpu.memref_squeeze %dma_start3A_150 : memref<1x128xi32, #tpu.memory_space<vmem>> -> memref<128xi32, #tpu.memory_space<vmem>>
      %dma_start3A_152 = arith.constant 0 : i32
      %dma_start3A_153 = arith.constant 0 : i32
      %dma_start3A_154 = tpu.memref_slice %arg2[%dma_start3A_152, %dma_start3A_153] : memref<10240x64xf32, #tpu.memory_space<hbm>> -> memref<10240x64xf32, #tpu.memory_space<hbm>>
      tpu.enqueue_indirect_dma source(%dma_start3A_154 : memref<10240x64xf32, #tpu.memory_space<hbm>>) target(%dma_start3A_148 : memref<128x64xf32, #tpu.memory_space<vmem>>) offsets(%dma_start3A_151 : memref<128xi32, #tpu.memory_space<vmem>>) semaphore(%arg11 : memref<!tpu.dma_semaphore, #tpu.memory_space<semaphore_mem>>)
      %gt3A_155 = arith.constant 0 : i32
      %gt3A_156 = arith.cmpi sgt, %scan3A_120, %gt3A_155 : i32
      %convert_element_type3A_157 = arith.extui %gt3A_156 : i1 to i32
      %cond3A_158 = arith.constant 0 : i32
      %cond3A_159 = arith.cmpi ne, %convert_element_type3A_157, %cond3A_158 : i32
      scf.if %cond3A_159 {
        %sub3A = arith.constant 8 : i32
        %sub3A_455 = arith.subi %mul3A_122, %sub3A : i32
        %add3A_456 = arith.constant 2 : i32
        %add3A_457 = arith.addi %sub3A_455, %add3A_456 : i32
        %dma_wait3A_458 = arith.constant 2 : i32
        %dma_wait3A_459 = arith.constant 0 : i32
        %dma_wait3A_460 = arith.constant 0 : i32
        %dma_wait3A_461 = tpu.memref_slice %arg8[%dma_wait3A_458, %dma_wait3A_459, %dma_wait3A_460] : memref<8x128x64xf32, #tpu.memory_space<vmem>> -> memref<1x128x64xf32, #tpu.memory_space<vmem>>
        %dma_wait3A_462 = tpu.memref_squeeze %dma_wait3A_461 : memref<1x128x64xf32, #tpu.memory_space<vmem>> -> memref<128x64xf32, #tpu.memory_space<vmem>>
        %dma_wait3A_463 = arith.constant 0 : i32
        %dma_wait3A_464 = tpu.memref_slice %arg7[%add3A_457, %dma_wait3A_463] : memref<80x128xi32, #tpu.memory_space<vmem>> -> memref<1x128xi32, #tpu.memory_space<vmem>>
        %dma_wait3A_465 = tpu.memref_squeeze %dma_wait3A_464 : memref<1x128xi32, #tpu.memory_space<vmem>> -> memref<128xi32, #tpu.memory_space<vmem>>
        %dma_wait3A_466 = arith.constant 0 : i32
        %dma_wait3A_467 = arith.constant 0 : i32
        %dma_wait3A_468 = tpu.memref_slice %arg9[%dma_wait3A_466, %dma_wait3A_467] : memref<10240x64xf32, #tpu.memory_space<vmem_shared>> -> memref<10240x64xf32, #tpu.memory_space<vmem_shared>>
        tpu.wait_indirect_dma semaphore(%arg20 : memref<!tpu.dma_semaphore, #tpu.memory_space<semaphore_mem>>) src(%dma_wait3A_462 : memref<128x64xf32, #tpu.memory_space<vmem>>) dst(%dma_wait3A_468 : memref<10240x64xf32, #tpu.memory_space<vmem_shared>>)
      } else {
      }
      %add3A_160 = arith.constant 2 : i32
      %add3A_161 = arith.addi %mul3A_122, %add3A_160 : i32
      %dma_start3A_162 = arith.constant 2 : i32
      %dma_start3A_163 = arith.constant 0 : i32
      %dma_start3A_164 = arith.constant 0 : i32
      %dma_start3A_165 = tpu.memref_slice %arg8[%dma_start3A_162, %dma_start3A_163, %dma_start3A_164] : memref<8x128x64xf32, #tpu.memory_space<vmem>> -> memref<1x128x64xf32, #tpu.memory_space<vmem>>
      %dma_start3A_166 = tpu.memref_squeeze %dma_start3A_165 : memref<1x128x64xf32, #tpu.memory_space<vmem>> -> memref<128x64xf32, #tpu.memory_space<vmem>>
      %dma_start3A_167 = arith.constant 0 : i32
      %dma_start3A_168 = tpu.memref_slice %arg6[%add3A_161, %dma_start3A_167] : memref<80x128xi32, #tpu.memory_space<vmem>> -> memref<1x128xi32, #tpu.memory_space<vmem>>
      %dma_start3A_169 = tpu.memref_squeeze %dma_start3A_168 : memref<1x128xi32, #tpu.memory_space<vmem>> -> memref<128xi32, #tpu.memory_space<vmem>>
      %dma_start3A_170 = arith.constant 0 : i32
      %dma_start3A_171 = arith.constant 0 : i32
      %dma_start3A_172 = tpu.memref_slice %arg2[%dma_start3A_170, %dma_start3A_171] : memref<10240x64xf32, #tpu.memory_space<hbm>> -> memref<10240x64xf32, #tpu.memory_space<hbm>>
      tpu.enqueue_indirect_dma source(%dma_start3A_172 : memref<10240x64xf32, #tpu.memory_space<hbm>>) target(%dma_start3A_166 : memref<128x64xf32, #tpu.memory_space<vmem>>) offsets(%dma_start3A_169 : memref<128xi32, #tpu.memory_space<vmem>>) semaphore(%arg12 : memref<!tpu.dma_semaphore, #tpu.memory_space<semaphore_mem>>)
      %gt3A_173 = arith.constant 0 : i32
      %gt3A_174 = arith.cmpi sgt, %scan3A_120, %gt3A_173 : i32
      %convert_element_type3A_175 = arith.extui %gt3A_174 : i1 to i32
      %cond3A_176 = arith.constant 0 : i32
      %cond3A_177 = arith.cmpi ne, %convert_element_type3A_175, %cond3A_176 : i32
      scf.if %cond3A_177 {
        %sub3A = arith.constant 8 : i32
        %sub3A_455 = arith.subi %mul3A_122, %sub3A : i32
        %add3A_456 = arith.constant 3 : i32
        %add3A_457 = arith.addi %sub3A_455, %add3A_456 : i32
        %dma_wait3A_458 = arith.constant 3 : i32
        %dma_wait3A_459 = arith.constant 0 : i32
        %dma_wait3A_460 = arith.constant 0 : i32
        %dma_wait3A_461 = tpu.memref_slice %arg8[%dma_wait3A_458, %dma_wait3A_459, %dma_wait3A_460] : memref<8x128x64xf32, #tpu.memory_space<vmem>> -> memref<1x128x64xf32, #tpu.memory_space<vmem>>
        %dma_wait3A_462 = tpu.memref_squeeze %dma_wait3A_461 : memref<1x128x64xf32, #tpu.memory_space<vmem>> -> memref<128x64xf32, #tpu.memory_space<vmem>>
        %dma_wait3A_463 = arith.constant 0 : i32
        %dma_wait3A_464 = tpu.memref_slice %arg7[%add3A_457, %dma_wait3A_463] : memref<80x128xi32, #tpu.memory_space<vmem>> -> memref<1x128xi32, #tpu.memory_space<vmem>>
        %dma_wait3A_465 = tpu.memref_squeeze %dma_wait3A_464 : memref<1x128xi32, #tpu.memory_space<vmem>> -> memref<128xi32, #tpu.memory_space<vmem>>
        %dma_wait3A_466 = arith.constant 0 : i32
        %dma_wait3A_467 = arith.constant 0 : i32
        %dma_wait3A_468 = tpu.memref_slice %arg9[%dma_wait3A_466, %dma_wait3A_467] : memref<10240x64xf32, #tpu.memory_space<vmem_shared>> -> memref<10240x64xf32, #tpu.memory_space<vmem_shared>>
        tpu.wait_indirect_dma semaphore(%arg21 : memref<!tpu.dma_semaphore, #tpu.memory_space<semaphore_mem>>) src(%dma_wait3A_462 : memref<128x64xf32, #tpu.memory_space<vmem>>) dst(%dma_wait3A_468 : memref<10240x64xf32, #tpu.memory_space<vmem_shared>>)
      } else {
      }
      %add3A_178 = arith.constant 3 : i32
      %add3A_179 = arith.addi %mul3A_122, %add3A_178 : i32
      %dma_start3A_180 = arith.constant 3 : i32
      %dma_start3A_181 = arith.constant 0 : i32
      %dma_start3A_182 = arith.constant 0 : i32
      %dma_start3A_183 = tpu.memref_slice %arg8[%dma_start3A_180, %dma_start3A_181, %dma_start3A_182] : memref<8x128x64xf32, #tpu.memory_space<vmem>> -> memref<1x128x64xf32, #tpu.memory_space<vmem>>
      %dma_start3A_184 = tpu.memref_squeeze %dma_start3A_183 : memref<1x128x64xf32, #tpu.memory_space<vmem>> -> memref<128x64xf32, #tpu.memory_space<vmem>>
      %dma_start3A_185 = arith.constant 0 : i32
      %dma_start3A_186 = tpu.memref_slice %arg6[%add3A_179, %dma_start3A_185] : memref<80x128xi32, #tpu.memory_space<vmem>> -> memref<1x128xi32, #tpu.memory_space<vmem>>
      %dma_start3A_187 = tpu.memref_squeeze %dma_start3A_186 : memref<1x128xi32, #tpu.memory_space<vmem>> -> memref<128xi32, #tpu.memory_space<vmem>>
      %dma_start3A_188 = arith.constant 0 : i32
      %dma_start3A_189 = arith.constant 0 : i32
      %dma_start3A_190 = tpu.memref_slice %arg2[%dma_start3A_188, %dma_start3A_189] : memref<10240x64xf32, #tpu.memory_space<hbm>> -> memref<10240x64xf32, #tpu.memory_space<hbm>>
      tpu.enqueue_indirect_dma source(%dma_start3A_190 : memref<10240x64xf32, #tpu.memory_space<hbm>>) target(%dma_start3A_184 : memref<128x64xf32, #tpu.memory_space<vmem>>) offsets(%dma_start3A_187 : memref<128xi32, #tpu.memory_space<vmem>>) semaphore(%arg13 : memref<!tpu.dma_semaphore, #tpu.memory_space<semaphore_mem>>)
      %gt3A_191 = arith.constant 0 : i32
      %gt3A_192 = arith.cmpi sgt, %scan3A_120, %gt3A_191 : i32
      %convert_element_type3A_193 = arith.extui %gt3A_192 : i1 to i32
      %cond3A_194 = arith.constant 0 : i32
      %cond3A_195 = arith.cmpi ne, %convert_element_type3A_193, %cond3A_194 : i32
      scf.if %cond3A_195 {
        %sub3A = arith.constant 8 : i32
        %sub3A_455 = arith.subi %mul3A_122, %sub3A : i32
        %add3A_456 = arith.constant 4 : i32
        %add3A_457 = arith.addi %sub3A_455, %add3A_456 : i32
        %dma_wait3A_458 = arith.constant 4 : i32
        %dma_wait3A_459 = arith.constant 0 : i32
        %dma_wait3A_460 = arith.constant 0 : i32
        %dma_wait3A_461 = tpu.memref_slice %arg8[%dma_wait3A_458, %dma_wait3A_459, %dma_wait3A_460] : memref<8x128x64xf32, #tpu.memory_space<vmem>> -> memref<1x128x64xf32, #tpu.memory_space<vmem>>
        %dma_wait3A_462 = tpu.memref_squeeze %dma_wait3A_461 : memref<1x128x64xf32, #tpu.memory_space<vmem>> -> memref<128x64xf32, #tpu.memory_space<vmem>>
        %dma_wait3A_463 = arith.constant 0 : i32
        %dma_wait3A_464 = tpu.memref_slice %arg7[%add3A_457, %dma_wait3A_463] : memref<80x128xi32, #tpu.memory_space<vmem>> -> memref<1x128xi32, #tpu.memory_space<vmem>>
        %dma_wait3A_465 = tpu.memref_squeeze %dma_wait3A_464 : memref<1x128xi32, #tpu.memory_space<vmem>> -> memref<128xi32, #tpu.memory_space<vmem>>
        %dma_wait3A_466 = arith.constant 0 : i32
        %dma_wait3A_467 = arith.constant 0 : i32
        %dma_wait3A_468 = tpu.memref_slice %arg9[%dma_wait3A_466, %dma_wait3A_467] : memref<10240x64xf32, #tpu.memory_space<vmem_shared>> -> memref<10240x64xf32, #tpu.memory_space<vmem_shared>>
        tpu.wait_indirect_dma semaphore(%arg22 : memref<!tpu.dma_semaphore, #tpu.memory_space<semaphore_mem>>) src(%dma_wait3A_462 : memref<128x64xf32, #tpu.memory_space<vmem>>) dst(%dma_wait3A_468 : memref<10240x64xf32, #tpu.memory_space<vmem_shared>>)
      } else {
      }
      %add3A_196 = arith.constant 4 : i32
      %add3A_197 = arith.addi %mul3A_122, %add3A_196 : i32
      %dma_start3A_198 = arith.constant 4 : i32
      %dma_start3A_199 = arith.constant 0 : i32
      %dma_start3A_200 = arith.constant 0 : i32
      %dma_start3A_201 = tpu.memref_slice %arg8[%dma_start3A_198, %dma_start3A_199, %dma_start3A_200] : memref<8x128x64xf32, #tpu.memory_space<vmem>> -> memref<1x128x64xf32, #tpu.memory_space<vmem>>
      %dma_start3A_202 = tpu.memref_squeeze %dma_start3A_201 : memref<1x128x64xf32, #tpu.memory_space<vmem>> -> memref<128x64xf32, #tpu.memory_space<vmem>>
      %dma_start3A_203 = arith.constant 0 : i32
      %dma_start3A_204 = tpu.memref_slice %arg6[%add3A_197, %dma_start3A_203] : memref<80x128xi32, #tpu.memory_space<vmem>> -> memref<1x128xi32, #tpu.memory_space<vmem>>
      %dma_start3A_205 = tpu.memref_squeeze %dma_start3A_204 : memref<1x128xi32, #tpu.memory_space<vmem>> -> memref<128xi32, #tpu.memory_space<vmem>>
      %dma_start3A_206 = arith.constant 0 : i32
      %dma_start3A_207 = arith.constant 0 : i32
      %dma_start3A_208 = tpu.memref_slice %arg2[%dma_start3A_206, %dma_start3A_207] : memref<10240x64xf32, #tpu.memory_space<hbm>> -> memref<10240x64xf32, #tpu.memory_space<hbm>>
      tpu.enqueue_indirect_dma source(%dma_start3A_208 : memref<10240x64xf32, #tpu.memory_space<hbm>>) target(%dma_start3A_202 : memref<128x64xf32, #tpu.memory_space<vmem>>) offsets(%dma_start3A_205 : memref<128xi32, #tpu.memory_space<vmem>>) semaphore(%arg14 : memref<!tpu.dma_semaphore, #tpu.memory_space<semaphore_mem>>)
      %gt3A_209 = arith.constant 0 : i32
      %gt3A_210 = arith.cmpi sgt, %scan3A_120, %gt3A_209 : i32
      %convert_element_type3A_211 = arith.extui %gt3A_210 : i1 to i32
      %cond3A_212 = arith.constant 0 : i32
      %cond3A_213 = arith.cmpi ne, %convert_element_type3A_211, %cond3A_212 : i32
      scf.if %cond3A_213 {
        %sub3A = arith.constant 8 : i32
        %sub3A_455 = arith.subi %mul3A_122, %sub3A : i32
        %add3A_456 = arith.constant 5 : i32
        %add3A_457 = arith.addi %sub3A_455, %add3A_456 : i32
        %dma_wait3A_458 = arith.constant 5 : i32
        %dma_wait3A_459 = arith.constant 0 : i32
        %dma_wait3A_460 = arith.constant 0 : i32
        %dma_wait3A_461 = tpu.memref_slice %arg8[%dma_wait3A_458, %dma_wait3A_459, %dma_wait3A_460] : memref<8x128x64xf32, #tpu.memory_space<vmem>> -> memref<1x128x64xf32, #tpu.memory_space<vmem>>
        %dma_wait3A_462 = tpu.memref_squeeze %dma_wait3A_461 : memref<1x128x64xf32, #tpu.memory_space<vmem>> -> memref<128x64xf32, #tpu.memory_space<vmem>>
        %dma_wait3A_463 = arith.constant 0 : i32
        %dma_wait3A_464 = tpu.memref_slice %arg7[%add3A_457, %dma_wait3A_463] : memref<80x128xi32, #tpu.memory_space<vmem>> -> memref<1x128xi32, #tpu.memory_space<vmem>>
        %dma_wait3A_465 = tpu.memref_squeeze %dma_wait3A_464 : memref<1x128xi32, #tpu.memory_space<vmem>> -> memref<128xi32, #tpu.memory_space<vmem>>
        %dma_wait3A_466 = arith.constant 0 : i32
        %dma_wait3A_467 = arith.constant 0 : i32
        %dma_wait3A_468 = tpu.memref_slice %arg9[%dma_wait3A_466, %dma_wait3A_467] : memref<10240x64xf32, #tpu.memory_space<vmem_shared>> -> memref<10240x64xf32, #tpu.memory_space<vmem_shared>>
        tpu.wait_indirect_dma semaphore(%arg23 : memref<!tpu.dma_semaphore, #tpu.memory_space<semaphore_mem>>) src(%dma_wait3A_462 : memref<128x64xf32, #tpu.memory_space<vmem>>) dst(%dma_wait3A_468 : memref<10240x64xf32, #tpu.memory_space<vmem_shared>>)
      } else {
      }
      %add3A_214 = arith.constant 5 : i32
      %add3A_215 = arith.addi %mul3A_122, %add3A_214 : i32
      %dma_start3A_216 = arith.constant 5 : i32
      %dma_start3A_217 = arith.constant 0 : i32
      %dma_start3A_218 = arith.constant 0 : i32
      %dma_start3A_219 = tpu.memref_slice %arg8[%dma_start3A_216, %dma_start3A_217, %dma_start3A_218] : memref<8x128x64xf32, #tpu.memory_space<vmem>> -> memref<1x128x64xf32, #tpu.memory_space<vmem>>
      %dma_start3A_220 = tpu.memref_squeeze %dma_start3A_219 : memref<1x128x64xf32, #tpu.memory_space<vmem>> -> memref<128x64xf32, #tpu.memory_space<vmem>>
      %dma_start3A_221 = arith.constant 0 : i32
      %dma_start3A_222 = tpu.memref_slice %arg6[%add3A_215, %dma_start3A_221] : memref<80x128xi32, #tpu.memory_space<vmem>> -> memref<1x128xi32, #tpu.memory_space<vmem>>
      %dma_start3A_223 = tpu.memref_squeeze %dma_start3A_222 : memref<1x128xi32, #tpu.memory_space<vmem>> -> memref<128xi32, #tpu.memory_space<vmem>>
      %dma_start3A_224 = arith.constant 0 : i32
      %dma_start3A_225 = arith.constant 0 : i32
      %dma_start3A_226 = tpu.memref_slice %arg2[%dma_start3A_224, %dma_start3A_225] : memref<10240x64xf32, #tpu.memory_space<hbm>> -> memref<10240x64xf32, #tpu.memory_space<hbm>>
      tpu.enqueue_indirect_dma source(%dma_start3A_226 : memref<10240x64xf32, #tpu.memory_space<hbm>>) target(%dma_start3A_220 : memref<128x64xf32, #tpu.memory_space<vmem>>) offsets(%dma_start3A_223 : memref<128xi32, #tpu.memory_space<vmem>>) semaphore(%arg15 : memref<!tpu.dma_semaphore, #tpu.memory_space<semaphore_mem>>)
      %gt3A_227 = arith.constant 0 : i32
      %gt3A_228 = arith.cmpi sgt, %scan3A_120, %gt3A_227 : i32
      %convert_element_type3A_229 = arith.extui %gt3A_228 : i1 to i32
      %cond3A_230 = arith.constant 0 : i32
      %cond3A_231 = arith.cmpi ne, %convert_element_type3A_229, %cond3A_230 : i32
      scf.if %cond3A_231 {
        %sub3A = arith.constant 8 : i32
        %sub3A_455 = arith.subi %mul3A_122, %sub3A : i32
        %add3A_456 = arith.constant 6 : i32
        %add3A_457 = arith.addi %sub3A_455, %add3A_456 : i32
        %dma_wait3A_458 = arith.constant 6 : i32
        %dma_wait3A_459 = arith.constant 0 : i32
        %dma_wait3A_460 = arith.constant 0 : i32
        %dma_wait3A_461 = tpu.memref_slice %arg8[%dma_wait3A_458, %dma_wait3A_459, %dma_wait3A_460] : memref<8x128x64xf32, #tpu.memory_space<vmem>> -> memref<1x128x64xf32, #tpu.memory_space<vmem>>
        %dma_wait3A_462 = tpu.memref_squeeze %dma_wait3A_461 : memref<1x128x64xf32, #tpu.memory_space<vmem>> -> memref<128x64xf32, #tpu.memory_space<vmem>>
        %dma_wait3A_463 = arith.constant 0 : i32
        %dma_wait3A_464 = tpu.memref_slice %arg7[%add3A_457, %dma_wait3A_463] : memref<80x128xi32, #tpu.memory_space<vmem>> -> memref<1x128xi32, #tpu.memory_space<vmem>>
        %dma_wait3A_465 = tpu.memref_squeeze %dma_wait3A_464 : memref<1x128xi32, #tpu.memory_space<vmem>> -> memref<128xi32, #tpu.memory_space<vmem>>
        %dma_wait3A_466 = arith.constant 0 : i32
        %dma_wait3A_467 = arith.constant 0 : i32
        %dma_wait3A_468 = tpu.memref_slice %arg9[%dma_wait3A_466, %dma_wait3A_467] : memref<10240x64xf32, #tpu.memory_space<vmem_shared>> -> memref<10240x64xf32, #tpu.memory_space<vmem_shared>>
        tpu.wait_indirect_dma semaphore(%arg24 : memref<!tpu.dma_semaphore, #tpu.memory_space<semaphore_mem>>) src(%dma_wait3A_462 : memref<128x64xf32, #tpu.memory_space<vmem>>) dst(%dma_wait3A_468 : memref<10240x64xf32, #tpu.memory_space<vmem_shared>>)
      } else {
      }
      %add3A_232 = arith.constant 6 : i32
      %add3A_233 = arith.addi %mul3A_122, %add3A_232 : i32
      %dma_start3A_234 = arith.constant 6 : i32
      %dma_start3A_235 = arith.constant 0 : i32
      %dma_start3A_236 = arith.constant 0 : i32
      %dma_start3A_237 = tpu.memref_slice %arg8[%dma_start3A_234, %dma_start3A_235, %dma_start3A_236] : memref<8x128x64xf32, #tpu.memory_space<vmem>> -> memref<1x128x64xf32, #tpu.memory_space<vmem>>
      %dma_start3A_238 = tpu.memref_squeeze %dma_start3A_237 : memref<1x128x64xf32, #tpu.memory_space<vmem>> -> memref<128x64xf32, #tpu.memory_space<vmem>>
      %dma_start3A_239 = arith.constant 0 : i32
      %dma_start3A_240 = tpu.memref_slice %arg6[%add3A_233, %dma_start3A_239] : memref<80x128xi32, #tpu.memory_space<vmem>> -> memref<1x128xi32, #tpu.memory_space<vmem>>
      %dma_start3A_241 = tpu.memref_squeeze %dma_start3A_240 : memref<1x128xi32, #tpu.memory_space<vmem>> -> memref<128xi32, #tpu.memory_space<vmem>>
      %dma_start3A_242 = arith.constant 0 : i32
      %dma_start3A_243 = arith.constant 0 : i32
      %dma_start3A_244 = tpu.memref_slice %arg2[%dma_start3A_242, %dma_start3A_243] : memref<10240x64xf32, #tpu.memory_space<hbm>> -> memref<10240x64xf32, #tpu.memory_space<hbm>>
      tpu.enqueue_indirect_dma source(%dma_start3A_244 : memref<10240x64xf32, #tpu.memory_space<hbm>>) target(%dma_start3A_238 : memref<128x64xf32, #tpu.memory_space<vmem>>) offsets(%dma_start3A_241 : memref<128xi32, #tpu.memory_space<vmem>>) semaphore(%arg16 : memref<!tpu.dma_semaphore, #tpu.memory_space<semaphore_mem>>)
      %gt3A_245 = arith.constant 0 : i32
      %gt3A_246 = arith.cmpi sgt, %scan3A_120, %gt3A_245 : i32
      %convert_element_type3A_247 = arith.extui %gt3A_246 : i1 to i32
      %cond3A_248 = arith.constant 0 : i32
      %cond3A_249 = arith.cmpi ne, %convert_element_type3A_247, %cond3A_248 : i32
      scf.if %cond3A_249 {
        %sub3A = arith.constant 8 : i32
        %sub3A_455 = arith.subi %mul3A_122, %sub3A : i32
        %add3A_456 = arith.constant 7 : i32
        %add3A_457 = arith.addi %sub3A_455, %add3A_456 : i32
        %dma_wait3A_458 = arith.constant 7 : i32
        %dma_wait3A_459 = arith.constant 0 : i32
        %dma_wait3A_460 = arith.constant 0 : i32
        %dma_wait3A_461 = tpu.memref_slice %arg8[%dma_wait3A_458, %dma_wait3A_459, %dma_wait3A_460] : memref<8x128x64xf32, #tpu.memory_space<vmem>> -> memref<1x128x64xf32, #tpu.memory_space<vmem>>
        %dma_wait3A_462 = tpu.memref_squeeze %dma_wait3A_461 : memref<1x128x64xf32, #tpu.memory_space<vmem>> -> memref<128x64xf32, #tpu.memory_space<vmem>>
        %dma_wait3A_463 = arith.constant 0 : i32
        %dma_wait3A_464 = tpu.memref_slice %arg7[%add3A_457, %dma_wait3A_463] : memref<80x128xi32, #tpu.memory_space<vmem>> -> memref<1x128xi32, #tpu.memory_space<vmem>>
        %dma_wait3A_465 = tpu.memref_squeeze %dma_wait3A_464 : memref<1x128xi32, #tpu.memory_space<vmem>> -> memref<128xi32, #tpu.memory_space<vmem>>
        %dma_wait3A_466 = arith.constant 0 : i32
        %dma_wait3A_467 = arith.constant 0 : i32
        %dma_wait3A_468 = tpu.memref_slice %arg9[%dma_wait3A_466, %dma_wait3A_467] : memref<10240x64xf32, #tpu.memory_space<vmem_shared>> -> memref<10240x64xf32, #tpu.memory_space<vmem_shared>>
        tpu.wait_indirect_dma semaphore(%arg25 : memref<!tpu.dma_semaphore, #tpu.memory_space<semaphore_mem>>) src(%dma_wait3A_462 : memref<128x64xf32, #tpu.memory_space<vmem>>) dst(%dma_wait3A_468 : memref<10240x64xf32, #tpu.memory_space<vmem_shared>>)
      } else {
      }
      %add3A_250 = arith.constant 7 : i32
      %add3A_251 = arith.addi %mul3A_122, %add3A_250 : i32
      %dma_start3A_252 = arith.constant 7 : i32
      %dma_start3A_253 = arith.constant 0 : i32
      %dma_start3A_254 = arith.constant 0 : i32
      %dma_start3A_255 = tpu.memref_slice %arg8[%dma_start3A_252, %dma_start3A_253, %dma_start3A_254] : memref<8x128x64xf32, #tpu.memory_space<vmem>> -> memref<1x128x64xf32, #tpu.memory_space<vmem>>
      %dma_start3A_256 = tpu.memref_squeeze %dma_start3A_255 : memref<1x128x64xf32, #tpu.memory_space<vmem>> -> memref<128x64xf32, #tpu.memory_space<vmem>>
      %dma_start3A_257 = arith.constant 0 : i32
      %dma_start3A_258 = tpu.memref_slice %arg6[%add3A_251, %dma_start3A_257] : memref<80x128xi32, #tpu.memory_space<vmem>> -> memref<1x128xi32, #tpu.memory_space<vmem>>
      %dma_start3A_259 = tpu.memref_squeeze %dma_start3A_258 : memref<1x128xi32, #tpu.memory_space<vmem>> -> memref<128xi32, #tpu.memory_space<vmem>>
      %dma_start3A_260 = arith.constant 0 : i32
      %dma_start3A_261 = arith.constant 0 : i32
      %dma_start3A_262 = tpu.memref_slice %arg2[%dma_start3A_260, %dma_start3A_261] : memref<10240x64xf32, #tpu.memory_space<hbm>> -> memref<10240x64xf32, #tpu.memory_space<hbm>>
      tpu.enqueue_indirect_dma source(%dma_start3A_262 : memref<10240x64xf32, #tpu.memory_space<hbm>>) target(%dma_start3A_256 : memref<128x64xf32, #tpu.memory_space<vmem>>) offsets(%dma_start3A_259 : memref<128xi32, #tpu.memory_space<vmem>>) semaphore(%arg17 : memref<!tpu.dma_semaphore, #tpu.memory_space<semaphore_mem>>)
      %dma_wait3A_263 = arith.constant 0 : i32
      %dma_wait3A_264 = arith.constant 0 : i32
      %dma_wait3A_265 = arith.constant 0 : i32
      %dma_wait3A_266 = tpu.memref_slice %arg8[%dma_wait3A_263, %dma_wait3A_264, %dma_wait3A_265] : memref<8x128x64xf32, #tpu.memory_space<vmem>> -> memref<1x128x64xf32, #tpu.memory_space<vmem>>
      %dma_wait3A_267 = tpu.memref_squeeze %dma_wait3A_266 : memref<1x128x64xf32, #tpu.memory_space<vmem>> -> memref<128x64xf32, #tpu.memory_space<vmem>>
      %dma_wait3A_268 = arith.constant 0 : i32
      %dma_wait3A_269 = tpu.memref_slice %arg6[%add3A_126, %dma_wait3A_268] : memref<80x128xi32, #tpu.memory_space<vmem>> -> memref<1x128xi32, #tpu.memory_space<vmem>>
      %dma_wait3A_270 = tpu.memref_squeeze %dma_wait3A_269 : memref<1x128xi32, #tpu.memory_space<vmem>> -> memref<128xi32, #tpu.memory_space<vmem>>
      %dma_wait3A_271 = arith.constant 0 : i32
      %dma_wait3A_272 = arith.constant 0 : i32
      %dma_wait3A_273 = tpu.memref_slice %arg2[%dma_wait3A_271, %dma_wait3A_272] : memref<10240x64xf32, #tpu.memory_space<hbm>> -> memref<10240x64xf32, #tpu.memory_space<hbm>>
      tpu.wait_indirect_dma semaphore(%arg10 : memref<!tpu.dma_semaphore, #tpu.memory_space<semaphore_mem>>) src(%dma_wait3A_273 : memref<10240x64xf32, #tpu.memory_space<hbm>>) dst(%dma_wait3A_267 : memref<128x64xf32, #tpu.memory_space<vmem>>)
      %add3A_274 = arith.constant 0 : i32
      %add3A_275 = arith.addi %mul3A_122, %add3A_274 : i32
      %dma_start3A_276 = arith.constant 0 : i32
      %dma_start3A_277 = arith.constant 0 : i32
      %dma_start3A_278 = arith.constant 0 : i32
      %dma_start3A_279 = tpu.memref_slice %arg8[%dma_start3A_276, %dma_start3A_277, %dma_start3A_278] : memref<8x128x64xf32, #tpu.memory_space<vmem>> -> memref<1x128x64xf32, #tpu.memory_space<vmem>>
      %dma_start3A_280 = tpu.memref_squeeze %dma_start3A_279 : memref<1x128x64xf32, #tpu.memory_space<vmem>> -> memref<128x64xf32, #tpu.memory_space<vmem>>
      %dma_start3A_281 = arith.constant 0 : i32
      %dma_start3A_282 = tpu.memref_slice %arg7[%add3A_275, %dma_start3A_281] : memref<80x128xi32, #tpu.memory_space<vmem>> -> memref<1x128xi32, #tpu.memory_space<vmem>>
      %dma_start3A_283 = tpu.memref_squeeze %dma_start3A_282 : memref<1x128xi32, #tpu.memory_space<vmem>> -> memref<128xi32, #tpu.memory_space<vmem>>
      %dma_start3A_284 = arith.constant 0 : i32
      %dma_start3A_285 = arith.constant 0 : i32
      %dma_start3A_286 = tpu.memref_slice %arg9[%dma_start3A_284, %dma_start3A_285] : memref<10240x64xf32, #tpu.memory_space<vmem_shared>> -> memref<10240x64xf32, #tpu.memory_space<vmem_shared>>
      tpu.enqueue_indirect_dma source(%dma_start3A_280 : memref<128x64xf32, #tpu.memory_space<vmem>>) target(%dma_start3A_286 : memref<10240x64xf32, #tpu.memory_space<vmem_shared>>) offsets(%dma_start3A_283 : memref<128xi32, #tpu.memory_space<vmem>>) semaphore(%arg18 : memref<!tpu.dma_semaphore, #tpu.memory_space<semaphore_mem>>) {add = true}
      %dma_wait3A_287 = arith.constant 1 : i32
      %dma_wait3A_288 = arith.constant 0 : i32
      %dma_wait3A_289 = arith.constant 0 : i32
      %dma_wait3A_290 = tpu.memref_slice %arg8[%dma_wait3A_287, %dma_wait3A_288, %dma_wait3A_289] : memref<8x128x64xf32, #tpu.memory_space<vmem>> -> memref<1x128x64xf32, #tpu.memory_space<vmem>>
      %dma_wait3A_291 = tpu.memref_squeeze %dma_wait3A_290 : memref<1x128x64xf32, #tpu.memory_space<vmem>> -> memref<128x64xf32, #tpu.memory_space<vmem>>
      %dma_wait3A_292 = arith.constant 0 : i32
      %dma_wait3A_293 = tpu.memref_slice %arg6[%add3A_143, %dma_wait3A_292] : memref<80x128xi32, #tpu.memory_space<vmem>> -> memref<1x128xi32, #tpu.memory_space<vmem>>
      %dma_wait3A_294 = tpu.memref_squeeze %dma_wait3A_293 : memref<1x128xi32, #tpu.memory_space<vmem>> -> memref<128xi32, #tpu.memory_space<vmem>>
      %dma_wait3A_295 = arith.constant 0 : i32
      %dma_wait3A_296 = arith.constant 0 : i32
      %dma_wait3A_297 = tpu.memref_slice %arg2[%dma_wait3A_295, %dma_wait3A_296] : memref<10240x64xf32, #tpu.memory_space<hbm>> -> memref<10240x64xf32, #tpu.memory_space<hbm>>
      tpu.wait_indirect_dma semaphore(%arg11 : memref<!tpu.dma_semaphore, #tpu.memory_space<semaphore_mem>>) src(%dma_wait3A_297 : memref<10240x64xf32, #tpu.memory_space<hbm>>) dst(%dma_wait3A_291 : memref<128x64xf32, #tpu.memory_space<vmem>>)
      %add3A_298 = arith.constant 1 : i32
      %add3A_299 = arith.addi %mul3A_122, %add3A_298 : i32
      %dma_start3A_300 = arith.constant 1 : i32
      %dma_start3A_301 = arith.constant 0 : i32
      %dma_start3A_302 = arith.constant 0 : i32
      %dma_start3A_303 = tpu.memref_slice %arg8[%dma_start3A_300, %dma_start3A_301, %dma_start3A_302] : memref<8x128x64xf32, #tpu.memory_space<vmem>> -> memref<1x128x64xf32, #tpu.memory_space<vmem>>
      %dma_start3A_304 = tpu.memref_squeeze %dma_start3A_303 : memref<1x128x64xf32, #tpu.memory_space<vmem>> -> memref<128x64xf32, #tpu.memory_space<vmem>>
      %dma_start3A_305 = arith.constant 0 : i32
      %dma_start3A_306 = tpu.memref_slice %arg7[%add3A_299, %dma_start3A_305] : memref<80x128xi32, #tpu.memory_space<vmem>> -> memref<1x128xi32, #tpu.memory_space<vmem>>
      %dma_start3A_307 = tpu.memref_squeeze %dma_start3A_306 : memref<1x128xi32, #tpu.memory_space<vmem>> -> memref<128xi32, #tpu.memory_space<vmem>>
      %dma_start3A_308 = arith.constant 0 : i32
      %dma_start3A_309 = arith.constant 0 : i32
      %dma_start3A_310 = tpu.memref_slice %arg9[%dma_start3A_308, %dma_start3A_309] : memref<10240x64xf32, #tpu.memory_space<vmem_shared>> -> memref<10240x64xf32, #tpu.memory_space<vmem_shared>>
      tpu.enqueue_indirect_dma source(%dma_start3A_304 : memref<128x64xf32, #tpu.memory_space<vmem>>) target(%dma_start3A_310 : memref<10240x64xf32, #tpu.memory_space<vmem_shared>>) offsets(%dma_start3A_307 : memref<128xi32, #tpu.memory_space<vmem>>) semaphore(%arg19 : memref<!tpu.dma_semaphore, #tpu.memory_space<semaphore_mem>>) {add = true}
      %dma_wait3A_311 = arith.constant 2 : i32
      %dma_wait3A_312 = arith.constant 0 : i32
      %dma_wait3A_313 = arith.constant 0 : i32
      %dma_wait3A_314 = tpu.memref_slice %arg8[%dma_wait3A_311, %dma_wait3A_312, %dma_wait3A_313] : memref<8x128x64xf32, #tpu.memory_space<vmem>> -> memref<1x128x64xf32, #tpu.memory_space<vmem>>
      %dma_wait3A_315 = tpu.memref_squeeze %dma_wait3A_314 : memref<1x128x64xf32, #tpu.memory_space<vmem>> -> memref<128x64xf32, #tpu.memory_space<vmem>>
      %dma_wait3A_316 = arith.constant 0 : i32
      %dma_wait3A_317 = tpu.memref_slice %arg6[%add3A_161, %dma_wait3A_316] : memref<80x128xi32, #tpu.memory_space<vmem>> -> memref<1x128xi32, #tpu.memory_space<vmem>>
      %dma_wait3A_318 = tpu.memref_squeeze %dma_wait3A_317 : memref<1x128xi32, #tpu.memory_space<vmem>> -> memref<128xi32, #tpu.memory_space<vmem>>
      %dma_wait3A_319 = arith.constant 0 : i32
      %dma_wait3A_320 = arith.constant 0 : i32
      %dma_wait3A_321 = tpu.memref_slice %arg2[%dma_wait3A_319, %dma_wait3A_320] : memref<10240x64xf32, #tpu.memory_space<hbm>> -> memref<10240x64xf32, #tpu.memory_space<hbm>>
      tpu.wait_indirect_dma semaphore(%arg12 : memref<!tpu.dma_semaphore, #tpu.memory_space<semaphore_mem>>) src(%dma_wait3A_321 : memref<10240x64xf32, #tpu.memory_space<hbm>>) dst(%dma_wait3A_315 : memref<128x64xf32, #tpu.memory_space<vmem>>)
      %add3A_322 = arith.constant 2 : i32
      %add3A_323 = arith.addi %mul3A_122, %add3A_322 : i32
      %dma_start3A_324 = arith.constant 2 : i32
      %dma_start3A_325 = arith.constant 0 : i32
      %dma_start3A_326 = arith.constant 0 : i32
      %dma_start3A_327 = tpu.memref_slice %arg8[%dma_start3A_324, %dma_start3A_325, %dma_start3A_326] : memref<8x128x64xf32, #tpu.memory_space<vmem>> -> memref<1x128x64xf32, #tpu.memory_space<vmem>>
      %dma_start3A_328 = tpu.memref_squeeze %dma_start3A_327 : memref<1x128x64xf32, #tpu.memory_space<vmem>> -> memref<128x64xf32, #tpu.memory_space<vmem>>
      %dma_start3A_329 = arith.constant 0 : i32
      %dma_start3A_330 = tpu.memref_slice %arg7[%add3A_323, %dma_start3A_329] : memref<80x128xi32, #tpu.memory_space<vmem>> -> memref<1x128xi32, #tpu.memory_space<vmem>>
      %dma_start3A_331 = tpu.memref_squeeze %dma_start3A_330 : memref<1x128xi32, #tpu.memory_space<vmem>> -> memref<128xi32, #tpu.memory_space<vmem>>
      %dma_start3A_332 = arith.constant 0 : i32
      %dma_start3A_333 = arith.constant 0 : i32
      %dma_start3A_334 = tpu.memref_slice %arg9[%dma_start3A_332, %dma_start3A_333] : memref<10240x64xf32, #tpu.memory_space<vmem_shared>> -> memref<10240x64xf32, #tpu.memory_space<vmem_shared>>
      tpu.enqueue_indirect_dma source(%dma_start3A_328 : memref<128x64xf32, #tpu.memory_space<vmem>>) target(%dma_start3A_334 : memref<10240x64xf32, #tpu.memory_space<vmem_shared>>) offsets(%dma_start3A_331 : memref<128xi32, #tpu.memory_space<vmem>>) semaphore(%arg20 : memref<!tpu.dma_semaphore, #tpu.memory_space<semaphore_mem>>) {add = true}
      %dma_wait3A_335 = arith.constant 3 : i32
      %dma_wait3A_336 = arith.constant 0 : i32
      %dma_wait3A_337 = arith.constant 0 : i32
      %dma_wait3A_338 = tpu.memref_slice %arg8[%dma_wait3A_335, %dma_wait3A_336, %dma_wait3A_337] : memref<8x128x64xf32, #tpu.memory_space<vmem>> -> memref<1x128x64xf32, #tpu.memory_space<vmem>>
      %dma_wait3A_339 = tpu.memref_squeeze %dma_wait3A_338 : memref<1x128x64xf32, #tpu.memory_space<vmem>> -> memref<128x64xf32, #tpu.memory_space<vmem>>
      %dma_wait3A_340 = arith.constant 0 : i32
      %dma_wait3A_341 = tpu.memref_slice %arg6[%add3A_179, %dma_wait3A_340] : memref<80x128xi32, #tpu.memory_space<vmem>> -> memref<1x128xi32, #tpu.memory_space<vmem>>
      %dma_wait3A_342 = tpu.memref_squeeze %dma_wait3A_341 : memref<1x128xi32, #tpu.memory_space<vmem>> -> memref<128xi32, #tpu.memory_space<vmem>>
      %dma_wait3A_343 = arith.constant 0 : i32
      %dma_wait3A_344 = arith.constant 0 : i32
      %dma_wait3A_345 = tpu.memref_slice %arg2[%dma_wait3A_343, %dma_wait3A_344] : memref<10240x64xf32, #tpu.memory_space<hbm>> -> memref<10240x64xf32, #tpu.memory_space<hbm>>
      tpu.wait_indirect_dma semaphore(%arg13 : memref<!tpu.dma_semaphore, #tpu.memory_space<semaphore_mem>>) src(%dma_wait3A_345 : memref<10240x64xf32, #tpu.memory_space<hbm>>) dst(%dma_wait3A_339 : memref<128x64xf32, #tpu.memory_space<vmem>>)
      %add3A_346 = arith.constant 3 : i32
      %add3A_347 = arith.addi %mul3A_122, %add3A_346 : i32
      %dma_start3A_348 = arith.constant 3 : i32
      %dma_start3A_349 = arith.constant 0 : i32
      %dma_start3A_350 = arith.constant 0 : i32
      %dma_start3A_351 = tpu.memref_slice %arg8[%dma_start3A_348, %dma_start3A_349, %dma_start3A_350] : memref<8x128x64xf32, #tpu.memory_space<vmem>> -> memref<1x128x64xf32, #tpu.memory_space<vmem>>
      %dma_start3A_352 = tpu.memref_squeeze %dma_start3A_351 : memref<1x128x64xf32, #tpu.memory_space<vmem>> -> memref<128x64xf32, #tpu.memory_space<vmem>>
      %dma_start3A_353 = arith.constant 0 : i32
      %dma_start3A_354 = tpu.memref_slice %arg7[%add3A_347, %dma_start3A_353] : memref<80x128xi32, #tpu.memory_space<vmem>> -> memref<1x128xi32, #tpu.memory_space<vmem>>
      %dma_start3A_355 = tpu.memref_squeeze %dma_start3A_354 : memref<1x128xi32, #tpu.memory_space<vmem>> -> memref<128xi32, #tpu.memory_space<vmem>>
      %dma_start3A_356 = arith.constant 0 : i32
      %dma_start3A_357 = arith.constant 0 : i32
      %dma_start3A_358 = tpu.memref_slice %arg9[%dma_start3A_356, %dma_start3A_357] : memref<10240x64xf32, #tpu.memory_space<vmem_shared>> -> memref<10240x64xf32, #tpu.memory_space<vmem_shared>>
      tpu.enqueue_indirect_dma source(%dma_start3A_352 : memref<128x64xf32, #tpu.memory_space<vmem>>) target(%dma_start3A_358 : memref<10240x64xf32, #tpu.memory_space<vmem_shared>>) offsets(%dma_start3A_355 : memref<128xi32, #tpu.memory_space<vmem>>) semaphore(%arg21 : memref<!tpu.dma_semaphore, #tpu.memory_space<semaphore_mem>>) {add = true}
      %dma_wait3A_359 = arith.constant 4 : i32
      %dma_wait3A_360 = arith.constant 0 : i32
      %dma_wait3A_361 = arith.constant 0 : i32
      %dma_wait3A_362 = tpu.memref_slice %arg8[%dma_wait3A_359, %dma_wait3A_360, %dma_wait3A_361] : memref<8x128x64xf32, #tpu.memory_space<vmem>> -> memref<1x128x64xf32, #tpu.memory_space<vmem>>
      %dma_wait3A_363 = tpu.memref_squeeze %dma_wait3A_362 : memref<1x128x64xf32, #tpu.memory_space<vmem>> -> memref<128x64xf32, #tpu.memory_space<vmem>>
      %dma_wait3A_364 = arith.constant 0 : i32
      %dma_wait3A_365 = tpu.memref_slice %arg6[%add3A_197, %dma_wait3A_364] : memref<80x128xi32, #tpu.memory_space<vmem>> -> memref<1x128xi32, #tpu.memory_space<vmem>>
      %dma_wait3A_366 = tpu.memref_squeeze %dma_wait3A_365 : memref<1x128xi32, #tpu.memory_space<vmem>> -> memref<128xi32, #tpu.memory_space<vmem>>
      %dma_wait3A_367 = arith.constant 0 : i32
      %dma_wait3A_368 = arith.constant 0 : i32
      %dma_wait3A_369 = tpu.memref_slice %arg2[%dma_wait3A_367, %dma_wait3A_368] : memref<10240x64xf32, #tpu.memory_space<hbm>> -> memref<10240x64xf32, #tpu.memory_space<hbm>>
      tpu.wait_indirect_dma semaphore(%arg14 : memref<!tpu.dma_semaphore, #tpu.memory_space<semaphore_mem>>) src(%dma_wait3A_369 : memref<10240x64xf32, #tpu.memory_space<hbm>>) dst(%dma_wait3A_363 : memref<128x64xf32, #tpu.memory_space<vmem>>)
      %add3A_370 = arith.constant 4 : i32
      %add3A_371 = arith.addi %mul3A_122, %add3A_370 : i32
      %dma_start3A_372 = arith.constant 4 : i32
      %dma_start3A_373 = arith.constant 0 : i32
      %dma_start3A_374 = arith.constant 0 : i32
      %dma_start3A_375 = tpu.memref_slice %arg8[%dma_start3A_372, %dma_start3A_373, %dma_start3A_374] : memref<8x128x64xf32, #tpu.memory_space<vmem>> -> memref<1x128x64xf32, #tpu.memory_space<vmem>>
      %dma_start3A_376 = tpu.memref_squeeze %dma_start3A_375 : memref<1x128x64xf32, #tpu.memory_space<vmem>> -> memref<128x64xf32, #tpu.memory_space<vmem>>
      %dma_start3A_377 = arith.constant 0 : i32
      %dma_start3A_378 = tpu.memref_slice %arg7[%add3A_371, %dma_start3A_377] : memref<80x128xi32, #tpu.memory_space<vmem>> -> memref<1x128xi32, #tpu.memory_space<vmem>>
      %dma_start3A_379 = tpu.memref_squeeze %dma_start3A_378 : memref<1x128xi32, #tpu.memory_space<vmem>> -> memref<128xi32, #tpu.memory_space<vmem>>
      %dma_start3A_380 = arith.constant 0 : i32
      %dma_start3A_381 = arith.constant 0 : i32
      %dma_start3A_382 = tpu.memref_slice %arg9[%dma_start3A_380, %dma_start3A_381] : memref<10240x64xf32, #tpu.memory_space<vmem_shared>> -> memref<10240x64xf32, #tpu.memory_space<vmem_shared>>
      tpu.enqueue_indirect_dma source(%dma_start3A_376 : memref<128x64xf32, #tpu.memory_space<vmem>>) target(%dma_start3A_382 : memref<10240x64xf32, #tpu.memory_space<vmem_shared>>) offsets(%dma_start3A_379 : memref<128xi32, #tpu.memory_space<vmem>>) semaphore(%arg22 : memref<!tpu.dma_semaphore, #tpu.memory_space<semaphore_mem>>) {add = true}
      %dma_wait3A_383 = arith.constant 5 : i32
      %dma_wait3A_384 = arith.constant 0 : i32
      %dma_wait3A_385 = arith.constant 0 : i32
      %dma_wait3A_386 = tpu.memref_slice %arg8[%dma_wait3A_383, %dma_wait3A_384, %dma_wait3A_385] : memref<8x128x64xf32, #tpu.memory_space<vmem>> -> memref<1x128x64xf32, #tpu.memory_space<vmem>>
      %dma_wait3A_387 = tpu.memref_squeeze %dma_wait3A_386 : memref<1x128x64xf32, #tpu.memory_space<vmem>> -> memref<128x64xf32, #tpu.memory_space<vmem>>
      %dma_wait3A_388 = arith.constant 0 : i32
      %dma_wait3A_389 = tpu.memref_slice %arg6[%add3A_215, %dma_wait3A_388] : memref<80x128xi32, #tpu.memory_space<vmem>> -> memref<1x128xi32, #tpu.memory_space<vmem>>
      %dma_wait3A_390 = tpu.memref_squeeze %dma_wait3A_389 : memref<1x128xi32, #tpu.memory_space<vmem>> -> memref<128xi32, #tpu.memory_space<vmem>>
      %dma_wait3A_391 = arith.constant 0 : i32
      %dma_wait3A_392 = arith.constant 0 : i32
      %dma_wait3A_393 = tpu.memref_slice %arg2[%dma_wait3A_391, %dma_wait3A_392] : memref<10240x64xf32, #tpu.memory_space<hbm>> -> memref<10240x64xf32, #tpu.memory_space<hbm>>
      tpu.wait_indirect_dma semaphore(%arg15 : memref<!tpu.dma_semaphore, #tpu.memory_space<semaphore_mem>>) src(%dma_wait3A_393 : memref<10240x64xf32, #tpu.memory_space<hbm>>) dst(%dma_wait3A_387 : memref<128x64xf32, #tpu.memory_space<vmem>>)
      %add3A_394 = arith.constant 5 : i32
      %add3A_395 = arith.addi %mul3A_122, %add3A_394 : i32
      %dma_start3A_396 = arith.constant 5 : i32
      %dma_start3A_397 = arith.constant 0 : i32
      %dma_start3A_398 = arith.constant 0 : i32
      %dma_start3A_399 = tpu.memref_slice %arg8[%dma_start3A_396, %dma_start3A_397, %dma_start3A_398] : memref<8x128x64xf32, #tpu.memory_space<vmem>> -> memref<1x128x64xf32, #tpu.memory_space<vmem>>
      %dma_start3A_400 = tpu.memref_squeeze %dma_start3A_399 : memref<1x128x64xf32, #tpu.memory_space<vmem>> -> memref<128x64xf32, #tpu.memory_space<vmem>>
      %dma_start3A_401 = arith.constant 0 : i32
      %dma_start3A_402 = tpu.memref_slice %arg7[%add3A_395, %dma_start3A_401] : memref<80x128xi32, #tpu.memory_space<vmem>> -> memref<1x128xi32, #tpu.memory_space<vmem>>
      %dma_start3A_403 = tpu.memref_squeeze %dma_start3A_402 : memref<1x128xi32, #tpu.memory_space<vmem>> -> memref<128xi32, #tpu.memory_space<vmem>>
      %dma_start3A_404 = arith.constant 0 : i32
      %dma_start3A_405 = arith.constant 0 : i32
      %dma_start3A_406 = tpu.memref_slice %arg9[%dma_start3A_404, %dma_start3A_405] : memref<10240x64xf32, #tpu.memory_space<vmem_shared>> -> memref<10240x64xf32, #tpu.memory_space<vmem_shared>>
      tpu.enqueue_indirect_dma source(%dma_start3A_400 : memref<128x64xf32, #tpu.memory_space<vmem>>) target(%dma_start3A_406 : memref<10240x64xf32, #tpu.memory_space<vmem_shared>>) offsets(%dma_start3A_403 : memref<128xi32, #tpu.memory_space<vmem>>) semaphore(%arg23 : memref<!tpu.dma_semaphore, #tpu.memory_space<semaphore_mem>>) {add = true}
      %dma_wait3A_407 = arith.constant 6 : i32
      %dma_wait3A_408 = arith.constant 0 : i32
      %dma_wait3A_409 = arith.constant 0 : i32
      %dma_wait3A_410 = tpu.memref_slice %arg8[%dma_wait3A_407, %dma_wait3A_408, %dma_wait3A_409] : memref<8x128x64xf32, #tpu.memory_space<vmem>> -> memref<1x128x64xf32, #tpu.memory_space<vmem>>
      %dma_wait3A_411 = tpu.memref_squeeze %dma_wait3A_410 : memref<1x128x64xf32, #tpu.memory_space<vmem>> -> memref<128x64xf32, #tpu.memory_space<vmem>>
      %dma_wait3A_412 = arith.constant 0 : i32
      %dma_wait3A_413 = tpu.memref_slice %arg6[%add3A_233, %dma_wait3A_412] : memref<80x128xi32, #tpu.memory_space<vmem>> -> memref<1x128xi32, #tpu.memory_space<vmem>>
      %dma_wait3A_414 = tpu.memref_squeeze %dma_wait3A_413 : memref<1x128xi32, #tpu.memory_space<vmem>> -> memref<128xi32, #tpu.memory_space<vmem>>
      %dma_wait3A_415 = arith.constant 0 : i32
      %dma_wait3A_416 = arith.constant 0 : i32
      %dma_wait3A_417 = tpu.memref_slice %arg2[%dma_wait3A_415, %dma_wait3A_416] : memref<10240x64xf32, #tpu.memory_space<hbm>> -> memref<10240x64xf32, #tpu.memory_space<hbm>>
      tpu.wait_indirect_dma semaphore(%arg16 : memref<!tpu.dma_semaphore, #tpu.memory_space<semaphore_mem>>) src(%dma_wait3A_417 : memref<10240x64xf32, #tpu.memory_space<hbm>>) dst(%dma_wait3A_411 : memref<128x64xf32, #tpu.memory_space<vmem>>)
      %add3A_418 = arith.constant 6 : i32
      %add3A_419 = arith.addi %mul3A_122, %add3A_418 : i32
      %dma_start3A_420 = arith.constant 6 : i32
      %dma_start3A_421 = arith.constant 0 : i32
      %dma_start3A_422 = arith.constant 0 : i32
      %dma_start3A_423 = tpu.memref_slice %arg8[%dma_start3A_420, %dma_start3A_421, %dma_start3A_422] : memref<8x128x64xf32, #tpu.memory_space<vmem>> -> memref<1x128x64xf32, #tpu.memory_space<vmem>>
      %dma_start3A_424 = tpu.memref_squeeze %dma_start3A_423 : memref<1x128x64xf32, #tpu.memory_space<vmem>> -> memref<128x64xf32, #tpu.memory_space<vmem>>
      %dma_start3A_425 = arith.constant 0 : i32
      %dma_start3A_426 = tpu.memref_slice %arg7[%add3A_419, %dma_start3A_425] : memref<80x128xi32, #tpu.memory_space<vmem>> -> memref<1x128xi32, #tpu.memory_space<vmem>>
      %dma_start3A_427 = tpu.memref_squeeze %dma_start3A_426 : memref<1x128xi32, #tpu.memory_space<vmem>> -> memref<128xi32, #tpu.memory_space<vmem>>
      %dma_start3A_428 = arith.constant 0 : i32
      %dma_start3A_429 = arith.constant 0 : i32
      %dma_start3A_430 = tpu.memref_slice %arg9[%dma_start3A_428, %dma_start3A_429] : memref<10240x64xf32, #tpu.memory_space<vmem_shared>> -> memref<10240x64xf32, #tpu.memory_space<vmem_shared>>
      tpu.enqueue_indirect_dma source(%dma_start3A_424 : memref<128x64xf32, #tpu.memory_space<vmem>>) target(%dma_start3A_430 : memref<10240x64xf32, #tpu.memory_space<vmem_shared>>) offsets(%dma_start3A_427 : memref<128xi32, #tpu.memory_space<vmem>>) semaphore(%arg24 : memref<!tpu.dma_semaphore, #tpu.memory_space<semaphore_mem>>) {add = true}
      %dma_wait3A_431 = arith.constant 7 : i32
      %dma_wait3A_432 = arith.constant 0 : i32
      %dma_wait3A_433 = arith.constant 0 : i32
      %dma_wait3A_434 = tpu.memref_slice %arg8[%dma_wait3A_431, %dma_wait3A_432, %dma_wait3A_433] : memref<8x128x64xf32, #tpu.memory_space<vmem>> -> memref<1x128x64xf32, #tpu.memory_space<vmem>>
      %dma_wait3A_435 = tpu.memref_squeeze %dma_wait3A_434 : memref<1x128x64xf32, #tpu.memory_space<vmem>> -> memref<128x64xf32, #tpu.memory_space<vmem>>
      %dma_wait3A_436 = arith.constant 0 : i32
      %dma_wait3A_437 = tpu.memref_slice %arg6[%add3A_251, %dma_wait3A_436] : memref<80x128xi32, #tpu.memory_space<vmem>> -> memref<1x128xi32, #tpu.memory_space<vmem>>
      %dma_wait3A_438 = tpu.memref_squeeze %dma_wait3A_437 : memref<1x128xi32, #tpu.memory_space<vmem>> -> memref<128xi32, #tpu.memory_space<vmem>>
      %dma_wait3A_439 = arith.constant 0 : i32
      %dma_wait3A_440 = arith.constant 0 : i32
      %dma_wait3A_441 = tpu.memref_slice %arg2[%dma_wait3A_439, %dma_wait3A_440] : memref<10240x64xf32, #tpu.memory_space<hbm>> -> memref<10240x64xf32, #tpu.memory_space<hbm>>
      tpu.wait_indirect_dma semaphore(%arg17 : memref<!tpu.dma_semaphore, #tpu.memory_space<semaphore_mem>>) src(%dma_wait3A_441 : memref<10240x64xf32, #tpu.memory_space<hbm>>) dst(%dma_wait3A_435 : memref<128x64xf32, #tpu.memory_space<vmem>>)
      %add3A_442 = arith.constant 7 : i32
      %add3A_443 = arith.addi %mul3A_122, %add3A_442 : i32
      %dma_start3A_444 = arith.constant 7 : i32
      %dma_start3A_445 = arith.constant 0 : i32
      %dma_start3A_446 = arith.constant 0 : i32
      %dma_start3A_447 = tpu.memref_slice %arg8[%dma_start3A_444, %dma_start3A_445, %dma_start3A_446] : memref<8x128x64xf32, #tpu.memory_space<vmem>> -> memref<1x128x64xf32, #tpu.memory_space<vmem>>
      %dma_start3A_448 = tpu.memref_squeeze %dma_start3A_447 : memref<1x128x64xf32, #tpu.memory_space<vmem>> -> memref<128x64xf32, #tpu.memory_space<vmem>>
      %dma_start3A_449 = arith.constant 0 : i32
      %dma_start3A_450 = tpu.memref_slice %arg7[%add3A_443, %dma_start3A_449] : memref<80x128xi32, #tpu.memory_space<vmem>> -> memref<1x128xi32, #tpu.memory_space<vmem>>
      %dma_start3A_451 = tpu.memref_squeeze %dma_start3A_450 : memref<1x128xi32, #tpu.memory_space<vmem>> -> memref<128xi32, #tpu.memory_space<vmem>>
      %dma_start3A_452 = arith.constant 0 : i32
      %dma_start3A_453 = arith.constant 0 : i32
      %dma_start3A_454 = tpu.memref_slice %arg9[%dma_start3A_452, %dma_start3A_453] : memref<10240x64xf32, #tpu.memory_space<vmem_shared>> -> memref<10240x64xf32, #tpu.memory_space<vmem_shared>>
      tpu.enqueue_indirect_dma source(%dma_start3A_448 : memref<128x64xf32, #tpu.memory_space<vmem>>) target(%dma_start3A_454 : memref<10240x64xf32, #tpu.memory_space<vmem_shared>>) offsets(%dma_start3A_451 : memref<128xi32, #tpu.memory_space<vmem>>) semaphore(%arg25 : memref<!tpu.dma_semaphore, #tpu.memory_space<semaphore_mem>>) {add = true}
    }
    %scan3A_17 = arith.constant 10 : i32
    %dma_wait3A = arith.constant 0 : i32
    %dma_wait3A_18 = arith.constant 72 : i32
    %dma_wait3A_19 = arith.constant 0 : i32
    %dma_wait3A_20 = arith.constant 0 : i32
    %dma_wait3A_21 = tpu.memref_slice %arg8[%dma_wait3A, %dma_wait3A_19, %dma_wait3A_20] : memref<8x128x64xf32, #tpu.memory_space<vmem>> -> memref<1x128x64xf32, #tpu.memory_space<vmem>>
    %dma_wait3A_22 = tpu.memref_squeeze %dma_wait3A_21 : memref<1x128x64xf32, #tpu.memory_space<vmem>> -> memref<128x64xf32, #tpu.memory_space<vmem>>
    %dma_wait3A_23 = arith.constant 0 : i32
    %dma_wait3A_24 = tpu.memref_slice %arg7[%dma_wait3A_18, %dma_wait3A_23] : memref<80x128xi32, #tpu.memory_space<vmem>> -> memref<1x128xi32, #tpu.memory_space<vmem>>
    %dma_wait3A_25 = tpu.memref_squeeze %dma_wait3A_24 : memref<1x128xi32, #tpu.memory_space<vmem>> -> memref<128xi32, #tpu.memory_space<vmem>>
    %dma_wait3A_26 = arith.constant 0 : i32
    %dma_wait3A_27 = arith.constant 0 : i32
    %dma_wait3A_28 = tpu.memref_slice %arg9[%dma_wait3A_26, %dma_wait3A_27] : memref<10240x64xf32, #tpu.memory_space<vmem_shared>> -> memref<10240x64xf32, #tpu.memory_space<vmem_shared>>
    tpu.wait_indirect_dma semaphore(%arg18 : memref<!tpu.dma_semaphore, #tpu.memory_space<semaphore_mem>>) src(%dma_wait3A_22 : memref<128x64xf32, #tpu.memory_space<vmem>>) dst(%dma_wait3A_28 : memref<10240x64xf32, #tpu.memory_space<vmem_shared>>)
    %dma_wait3A_29 = arith.constant 1 : i32
    %dma_wait3A_30 = arith.constant 73 : i32
    %dma_wait3A_31 = arith.constant 0 : i32
    %dma_wait3A_32 = arith.constant 0 : i32
    %dma_wait3A_33 = tpu.memref_slice %arg8[%dma_wait3A_29, %dma_wait3A_31, %dma_wait3A_32] : memref<8x128x64xf32, #tpu.memory_space<vmem>> -> memref<1x128x64xf32, #tpu.memory_space<vmem>>
    %dma_wait3A_34 = tpu.memref_squeeze %dma_wait3A_33 : memref<1x128x64xf32, #tpu.memory_space<vmem>> -> memref<128x64xf32, #tpu.memory_space<vmem>>
    %dma_wait3A_35 = arith.constant 0 : i32
    %dma_wait3A_36 = tpu.memref_slice %arg7[%dma_wait3A_30, %dma_wait3A_35] : memref<80x128xi32, #tpu.memory_space<vmem>> -> memref<1x128xi32, #tpu.memory_space<vmem>>
    %dma_wait3A_37 = tpu.memref_squeeze %dma_wait3A_36 : memref<1x128xi32, #tpu.memory_space<vmem>> -> memref<128xi32, #tpu.memory_space<vmem>>
    %dma_wait3A_38 = arith.constant 0 : i32
    %dma_wait3A_39 = arith.constant 0 : i32
    %dma_wait3A_40 = tpu.memref_slice %arg9[%dma_wait3A_38, %dma_wait3A_39] : memref<10240x64xf32, #tpu.memory_space<vmem_shared>> -> memref<10240x64xf32, #tpu.memory_space<vmem_shared>>
    tpu.wait_indirect_dma semaphore(%arg19 : memref<!tpu.dma_semaphore, #tpu.memory_space<semaphore_mem>>) src(%dma_wait3A_34 : memref<128x64xf32, #tpu.memory_space<vmem>>) dst(%dma_wait3A_40 : memref<10240x64xf32, #tpu.memory_space<vmem_shared>>)
    %dma_wait3A_41 = arith.constant 2 : i32
    %dma_wait3A_42 = arith.constant 74 : i32
    %dma_wait3A_43 = arith.constant 0 : i32
    %dma_wait3A_44 = arith.constant 0 : i32
    %dma_wait3A_45 = tpu.memref_slice %arg8[%dma_wait3A_41, %dma_wait3A_43, %dma_wait3A_44] : memref<8x128x64xf32, #tpu.memory_space<vmem>> -> memref<1x128x64xf32, #tpu.memory_space<vmem>>
    %dma_wait3A_46 = tpu.memref_squeeze %dma_wait3A_45 : memref<1x128x64xf32, #tpu.memory_space<vmem>> -> memref<128x64xf32, #tpu.memory_space<vmem>>
    %dma_wait3A_47 = arith.constant 0 : i32
    %dma_wait3A_48 = tpu.memref_slice %arg7[%dma_wait3A_42, %dma_wait3A_47] : memref<80x128xi32, #tpu.memory_space<vmem>> -> memref<1x128xi32, #tpu.memory_space<vmem>>
    %dma_wait3A_49 = tpu.memref_squeeze %dma_wait3A_48 : memref<1x128xi32, #tpu.memory_space<vmem>> -> memref<128xi32, #tpu.memory_space<vmem>>
    %dma_wait3A_50 = arith.constant 0 : i32
    %dma_wait3A_51 = arith.constant 0 : i32
    %dma_wait3A_52 = tpu.memref_slice %arg9[%dma_wait3A_50, %dma_wait3A_51] : memref<10240x64xf32, #tpu.memory_space<vmem_shared>> -> memref<10240x64xf32, #tpu.memory_space<vmem_shared>>
    tpu.wait_indirect_dma semaphore(%arg20 : memref<!tpu.dma_semaphore, #tpu.memory_space<semaphore_mem>>) src(%dma_wait3A_46 : memref<128x64xf32, #tpu.memory_space<vmem>>) dst(%dma_wait3A_52 : memref<10240x64xf32, #tpu.memory_space<vmem_shared>>)
    %dma_wait3A_53 = arith.constant 3 : i32
    %dma_wait3A_54 = arith.constant 75 : i32
    %dma_wait3A_55 = arith.constant 0 : i32
    %dma_wait3A_56 = arith.constant 0 : i32
    %dma_wait3A_57 = tpu.memref_slice %arg8[%dma_wait3A_53, %dma_wait3A_55, %dma_wait3A_56] : memref<8x128x64xf32, #tpu.memory_space<vmem>> -> memref<1x128x64xf32, #tpu.memory_space<vmem>>
    %dma_wait3A_58 = tpu.memref_squeeze %dma_wait3A_57 : memref<1x128x64xf32, #tpu.memory_space<vmem>> -> memref<128x64xf32, #tpu.memory_space<vmem>>
    %dma_wait3A_59 = arith.constant 0 : i32
    %dma_wait3A_60 = tpu.memref_slice %arg7[%dma_wait3A_54, %dma_wait3A_59] : memref<80x128xi32, #tpu.memory_space<vmem>> -> memref<1x128xi32, #tpu.memory_space<vmem>>
    %dma_wait3A_61 = tpu.memref_squeeze %dma_wait3A_60 : memref<1x128xi32, #tpu.memory_space<vmem>> -> memref<128xi32, #tpu.memory_space<vmem>>
    %dma_wait3A_62 = arith.constant 0 : i32
    %dma_wait3A_63 = arith.constant 0 : i32
    %dma_wait3A_64 = tpu.memref_slice %arg9[%dma_wait3A_62, %dma_wait3A_63] : memref<10240x64xf32, #tpu.memory_space<vmem_shared>> -> memref<10240x64xf32, #tpu.memory_space<vmem_shared>>
    tpu.wait_indirect_dma semaphore(%arg21 : memref<!tpu.dma_semaphore, #tpu.memory_space<semaphore_mem>>) src(%dma_wait3A_58 : memref<128x64xf32, #tpu.memory_space<vmem>>) dst(%dma_wait3A_64 : memref<10240x64xf32, #tpu.memory_space<vmem_shared>>)
    %dma_wait3A_65 = arith.constant 4 : i32
    %dma_wait3A_66 = arith.constant 76 : i32
    %dma_wait3A_67 = arith.constant 0 : i32
    %dma_wait3A_68 = arith.constant 0 : i32
    %dma_wait3A_69 = tpu.memref_slice %arg8[%dma_wait3A_65, %dma_wait3A_67, %dma_wait3A_68] : memref<8x128x64xf32, #tpu.memory_space<vmem>> -> memref<1x128x64xf32, #tpu.memory_space<vmem>>
    %dma_wait3A_70 = tpu.memref_squeeze %dma_wait3A_69 : memref<1x128x64xf32, #tpu.memory_space<vmem>> -> memref<128x64xf32, #tpu.memory_space<vmem>>
    %dma_wait3A_71 = arith.constant 0 : i32
    %dma_wait3A_72 = tpu.memref_slice %arg7[%dma_wait3A_66, %dma_wait3A_71] : memref<80x128xi32, #tpu.memory_space<vmem>> -> memref<1x128xi32, #tpu.memory_space<vmem>>
    %dma_wait3A_73 = tpu.memref_squeeze %dma_wait3A_72 : memref<1x128xi32, #tpu.memory_space<vmem>> -> memref<128xi32, #tpu.memory_space<vmem>>
    %dma_wait3A_74 = arith.constant 0 : i32
    %dma_wait3A_75 = arith.constant 0 : i32
    %dma_wait3A_76 = tpu.memref_slice %arg9[%dma_wait3A_74, %dma_wait3A_75] : memref<10240x64xf32, #tpu.memory_space<vmem_shared>> -> memref<10240x64xf32, #tpu.memory_space<vmem_shared>>
    tpu.wait_indirect_dma semaphore(%arg22 : memref<!tpu.dma_semaphore, #tpu.memory_space<semaphore_mem>>) src(%dma_wait3A_70 : memref<128x64xf32, #tpu.memory_space<vmem>>) dst(%dma_wait3A_76 : memref<10240x64xf32, #tpu.memory_space<vmem_shared>>)
    %dma_wait3A_77 = arith.constant 5 : i32
    %dma_wait3A_78 = arith.constant 77 : i32
    %dma_wait3A_79 = arith.constant 0 : i32
    %dma_wait3A_80 = arith.constant 0 : i32
    %dma_wait3A_81 = tpu.memref_slice %arg8[%dma_wait3A_77, %dma_wait3A_79, %dma_wait3A_80] : memref<8x128x64xf32, #tpu.memory_space<vmem>> -> memref<1x128x64xf32, #tpu.memory_space<vmem>>
    %dma_wait3A_82 = tpu.memref_squeeze %dma_wait3A_81 : memref<1x128x64xf32, #tpu.memory_space<vmem>> -> memref<128x64xf32, #tpu.memory_space<vmem>>
    %dma_wait3A_83 = arith.constant 0 : i32
    %dma_wait3A_84 = tpu.memref_slice %arg7[%dma_wait3A_78, %dma_wait3A_83] : memref<80x128xi32, #tpu.memory_space<vmem>> -> memref<1x128xi32, #tpu.memory_space<vmem>>
    %dma_wait3A_85 = tpu.memref_squeeze %dma_wait3A_84 : memref<1x128xi32, #tpu.memory_space<vmem>> -> memref<128xi32, #tpu.memory_space<vmem>>
    %dma_wait3A_86 = arith.constant 0 : i32
    %dma_wait3A_87 = arith.constant 0 : i32
    %dma_wait3A_88 = tpu.memref_slice %arg9[%dma_wait3A_86, %dma_wait3A_87] : memref<10240x64xf32, #tpu.memory_space<vmem_shared>> -> memref<10240x64xf32, #tpu.memory_space<vmem_shared>>
    tpu.wait_indirect_dma semaphore(%arg23 : memref<!tpu.dma_semaphore, #tpu.memory_space<semaphore_mem>>) src(%dma_wait3A_82 : memref<128x64xf32, #tpu.memory_space<vmem>>) dst(%dma_wait3A_88 : memref<10240x64xf32, #tpu.memory_space<vmem_shared>>)
    %dma_wait3A_89 = arith.constant 6 : i32
    %dma_wait3A_90 = arith.constant 78 : i32
    %dma_wait3A_91 = arith.constant 0 : i32
    %dma_wait3A_92 = arith.constant 0 : i32
    %dma_wait3A_93 = tpu.memref_slice %arg8[%dma_wait3A_89, %dma_wait3A_91, %dma_wait3A_92] : memref<8x128x64xf32, #tpu.memory_space<vmem>> -> memref<1x128x64xf32, #tpu.memory_space<vmem>>
    %dma_wait3A_94 = tpu.memref_squeeze %dma_wait3A_93 : memref<1x128x64xf32, #tpu.memory_space<vmem>> -> memref<128x64xf32, #tpu.memory_space<vmem>>
    %dma_wait3A_95 = arith.constant 0 : i32
    %dma_wait3A_96 = tpu.memref_slice %arg7[%dma_wait3A_90, %dma_wait3A_95] : memref<80x128xi32, #tpu.memory_space<vmem>> -> memref<1x128xi32, #tpu.memory_space<vmem>>
    %dma_wait3A_97 = tpu.memref_squeeze %dma_wait3A_96 : memref<1x128xi32, #tpu.memory_space<vmem>> -> memref<128xi32, #tpu.memory_space<vmem>>
    %dma_wait3A_98 = arith.constant 0 : i32
    %dma_wait3A_99 = arith.constant 0 : i32
    %dma_wait3A_100 = tpu.memref_slice %arg9[%dma_wait3A_98, %dma_wait3A_99] : memref<10240x64xf32, #tpu.memory_space<vmem_shared>> -> memref<10240x64xf32, #tpu.memory_space<vmem_shared>>
    tpu.wait_indirect_dma semaphore(%arg24 : memref<!tpu.dma_semaphore, #tpu.memory_space<semaphore_mem>>) src(%dma_wait3A_94 : memref<128x64xf32, #tpu.memory_space<vmem>>) dst(%dma_wait3A_100 : memref<10240x64xf32, #tpu.memory_space<vmem_shared>>)
    %dma_wait3A_101 = arith.constant 7 : i32
    %dma_wait3A_102 = arith.constant 79 : i32
    %dma_wait3A_103 = arith.constant 0 : i32
    %dma_wait3A_104 = arith.constant 0 : i32
    %dma_wait3A_105 = tpu.memref_slice %arg8[%dma_wait3A_101, %dma_wait3A_103, %dma_wait3A_104] : memref<8x128x64xf32, #tpu.memory_space<vmem>> -> memref<1x128x64xf32, #tpu.memory_space<vmem>>
    %dma_wait3A_106 = tpu.memref_squeeze %dma_wait3A_105 : memref<1x128x64xf32, #tpu.memory_space<vmem>> -> memref<128x64xf32, #tpu.memory_space<vmem>>
    %dma_wait3A_107 = arith.constant 0 : i32
    %dma_wait3A_108 = tpu.memref_slice %arg7[%dma_wait3A_102, %dma_wait3A_107] : memref<80x128xi32, #tpu.memory_space<vmem>> -> memref<1x128xi32, #tpu.memory_space<vmem>>
    %dma_wait3A_109 = tpu.memref_squeeze %dma_wait3A_108 : memref<1x128xi32, #tpu.memory_space<vmem>> -> memref<128xi32, #tpu.memory_space<vmem>>
    %dma_wait3A_110 = arith.constant 0 : i32
    %dma_wait3A_111 = arith.constant 0 : i32
    %dma_wait3A_112 = tpu.memref_slice %arg9[%dma_wait3A_110, %dma_wait3A_111] : memref<10240x64xf32, #tpu.memory_space<vmem_shared>> -> memref<10240x64xf32, #tpu.memory_space<vmem_shared>>
    tpu.wait_indirect_dma semaphore(%arg25 : memref<!tpu.dma_semaphore, #tpu.memory_space<semaphore_mem>>) src(%dma_wait3A_106 : memref<128x64xf32, #tpu.memory_space<vmem>>) dst(%dma_wait3A_112 : memref<10240x64xf32, #tpu.memory_space<vmem_shared>>)
    %barrier3A_113 = arith.constant 0 : index
    tpu.barrier barrier_id(%barrier3A_113)
    %scan3A_114 = arith.constant 0 : i32
    %scan3A_115 = arith.constant 0 : i32
    %scan3A_116 = arith.constant 5 : i32
    %scan3A_117 = arith.addi %scan3A_115, %scan3A_116 : i32
    %scan3A_118 = arith.constant 1 : i32
    scf.for %scan3A_120 = %scan3A_115 to %scan3A_117 step %scan3A_118  : i32 {
      %mul3A_121 = arith.constant 640 : i32
      %mul3A_122 = arith.muli %arg1, %mul3A_121 : i32
      %mul3A_123 = arith.constant 128 : i32
      %mul3A_124 = arith.muli %scan3A_120, %mul3A_123 : i32
      %add3A_125 = arith.addi %mul3A_122, %mul3A_124 : i32
      %run_scoped3A = arith.constant 0 : i32
      "tpu.region"() ({
        %run_scoped3A_127 = tpu.sem_alloc : memref<!tpu.dma_semaphore, #tpu.memory_space<semaphore_mem>>
        %dma_start3A = arith.constant 0 : i32
        %dma_start3A_128 = arith.constant 0 : i32
        %dma_start3A_129 = tpu.memref_slice %arg8[%run_scoped3A, %dma_start3A, %dma_start3A_128] : memref<8x128x64xf32, #tpu.memory_space<vmem>> -> memref<1x128x64xf32, #tpu.memory_space<vmem>>
        %dma_start3A_130 = tpu.memref_squeeze %dma_start3A_129 : memref<1x128x64xf32, #tpu.memory_space<vmem>> -> memref<128x64xf32, #tpu.memory_space<vmem>>
        %dma_start3A_131 = arith.constant 0 : i32
        %dma_start3A_132 = tpu.memref_slice %arg9[%add3A_125, %dma_start3A_131] : memref<10240x64xf32, #tpu.memory_space<vmem_shared>> -> memref<128x64xf32, #tpu.memory_space<vmem_shared>>
        %dma_start3A_133 = arith.constant 0 : i32
        %dma_start3A_134 = arith.constant 0 : i32
        %dma_start3A_135 = tpu.memref_slice %arg8[%run_scoped3A, %dma_start3A_133, %dma_start3A_134] : memref<8x128x64xf32, #tpu.memory_space<vmem>> -> memref<1x128x64xf32, #tpu.memory_space<vmem>>
        %dma_start3A_136 = tpu.memref_squeeze %dma_start3A_135 : memref<1x128x64xf32, #tpu.memory_space<vmem>> -> memref<128x64xf32, #tpu.memory_space<vmem>>
        %dma_start3A_137 = arith.constant 0 : i32
        %dma_start3A_138 = tpu.memref_slice %arg9[%add3A_125, %dma_start3A_137] : memref<10240x64xf32, #tpu.memory_space<vmem_shared>> -> memref<128x64xf32, #tpu.memory_space<vmem_shared>>
        tpu.enqueue_dma source(%dma_start3A_138 : memref<128x64xf32, #tpu.memory_space<vmem_shared>>) target(%dma_start3A_136 : memref<128x64xf32, #tpu.memory_space<vmem>>) target_semaphore(%run_scoped3A_127 : memref<!tpu.dma_semaphore, #tpu.memory_space<semaphore_mem>>)
        %dma_wait3A_139 = arith.constant 0 : i32
        %dma_wait3A_140 = arith.constant 0 : i32
        %dma_wait3A_141 = tpu.memref_slice %arg8[%run_scoped3A, %dma_wait3A_139, %dma_wait3A_140] : memref<8x128x64xf32, #tpu.memory_space<vmem>> -> memref<1x128x64xf32, #tpu.memory_space<vmem>>
        %dma_wait3A_142 = tpu.memref_squeeze %dma_wait3A_141 : memref<1x128x64xf32, #tpu.memory_space<vmem>> -> memref<128x64xf32, #tpu.memory_space<vmem>>
        %dma_wait3A_143 = arith.constant 0 : i32
        %dma_wait3A_144 = tpu.memref_slice %arg9[%add3A_125, %dma_wait3A_143] : memref<10240x64xf32, #tpu.memory_space<vmem_shared>> -> memref<128x64xf32, #tpu.memory_space<vmem_shared>>
        %dma_wait3A_145 = arith.constant 0 : i32
        %dma_wait3A_146 = arith.constant 0 : i32
        %dma_wait3A_147 = tpu.memref_slice %arg8[%run_scoped3A, %dma_wait3A_145, %dma_wait3A_146] : memref<8x128x64xf32, #tpu.memory_space<vmem>> -> memref<1x128x64xf32, #tpu.memory_space<vmem>>
        %dma_wait3A_148 = tpu.memref_squeeze %dma_wait3A_147 : memref<1x128x64xf32, #tpu.memory_space<vmem>> -> memref<128x64xf32, #tpu.memory_space<vmem>>
        %dma_wait3A_149 = arith.constant 0 : i32
        %dma_wait3A_150 = tpu.memref_slice %arg9[%add3A_125, %dma_wait3A_149] : memref<10240x64xf32, #tpu.memory_space<vmem_shared>> -> memref<128x64xf32, #tpu.memory_space<vmem_shared>>
        tpu.wait_dma2 semaphore(%run_scoped3A_127 : memref<!tpu.dma_semaphore, #tpu.memory_space<semaphore_mem>>) src(%dma_wait3A_150 : memref<128x64xf32, #tpu.memory_space<vmem_shared>>) dst(%dma_wait3A_148 : memref<128x64xf32, #tpu.memory_space<vmem>>)
        tpu.yield
      }) : () -> ()
      %run_scoped3A_126 = arith.constant 0 : i32
      "tpu.region"() ({
        %run_scoped3A_127 = tpu.sem_alloc : memref<!tpu.dma_semaphore, #tpu.memory_space<semaphore_mem>>
        %dma_start3A = arith.constant 0 : i32
        %dma_start3A_128 = arith.constant 0 : i32
        %dma_start3A_129 = tpu.memref_slice %arg8[%run_scoped3A_126, %dma_start3A, %dma_start3A_128] : memref<8x128x64xf32, #tpu.memory_space<vmem>> -> memref<1x128x64xf32, #tpu.memory_space<vmem>>
        %dma_start3A_130 = tpu.memref_squeeze %dma_start3A_129 : memref<1x128x64xf32, #tpu.memory_space<vmem>> -> memref<128x64xf32, #tpu.memory_space<vmem>>
        %dma_start3A_131 = arith.constant 0 : i32
        %dma_start3A_132 = tpu.memref_slice %arg5[%arg0, %add3A_125, %dma_start3A_131] : memref<2x10240x64xf32, #tpu.memory_space<hbm>> -> memref<1x128x64xf32, #tpu.memory_space<hbm>>
        %dma_start3A_133 = tpu.memref_squeeze %dma_start3A_132 : memref<1x128x64xf32, #tpu.memory_space<hbm>> -> memref<128x64xf32, #tpu.memory_space<hbm>>
        %dma_start3A_134 = arith.constant 0 : i32
        %dma_start3A_135 = tpu.memref_slice %arg5[%arg0, %add3A_125, %dma_start3A_134] : memref<2x10240x64xf32, #tpu.memory_space<hbm>> -> memref<1x128x64xf32, #tpu.memory_space<hbm>>
        %dma_start3A_136 = tpu.memref_squeeze %dma_start3A_135 : memref<1x128x64xf32, #tpu.memory_space<hbm>> -> memref<128x64xf32, #tpu.memory_space<hbm>>
        %dma_start3A_137 = arith.constant 0 : i32
        %dma_start3A_138 = arith.constant 0 : i32
        %dma_start3A_139 = tpu.memref_slice %arg8[%run_scoped3A_126, %dma_start3A_137, %dma_start3A_138] : memref<8x128x64xf32, #tpu.memory_space<vmem>> -> memref<1x128x64xf32, #tpu.memory_space<vmem>>
        %dma_start3A_140 = tpu.memref_squeeze %dma_start3A_139 : memref<1x128x64xf32, #tpu.memory_space<vmem>> -> memref<128x64xf32, #tpu.memory_space<vmem>>
        tpu.enqueue_dma source(%dma_start3A_140 : memref<128x64xf32, #tpu.memory_space<vmem>>) target(%dma_start3A_136 : memref<128x64xf32, #tpu.memory_space<hbm>>) target_semaphore(%run_scoped3A_127 : memref<!tpu.dma_semaphore, #tpu.memory_space<semaphore_mem>>)
        %dma_wait3A_141 = arith.constant 0 : i32
        %dma_wait3A_142 = arith.constant 0 : i32
        %dma_wait3A_143 = tpu.memref_slice %arg8[%run_scoped3A_126, %dma_wait3A_141, %dma_wait3A_142] : memref<8x128x64xf32, #tpu.memory_space<vmem>> -> memref<1x128x64xf32, #tpu.memory_space<vmem>>
        %dma_wait3A_144 = tpu.memref_squeeze %dma_wait3A_143 : memref<1x128x64xf32, #tpu.memory_space<vmem>> -> memref<128x64xf32, #tpu.memory_space<vmem>>
        %dma_wait3A_145 = arith.constant 0 : i32
        %dma_wait3A_146 = tpu.memref_slice %arg5[%arg0, %add3A_125, %dma_wait3A_145] : memref<2x10240x64xf32, #tpu.memory_space<hbm>> -> memref<1x128x64xf32, #tpu.memory_space<hbm>>
        %dma_wait3A_147 = tpu.memref_squeeze %dma_wait3A_146 : memref<1x128x64xf32, #tpu.memory_space<hbm>> -> memref<128x64xf32, #tpu.memory_space<hbm>>
        %dma_wait3A_148 = arith.constant 0 : i32
        %dma_wait3A_149 = tpu.memref_slice %arg5[%arg0, %add3A_125, %dma_wait3A_148] : memref<2x10240x64xf32, #tpu.memory_space<hbm>> -> memref<1x128x64xf32, #tpu.memory_space<hbm>>
        %dma_wait3A_150 = tpu.memref_squeeze %dma_wait3A_149 : memref<1x128x64xf32, #tpu.memory_space<hbm>> -> memref<128x64xf32, #tpu.memory_space<hbm>>
        %dma_wait3A_151 = arith.constant 0 : i32
        %dma_wait3A_152 = arith.constant 0 : i32
        %dma_wait3A_153 = tpu.memref_slice %arg8[%run_scoped3A_126, %dma_wait3A_151, %dma_wait3A_152] : memref<8x128x64xf32, #tpu.memory_space<vmem>> -> memref<1x128x64xf32, #tpu.memory_space<vmem>>
        %dma_wait3A_154 = tpu.memref_squeeze %dma_wait3A_153 : memref<1x128x64xf32, #tpu.memory_space<vmem>> -> memref<128x64xf32, #tpu.memory_space<vmem>>
        tpu.wait_dma2 semaphore(%run_scoped3A_127 : memref<!tpu.dma_semaphore, #tpu.memory_space<semaphore_mem>>) src(%dma_wait3A_154 : memref<128x64xf32, #tpu.memory_space<vmem>>) dst(%dma_wait3A_150 : memref<128x64xf32, #tpu.memory_space<hbm>>)
        tpu.yield
      }) : () -> ()
    }
    %scan3A_119 = arith.constant 5 : i32
    return
  }
}

module attributes {stable_mosaic.version = 14 : i64} {
  func.func @_mm1_body(%arg0: i32, %arg1: memref<512x256xf32, #tpu.memory_space<vmem>>, %arg2: memref<256x128xf32, #tpu.memory_space<vmem>>, %arg3: memref<512x128xf32, #tpu.memory_space<vmem>>, %arg4: memref<512x128xf32, #tpu.memory_space<vmem>>) attributes {dimension_semantics = [#tpu.dimension_semantics<arbitrary>], iteration_bounds = array<i64: 10>, scalar_prefetch = 0 : i64, scratch_operands = 0 : i64, tpu.core_type = #tpu.core_type<tc>, window_params = [{transform_indices = @transform_0, window_bounds = array<i64: 512, 256>}, {pipeline_mode = #tpu.pipeline_mode<synchronous>, transform_indices = @transform_1, window_bounds = array<i64: 256, 128>}, {transform_indices = @transform_2, window_bounds = array<i64: 512, 128>}, {transform_indices = @transform_3, window_bounds = array<i64: 512, 128>}]} {
    %get3A = arith.constant 0 : index
    %get3A_0 = arith.constant 0 : index
    %get3A_1 = vector.load %arg1[%get3A, %get3A_0] : memref<512x256xf32, #tpu.memory_space<vmem>>, vector<512x256xf32>
    %get3A_2 = arith.constant 0 : index
    %get3A_3 = arith.constant 0 : index
    %get3A_4 = vector.load %arg2[%get3A_2, %get3A_3] : memref<256x128xf32, #tpu.memory_space<vmem>>, vector<256x128xf32>
    %dot_general3A = arith.constant dense<0.000000e+00> : vector<512x128xf32>
    %dot_general3A_5 = tpu.matmul %get3A_1, %get3A_4, %dot_general3A {dimension_numbers = #tpu.dot_dimension_numbers<[1], [0], [0], [1], [0, 0, 1, 1], [], []>, transpose_lhs_hint = false} : vector<512x256xf32>, vector<256x128xf32>, vector<512x128xf32> -> vector<512x128xf32>
    %get3A_6 = arith.constant 0 : index
    %get3A_7 = arith.constant 0 : index
    %get3A_8 = vector.load %arg3[%get3A_6, %get3A_7] : memref<512x128xf32, #tpu.memory_space<vmem>>, vector<512x128xf32>
    %mul3A = arith.mulf %dot_general3A_5, %get3A_8 : vector<512x128xf32>
    %swap3A = arith.constant 0 : index
    %swap3A_9 = arith.constant 0 : index
    %swap3A_10 = vector.load %arg4[%swap3A, %swap3A_9] : memref<512x128xf32, #tpu.memory_space<vmem>>, vector<512x128xf32>
    tpu.vector_store %arg4[%swap3A, %swap3A_9], %mul3A {strides = array<i32>} : memref<512x128xf32, #tpu.memory_space<vmem>>, vector<512x128xf32>,
    return
  }
  func.func @transform_0(%arg0: i32) -> (i32, i32) {
    %c0_i32 = arith.constant 0 : i32
    %c0_i32_0 = arith.constant 0 : i32
    return %arg0, %c0_i32 : i32, i32
  }
  func.func @transform_1(%arg0: i32) -> (i32, i32) {
    %c0_i32 = arith.constant 0 : i32
    %c0_i32_0 = arith.constant 0 : i32
    %c0_i32_1 = arith.constant 0 : i32
    return %c0_i32, %c0_i32_0 : i32, i32
  }
  func.func @transform_2(%arg0: i32) -> (i32, i32) {
    %c0_i32 = arith.constant 0 : i32
    %c0_i32_0 = arith.constant 0 : i32
    return %arg0, %c0_i32 : i32, i32
  }
  func.func @transform_3(%arg0: i32) -> (i32, i32) {
    %c0_i32 = arith.constant 0 : i32
    %c0_i32_0 = arith.constant 0 : i32
    return %arg0, %c0_i32 : i32, i32
  }
}

module attributes {stable_mosaic.version = 14 : i64} {
  func.func @_mid_body(%arg0: i32, %arg1: memref<2x512x128xf32, #tpu.memory_space<vmem>>, %arg2: memref<512x128xf32, #tpu.memory_space<vmem>>, %arg3: memref<1x128xf32, #tpu.memory_space<vmem>>, %arg4: memref<128x32xf32, #tpu.memory_space<vmem>>, %arg5: memref<512x128xf32, #tpu.memory_space<vmem>>, %arg6: memref<512x32xf32, #tpu.memory_space<vmem>>) attributes {dimension_semantics = [#tpu.dimension_semantics<arbitrary>], iteration_bounds = array<i64: 10>, scalar_prefetch = 0 : i64, scratch_operands = 0 : i64, tpu.core_type = #tpu.core_type<tc>, window_params = [{transform_indices = @transform_0, window_bounds = array<i64: 2, 512, 128>}, {transform_indices = @transform_1, window_bounds = array<i64: 512, 128>}, {pipeline_mode = #tpu.pipeline_mode<synchronous>, transform_indices = @transform_2, window_bounds = array<i64: 1, 128>}, {pipeline_mode = #tpu.pipeline_mode<synchronous>, transform_indices = @transform_3, window_bounds = array<i64: 128, 32>}, {transform_indices = @transform_4, window_bounds = array<i64: 512, 128>}, {transform_indices = @transform_5, window_bounds = array<i64: 512, 32>}]} {
    %get3A = arith.constant 0 : index
    %get3A_0 = arith.constant 0 : index
    %get3A_1 = arith.constant 0 : index
    %get3A_2 = vector.load %arg1[%get3A, %get3A_0, %get3A_1] : memref<2x512x128xf32, #tpu.memory_space<vmem>>, vector<2x512x128xf32>
    %get3A_3 = arith.constant 0 : index
    %get3A_4 = arith.constant 0 : index
    %get3A_5 = vector.load %arg5[%get3A_3, %get3A_4] : memref<512x128xf32, #tpu.memory_space<vmem>>, vector<512x128xf32>
    %slice3A = vector.extract_strided_slice %get3A_2 {offsets = [0, 0, 0], sizes = [1, 512, 128], strides = [1, 1, 1]} : vector<2x512x128xf32> to vector<1x512x128xf32>
    %squeeze3A = vector.shape_cast %slice3A : vector<1x512x128xf32> to vector<512x128xf32>
    %slice3A_6 = vector.extract_strided_slice %get3A_2 {offsets = [1, 0, 0], sizes = [1, 512, 128], strides = [1, 1, 1]} : vector<2x512x128xf32> to vector<1x512x128xf32>
    %squeeze3A_7 = vector.shape_cast %slice3A_6 : vector<1x512x128xf32> to vector<512x128xf32>
    %add3A = arith.addf %squeeze3A, %squeeze3A_7 : vector<512x128xf32>
    %get3A_8 = arith.constant 0 : index
    %get3A_9 = arith.constant 0 : index
    %get3A_10 = vector.load %arg2[%get3A_8, %get3A_9] : memref<512x128xf32, #tpu.memory_space<vmem>>, vector<512x128xf32>
    %add3A_11 = arith.addf %add3A, %get3A_10 : vector<512x128xf32>
    %mul3A = arith.mulf %add3A_11, %get3A_5 : vector<512x128xf32>
    %get3A_12 = arith.constant 0 : index
    %get3A_13 = arith.constant 0 : index
    %get3A_14 = vector.load %arg3[%get3A_12, %get3A_13] : memref<1x128xf32, #tpu.memory_space<vmem>>, vector<1x128xf32>
    %add3A_15 = vector.broadcast %get3A_14 : vector<1x128xf32> to vector<512x128xf32>
    %add3A_16 = arith.addf %mul3A, %add3A_15 : vector<512x128xf32>
    %max3A = arith.constant 0.000000e+00 : f32
    %max3A_17 = vector.broadcast %max3A : f32 to vector<512x128xf32>
    %max3A_18 = arith.maximumf %add3A_16, %max3A_17 : vector<512x128xf32>
    %mul3A_19 = arith.mulf %max3A_18, %get3A_5 : vector<512x128xf32>
    %get3A_20 = arith.constant 0 : index
    %get3A_21 = arith.constant 0 : index
    %get3A_22 = vector.load %arg4[%get3A_20, %get3A_21] : memref<128x32xf32, #tpu.memory_space<vmem>>, vector<128x32xf32>
    %dot_general3A = arith.constant dense<0.000000e+00> : vector<512x32xf32>
    %dot_general3A_23 = tpu.matmul %mul3A_19, %get3A_22, %dot_general3A {dimension_numbers = #tpu.dot_dimension_numbers<[1], [0], [0], [1], [0, 0, 1, 1], [], []>, transpose_lhs_hint = false} : vector<512x128xf32>, vector<128x32xf32>, vector<512x32xf32> -> vector<512x32xf32>
    %swap3A = arith.constant 0 : index
    %swap3A_24 = arith.constant 0 : index
    %swap3A_25 = vector.load %arg6[%swap3A, %swap3A_24] : memref<512x32xf32, #tpu.memory_space<vmem>>, vector<512x32xf32>
    tpu.vector_store %arg6[%swap3A, %swap3A_24], %dot_general3A_23 {strides = array<i32>} : memref<512x32xf32, #tpu.memory_space<vmem>>, vector<512x32xf32>,
    return
  }
  func.func @transform_0(%arg0: i32) -> (i32, i32, i32) {
    %c0_i32 = arith.constant 0 : i32
    %c0_i32_0 = arith.constant 0 : i32
    %c0_i32_1 = arith.constant 0 : i32
    return %c0_i32, %arg0, %c0_i32_0 : i32, i32, i32
  }
  func.func @transform_1(%arg0: i32) -> (i32, i32) {
    %c0_i32 = arith.constant 0 : i32
    %c0_i32_0 = arith.constant 0 : i32
    return %arg0, %c0_i32 : i32, i32
  }
  func.func @transform_2(%arg0: i32) -> (i32, i32) {
    %c0_i32 = arith.constant 0 : i32
    %c0_i32_0 = arith.constant 0 : i32
    %c0_i32_1 = arith.constant 0 : i32
    return %c0_i32, %c0_i32_0 : i32, i32
  }
  func.func @transform_3(%arg0: i32) -> (i32, i32) {
    %c0_i32 = arith.constant 0 : i32
    %c0_i32_0 = arith.constant 0 : i32
    %c0_i32_1 = arith.constant 0 : i32
    return %c0_i32, %c0_i32_0 : i32, i32
  }
  func.func @transform_4(%arg0: i32) -> (i32, i32) {
    %c0_i32 = arith.constant 0 : i32
    %c0_i32_0 = arith.constant 0 : i32
    return %arg0, %c0_i32 : i32, i32
  }
  func.func @transform_5(%arg0: i32) -> (i32, i32) {
    %c0_i32 = arith.constant 0 : i32
    %c0_i32_0 = arith.constant 0 : i32
    return %arg0, %c0_i32 : i32, i32
  }
}

module attributes {stable_mosaic.version = 14 : i64} {
  func.func @_out_body(%arg0: i32, %arg1: memref<2x1024x16xf32, #tpu.memory_space<vmem>>, %arg2: memref<1024x16xf32, #tpu.memory_space<vmem>>, %arg3: memref<1x16xf32, #tpu.memory_space<vmem>>, %arg4: memref<1024x16xf32, #tpu.memory_space<vmem>>, %arg5: memref<1024x16xf32, #tpu.memory_space<vmem>>) attributes {dimension_semantics = [#tpu.dimension_semantics<arbitrary>], iteration_bounds = array<i64: 10>, scalar_prefetch = 0 : i64, scratch_operands = 0 : i64, tpu.core_type = #tpu.core_type<tc>, window_params = [{transform_indices = @transform_0, window_bounds = array<i64: 2, 1024, 16>}, {transform_indices = @transform_1, window_bounds = array<i64: 1024, 16>}, {pipeline_mode = #tpu.pipeline_mode<synchronous>, transform_indices = @transform_2, window_bounds = array<i64: 1, 16>}, {transform_indices = @transform_3, window_bounds = array<i64: 1024, 16>}, {transform_indices = @transform_4, window_bounds = array<i64: 1024, 16>}]} {
    %get3A = arith.constant 0 : index
    %get3A_0 = arith.constant 0 : index
    %get3A_1 = arith.constant 0 : index
    %get3A_2 = vector.load %arg1[%get3A, %get3A_0, %get3A_1] : memref<2x1024x16xf32, #tpu.memory_space<vmem>>, vector<2x1024x16xf32>
    %slice3A = vector.extract_strided_slice %get3A_2 {offsets = [0, 0, 0], sizes = [1, 1024, 16], strides = [1, 1, 1]} : vector<2x1024x16xf32> to vector<1x1024x16xf32>
    %squeeze3A = vector.shape_cast %slice3A : vector<1x1024x16xf32> to vector<1024x16xf32>
    %slice3A_3 = vector.extract_strided_slice %get3A_2 {offsets = [1, 0, 0], sizes = [1, 1024, 16], strides = [1, 1, 1]} : vector<2x1024x16xf32> to vector<1x1024x16xf32>
    %squeeze3A_4 = vector.shape_cast %slice3A_3 : vector<1x1024x16xf32> to vector<1024x16xf32>
    %add3A = arith.addf %squeeze3A, %squeeze3A_4 : vector<1024x16xf32>
    %get3A_5 = arith.constant 0 : index
    %get3A_6 = arith.constant 0 : index
    %get3A_7 = vector.load %arg2[%get3A_5, %get3A_6] : memref<1024x16xf32, #tpu.memory_space<vmem>>, vector<1024x16xf32>
    %add3A_8 = arith.addf %add3A, %get3A_7 : vector<1024x16xf32>
    %get3A_9 = arith.constant 0 : index
    %get3A_10 = arith.constant 0 : index
    %get3A_11 = vector.load %arg4[%get3A_9, %get3A_10] : memref<1024x16xf32, #tpu.memory_space<vmem>>, vector<1024x16xf32>
    %mul3A = arith.mulf %add3A_8, %get3A_11 : vector<1024x16xf32>
    %get3A_12 = arith.constant 0 : index
    %get3A_13 = arith.constant 0 : index
    %get3A_14 = vector.load %arg3[%get3A_12, %get3A_13] : memref<1x16xf32, #tpu.memory_space<vmem>>, vector<1x16xf32>
    %add3A_15 = vector.broadcast %get3A_14 : vector<1x16xf32> to vector<1024x16xf32>
    %add3A_16 = arith.addf %mul3A, %add3A_15 : vector<1024x16xf32>
    %reduce_max3A = arith.constant dense<0xFF800000> : vector<1024xf32>
    %reduce_max3A_17 = vector.multi_reduction <maximumf>, %add3A_16, %reduce_max3A [1] : vector<1024x16xf32> to vector<1024xf32>
    %broadcast_in_dim3A = vector.shape_cast %reduce_max3A_17 : vector<1024xf32> to vector<1024x1xf32>
    %sub3A = vector.broadcast %broadcast_in_dim3A : vector<1024x1xf32> to vector<1024x16xf32>
    %sub3A_18 = arith.subf %add3A_16, %sub3A : vector<1024x16xf32>
    %exp3A = math.exp %sub3A_18 : vector<1024x16xf32>
    %reduce_sum3A = arith.constant dense<0.000000e+00> : vector<1024xf32>
    %reduce_sum3A_19 = vector.multi_reduction <add>, %exp3A, %reduce_sum3A [1] : vector<1024x16xf32> to vector<1024xf32>
    %broadcast_in_dim3A_20 = vector.shape_cast %reduce_sum3A_19 : vector<1024xf32> to vector<1024x1xf32>
    %log3A = math.log %broadcast_in_dim3A_20 : vector<1024x1xf32>
    %add3A_21 = arith.addf %log3A, %broadcast_in_dim3A : vector<1024x1xf32>
    %sub3A_22 = vector.broadcast %add3A_21 : vector<1024x1xf32> to vector<1024x16xf32>
    %sub3A_23 = arith.subf %add3A_16, %sub3A_22 : vector<1024x16xf32>
    %swap3A = arith.constant 0 : index
    %swap3A_24 = arith.constant 0 : index
    %swap3A_25 = vector.load %arg5[%swap3A, %swap3A_24] : memref<1024x16xf32, #tpu.memory_space<vmem>>, vector<1024x16xf32>
    tpu.vector_store %arg5[%swap3A, %swap3A_24], %sub3A_23 {strides = array<i32>} : memref<1024x16xf32, #tpu.memory_space<vmem>>, vector<1024x16xf32>,
    return
  }
  func.func @transform_0(%arg0: i32) -> (i32, i32, i32) {
    %c0_i32 = arith.constant 0 : i32
    %c0_i32_0 = arith.constant 0 : i32
    %c0_i32_1 = arith.constant 0 : i32
    return %c0_i32, %arg0, %c0_i32_0 : i32, i32, i32
  }
  func.func @transform_1(%arg0: i32) -> (i32, i32) {
    %c0_i32 = arith.constant 0 : i32
    %c0_i32_0 = arith.constant 0 : i32
    return %arg0, %c0_i32 : i32, i32
  }
  func.func @transform_2(%arg0: i32) -> (i32, i32) {
    %c0_i32 = arith.constant 0 : i32
    %c0_i32_0 = arith.constant 0 : i32
    %c0_i32_1 = arith.constant 0 : i32
    return %c0_i32, %c0_i32_0 : i32, i32
  }
  func.func @transform_3(%arg0: i32) -> (i32, i32) {
    %c0_i32 = arith.constant 0 : i32
    %c0_i32_0 = arith.constant 0 : i32
    return %arg0, %c0_i32 : i32, i32
  }
  func.func @transform_4(%arg0: i32) -> (i32, i32) {
    %c0_i32 = arith.constant 0 : i32
    %c0_i32_0 = arith.constant 0 : i32
    return %arg0, %c0_i32 : i32, i32
  }
}

</mosaic_0001>

<sc_bundles>
// kernel: kernel.11.cloned.1.call-start
scs
__scs_entry_jumppad:
0x0: {  	(pc) =	sbr.rel $0x88, $3  }
0x1: {  	(tag) =	ssettag $0x0;
	lr =	simm.s32 $0x1  }
0x2: {  	[smem:$0x3F9B] =	sst lr;
	_ =	strace $0xD0000000  }
0x3: {  	_ = 	snop  }
0x4: {  	_ = 	snop  }
0x5: {  	_ = 	snop  }
0x6: {  	_ = 	snop  }
0x7: {  	_ = 	snop  }
__scs_overlays_trampoline_lowered:
0x8: {  	[smem:$0x3FAA] =	sst s0  }
0x9: {  	[smem:$0x3FAB] =	sst s1  }
0xa: {  	[smem:$0x3FAC] =	sst s2  }
0xb: {  	[smem:$0x3FAD] =	sst s3  }
0xc: {  	[smem:$0x3FAE] =	sst s4  }
0xd: {  	[smem:$0x3FAF] =	sst s5  }
0xe: {  	[smem:$0x3FB0] =	sst s6  }
0xf: {  	[smem:$0x3FB1] =	sst s7  }
0x10: {  	[smem:$0x3FB2] =	sst s8  }
0x11: {  	[smem:$0x3FB3] =	sst s9;
	s0 =	simm.s32 @!p0 $0x0  }
0x12: {  	s1 =	sld [smem:$0x3F99];
	s0 =	simm.s32 @p0 $0x1  }
0x13: {  	[smem:$0x3FB4] =	sst s0;
	s0 =	simm.s32 @!p1 $0x0  }
0x14: {  	s2 =	sld [smem:$0x3F98];
	s0 =	simm.s32 @p1 $0x1  }
0x15: {  	[smem:$0x3FB5] =	sst s0;
	s0 =	simm.s32 @!p2 $0x0  }
0x16: {  	s3 =	sld [smem:$0x3FDB];
	s0 =	simm.s32 @p2 $0x1  }
0x17: {  	s4 =	simm.s32 $0x1BF5;
	[smem:$0x3FB7] =	sst s0  }
0x18: {  	s0 =	sld [smem:$0x3F9A];
	_ =	swait.ge [sflag:s4], $0x0  }
0x19: {  	s7 =	sld [smem:$0x3F9B]  }
0x1a: {  	s8 =	sadd.s32 $0xFFFFE003, lr  }
0x1b: {  	s9 =	sadd.s32 $0xFFFFFEF7, lr;
	s5 =	simm.s32 $0xFFFFFFFF;
	p2 =	slt.u32 s8, $0xFFFFF086  }
0x1c: {  	p1 =	slt.u32 s9, $0xF7A;
	s5 =	simm.s32 @!p2 $0x0  }
0x1d: {  	s5 =	simm.s32 @p1 $0x1;
	p0 =	seq.s32 s7, s2  }
0x1e: {  	s7 =	smul.u32 @!p0 $0xF7A, s2;
	p2 =	seq.s32 @!p0 s5, $0x0  }
0x1f: {  	s9 =	smul.u32 $0xF7A, s1;
	s8 =	simm.s32 @!p0 $0x1BF5;
	p2 =	por !p2, p0  }
0x20: {  	[sflag:s8] =	ssyncset.s32 @!p0 $0xFFFFF086;
	s6 =	sadd.s32 @!p0 s3, s7;
	s7 =	simm.s32 @!p0 $0x108  }
0x21: {  	s3 =	sadd.s32 s3, s9;
	s6 =	sadd.s32 @!p0 $0x88, s6;
	s7 =	simm.s32 @p2 $0x1082  }
0x22: {  	[simem:s7], [sflag:s8] =	dma.local @!p0 [hbm:s6], $0xF7A  }
0x23: {  	s9 =	sor.u32 $0xD0000000, s2;
	s6 =	simm.s32 $0x108;
	_ =	swait.ge @!p0 [sflag:s8], $0x0  }
0x24: {  	s3 =	sadd.s32 $0x88, s3;
	s6 =	simm.s32 @!p1 $0x1082;
	[sflag:s4] =	ssyncset.s32 $0xFFFFF086  }
0x25: {  	[simem:s6], [sflag:s4] =	dma.local [hbm:s3], $0xF7A  }
0x26: {  	[smem:$0x3F9B] =	sst s1;
	(tag) =	ssettag s2;
	_ =	strace s9  }
0x27: {  	s1 =	sld [smem:$0x3FAB]  }
0x28: {  	s2 =	sld [smem:$0x3FAC]  }
0x29: {  	s4 =	sld [smem:$0x3FAE]  }
0x2a: {  	p0 =	seq.s32 s5, $0x0;
	s5 =	sld [smem:$0x3FAF]  }
0x2b: {  	s6 =	sld [smem:$0x3FB0]  }
0x2c: {  	s7 =	sld [smem:$0x3FB1]  }
0x2d: {  	s3 =	simm.s32 $0x108;
	s8 =	sld [smem:$0x3FB2]  }
0x2e: {  	s3 =	simm.s32 @!p0 $0x1082;
	s9 =	sld [smem:$0x3FB3]  }
0x2f: {  	lr =	sadd.s32 s0, s3;
	s0 =	sld [smem:$0x3FAA]  }
0x30: {  	s3 =	sld [smem:$0x3FAD]  }
0x31: {  	[smem:$0x3FB6] =	sst s10  }
0x32: {  	s10 =	sld [smem:$0x3FB4];
	_ =	sdelay $0x3  }
0x33: {  	p0 =	seq.s32 s10, $0x1;
	s10 =	sld [smem:$0x3FB6];
	_ =	sdelay $0x3  }
0x34: {  	[smem:$0x3FB6] =	sst s10  }
0x35: {  	s10 =	sld [smem:$0x3FB5];
	_ =	sdelay $0x3  }
0x36: {  	p1 =	seq.s32 s10, $0x1;
	s10 =	sld [smem:$0x3FB6];
	_ =	sdelay $0x3  }
0x37: {  	[smem:$0x3FB6] =	sst s10  }
0x38: {  	s10 =	sld [smem:$0x3FB7]  }
0x39: {  	_ = 	snop;
	(pc) =	sbr.ind lr, $3  }
0x3a: {  	_ = 	snop  }
0x3b: {  	_ = 	snop  }
0x3c: {  	p2 =	seq.s32 s10, $0x1;
	s10 =	sld [smem:$0x3FB6]  }
0x3d: {  	_ =	shalt  }
0x3e: {  	_ =	shalt  }
0x3f: {  	_ =	shalt  }
0x40: {  	_ =	shalt  }
0x41: {  	_ =	shalt  }
0x42: {  	_ =	shalt  }
0x43: {  	_ =	shalt  }
0x44: {  	_ =	shalt  }
0x45: {  	_ =	shalt  }
0x46: {  	_ =	shalt  }
0x47: {  	_ =	shalt  }
0x48: {  	_ =	shalt  }
0x49: {  	_ =	shalt  }
0x4a: {  	_ =	shalt  }
0x4b: {  	_ =	shalt  }
0x4c: {  	_ =	shalt  }
0x4d: {  	_ =	shalt  }
0x4e: {  	_ =	shalt  }
0x4f: {  	_ =	shalt  }
0x50: {  	_ =	shalt  }
0x51: {  	_ =	shalt  }
0x52: {  	_ =	shalt  }
0x53: {  	_ =	shalt  }
0x54: {  	_ =	shalt  }
0x55: {  	_ =	shalt  }
0x56: {  	_ =	shalt  }
0x57: {  	_ =	shalt  }
0x58: {  	_ =	shalt  }
0x59: {  	_ =	shalt  }
0x5a: {  	_ =	shalt  }
0x5b: {  	_ =	shalt  }
0x5c: {  	_ =	shalt  }
0x5d: {  	_ =	shalt  }
0x5e: {  	_ =	shalt  }
0x5f: {  	_ =	shalt  }
0x60: {  	_ =	shalt  }
0x61: {  	_ =	shalt  }
0x62: {  	_ =	shalt  }
0x63: {  	_ =	shalt  }
0x64: {  	_ =	shalt  }
0x65: {  	_ =	shalt  }
0x66: {  	_ =	shalt  }
0x67: {  	_ =	shalt  }
0x68: {  	_ =	shalt  }
0x69: {  	_ =	shalt  }
0x6a: {  	_ =	shalt  }
0x6b: {  	_ =	shalt  }
0x6c: {  	_ =	shalt  }
0x6d: {  	_ =	shalt  }
0x6e: {  	_ =	shalt  }
0x6f: {  	_ =	shalt  }
0x70: {  	_ =	shalt  }
0x71: {  	_ =	shalt  }
0x72: {  	_ =	shalt  }
0x73: {  	_ =	shalt  }
0x74: {  	_ =	shalt  }
0x75: {  	_ =	shalt  }
0x76: {  	_ =	shalt  }
0x77: {  	_ =	shalt  }
0x78: {  	_ =	shalt  }
0x79: {  	_ =	shalt  }
0x7a: {  	_ =	shalt  }
0x7b: {  	_ =	shalt  }
0x7c: {  	_ =	shalt  }
0x7d: {  	_ =	shalt  }
0x7e: {  	_ =	shalt  }
0x7f: {  	_ =	shalt  }
0x80: {  	_ =	shalt  }
0x81: {  	_ =	shalt  }
0x82: {  	_ =	shalt  }
0x83: {  	_ =	shalt  }
0x84: {  	_ =	shalt  }
0x85: {  	_ =	shalt  }
0x86: {  	_ =	shalt  }
0x87: {  	_ =	shalt  }
.Lfunc_end0:
.L_simem_size_0:
called_computation.1_lowered:
.L_overlay_start_0:
0x88: {  	s2 =	sld [smem:$0x3FD9]  }
0x89: {  	s3 =	sld [smem:$0x3FFE];
	_ =	sdelay $0x1  }
0x8a: {  	s1 =	srdreg.scid  }
0x8b: {  	s0 =	sand.u32 $0x1, s1  }
0x8c: {  	s16 =	sshll.u32 s0, $0xA;
	s2 =	sadd.s32 s3, s2  }
0x8d: {  	s2 =	sadd.s32 s2, s16  }
0x8e: {  	[smem:$0x3FC2] =	sst s2  }
0x8f: {  	_ = 	snop  }
0x90: {  	(tm) =	ssettm $0x1  }
0x91: {  	s17 =	sld [smem:$0x3FFB];
	_ =	sdelay $0x3  }
0x92: {  	_ =	strace s17  }
0x93: {  	s2 =	sld [smem:$0x3FFC];
	_ =	sdelay $0x3  }
0x94: {  	_ =	strace s2  }
0x95: {  	s2 =	sld [smem:$0x3FFD];
	_ =	sdelay $0x3  }
0x96: {  	_ =	strace s2  }
0x97: {  	_ =	strace $0x8FFFFFFF  }
0x98: {  	s18 =	sld [smem:$0x3FDB];
	_ =	sdelay $0x1  }
0x99: {  	s19 =	simm.s32 $_scs_section_size  }
0x9a: {  	s4 =	simm.s32 $_size__tile_overlayer_lowered;
	s5 =	simm.s32 $_tile_overlayer_lowered  }
0x9b: {  	s22 =	simm.s32 $0x1BFF;
	s21 =	sshll.u32 s5, $0x1;
	s2 =	sadd.s32 s19, s18  }
0x9c: {  	s6 =	simm.s32 $0x0;
	s20 =	sshll.u32 s4, $0x1;
	s4 =	sadd.s32 s21, s2  }
0x9d: {  	[timem:s6], [sflag:s22] =	dma.local [hbm:s4], s20  }
0x9e: {  	_ =	swait.ge [sflag:s22], s20  }
0x9f: {  	s3 =	ssub.s32 $0x0, s20;
	[sflag:s22] =	ssyncset.done $0x0  }
0xa0: {  	[sflag:s22] =	ssyncadd.s32 s3;
	_ =	sdelay $0x1  }
0xa1: {  	s23 =	simm.s32 $0x1B8B  }
0xa2: {  	_ =	swait.ge [sflag:s23], $0x1  }
0xa3: {  	[sflag:s23] =	ssyncset.done $0x0  }
0xa4: {  	s25 =	simm.s32 $0x1B8E;
	s24 =	sld [smem:$0x3FFE];
	[sflag:s23] =	ssyncadd.s32 $0xFFFFFFFF  }
0xa5: {  	s26 =	simm.s32 $execute0_lowered;
	[smem:$0x3FD2] =	sst s25  }
0xa6: {  	s4 =	sshll.u32 s26, $0x1;
	_ =	strace $0x80000049;
	[dreg:$0x1] =	wrdreg $0xFFFFFFFF  }
0xa7: {  	s28 =	simm.s32 $_size_execute0_lowered;
	s2 =	sadd.s32 s2, s4;
	[dreg:$0x0] =	wrdreg $0x0  }
0xa8: {  	s4 =	sshll.u32 s28, $0x1;
	[dreg:$0x2] =	wrdreg s2  }
0xa9: {  	[dreg:$0x3] =	wrdreg s4  }
0xaa: {  	[dreg:$0x4] =	wrdreg $0xC0  }
0xab: {  	_ =	task [dreg:s6], $0x5FFFF  }
0xac: {  	[dreg:$0x1] =	wrdreg $0xFFFFFFFF  }
0xad: {  	[dreg:$0x0] =	wrdreg $0x60  }
0xae: {  	[dreg:$0x2] =	wrdreg s24  }
0xaf: {  	[dreg:$0x3] =	wrdreg $0x150000  }
0xb0: {  	[dreg:$0x4] =	wrdreg $0x9  }
0xb1: {  	_ =	task.clear_ibuf [dreg:s6], $0x5FFFF;
	_ =	strace $0x90000049  }
0xb2: {  	s29 =	simm.s32 $0x9;
	_ =	strace $0x8000004B  }
0xb3: {  	_ =	swait.ge [sflag:s29], $0x1  }
0xb4: {  	[sflag:s29] =	ssyncadd.s32 $0xFFFFFFFF  }
0xb5: {  	_ =	strace $0x9000004B  }
0xb6: {  	_ =	sfence  }
0xb7: {  	s30 =	sld [smem:$0x0];
	_ =	sdelay $0x2  }
0xb8: {  	s31 =	sshll.u32 s1, $0xD;
	s1 =	sshrl.u32 s1, $0x2  }
0xb9: {  	s3 =	sand.u32 $0x4000, s31;
	s1 =	sadd.s32 s1, s30  }
0xba: {  	s0 =	sor.u32 s3, s0;
	s1 =	sshll.u32 s1, $0x11  }
0xbb: {  	s0 =	sor.u32 s1, s0  }
0xbc: {  	s0 =	sadd.s32 $0x8F2B, s0  }
0xbd: {  	[sflag:s0] =	ssyncadd.remote.s32 $0x1  }
0xbe: {  	_ =	sfence.sel $0xFFFF  }
0xbf: {  	[dreg:$0x0] =	wrdreg $0xFFFFFFFF;
	(pc) =	sbr.abs _section_cstart, $3  }
0xc0: {  	[dreg:$0x1] =	wrdreg $0xFFFFFFFF  }
0xc1: {  	_ =	task.clear_ibuf [dreg:s6], $0x2FFFF;
	_ =	strace $0x9FFFFFFF  }
0xc2: {  	(tm) =	ssettm $0x7FFFFFFF  }
0xc3: {  	_ =	shalt  }
tec
execute0_lowered:
.L_overlay_start_1:
0x0: {  	(tag) =	ssettag $0x1  }
0x1: {  	s0 =	rddreg [dreg:$0x0]  }
0x2: {  	s1 =	srdreg.scid;
	s9 =	stileid.u32  }
0x3: {  	s2 =	rddreg [dreg:$0x1];
	s3 =	simm.s32 $0x0;
	s28 =	simm.s32 $0x13000  }
0x4: {  	s29 =	simm.s32 $0x1;
	s30 =	simm.s32 $0x2;
	s1 =	sand.u32 $0x1, s1  }
0x5: {  	s4 =	sshll.u32 s9, $0x1;
	[smem:$0x7FF] =	sst s3;
	s6 =	smul.u32 $0x28000, s9  }
0x6: {  	s4 =	sor.u32 s1, s4;
	s14 =	ssub.s32 $0x2, s1;
	s1 =	smul.u32 $0xA0000, s1  }
0x7: {  	s31 =	simm.s32 $0x3;
	_ =	strace $0x8000004A;
	s5 =	smul.u32 $0x500, s4  }
0x8: {  	s4 =	sadd.s32 $0x16400, s0;
	s8 =	sshrl.u32 s14, $0x1;
	s6 =	sshrl.u32 s6, $0x2  }
0x9: {  	s8 =	ssub.s32 s14, s8;
	s15 =	sadd.s32 s6, s2;
	s6 =	smul.u32 $0xA000, s9  }
0xa: {  	s7 =	sadd.s32 s5, s0;
	s18 =	smax.u32 s8, $0x1;
	[dreg:$0x9] =	wrdreg s15  }
0xb: {  	s0 =	sadd.s32 $0x2F400, s0;
	s19 =	sadd.s32 $0x2000, s15;
	[dreg:$0xd] =	wrdreg s18  }
0xc: {  	s20 =	sadd.s32 $0x4000, s15;
	s21 =	sadd.s32 $0x6000, s15;
	[dreg:$0xe] =	wrdreg s19  }
0xd: {  	s5 =	sadd.s32 $0x8000, s15;
	s16 =	sadd.s32 $0xC400, s7;
	[dreg:$0xf] =	wrdreg s20  }
0xe: {  	s7 =	sadd.s32 $0x2400, s7;
	s17 =	sadd.s32 s6, s2;
	[dreg:$0x10] =	wrdreg s21  }
0xf: {  	s22 =	sadd.s32 s1, s6;
	[dreg:$0x11] =	wrdreg s5;
	s23 =	sadd.s32 $0x2000, s6  }
0x10: {  	s26 =	sadd.s32 $0x4000, s6;
	s14 =	sadd.s32 $0x6000, s6;
	[dreg:$0xa] =	wrdreg s16  }
0x11: {  	s6 =	sadd.s32 $0x8000, s6;
	s21 =	simm.s32 $0x7000;
	[dreg:$0xb] =	wrdreg s7  }
0x12: {  	[dreg:$0xc] =	wrdreg s17;
	s7 =	sshrl.u32 s22, $0x3;
	s25 =	sadd.s32 s1, s23  }
0x13: {  	s10 =	sadd.s32 s23, s2;
	s11 =	sadd.s32 s1, s26;
	s15 =	sadd.s32 s26, s2  }
0x14: {  	s17 =	sadd.s32 s1, s14;
	s18 =	sadd.s32 s14, s2;
	[dreg:$0x3] =	wrdreg s21  }
0x15: {  	s20 =	sadd.s32 s6, s2;
	s1 =	sadd.s32 s1, s6;
	[dreg:$0x13] =	wrdreg s10  }
0x16: {  	s22 =	simm.s32 $0x9000;
	s23 =	simm.s32 $0xB000;
	[dreg:$0x15] =	wrdreg s15  }
0x17: {  	s26 =	simm.s32 $0x11000;
	s6 =	simm.s32 $0x7;
	[dreg:$0x17] =	wrdreg s18  }
0x18: {  	s14 =	simm.s32 $0xF;
	s24 =	sadd.s32 s0, s7;
	[dreg:$0x19] =	wrdreg s20  }
0x19: {  	s7 =	sshrl.u32 s25, $0x3;
	s13 =	sshrl.u32 s11, $0x3;
	[dreg:$0x4] =	wrdreg s22  }
0x1a: {  	s1 =	sshrl.u32 s1, $0x3;
	[dreg:$0x5] =	wrdreg s23;
	s23 =	simm.s32 $0x5000  }
0x1b: {  	s25 =	simm.s32 $0xF000;
	[dreg:$0x8] =	wrdreg s26;
	s26 =	simm.s32 $0x80  }
0x1c: {  	s15 =	simm.s32 $0x10;
	[dreg:$0x12] =	wrdreg s24;
	s12 =	sadd.s32 s0, s7  }
0x1d: {  	s16 =	sadd.s32 s0, s13;
	s7 =	sshrl.u32 s17, $0x3;
	[dreg:$0x7] =	wrdreg s25  }
0x1e: {  	s24 =	simm.s32 $0xD000;
	s25 =	simm.s32 $0x6;
	[dreg:$0x14] =	wrdreg s12  }
0x1f: {  	s13 =	simm.s32 $0xE;
	[dreg:$0x16] =	wrdreg s16;
	s19 =	sadd.s32 s0, s7  }
0x20: {  	s0 =	sadd.s32 s0, s1;
	[dreg:$0x6] =	wrdreg s24;
	s24 =	simm.s32 $0x11  }
0x21: {  	s1 =	simm.s32 $0x4;
	s7 =	simm.s32 $0x8;
	[dreg:$0x18] =	wrdreg s19  }
0x22: {  	v0 =	vimm.f32 $0.0e+00;
	s16 =	simm.s32 $0x0;
	[dreg:$0x1a] =	wrdreg s0;
	s0 =	simm.s32 $0x5  }
.LBB2_1:
0x23: {  	s18 =	simm.s32 $0x100;
	s17 =	simm.s32 $0x0  }
.LBB2_2:
0x24: {  	p0 =	sne.s32 s18, $0x7F00;
	[tilespmem:s17+$0x5030] =	vst v0;
	s19 =	smov.u32 s18;
	s18 =	sadd.s32 $0x100, s18  }
.Ltmp0:
0x25: {  	[tilespmem:s17+$0x5020] =	vst v0;
	(pc) =	sbr.rel @p0 .LBB2_2-.Ltmp0, $3  }
0x26: {  	[tilespmem:s17+$0x5000] =	vst v0  }
0x27: {  	[tilespmem:s17+$0x5010] =	vst v0;
	_ =	sdelay $0x1  }
0x28: {  	s17 =	sshra.s32 s19, $0x2  }
0x29: {  	[tilespmem:s17+$0x5030] =	vst v0  }
0x2a: {  	[tilespmem:s17+$0x5020] =	vst v0  }
0x2b: {  	[tilespmem:s17+$0x5000] =	vst v0  }
0x2c: {  	[tilespmem:s17+$0x5010] =	vst v0;
	s5 =	rddreg [dreg:$0x9]  }
0x2d: {  	[spmem:s5] =	stream.linear.scatter [tilespmem:s23], [sflag:$0x11], $0x2000, $0x38;
	[tilespmem:$0x1F000] =	vst v63  }
0x2e: {  	_ =	swait.ge [sflag:s24], $0x2000  }
0x2f: {  	[sflag:s24] =	ssyncset.done $0x0  }
0x30: {  	s12 =	rddreg [dreg:$0xe];
	[sflag:s24] =	ssyncadd.s32 $0xFFFFE000  }
0x31: {  	[spmem:s12] =	stream.linear.scatter [tilespmem:s23], [sflag:$0x11], $0x2000, $0x38;
	[tilespmem:$0x1F000] =	vst v63  }
0x32: {  	_ =	swait.ge [sflag:s24], $0x2000  }
0x33: {  	[sflag:s24] =	ssyncset.done $0x0  }
0x34: {  	s17 =	rddreg [dreg:$0xf];
	[sflag:s24] =	ssyncadd.s32 $0xFFFFE000  }
0x35: {  	[spmem:s17] =	stream.linear.scatter [tilespmem:s23], [sflag:$0x11], $0x2000, $0x38;
	[tilespmem:$0x1F000] =	vst v63  }
0x36: {  	_ =	swait.ge [sflag:s24], $0x2000  }
0x37: {  	[sflag:s24] =	ssyncset.done $0x0  }
0x38: {  	s18 =	rddreg [dreg:$0x10];
	[sflag:s24] =	ssyncadd.s32 $0xFFFFE000  }
0x39: {  	[spmem:s18] =	stream.linear.scatter [tilespmem:s23], [sflag:$0x11], $0x2000, $0x38;
	[tilespmem:$0x1F000] =	vst v63  }
0x3a: {  	_ =	swait.ge [sflag:s24], $0x2000  }
0x3b: {  	[sflag:s24] =	ssyncset.done $0x0  }
0x3c: {  	s19 =	rddreg [dreg:$0x11];
	[sflag:s24] =	ssyncadd.s32 $0xFFFFE000  }
0x3d: {  	[spmem:s19] =	stream.linear.scatter [tilespmem:s23], [sflag:$0x11], $0x2000, $0x38;
	[tilespmem:$0x1F000] =	vst v63  }
0x3e: {  	_ =	swait.ge [sflag:s24], $0x2000  }
0x3f: {  	[sflag:s24] =	ssyncset.done $0x0  }
0x40: {  	[sflag:s24] =	ssyncadd.s32 $0xFFFFE000  }
0x41: {  	[bflag:$0x0] =	sbarrier.arrive $0xFFFF  }
0x42: {  	s20 =	simm.s32 $0x0;
	s21 =	rddreg [dreg:$0xa]  }
0x43: {  	[tilespmem:s20], [sflag:$0x11] =	stream.linear.gather [hbm4b:s21+s20], $0x2800, $0x38;
	[tilespmem:$0x1F000] =	vst v63  }
0x44: {  	_ =	swait.ge [sflag:s24], $0x2800  }
0x45: {  	[sflag:s24] =	ssyncset.done $0x0  }
0x46: {  	s8 =	simm.s32 $0x2800;
	s22 =	rddreg [dreg:$0xb];
	[sflag:s24] =	ssyncadd.s32 $0xFFFFD800  }
0x47: {  	[tilespmem:s8], [sflag:$0x11] =	stream.linear.gather [hbm4b:s22+s20], $0x2800, $0x38;
	[tilespmem:$0x1F000] =	vst v63  }
0x48: {  	_ =	swait.ge [sflag:s24], $0x2800  }
0x49: {  	p0 =	por $0x0, $0x0;
	[sflag:s24] =	ssyncset.done $0x0  }
0x4a: {  	s17 =	simm.s32 @p0 $0x9;
	[sflag:s24] =	ssyncadd.s32 $0xFFFFD800  }
0x4b: {  	_ =	swait.ge @p0 [sflag:s17], $0x2000  }
0x4c: {  	s18 =	simm.s32 @p0 $0x5000;
	s19 =	simm.s32 @p0 $0xA;
	[sflag:s17] =	ssyncset.done @p0 $0x0  }
0x4d: {  	s20 =	simm.s32 @p0 $0x80;
	[sflag:s17] =	ssyncadd.s32 @p0 $0xFFFFE000;
	s17 =	simm.s32 @p0 $0x0  }
0x4e: {  	[tilespmem:s18], [sflag:$0x1] =	stream.indirect.gather @p0 [hbm4b:s4+s20], $0x40, s17, s20, $0xb8;
	[tilespmem:$0x1F000] =	vst v63  }
0x4f: {  	_ =	swait.ge @p0 [sflag:s19], $0x2000  }
0x50: {  	s17 =	simm.s32 @p0 $0x80;
	[sflag:s19] =	ssyncset.done @p0 $0x0  }
0x51: {  	s18 =	simm.s32 @p0 $0x7000;
	[sflag:s19] =	ssyncadd.s32 @p0 $0xFFFFE000;
	s19 =	simm.s32 @p0 $0xB  }
0x52: {  	[tilespmem:s18], [sflag:$0x2] =	stream.indirect.gather @p0 [hbm4b:s4+s20], $0x40, s17, s20, $0xb8;
	[tilespmem:$0x1F000] =	vst v63  }
0x53: {  	_ =	swait.ge @p0 [sflag:s19], $0x2000  }
0x54: {  	s17 =	simm.s32 @p0 $0x100;
	[sflag:s19] =	ssyncset.done @p0 $0x0  }
0x55: {  	s18 =	simm.s32 @p0 $0x9000;
	[sflag:s19] =	ssyncadd.s32 @p0 $0xFFFFE000;
	s19 =	simm.s32 @p0 $0xC  }
0x56: {  	[tilespmem:s18], [sflag:$0x3] =	stream.indirect.gather @p0 [hbm4b:s4+s20], $0x40, s17, s20, $0xb8;
	[tilespmem:$0x1F000] =	vst v63  }
0x57: {  	_ =	swait.ge @p0 [sflag:s19], $0x2000  }
0x58: {  	s17 =	simm.s32 @p0 $0x180;
	[sflag:s19] =	ssyncset.done @p0 $0x0  }
0x59: {  	s18 =	simm.s32 @p0 $0xB000;
	[sflag:s19] =	ssyncadd.s32 @p0 $0xFFFFE000;
	s19 =	simm.s32 @p0 $0xD  }
0x5a: {  	[tilespmem:s18], [sflag:$0x4] =	stream.indirect.gather @p0 [hbm4b:s4+s20], $0x40, s17, s20, $0xb8;
	[tilespmem:$0x1F000] =	vst v63  }
0x5b: {  	_ =	swait.ge @p0 [sflag:s19], $0x2000  }
0x5c: {  	s17 =	simm.s32 @p0 $0x200;
	[sflag:s19] =	ssyncset.done @p0 $0x0  }
0x5d: {  	s18 =	simm.s32 @p0 $0xD000;
	[sflag:s19] =	ssyncadd.s32 @p0 $0xFFFFE000;
	s19 =	simm.s32 @p0 $0xE  }
0x5e: {  	[tilespmem:s18], [sflag:$0x5] =	stream.indirect.gather @p0 [hbm4b:s4+s20], $0x40, s17, s20, $0xb8;
	[tilespmem:$0x1F000] =	vst v63  }
0x5f: {  	_ =	swait.ge @p0 [sflag:s19], $0x2000  }
0x60: {  	s17 =	simm.s32 @p0 $0x280;
	[sflag:s19] =	ssyncset.done @p0 $0x0  }
0x61: {  	s18 =	simm.s32 @p0 $0xF000;
	[sflag:s19] =	ssyncadd.s32 @p0 $0xFFFFE000;
	s19 =	simm.s32 @p0 $0xF  }
0x62: {  	[tilespmem:s18], [sflag:$0x6] =	stream.indirect.gather @p0 [hbm4b:s4+s20], $0x40, s17, s20, $0xb8;
	[tilespmem:$0x1F000] =	vst v63  }
0x63: {  	_ =	swait.ge @p0 [sflag:s19], $0x2000  }
0x64: {  	s17 =	simm.s32 @p0 $0x300;
	[sflag:s19] =	ssyncset.done @p0 $0x0  }
0x65: {  	s18 =	simm.s32 @p0 $0x11000;
	[sflag:s19] =	ssyncadd.s32 @p0 $0xFFFFE000;
	s19 =	simm.s32 @p0 $0x10  }
0x66: {  	[tilespmem:s18], [sflag:$0x7] =	stream.indirect.gather @p0 [hbm4b:s4+s20], $0x40, s17, s20, $0xb8;
	[tilespmem:$0x1F000] =	vst v63  }
0x67: {  	_ =	swait.ge @p0 [sflag:s19], $0x2000  }
0x68: {  	s17 =	simm.s32 @!p0 $0x5000;
	[sflag:s19] =	ssyncset.done @p0 $0x0  }
0x69: {  	s18 =	simm.s32 @!p0 $0x0;
	[sflag:s19] =	ssyncadd.s32 @p0 $0xFFFFE000;
	s19 =	simm.s32 @!p0 $0x80  }
0x6a: {  	[tilespmem:s17], [sflag:$0x1] =	stream.indirect.gather @!p0 [hbm4b:s4+s19], $0x40, s18, s19, $0xb8;
	[tilespmem:$0x1F000] =	vst v63  }
0x6b: {  	s17 =	simm.s32 @!p0 $0x7000  }
0x6c: {  	[tilespmem:s17], [sflag:$0x2] =	stream.indirect.gather @!p0 [hbm4b:s4+s19], $0x40, s19, s19, $0xb8;
	[tilespmem:$0x1F000] =	vst v63  }
0x6d: {  	s18 =	simm.s32 @!p0 $0x9000;
	s17 =	simm.s32 @!p0 $0x100  }
0x6e: {  	[tilespmem:s18], [sflag:$0x3] =	stream.indirect.gather @!p0 [hbm4b:s4+s19], $0x40, s17, s19, $0xb8;
	[tilespmem:$0x1F000] =	vst v63  }
0x6f: {  	s17 =	simm.s32 @!p0 $0x180;
	s18 =	simm.s32 @!p0 $0xB000  }
0x70: {  	[tilespmem:s18], [sflag:$0x4] =	stream.indirect.gather @!p0 [hbm4b:s4+s19], $0x40, s17, s19, $0xb8;
	[tilespmem:$0x1F000] =	vst v63  }
0x71: {  	s17 =	simm.s32 @!p0 $0x200;
	s18 =	simm.s32 @!p0 $0xD000  }
0x72: {  	[tilespmem:s18], [sflag:$0x5] =	stream.indirect.gather @!p0 [hbm4b:s4+s19], $0x40, s17, s19, $0xb8;
	[tilespmem:$0x1F000] =	vst v63  }
0x73: {  	s17 =	simm.s32 @!p0 $0x280;
	s18 =	simm.s32 @!p0 $0xF000  }
0x74: {  	[tilespmem:s18], [sflag:$0x6] =	stream.indirect.gather @!p0 [hbm4b:s4+s19], $0x40, s17, s19, $0xb8;
	[tilespmem:$0x1F000] =	vst v63  }
0x75: {  	s17 =	simm.s32 @!p0 $0x300;
	s18 =	simm.s32 @!p0 $0x11000  }
0x76: {  	[tilespmem:s18], [sflag:$0x7] =	stream.indirect.gather @!p0 [hbm4b:s4+s19], $0x40, s17, s19, $0xb8;
	[tilespmem:$0x1F000] =	vst v63  }
0x77: {  	s9 =	simm.s32 $0x380  }
0x78: {  	[tilespmem:s28], [sflag:$0x8] =	stream.indirect.gather [hbm4b:s4+s26], $0x40, s9, s26, $0xb8;
	[tilespmem:$0x1F000] =	vst v63  }
0x79: {  	_ =	swait.ge [sflag:s29], $0x2000  }
0x7a: {  	[sflag:s29] =	ssyncset.done $0x0  }
0x7b: {  	s10 =	simm.s32 $0x2800;
	[sflag:s29] =	ssyncadd.s32 $0xFFFFE000  }
0x7c: {  	[spmem:s2] =	stream.indirect.scatter.add.f32 [tilespmem:s23], [sflag:$0x9], $0x40, s10, s26, $0xb8;
	[tilespmem:$0x1F000] =	vst v63  }
0x7d: {  	s17 =	simm.s32 @p0 $0x80;
	_ =	swait.ge [sflag:s30], $0x2000  }
0x7e: {  	s17 =	simm.s32 @!p0 $0x80;
	[sflag:s30] =	ssyncset.done $0x0  }
0x7f: {  	s17 =	sadd.s32 $0x2800, s17;
	s11 =	rddreg [dreg:$0x3];
	[sflag:s30] =	ssyncadd.s32 $0xFFFFE000  }
0x80: {  	[spmem:s2] =	stream.indirect.scatter.add.f32 [tilespmem:s11], [sflag:$0xA], $0x40, s17, s26, $0xb8;
	[tilespmem:$0x1F000] =	vst v63  }
0x81: {  	s17 =	simm.s32 @p0 $0x100;
	_ =	swait.ge [sflag:s31], $0x2000  }
0x82: {  	s17 =	simm.s32 @!p0 $0x100;
	[sflag:s31] =	ssyncset.done $0x0  }
0x83: {  	s12 =	rddreg [dreg:$0x4];
	s17 =	sadd.s32 $0x2800, s17;
	[sflag:s31] =	ssyncadd.s32 $0xFFFFE000  }
0x84: {  	[spmem:s2] =	stream.indirect.scatter.add.f32 [tilespmem:s12], [sflag:$0xB], $0x40, s17, s26, $0xb8;
	[tilespmem:$0x1F000] =	vst v63  }
0x85: {  	s17 =	simm.s32 @p0 $0x180;
	_ =	swait.ge [sflag:s1], $0x2000  }
0x86: {  	s17 =	simm.s32 @!p0 $0x180;
	[sflag:s1] =	ssyncset.done $0x0  }
0x87: {  	s19 =	rddreg [dreg:$0x5];
	s17 =	sadd.s32 $0x2800, s17;
	[sflag:s1] =	ssyncadd.s32 $0xFFFFE000  }
0x88: {  	[spmem:s2] =	stream.indirect.scatter.add.f32 [tilespmem:s19], [sflag:$0xC], $0x40, s17, s26, $0xb8;
	[tilespmem:$0x1F000] =	vst v63  }
0x89: {  	s17 =	simm.s32 @p0 $0x200;
	_ =	swait.ge [sflag:s0], $0x2000  }
0x8a: {  	s17 =	simm.s32 @!p0 $0x200;
	[sflag:s0] =	ssyncset.done $0x0  }
0x8b: {  	s20 =	rddreg [dreg:$0x6];
	s17 =	sadd.s32 $0x2800, s17;
	[sflag:s0] =	ssyncadd.s32 $0xFFFFE000  }
0x8c: {  	[spmem:s2] =	stream.indirect.scatter.add.f32 [tilespmem:s20], [sflag:$0xD], $0x40, s17, s26, $0xb8;
	[tilespmem:$0x1F000] =	vst v63  }
0x8d: {  	s17 =	simm.s32 @p0 $0x280;
	_ =	swait.ge [sflag:s25], $0x2000  }
0x8e: {  	s17 =	simm.s32 @!p0 $0x280;
	[sflag:s25] =	ssyncset.done $0x0  }
0x8f: {  	s21 =	rddreg [dreg:$0x7];
	s17 =	sadd.s32 $0x2800, s17;
	[sflag:s25] =	ssyncadd.s32 $0xFFFFE000  }
0x90: {  	[spmem:s2] =	stream.indirect.scatter.add.f32 [tilespmem:s21], [sflag:$0xE], $0x40, s17, s26, $0xb8;
	[tilespmem:$0x1F000] =	vst v63  }
0x91: {  	s17 =	simm.s32 $0x300;
	_ =	swait.ge [sflag:s6], $0x2000  }
0x92: {  	s18 =	simm.s32 $0x1000;
	s17 =	simm.s32 @!p0 $0x300;
	[sflag:s6] =	ssyncset.done $0x0  }
0x93: {  	s22 =	rddreg [dreg:$0x8];
	s17 =	sadd.s32 $0x2800, s17;
	[sflag:s6] =	ssyncadd.s32 $0xFFFFE000  }
0x94: {  	[spmem:s2] =	stream.indirect.scatter.add.f32 [tilespmem:s22], [sflag:$0xF], $0x40, s17, s26, $0xb8;
	[tilespmem:$0x1F000] =	vst v63  }
0x95: {  	s19 =	simm.s32 $0x2000;
	s21 =	simm.s32 $0x2B80;
	_ =	swait.ge [sflag:s7], $0x2000  }
0x96: {  	p0 =	por $0x1, $0x1;
	s17 =	simm.s32 $0x700;
	[sflag:s7] =	ssyncset.done $0x0  }
.LBB2_4:
0x97: {  	s22 =	simm.s32 @p0 $0x9;
	[sflag:s7] =	ssyncadd.s32 $0xFFFFE000  }
0x98: {  	[spmem:s2] =	stream.indirect.scatter.add.f32 [tilespmem:s28], [sflag:$0x10], $0x40, s21, s26, $0xb8;
	[tilespmem:$0x1F000] =	vst v63  }
0x99: {  	_ =	swait.ge @p0 [sflag:s22], $0x2000  }
0x9a: {  	s5 =	simm.s32 @p0 $0x5000;
	s8 =	simm.s32 @p0 $0xA;
	[sflag:s22] =	ssyncset.done @p0 $0x0  }
0x9b: {  	s21 =	simm.s32 @p0 $0x80;
	[sflag:s22] =	ssyncadd.s32 @p0 $0xFFFFE000;
	s22 =	sshra.s32 @p0 s18, $0x2  }
0x9c: {  	[tilespmem:s5], [sflag:$0x1] =	stream.indirect.gather @p0 [hbm4b:s4+s21], $0x40, s22, s21, $0xb8;
	[tilespmem:$0x1F000] =	vst v63  }
0x9d: {  	_ =	swait.ge @p0 [sflag:s8], $0x2000  }
0x9e: {  	s12 =	simm.s32 @p0 $0xB;
	s5 =	sadd.s32 @p0 $0x80, s22;
	[sflag:s8] =	ssyncset.done @p0 $0x0  }
0x9f: {  	s9 =	sadd.s32 @p0 $0x100, s22;
	[sflag:s8] =	ssyncadd.s32 @p0 $0xFFFFE000;
	s8 =	simm.s32 @p0 $0x7000  }
0xa0: {  	[tilespmem:s8], [sflag:$0x2] =	stream.indirect.gather @p0 [hbm4b:s4+s21], $0x40, s5, s21, $0xb8;
	[tilespmem:$0x1F000] =	vst v63  }
0xa1: {  	s10 =	sadd.s32 @p0 $0x180, s22;
	s11 =	sadd.s32 @p0 $0x200, s22;
	_ =	swait.ge @p0 [sflag:s12], $0x2000  }
0xa2: {  	s5 =	sadd.s32 @p0 $0x280, s22;
	s8 =	sadd.s32 @p0 $0x300, s22;
	[sflag:s12] =	ssyncset.done @p0 $0x0  }
0xa3: {  	s22 =	simm.s32 @p0 $0xC;
	[sflag:s12] =	ssyncadd.s32 @p0 $0xFFFFE000;
	s12 =	simm.s32 @p0 $0x9000  }
0xa4: {  	[tilespmem:s12], [sflag:$0x3] =	stream.indirect.gather @p0 [hbm4b:s4+s21], $0x40, s9, s21, $0xb8;
	[tilespmem:$0x1F000] =	vst v63  }
0xa5: {  	_ =	swait.ge @p0 [sflag:s22], $0x2000  }
0xa6: {  	[sflag:s22] =	ssyncset.done @p0 $0x0  }
0xa7: {  	s9 =	simm.s32 @p0 $0xB000;
	s12 =	simm.s32 @p0 $0xD;
	[sflag:s22] =	ssyncadd.s32 @p0 $0xFFFFE000  }
0xa8: {  	[tilespmem:s9], [sflag:$0x4] =	stream.indirect.gather @p0 [hbm4b:s4+s21], $0x40, s10, s21, $0xb8;
	[tilespmem:$0x1F000] =	vst v63  }
0xa9: {  	_ =	swait.ge @p0 [sflag:s12], $0x2000  }
0xaa: {  	[sflag:s12] =	ssyncset.done @p0 $0x0  }
0xab: {  	s9 =	simm.s32 @p0 $0xD000;
	s10 =	simm.s32 @p0 $0xE;
	[sflag:s12] =	ssyncadd.s32 @p0 $0xFFFFE000  }
0xac: {  	[tilespmem:s9], [sflag:$0x5] =	stream.indirect.gather @p0 [hbm4b:s4+s21], $0x40, s11, s21, $0xb8;
	[tilespmem:$0x1F000] =	vst v63  }
0xad: {  	_ =	swait.ge @p0 [sflag:s10], $0x2000  }
0xae: {  	[sflag:s10] =	ssyncset.done @p0 $0x0  }
0xaf: {  	s9 =	simm.s32 @p0 $0xF000;
	[sflag:s10] =	ssyncadd.s32 @p0 $0xFFFFE000;
	s10 =	simm.s32 @p0 $0xF  }
0xb0: {  	[tilespmem:s9], [sflag:$0x6] =	stream.indirect.gather @p0 [hbm4b:s4+s21], $0x40, s5, s21, $0xb8;
	[tilespmem:$0x1F000] =	vst v63  }
0xb1: {  	_ =	swait.ge @p0 [sflag:s10], $0x2000  }
0xb2: {  	[sflag:s10] =	ssyncset.done @p0 $0x0  }
0xb3: {  	s5 =	simm.s32 @p0 $0x11000;
	s9 =	simm.s32 @p0 $0x10;
	[sflag:s10] =	ssyncadd.s32 @p0 $0xFFFFE000  }
0xb4: {  	[tilespmem:s5], [sflag:$0x7] =	stream.indirect.gather @p0 [hbm4b:s4+s21], $0x40, s8, s21, $0xb8;
	[tilespmem:$0x1F000] =	vst v63  }
0xb5: {  	_ =	swait.ge @p0 [sflag:s9], $0x2000  }
0xb6: {  	s5 =	simm.s32 @!p0 $0x5000;
	[sflag:s9] =	ssyncset.done @p0 $0x0  }
0xb7: {  	s8 =	sshra.s32 @!p0 s18, $0x2;
	[sflag:s9] =	ssyncadd.s32 @p0 $0xFFFFE000;
	s9 =	simm.s32 @!p0 $0x80  }
0xb8: {  	[tilespmem:s5], [sflag:$0x1] =	stream.indirect.gather @!p0 [hbm4b:s4+s9], $0x40, s8, s9, $0xb8;
	[tilespmem:$0x1F000] =	vst v63  }
0xb9: {  	s5 =	simm.s32 @!p0 $0x7000  }
0xba: {  	[tilespmem:s5], [sflag:$0x2] =	stream.indirect.gather @!p0 [hbm4b:s4+s9], $0x40, s9, s9, $0xb8;
	[tilespmem:$0x1F000] =	vst v63  }
0xbb: {  	s8 =	simm.s32 @!p0 $0x9000;
	s5 =	simm.s32 @!p0 $0x100  }
0xbc: {  	[tilespmem:s8], [sflag:$0x3] =	stream.indirect.gather @!p0 [hbm4b:s4+s9], $0x40, s5, s9, $0xb8;
	[tilespmem:$0x1F000] =	vst v63  }
0xbd: {  	s5 =	simm.s32 @!p0 $0x180;
	s8 =	simm.s32 @!p0 $0xB000  }
0xbe: {  	[tilespmem:s8], [sflag:$0x4] =	stream.indirect.gather @!p0 [hbm4b:s4+s9], $0x40, s5, s9, $0xb8;
	[tilespmem:$0x1F000] =	vst v63  }
0xbf: {  	s5 =	simm.s32 @!p0 $0x200;
	s8 =	simm.s32 @!p0 $0xD000  }
0xc0: {  	[tilespmem:s8], [sflag:$0x5] =	stream.indirect.gather @!p0 [hbm4b:s4+s9], $0x40, s5, s9, $0xb8;
	[tilespmem:$0x1F000] =	vst v63  }
0xc1: {  	s5 =	simm.s32 @!p0 $0x280;
	s8 =	simm.s32 @!p0 $0xF000  }
0xc2: {  	[tilespmem:s8], [sflag:$0x6] =	stream.indirect.gather @!p0 [hbm4b:s4+s9], $0x40, s5, s9, $0xb8;
	[tilespmem:$0x1F000] =	vst v63  }
0xc3: {  	s21 =	sshra.s32 s18, $0x2;
	s5 =	simm.s32 @!p0 $0x300;
	s8 =	simm.s32 @!p0 $0x11000  }
0xc4: {  	[tilespmem:s8], [sflag:$0x7] =	stream.indirect.gather @!p0 [hbm4b:s4+s9], $0x40, s5, s9, $0xb8;
	[tilespmem:$0x1F000] =	vst v63  }
0xc5: {  	s22 =	sadd.s32 $0x380, s21  }
0xc6: {  	[tilespmem:s28], [sflag:$0x8] =	stream.indirect.gather [hbm4b:s4+s26], $0x40, s22, s26, $0xb8;
	[tilespmem:$0x1F000] =	vst v63  }
0xc7: {  	_ =	swait.ge [sflag:s29], $0x2000  }
0xc8: {  	[sflag:s29] =	ssyncset.done $0x0  }
0xc9: {  	s8 =	sadd.s32 $0x2800, s21;
	[sflag:s29] =	ssyncadd.s32 $0xFFFFE000  }
0xca: {  	[spmem:s2] =	stream.indirect.scatter.add.f32 [tilespmem:s23], [sflag:$0x9], $0x40, s8, s26, $0xb8;
	[tilespmem:$0x1F000] =	vst v63  }
0xcb: {  	s5 =	sadd.s32 @p0 $0xFFFFFD80, s17;
	_ =	swait.ge [sflag:s30], $0x2000  }
0xcc: {  	s5 =	simm.s32 @!p0 $0x80;
	[sflag:s30] =	ssyncset.done $0x0  }
0xcd: {  	s5 =	sadd.s32 $0x2800, s5;
	s9 =	rddreg [dreg:$0x3];
	[sflag:s30] =	ssyncadd.s32 $0xFFFFE000  }
0xce: {  	[spmem:s2] =	stream.indirect.scatter.add.f32 [tilespmem:s9], [sflag:$0xA], $0x40, s5, s26, $0xb8;
	[tilespmem:$0x1F000] =	vst v63  }
0xcf: {  	s5 =	sadd.s32 @p0 $0xFFFFFE00, s17;
	_ =	swait.ge [sflag:s31], $0x2000  }
0xd0: {  	s5 =	simm.s32 @!p0 $0x100;
	[sflag:s31] =	ssyncset.done $0x0  }
0xd1: {  	s10 =	rddreg [dreg:$0x4];
	s5 =	sadd.s32 $0x2800, s5;
	[sflag:s31] =	ssyncadd.s32 $0xFFFFE000  }
0xd2: {  	[spmem:s2] =	stream.indirect.scatter.add.f32 [tilespmem:s10], [sflag:$0xB], $0x40, s5, s26, $0xb8;
	[tilespmem:$0x1F000] =	vst v63  }
0xd3: {  	s5 =	sadd.s32 @p0 $0xFFFFFE80, s17;
	_ =	swait.ge [sflag:s1], $0x2000  }
0xd4: {  	s5 =	simm.s32 @!p0 $0x180;
	[sflag:s1] =	ssyncset.done $0x0  }
0xd5: {  	s11 =	rddreg [dreg:$0x5];
	s5 =	sadd.s32 $0x2800, s5;
	[sflag:s1] =	ssyncadd.s32 $0xFFFFE000  }
0xd6: {  	[spmem:s2] =	stream.indirect.scatter.add.f32 [tilespmem:s11], [sflag:$0xC], $0x40, s5, s26, $0xb8;
	[tilespmem:$0x1F000] =	vst v63  }
0xd7: {  	s5 =	sadd.s32 @p0 $0xFFFFFF00, s17;
	_ =	swait.ge [sflag:s0], $0x2000  }
0xd8: {  	s20 =	smov.u32 s19;
	s5 =	simm.s32 @!p0 $0x200;
	[sflag:s0] =	ssyncset.done $0x0  }
0xd9: {  	s12 =	rddreg [dreg:$0x6];
	s5 =	sadd.s32 $0x2800, s5;
	[sflag:s0] =	ssyncadd.s32 $0xFFFFE000  }
0xda: {  	[spmem:s2] =	stream.indirect.scatter.add.f32 [tilespmem:s12], [sflag:$0xD], $0x40, s5, s26, $0xb8;
	[tilespmem:$0x1F000] =	vst v63  }
0xdb: {  	s19 =	sadd.s32 $0x1000, s19;
	s5 =	sadd.s32 @p0 $0xFFFFFF80, s17;
	_ =	swait.ge [sflag:s25], $0x2000  }
0xdc: {  	s18 =	smov.u32 s20;
	s5 =	simm.s32 @!p0 $0x280;
	[sflag:s25] =	ssyncset.done $0x0  }
0xdd: {  	s20 =	rddreg [dreg:$0x7];
	s5 =	sadd.s32 $0x2800, s5;
	[sflag:s25] =	ssyncadd.s32 $0xFFFFE000  }
0xde: {  	[spmem:s2] =	stream.indirect.scatter.add.f32 [tilespmem:s20], [sflag:$0xE], $0x40, s5, s26, $0xb8;
	[tilespmem:$0x1F000] =	vst v63  }
0xdf: {  	p1 =	sne.s32 s19, $0xA000;
	s8 =	smov.u32 s17;
	_ =	swait.ge [sflag:s6], $0x2000  }
.Ltmp1:
0xe0: {  	s8 =	simm.s32 @!p0 $0x300;
	[sflag:s6] =	ssyncset.done $0x0;
	(pc) =	sbr.rel @p1 .LBB2_4-.Ltmp1, $4  }
0xe1: {  	s8 =	sadd.s32 $0x2800, s8;
	s22 =	rddreg [dreg:$0x8];
	[sflag:s6] =	ssyncadd.s32 $0xFFFFE000  }
0xe2: {  	[spmem:s2] =	stream.indirect.scatter.add.f32 [tilespmem:s22], [sflag:$0xF], $0x40, s8, s26, $0xb8;
	[tilespmem:$0x1F000] =	vst v63  }
0xe3: {  	s21 =	sadd.s32 $0x2B80, s21;
	_ =	swait.ge [sflag:s7], $0x2000  }
0xe4: {  	s17 =	sadd.s32 $0x400, s17;
	p0 =	sne.s32 s18, $0x0;
	[sflag:s7] =	ssyncset.done $0x0  }
0xe5: {  	s5 =	simm.s32 @p0 $0x9;
	[sflag:s7] =	ssyncadd.s32 $0xFFFFE000  }
0xe6: {  	[spmem:s2] =	stream.indirect.scatter.add.f32 [tilespmem:s28], [sflag:$0x10], $0x40, s21, s26, $0xb8;
	[tilespmem:$0x1F000] =	vst v63  }
0xe7: {  	_ =	swait.ge @p0 [sflag:s5], $0x2000  }
0xe8: {  	s8 =	simm.s32 @p0 $0x5000;
	s9 =	simm.s32 @p0 $0xA;
	[sflag:s5] =	ssyncset.done @p0 $0x0  }
0xe9: {  	s10 =	simm.s32 @p0 $0x80;
	[sflag:s5] =	ssyncadd.s32 @p0 $0xFFFFE000;
	s5 =	sshra.s32 @p0 s18, $0x2  }
0xea: {  	[tilespmem:s8], [sflag:$0x1] =	stream.indirect.gather @p0 [hbm4b:s4+s10], $0x40, s5, s10, $0xb8;
	[tilespmem:$0x1F000] =	vst v63  }
0xeb: {  	_ =	swait.ge @p0 [sflag:s9], $0x2000  }
0xec: {  	[sflag:s9] =	ssyncset.done @p0 $0x0  }
0xed: {  	s8 =	sadd.s32 @p0 $0x80, s5;
	[sflag:s9] =	ssyncadd.s32 @p0 $0xFFFFE000;
	s9 =	simm.s32 @p0 $0x7000  }
0xee: {  	[tilespmem:s9], [sflag:$0x2] =	stream.indirect.gather @p0 [hbm4b:s4+s10], $0x40, s8, s10, $0xb8;
	[tilespmem:$0x1F000] =	vst v63  }
0xef: {  	s8 =	simm.s32 @p0 $0xB  }
0xf0: {  	_ =	swait.ge @p0 [sflag:s8], $0x2000  }
0xf1: {  	[sflag:s8] =	ssyncset.done @p0 $0x0  }
0xf2: {  	s9 =	sadd.s32 @p0 $0x100, s5;
	[sflag:s8] =	ssyncadd.s32 @p0 $0xFFFFE000;
	s8 =	simm.s32 @p0 $0x9000  }
0xf3: {  	[tilespmem:s8], [sflag:$0x3] =	stream.indirect.gather @p0 [hbm4b:s4+s10], $0x40, s9, s10, $0xb8;
	[tilespmem:$0x1F000] =	vst v63  }
0xf4: {  	s8 =	simm.s32 @p0 $0xC  }
0xf5: {  	_ =	swait.ge @p0 [sflag:s8], $0x2000  }
0xf6: {  	[sflag:s8] =	ssyncset.done @p0 $0x0  }
0xf7: {  	s9 =	sadd.s32 @p0 $0x180, s5;
	[sflag:s8] =	ssyncadd.s32 @p0 $0xFFFFE000;
	s8 =	simm.s32 @p0 $0xB000  }
0xf8: {  	[tilespmem:s8], [sflag:$0x4] =	stream.indirect.gather @p0 [hbm4b:s4+s10], $0x40, s9, s10, $0xb8;
	[tilespmem:$0x1F000] =	vst v63  }
0xf9: {  	s8 =	simm.s32 @p0 $0xD  }
0xfa: {  	_ =	swait.ge @p0 [sflag:s8], $0x2000  }
0xfb: {  	[sflag:s8] =	ssyncset.done @p0 $0x0  }
0xfc: {  	s9 =	sadd.s32 @p0 $0x200, s5;
	[sflag:s8] =	ssyncadd.s32 @p0 $0xFFFFE000;
	s8 =	simm.s32 @p0 $0xD000  }
0xfd: {  	[tilespmem:s8], [sflag:$0x5] =	stream.indirect.gather @p0 [hbm4b:s4+s10], $0x40, s9, s10, $0xb8;
	[tilespmem:$0x1F000] =	vst v63  }
0xfe: {  	s8 =	simm.s32 @p0 $0xE  }
0xff: {  	_ =	swait.ge @p0 [sflag:s8], $0x2000  }
0x100: {  	[sflag:s8] =	ssyncset.done @p0 $0x0  }
0x101: {  	s9 =	sadd.s32 @p0 $0x280, s5;
	[sflag:s8] =	ssyncadd.s32 @p0 $0xFFFFE000;
	s8 =	simm.s32 @p0 $0xF000  }
0x102: {  	[tilespmem:s8], [sflag:$0x6] =	stream.indirect.gather @p0 [hbm4b:s4+s10], $0x40, s9, s10, $0xb8;
	[tilespmem:$0x1F000] =	vst v63  }
0x103: {  	s8 =	simm.s32 @p0 $0xF  }
0x104: {  	_ =	swait.ge @p0 [sflag:s8], $0x2000  }
0x105: {  	[sflag:s8] =	ssyncset.done @p0 $0x0  }
0x106: {  	s5 =	sadd.s32 @p0 $0x300, s5;
	[sflag:s8] =	ssyncadd.s32 @p0 $0xFFFFE000;
	s8 =	simm.s32 @p0 $0x11000  }
0x107: {  	[tilespmem:s8], [sflag:$0x7] =	stream.indirect.gather @p0 [hbm4b:s4+s10], $0x40, s5, s10, $0xb8;
	[tilespmem:$0x1F000] =	vst v63  }
0x108: {  	s5 =	simm.s32 @p0 $0x10  }
0x109: {  	_ =	swait.ge @p0 [sflag:s5], $0x2000  }
0x10a: {  	s9 =	simm.s32 @!p0 $0x80;
	[sflag:s5] =	ssyncset.done @p0 $0x0  }
0x10b: {  	s8 =	simm.s32 @!p0 $0x5000;
	[sflag:s5] =	ssyncadd.s32 @p0 $0xFFFFE000;
	s5 =	sshra.s32 @!p0 s18, $0x2  }
0x10c: {  	[tilespmem:s8], [sflag:$0x1] =	stream.indirect.gather @!p0 [hbm4b:s4+s9], $0x40, s5, s9, $0xb8;
	[tilespmem:$0x1F000] =	vst v63  }
0x10d: {  	s5 =	simm.s32 @!p0 $0x7000  }
0x10e: {  	[tilespmem:s5], [sflag:$0x2] =	stream.indirect.gather @!p0 [hbm4b:s4+s9], $0x40, s9, s9, $0xb8;
	[tilespmem:$0x1F000] =	vst v63  }
0x10f: {  	s8 =	simm.s32 @!p0 $0x9000;
	s5 =	simm.s32 @!p0 $0x100  }
0x110: {  	[tilespmem:s8], [sflag:$0x3] =	stream.indirect.gather @!p0 [hbm4b:s4+s9], $0x40, s5, s9, $0xb8;
	[tilespmem:$0x1F000] =	vst v63  }
0x111: {  	s5 =	simm.s32 @!p0 $0x180;
	s8 =	simm.s32 @!p0 $0xB000  }
0x112: {  	[tilespmem:s8], [sflag:$0x4] =	stream.indirect.gather @!p0 [hbm4b:s4+s9], $0x40, s5, s9, $0xb8;
	[tilespmem:$0x1F000] =	vst v63  }
0x113: {  	s5 =	simm.s32 @!p0 $0x200;
	s8 =	simm.s32 @!p0 $0xD000  }
0x114: {  	[tilespmem:s8], [sflag:$0x5] =	stream.indirect.gather @!p0 [hbm4b:s4+s9], $0x40, s5, s9, $0xb8;
	[tilespmem:$0x1F000] =	vst v63  }
0x115: {  	s5 =	simm.s32 @!p0 $0x280;
	s8 =	simm.s32 @!p0 $0xF000  }
0x116: {  	[tilespmem:s8], [sflag:$0x6] =	stream.indirect.gather @!p0 [hbm4b:s4+s9], $0x40, s5, s9, $0xb8;
	[tilespmem:$0x1F000] =	vst v63  }
0x117: {  	s5 =	simm.s32 @!p0 $0x300;
	s8 =	simm.s32 @!p0 $0x11000  }
0x118: {  	[tilespmem:s8], [sflag:$0x7] =	stream.indirect.gather @!p0 [hbm4b:s4+s9], $0x40, s5, s9, $0xb8;
	[tilespmem:$0x1F000] =	vst v63  }
0x119: {  	s5 =	sshra.s32 s18, $0x2  }
0x11a: {  	s18 =	sadd.s32 $0x380, s5  }
0x11b: {  	[tilespmem:s28], [sflag:$0x8] =	stream.indirect.gather [hbm4b:s4+s26], $0x40, s18, s26, $0xb8;
	[tilespmem:$0x1F000] =	vst v63  }
0x11c: {  	_ =	swait.ge [sflag:s29], $0x2000  }
0x11d: {  	[sflag:s29] =	ssyncset.done $0x0  }
0x11e: {  	s19 =	sadd.s32 $0x2800, s5;
	[sflag:s29] =	ssyncadd.s32 $0xFFFFE000  }
0x11f: {  	[spmem:s2] =	stream.indirect.scatter.add.f32 [tilespmem:s23], [sflag:$0x9], $0x40, s19, s26, $0xb8;
	[tilespmem:$0x1F000] =	vst v63  }
0x120: {  	s8 =	sadd.s32 @p0 $0xFFFFFD80, s17;
	_ =	swait.ge [sflag:s30], $0x2000  }
0x121: {  	s8 =	simm.s32 @!p0 $0x80;
	[sflag:s30] =	ssyncset.done $0x0  }
0x122: {  	s8 =	sadd.s32 $0x2800, s8;
	s20 =	rddreg [dreg:$0x3];
	[sflag:s30] =	ssyncadd.s32 $0xFFFFE000  }
0x123: {  	[spmem:s2] =	stream.indirect.scatter.add.f32 [tilespmem:s20], [sflag:$0xA], $0x40, s8, s26, $0xb8;
	[tilespmem:$0x1F000] =	vst v63  }
0x124: {  	s8 =	sadd.s32 @p0 $0xFFFFFE00, s17;
	_ =	swait.ge [sflag:s31], $0x2000  }
0x125: {  	s8 =	simm.s32 @!p0 $0x100;
	[sflag:s31] =	ssyncset.done $0x0  }
0x126: {  	s21 =	rddreg [dreg:$0x4];
	s8 =	sadd.s32 $0x2800, s8;
	[sflag:s31] =	ssyncadd.s32 $0xFFFFE000  }
0x127: {  	[spmem:s2] =	stream.indirect.scatter.add.f32 [tilespmem:s21], [sflag:$0xB], $0x40, s8, s26, $0xb8;
	[tilespmem:$0x1F000] =	vst v63  }
0x128: {  	s8 =	sadd.s32 @p0 $0xFFFFFE80, s17;
	_ =	swait.ge [sflag:s1], $0x2000  }
0x129: {  	s8 =	simm.s32 @!p0 $0x180;
	[sflag:s1] =	ssyncset.done $0x0  }
0x12a: {  	s22 =	rddreg [dreg:$0x5];
	s8 =	sadd.s32 $0x2800, s8;
	[sflag:s1] =	ssyncadd.s32 $0xFFFFE000  }
0x12b: {  	[spmem:s2] =	stream.indirect.scatter.add.f32 [tilespmem:s22], [sflag:$0xC], $0x40, s8, s26, $0xb8;
	[tilespmem:$0x1F000] =	vst v63  }
0x12c: {  	s8 =	sadd.s32 @p0 $0xFFFFFF00, s17;
	_ =	swait.ge [sflag:s0], $0x2000  }
0x12d: {  	s8 =	simm.s32 @!p0 $0x200;
	[sflag:s0] =	ssyncset.done $0x0  }
0x12e: {  	s10 =	rddreg [dreg:$0x6];
	s8 =	sadd.s32 $0x2800, s8;
	[sflag:s0] =	ssyncadd.s32 $0xFFFFE000  }
0x12f: {  	[spmem:s2] =	stream.indirect.scatter.add.f32 [tilespmem:s10], [sflag:$0xD], $0x40, s8, s26, $0xb8;
	[tilespmem:$0x1F000] =	vst v63  }
0x130: {  	s8 =	sadd.s32 @p0 $0xFFFFFF80, s17;
	_ =	swait.ge [sflag:s25], $0x2000  }
0x131: {  	s8 =	simm.s32 @!p0 $0x280;
	[sflag:s25] =	ssyncset.done $0x0  }
0x132: {  	s11 =	rddreg [dreg:$0x7];
	s8 =	sadd.s32 $0x2800, s8;
	[sflag:s25] =	ssyncadd.s32 $0xFFFFE000  }
0x133: {  	[spmem:s2] =	stream.indirect.scatter.add.f32 [tilespmem:s11], [sflag:$0xE], $0x40, s8, s26, $0xb8;
	[tilespmem:$0x1F000] =	vst v63  }
0x134: {  	_ =	swait.ge [sflag:s6], $0x2000  }
0x135: {  	s17 =	simm.s32 @!p0 $0x300;
	[sflag:s6] =	ssyncset.done $0x0  }
0x136: {  	s17 =	sadd.s32 $0x2800, s17;
	s12 =	rddreg [dreg:$0x8];
	[sflag:s6] =	ssyncadd.s32 $0xFFFFE000  }
0x137: {  	[spmem:s2] =	stream.indirect.scatter.add.f32 [tilespmem:s12], [sflag:$0xF], $0x40, s17, s26, $0xb8;
	[tilespmem:$0x1F000] =	vst v63  }
0x138: {  	_ =	swait.ge [sflag:s7], $0x2000  }
0x139: {  	[sflag:s7] =	ssyncset.done $0x0  }
0x13a: {  	s5 =	sadd.s32 $0x2B80, s5;
	s18 =	simm.s32 $0x9;
	[sflag:s7] =	ssyncadd.s32 $0xFFFFE000  }
0x13b: {  	[spmem:s2] =	stream.indirect.scatter.add.f32 [tilespmem:s28], [sflag:$0x10], $0x40, s5, s26, $0xb8;
	[tilespmem:$0x1F000] =	vst v63  }
0x13c: {  	_ =	swait.ge [sflag:s18], $0x2000  }
0x13d: {  	[sflag:s18] =	ssyncset.done $0x0  }
0x13e: {  	s19 =	simm.s32 $0xA;
	[sflag:s18] =	ssyncadd.s32 $0xFFFFE000  }
0x13f: {  	_ =	swait.ge [sflag:s19], $0x2000  }
0x140: {  	[sflag:s19] =	ssyncset.done $0x0  }
0x141: {  	s20 =	simm.s32 $0xB;
	[sflag:s19] =	ssyncadd.s32 $0xFFFFE000  }
0x142: {  	_ =	swait.ge [sflag:s20], $0x2000  }
0x143: {  	[sflag:s20] =	ssyncset.done $0x0  }
0x144: {  	s21 =	simm.s32 $0xC;
	[sflag:s20] =	ssyncadd.s32 $0xFFFFE000  }
0x145: {  	_ =	swait.ge [sflag:s21], $0x2000  }
0x146: {  	[sflag:s21] =	ssyncset.done $0x0  }
0x147: {  	s22 =	simm.s32 $0xD;
	[sflag:s21] =	ssyncadd.s32 $0xFFFFE000  }
0x148: {  	_ =	swait.ge [sflag:s22], $0x2000  }
0x149: {  	[sflag:s22] =	ssyncset.done $0x0  }
0x14a: {  	[sflag:s22] =	ssyncadd.s32 $0xFFFFE000  }
0x14b: {  	_ =	swait.ge [sflag:s13], $0x2000  }
0x14c: {  	[sflag:s13] =	ssyncset.done $0x0  }
0x14d: {  	[sflag:s13] =	ssyncadd.s32 $0xFFFFE000  }
0x14e: {  	_ =	swait.ge [sflag:s14], $0x2000  }
0x14f: {  	[sflag:s14] =	ssyncset.done $0x0  }
0x150: {  	[sflag:s14] =	ssyncadd.s32 $0xFFFFE000  }
0x151: {  	_ =	swait.ge [sflag:s15], $0x2000  }
0x152: {  	[sflag:s15] =	ssyncset.done $0x0  }
0x153: {  	[sflag:s15] =	ssyncadd.s32 $0xFFFFE000  }
0x154: {  	[bflag:$0x0] =	sbarrier.arrive $0xFFFF  }
0x155: {  	s8 =	rddreg [dreg:$0xc]  }
0x156: {  	[tilespmem:s23], [sflag:$0x11] =	stream.linear.gather [spmem:s8], $0x2000, $0x38;
	[tilespmem:$0x1F000] =	vst v63  }
0x157: {  	_ =	swait.ge [sflag:s24], $0x2000  }
0x158: {  	[sflag:s24] =	ssyncset.done $0x0  }
0x159: {  	s9 =	rddreg [dreg:$0x12];
	[sflag:s24] =	ssyncadd.s32 $0xFFFFE000  }
0x15a: {  	[hbm4b:s9+s3] =	stream.linear.scatter [tilespmem:s23], [sflag:$0x11], $0x2000, $0x38;
	[tilespmem:$0x1F000] =	vst v63  }
0x15b: {  	_ =	swait.ge [sflag:s24], $0x2000  }
0x15c: {  	[sflag:s24] =	ssyncset.done $0x0  }
0x15d: {  	s10 =	rddreg [dreg:$0x13];
	[sflag:s24] =	ssyncadd.s32 $0xFFFFE000  }
0x15e: {  	[tilespmem:s23], [sflag:$0x11] =	stream.linear.gather [spmem:s10], $0x2000, $0x38;
	[tilespmem:$0x1F000] =	vst v63  }
0x15f: {  	_ =	swait.ge [sflag:s24], $0x2000  }
0x160: {  	[sflag:s24] =	ssyncset.done $0x0  }
0x161: {  	s11 =	rddreg [dreg:$0x14];
	[sflag:s24] =	ssyncadd.s32 $0xFFFFE000  }
0x162: {  	[hbm4b:s11+s3] =	stream.linear.scatter [tilespmem:s23], [sflag:$0x11], $0x2000, $0x38;
	[tilespmem:$0x1F000] =	vst v63  }
0x163: {  	_ =	swait.ge [sflag:s24], $0x2000  }
0x164: {  	[sflag:s24] =	ssyncset.done $0x0  }
0x165: {  	s12 =	rddreg [dreg:$0x15];
	[sflag:s24] =	ssyncadd.s32 $0xFFFFE000  }
0x166: {  	[tilespmem:s23], [sflag:$0x11] =	stream.linear.gather [spmem:s12], $0x2000, $0x38;
	[tilespmem:$0x1F000] =	vst v63  }
0x167: {  	_ =	swait.ge [sflag:s24], $0x2000  }
0x168: {  	[sflag:s24] =	ssyncset.done $0x0  }
0x169: {  	s17 =	rddreg [dreg:$0x16];
	[sflag:s24] =	ssyncadd.s32 $0xFFFFE000  }
0x16a: {  	[hbm4b:s17+s3] =	stream.linear.scatter [tilespmem:s23], [sflag:$0x11], $0x2000, $0x38;
	[tilespmem:$0x1F000] =	vst v63  }
0x16b: {  	_ =	swait.ge [sflag:s24], $0x2000  }
0x16c: {  	[sflag:s24] =	ssyncset.done $0x0  }
0x16d: {  	s18 =	rddreg [dreg:$0x17];
	[sflag:s24] =	ssyncadd.s32 $0xFFFFE000  }
0x16e: {  	[tilespmem:s23], [sflag:$0x11] =	stream.linear.gather [spmem:s18], $0x2000, $0x38;
	[tilespmem:$0x1F000] =	vst v63  }
0x16f: {  	_ =	swait.ge [sflag:s24], $0x2000  }
0x170: {  	[sflag:s24] =	ssyncset.done $0x0  }
0x171: {  	s19 =	rddreg [dreg:$0x18];
	[sflag:s24] =	ssyncadd.s32 $0xFFFFE000  }
0x172: {  	[hbm4b:s19+s3] =	stream.linear.scatter [tilespmem:s23], [sflag:$0x11], $0x2000, $0x38;
	[tilespmem:$0x1F000] =	vst v63  }
0x173: {  	_ =	swait.ge [sflag:s24], $0x2000  }
0x174: {  	[sflag:s24] =	ssyncset.done $0x0  }
0x175: {  	s20 =	rddreg [dreg:$0x19];
	[sflag:s24] =	ssyncadd.s32 $0xFFFFE000  }
0x176: {  	[tilespmem:s23], [sflag:$0x11] =	stream.linear.gather [spmem:s20], $0x2000, $0x38;
	[tilespmem:$0x1F000] =	vst v63  }
0x177: {  	_ =	swait.ge [sflag:s24], $0x2000  }
0x178: {  	[sflag:s24] =	ssyncset.done $0x0  }
0x179: {  	s21 =	rddreg [dreg:$0x1a];
	[sflag:s24] =	ssyncadd.s32 $0xFFFFE000  }
0x17a: {  	[hbm4b:s21+s3] =	stream.linear.scatter [tilespmem:s23], [sflag:$0x11], $0x2000, $0x38;
	[tilespmem:$0x1F000] =	vst v63  }
0x17b: {  	_ =	swait.ge [sflag:s24], $0x2000  }
0x17c: {  	s16 =	sadd.s32 $0x1, s16;
	s22 =	rddreg [dreg:$0xd]  }
0x17d: {  	p0 =	sne.s32 s16, s22  }
.Ltmp2:
0x17e: {  	_ = 	snop;
	(pc) =	sbr.rel @p0 .LBB2_1-.Ltmp2, $3  }
0x17f: {  	_ =	sdelay $0x1  }
0x180: {  	[sflag:s24] =	ssyncset.done $0x0  }
0x181: {  	[sflag:s24] =	ssyncadd.s32 $0xFFFFE000  }
0x182: {  	_ =	sfence.sel $0x180000  }
0x183: {  	[bflag:$0x0] =	sbarrier.arrive $0xFFFF  }
0x184: {  	_ =	strace $0x9000004A  }
0x185: {  	s0 =	stileid.u32;
	[bflag:$0x2] =	sbarrier.arrive $0xFFFF  }
0x186: {  	p0 =	sne.s32 s0, $0x0;
	s0 =	rddreg [dreg:$0x2]  }
0x187: {  	s0 =	sadd.s32 @!p0 $0x100000, s0  }
0x188: {  	[sflag:s0] =	ssyncadd.tile.s32 @!p0 $0x1;
	_ =	shalt  }
.Lfunc_end2:
_tile_overlayer_lowered:
.L_overlay_start_2:
0x189: {  	(tag) =	ssettag $0x2  }
0x18a: {  	s0 =	rddreg [dreg:$0x0];
	s2 =	stileid.u32  }
0x18b: {  	s1 =	rddreg [dreg:$0x1];
	p0 =	sne.s32 s2, $0x0  }
0x18c: {  	s3 =	rddreg [dreg:$0x2];
	[bflag:$0x3] =	sbarrier.arrive $0xFFFF;
	s2 =	simm.s32 @!p0 $0x1C11  }
0x18d: {  	[timem:s3], [sflag:s2] =	dma.local @!p0 [hbm:s0], s1  }
0x18e: {  	s0 =	simm.s32 @!p0 $0x11  }
0x18f: {  	_ =	swait.ge @!p0 [sflag:s0], s1  }
0x190: {  	s1 =	ssub.s32 @!p0 $0x0, s1;
	[sflag:s0] =	ssyncset.done @!p0 $0x0  }
0x191: {  	[sflag:s0] =	ssyncadd.s32 @!p0 s1  }
0x192: {  	[bflag:$0x3] =	sbarrier.arrive $0xFFFF  }
0x193: {  	_ =	shalt  }

// kernel: kernel.14.cloned.1.call-start
scs
__scs_entry_jumppad:
0x0: {  	(pc) =	sbr.rel $0x88, $3  }
0x1: {  	(tag) =	ssettag $0x0;
	lr =	simm.s32 $0x1  }
0x2: {  	[smem:$0x3F9B] =	sst lr;
	_ =	strace $0xD0000000  }
0x3: {  	_ = 	snop  }
0x4: {  	_ = 	snop  }
0x5: {  	_ = 	snop  }
0x6: {  	_ = 	snop  }
0x7: {  	_ = 	snop  }
__scs_overlays_trampoline_lowered:
0x8: {  	[smem:$0x3FAA] =	sst s0  }
0x9: {  	[smem:$0x3FAB] =	sst s1  }
0xa: {  	[smem:$0x3FAC] =	sst s2  }
0xb: {  	[smem:$0x3FAD] =	sst s3  }
0xc: {  	[smem:$0x3FAE] =	sst s4  }
0xd: {  	[smem:$0x3FAF] =	sst s5  }
0xe: {  	[smem:$0x3FB0] =	sst s6  }
0xf: {  	[smem:$0x3FB1] =	sst s7  }
0x10: {  	[smem:$0x3FB2] =	sst s8  }
0x11: {  	[smem:$0x3FB3] =	sst s9;
	s0 =	simm.s32 @!p0 $0x0  }
0x12: {  	s1 =	sld [smem:$0x3F99];
	s0 =	simm.s32 @p0 $0x1  }
0x13: {  	[smem:$0x3FB4] =	sst s0;
	s0 =	simm.s32 @!p1 $0x0  }
0x14: {  	s2 =	sld [smem:$0x3F98];
	s0 =	simm.s32 @p1 $0x1  }
0x15: {  	[smem:$0x3FB5] =	sst s0;
	s0 =	simm.s32 @!p2 $0x0  }
0x16: {  	s3 =	sld [smem:$0x3FDB];
	s0 =	simm.s32 @p2 $0x1  }
0x17: {  	s4 =	simm.s32 $0x1BF5;
	[smem:$0x3FB7] =	sst s0  }
0x18: {  	s0 =	sld [smem:$0x3F9A];
	_ =	swait.ge [sflag:s4], $0x0  }
0x19: {  	s7 =	sld [smem:$0x3F9B]  }
0x1a: {  	s8 =	sadd.s32 $0xFFFFE003, lr  }
0x1b: {  	s9 =	sadd.s32 $0xFFFFFEF7, lr;
	s5 =	simm.s32 $0xFFFFFFFF;
	p2 =	slt.u32 s8, $0xFFFFF086  }
0x1c: {  	p1 =	slt.u32 s9, $0xF7A;
	s5 =	simm.s32 @!p2 $0x0  }
0x1d: {  	s5 =	simm.s32 @p1 $0x1;
	p0 =	seq.s32 s7, s2  }
0x1e: {  	s7 =	smul.u32 @!p0 $0xF7A, s2;
	p2 =	seq.s32 @!p0 s5, $0x0  }
0x1f: {  	s9 =	smul.u32 $0xF7A, s1;
	s8 =	simm.s32 @!p0 $0x1BF5;
	p2 =	por !p2, p0  }
0x20: {  	[sflag:s8] =	ssyncset.s32 @!p0 $0xFFFFF086;
	s6 =	sadd.s32 @!p0 s3, s7;
	s7 =	simm.s32 @!p0 $0x108  }
0x21: {  	s3 =	sadd.s32 s3, s9;
	s6 =	sadd.s32 @!p0 $0x88, s6;
	s7 =	simm.s32 @p2 $0x1082  }
0x22: {  	[simem:s7], [sflag:s8] =	dma.local @!p0 [hbm:s6], $0xF7A  }
0x23: {  	s9 =	sor.u32 $0xD0000000, s2;
	s6 =	simm.s32 $0x108;
	_ =	swait.ge @!p0 [sflag:s8], $0x0  }
0x24: {  	s3 =	sadd.s32 $0x88, s3;
	s6 =	simm.s32 @!p1 $0x1082;
	[sflag:s4] =	ssyncset.s32 $0xFFFFF086  }
0x25: {  	[simem:s6], [sflag:s4] =	dma.local [hbm:s3], $0xF7A  }
0x26: {  	[smem:$0x3F9B] =	sst s1;
	(tag) =	ssettag s2;
	_ =	strace s9  }
0x27: {  	s1 =	sld [smem:$0x3FAB]  }
0x28: {  	s2 =	sld [smem:$0x3FAC]  }
0x29: {  	s4 =	sld [smem:$0x3FAE]  }
0x2a: {  	p0 =	seq.s32 s5, $0x0;
	s5 =	sld [smem:$0x3FAF]  }
0x2b: {  	s6 =	sld [smem:$0x3FB0]  }
0x2c: {  	s7 =	sld [smem:$0x3FB1]  }
0x2d: {  	s3 =	simm.s32 $0x108;
	s8 =	sld [smem:$0x3FB2]  }
0x2e: {  	s3 =	simm.s32 @!p0 $0x1082;
	s9 =	sld [smem:$0x3FB3]  }
0x2f: {  	lr =	sadd.s32 s0, s3;
	s0 =	sld [smem:$0x3FAA]  }
0x30: {  	s3 =	sld [smem:$0x3FAD]  }
0x31: {  	[smem:$0x3FB6] =	sst s10  }
0x32: {  	s10 =	sld [smem:$0x3FB4];
	_ =	sdelay $0x3  }
0x33: {  	p0 =	seq.s32 s10, $0x1;
	s10 =	sld [smem:$0x3FB6];
	_ =	sdelay $0x3  }
0x34: {  	[smem:$0x3FB6] =	sst s10  }
0x35: {  	s10 =	sld [smem:$0x3FB5];
	_ =	sdelay $0x3  }
0x36: {  	p1 =	seq.s32 s10, $0x1;
	s10 =	sld [smem:$0x3FB6];
	_ =	sdelay $0x3  }
0x37: {  	[smem:$0x3FB6] =	sst s10  }
0x38: {  	s10 =	sld [smem:$0x3FB7]  }
0x39: {  	_ = 	snop;
	(pc) =	sbr.ind lr, $3  }
0x3a: {  	_ = 	snop  }
0x3b: {  	_ = 	snop  }
0x3c: {  	p2 =	seq.s32 s10, $0x1;
	s10 =	sld [smem:$0x3FB6]  }
0x3d: {  	_ =	shalt  }
0x3e: {  	_ =	shalt  }
0x3f: {  	_ =	shalt  }
0x40: {  	_ =	shalt  }
0x41: {  	_ =	shalt  }
0x42: {  	_ =	shalt  }
0x43: {  	_ =	shalt  }
0x44: {  	_ =	shalt  }
0x45: {  	_ =	shalt  }
0x46: {  	_ =	shalt  }
0x47: {  	_ =	shalt  }
0x48: {  	_ =	shalt  }
0x49: {  	_ =	shalt  }
0x4a: {  	_ =	shalt  }
0x4b: {  	_ =	shalt  }
0x4c: {  	_ =	shalt  }
0x4d: {  	_ =	shalt  }
0x4e: {  	_ =	shalt  }
0x4f: {  	_ =	shalt  }
0x50: {  	_ =	shalt  }
0x51: {  	_ =	shalt  }
0x52: {  	_ =	shalt  }
0x53: {  	_ =	shalt  }
0x54: {  	_ =	shalt  }
0x55: {  	_ =	shalt  }
0x56: {  	_ =	shalt  }
0x57: {  	_ =	shalt  }
0x58: {  	_ =	shalt  }
0x59: {  	_ =	shalt  }
0x5a: {  	_ =	shalt  }
0x5b: {  	_ =	shalt  }
0x5c: {  	_ =	shalt  }
0x5d: {  	_ =	shalt  }
0x5e: {  	_ =	shalt  }
0x5f: {  	_ =	shalt  }
0x60: {  	_ =	shalt  }
0x61: {  	_ =	shalt  }
0x62: {  	_ =	shalt  }
0x63: {  	_ =	shalt  }
0x64: {  	_ =	shalt  }
0x65: {  	_ =	shalt  }
0x66: {  	_ =	shalt  }
0x67: {  	_ =	shalt  }
0x68: {  	_ =	shalt  }
0x69: {  	_ =	shalt  }
0x6a: {  	_ =	shalt  }
0x6b: {  	_ =	shalt  }
0x6c: {  	_ =	shalt  }
0x6d: {  	_ =	shalt  }
0x6e: {  	_ =	shalt  }
0x6f: {  	_ =	shalt  }
0x70: {  	_ =	shalt  }
0x71: {  	_ =	shalt  }
0x72: {  	_ =	shalt  }
0x73: {  	_ =	shalt  }
0x74: {  	_ =	shalt  }
0x75: {  	_ =	shalt  }
0x76: {  	_ =	shalt  }
0x77: {  	_ =	shalt  }
0x78: {  	_ =	shalt  }
0x79: {  	_ =	shalt  }
0x7a: {  	_ =	shalt  }
0x7b: {  	_ =	shalt  }
0x7c: {  	_ =	shalt  }
0x7d: {  	_ =	shalt  }
0x7e: {  	_ =	shalt  }
0x7f: {  	_ =	shalt  }
0x80: {  	_ =	shalt  }
0x81: {  	_ =	shalt  }
0x82: {  	_ =	shalt  }
0x83: {  	_ =	shalt  }
0x84: {  	_ =	shalt  }
0x85: {  	_ =	shalt  }
0x86: {  	_ =	shalt  }
0x87: {  	_ =	shalt  }
.Lfunc_end0:
.L_simem_size_0:
called_computation.2_lowered:
.L_overlay_start_0:
0x88: {  	s2 =	sld [smem:$0x3FD9]  }
0x89: {  	s3 =	sld [smem:$0x3FFE];
	_ =	sdelay $0x1  }
0x8a: {  	s1 =	srdreg.scid  }
0x8b: {  	s0 =	sand.u32 $0x1, s1  }
0x8c: {  	s16 =	sshll.u32 s0, $0xA;
	s2 =	sadd.s32 s3, s2  }
0x8d: {  	s2 =	sadd.s32 s2, s16  }
0x8e: {  	[smem:$0x3FC2] =	sst s2  }
0x8f: {  	_ = 	snop  }
0x90: {  	(tm) =	ssettm $0x1  }
0x91: {  	s17 =	sld [smem:$0x3FFB];
	_ =	sdelay $0x3  }
0x92: {  	_ =	strace s17  }
0x93: {  	s2 =	sld [smem:$0x3FFC];
	_ =	sdelay $0x3  }
0x94: {  	_ =	strace s2  }
0x95: {  	s2 =	sld [smem:$0x3FFD];
	_ =	sdelay $0x3  }
0x96: {  	_ =	strace s2  }
0x97: {  	_ =	strace $0x8FFFFFFF  }
0x98: {  	s18 =	sld [smem:$0x3FDB];
	_ =	sdelay $0x1  }
0x99: {  	s19 =	simm.s32 $_scs_section_size  }
0x9a: {  	s4 =	simm.s32 $_size__tile_overlayer_lowered;
	s5 =	simm.s32 $_tile_overlayer_lowered  }
0x9b: {  	s22 =	simm.s32 $0x1BFF;
	s21 =	sshll.u32 s5, $0x1;
	s2 =	sadd.s32 s19, s18  }
0x9c: {  	s6 =	simm.s32 $0x0;
	s20 =	sshll.u32 s4, $0x1;
	s4 =	sadd.s32 s21, s2  }
0x9d: {  	[timem:s6], [sflag:s22] =	dma.local [hbm:s4], s20  }
0x9e: {  	_ =	swait.ge [sflag:s22], s20  }
0x9f: {  	s3 =	ssub.s32 $0x0, s20;
	[sflag:s22] =	ssyncset.done $0x0  }
0xa0: {  	[sflag:s22] =	ssyncadd.s32 s3;
	_ =	sdelay $0x1  }
0xa1: {  	s23 =	simm.s32 $0x1B8B  }
0xa2: {  	_ =	swait.ge [sflag:s23], $0x1  }
0xa3: {  	[sflag:s23] =	ssyncset.done $0x0  }
0xa4: {  	s25 =	simm.s32 $0x1B8E;
	s24 =	sld [smem:$0x3FFE];
	[sflag:s23] =	ssyncadd.s32 $0xFFFFFFFF  }
0xa5: {  	s26 =	simm.s32 $execute0_lowered;
	[smem:$0x3FD2] =	sst s25  }
0xa6: {  	s4 =	sshll.u32 s26, $0x1;
	_ =	strace $0x8000004C;
	[dreg:$0x1] =	wrdreg $0xFFFFFFFF  }
0xa7: {  	s28 =	simm.s32 $_size_execute0_lowered;
	s2 =	sadd.s32 s2, s4;
	[dreg:$0x0] =	wrdreg $0x0  }
0xa8: {  	s4 =	sshll.u32 s28, $0x1;
	[dreg:$0x2] =	wrdreg s2  }
0xa9: {  	[dreg:$0x3] =	wrdreg s4  }
0xaa: {  	[dreg:$0x4] =	wrdreg $0xC0  }
0xab: {  	_ =	task [dreg:s6], $0x5FFFF  }
0xac: {  	[dreg:$0x1] =	wrdreg $0xFFFFFFFF  }
0xad: {  	[dreg:$0x0] =	wrdreg $0x60  }
0xae: {  	[dreg:$0x2] =	wrdreg s24  }
0xaf: {  	[dreg:$0x3] =	wrdreg $0x90000  }
0xb0: {  	[dreg:$0x4] =	wrdreg $0x9  }
0xb1: {  	_ =	task.clear_ibuf [dreg:s6], $0x5FFFF;
	_ =	strace $0x9000004C  }
0xb2: {  	s29 =	simm.s32 $0x9;
	_ =	strace $0x8000004E  }
0xb3: {  	_ =	swait.ge [sflag:s29], $0x1  }
0xb4: {  	[sflag:s29] =	ssyncadd.s32 $0xFFFFFFFF  }
0xb5: {  	_ =	strace $0x9000004E  }
0xb6: {  	_ =	sfence  }
0xb7: {  	s30 =	sld [smem:$0x0];
	_ =	sdelay $0x2  }
0xb8: {  	s31 =	sshll.u32 s1, $0xD;
	s1 =	sshrl.u32 s1, $0x2  }
0xb9: {  	s3 =	sand.u32 $0x4000, s31;
	s1 =	sadd.s32 s1, s30  }
0xba: {  	s0 =	sor.u32 s3, s0;
	s1 =	sshll.u32 s1, $0x11  }
0xbb: {  	s0 =	sor.u32 s1, s0  }
0xbc: {  	s0 =	sadd.s32 $0x8F2B, s0  }
0xbd: {  	[sflag:s0] =	ssyncadd.remote.s32 $0x1  }
0xbe: {  	_ =	sfence.sel $0xFFFF  }
0xbf: {  	[dreg:$0x0] =	wrdreg $0xFFFFFFFF;
	(pc) =	sbr.abs _section_cstart, $3  }
0xc0: {  	[dreg:$0x1] =	wrdreg $0xFFFFFFFF  }
0xc1: {  	_ =	task.clear_ibuf [dreg:s6], $0x2FFFF;
	_ =	strace $0x9FFFFFFF  }
0xc2: {  	(tm) =	ssettm $0x7FFFFFFF  }
0xc3: {  	_ =	shalt  }
tec
execute0_lowered:
.L_overlay_start_1:
0x0: {  	(tag) =	ssettag $0x1  }
0x1: {  	s0 =	rddreg [dreg:$0x0]  }
0x2: {  	s1 =	srdreg.scid;
	s9 =	stileid.u32  }
0x3: {  	s2 =	rddreg [dreg:$0x1];
	s3 =	simm.s32 $0x0;
	s28 =	simm.s32 $0x8800  }
0x4: {  	s29 =	simm.s32 $0x1;
	s30 =	simm.s32 $0x2;
	s1 =	sand.u32 $0x1, s1  }
0x5: {  	s4 =	sshll.u32 s9, $0x1;
	[smem:$0x7FF] =	sst s3;
	s6 =	smul.u32 $0xA000, s9  }
0x6: {  	s4 =	sor.u32 s1, s4;
	s14 =	ssub.s32 $0x2, s1;
	s1 =	smul.u32 $0x28000, s1  }
0x7: {  	s31 =	simm.s32 $0x3;
	_ =	strace $0x8000004D;
	s5 =	smul.u32 $0x500, s4  }
0x8: {  	s4 =	sadd.s32 $0x16400, s0;
	s8 =	sshrl.u32 s14, $0x1;
	s6 =	sshrl.u32 s6, $0x2  }
0x9: {  	s8 =	ssub.s32 s14, s8;
	s15 =	sadd.s32 s6, s2;
	s6 =	smul.u32 $0x2800, s9  }
0xa: {  	s7 =	sadd.s32 s5, s0;
	s18 =	smax.u32 s8, $0x1;
	[dreg:$0x9] =	wrdreg s15  }
0xb: {  	s0 =	sadd.s32 $0x1B400, s0;
	s19 =	sadd.s32 $0x800, s15;
	[dreg:$0xd] =	wrdreg s18  }
0xc: {  	s20 =	sadd.s32 $0x1000, s15;
	s21 =	sadd.s32 $0x1800, s15;
	[dreg:$0xe] =	wrdreg s19  }
0xd: {  	s5 =	sadd.s32 $0x2000, s15;
	s16 =	sadd.s32 $0xC400, s7;
	[dreg:$0xf] =	wrdreg s20  }
0xe: {  	s7 =	sadd.s32 $0x2400, s7;
	s17 =	sadd.s32 s6, s2;
	[dreg:$0x10] =	wrdreg s21  }
0xf: {  	s22 =	sadd.s32 s1, s6;
	[dreg:$0x11] =	wrdreg s5;
	s23 =	sadd.s32 $0x800, s6  }
0x10: {  	s26 =	sadd.s32 $0x1000, s6;
	s14 =	sadd.s32 $0x1800, s6;
	[dreg:$0xa] =	wrdreg s16  }
0x11: {  	s6 =	sadd.s32 $0x2000, s6;
	s21 =	simm.s32 $0x5800;
	[dreg:$0xb] =	wrdreg s7  }
0x12: {  	[dreg:$0xc] =	wrdreg s17;
	s7 =	sshrl.u32 s22, $0x3;
	s25 =	sadd.s32 s1, s23  }
0x13: {  	s10 =	sadd.s32 s23, s2;
	s11 =	sadd.s32 s1, s26;
	s15 =	sadd.s32 s26, s2  }
0x14: {  	s17 =	sadd.s32 s1, s14;
	s18 =	sadd.s32 s14, s2;
	[dreg:$0x3] =	wrdreg s21  }
0x15: {  	s20 =	sadd.s32 s6, s2;
	s1 =	sadd.s32 s1, s6;
	[dreg:$0x13] =	wrdreg s10  }
0x16: {  	s22 =	simm.s32 $0x6000;
	s23 =	simm.s32 $0x6800;
	[dreg:$0x15] =	wrdreg s15  }
0x17: {  	s26 =	simm.s32 $0x8000;
	s6 =	simm.s32 $0x7;
	[dreg:$0x17] =	wrdreg s18  }
0x18: {  	s14 =	simm.s32 $0xF;
	s24 =	sadd.s32 s0, s7;
	[dreg:$0x19] =	wrdreg s20  }
0x19: {  	s7 =	sshrl.u32 s25, $0x3;
	s13 =	sshrl.u32 s11, $0x3;
	[dreg:$0x4] =	wrdreg s22  }
0x1a: {  	s1 =	sshrl.u32 s1, $0x3;
	[dreg:$0x5] =	wrdreg s23;
	s23 =	simm.s32 $0x5000  }
0x1b: {  	s25 =	simm.s32 $0x7800;
	[dreg:$0x8] =	wrdreg s26;
	s26 =	simm.s32 $0x80  }
0x1c: {  	s15 =	simm.s32 $0x10;
	[dreg:$0x12] =	wrdreg s24;
	s12 =	sadd.s32 s0, s7  }
0x1d: {  	s16 =	sadd.s32 s0, s13;
	s7 =	sshrl.u32 s17, $0x3;
	[dreg:$0x7] =	wrdreg s25  }
0x1e: {  	s24 =	simm.s32 $0x7000;
	s25 =	simm.s32 $0x6;
	[dreg:$0x14] =	wrdreg s12  }
0x1f: {  	s13 =	simm.s32 $0xE;
	[dreg:$0x16] =	wrdreg s16;
	s19 =	sadd.s32 s0, s7  }
0x20: {  	s0 =	sadd.s32 s0, s1;
	[dreg:$0x6] =	wrdreg s24;
	s24 =	simm.s32 $0x11  }
0x21: {  	s1 =	simm.s32 $0x4;
	s7 =	simm.s32 $0x8;
	[dreg:$0x18] =	wrdreg s19  }
0x22: {  	v0 =	vimm.f32 $0.0e+00;
	s16 =	simm.s32 $0x0;
	[dreg:$0x1a] =	wrdreg s0;
	s0 =	simm.s32 $0x5  }
.LBB2_1:
0x23: {  	s17 =	simm.s32 $0x40;
	s18 =	simm.s32 $0x0  }
.LBB2_2:
0x24: {  	p0 =	sne.s32 s17, $0x1FC0;
	[tilespmem:s18+$0x5000] =	vst v0;
	s18 =	smov.u32 s17;
	s17 =	sadd.s32 $0x40, s17  }
.Ltmp0:
0x25: {  	(pc) =	sbr.rel @p0 .LBB2_2-.Ltmp0, $2  }
0x26: {  	_ =	sdelay $0x2  }
0x27: {  	s18 =	sshra.s32 s18, $0x2  }
0x28: {  	[tilespmem:s18+$0x5000] =	vst v0;
	s5 =	rddreg [dreg:$0x9]  }
0x29: {  	[spmem:s5] =	stream.linear.scatter [tilespmem:s23], [sflag:$0x11], $0x800, $0x38;
	[tilespmem:$0xB800] =	vst v63  }
0x2a: {  	_ =	swait.ge [sflag:s24], $0x800  }
0x2b: {  	[sflag:s24] =	ssyncset.done $0x0  }
0x2c: {  	s17 =	rddreg [dreg:$0xe];
	[sflag:s24] =	ssyncadd.s32 $0xFFFFF800  }
0x2d: {  	[spmem:s17] =	stream.linear.scatter [tilespmem:s23], [sflag:$0x11], $0x800, $0x38;
	[tilespmem:$0xB800] =	vst v63  }
0x2e: {  	_ =	swait.ge [sflag:s24], $0x800  }
0x2f: {  	[sflag:s24] =	ssyncset.done $0x0  }
0x30: {  	s18 =	rddreg [dreg:$0xf];
	[sflag:s24] =	ssyncadd.s32 $0xFFFFF800  }
0x31: {  	[spmem:s18] =	stream.linear.scatter [tilespmem:s23], [sflag:$0x11], $0x800, $0x38;
	[tilespmem:$0xB800] =	vst v63  }
0x32: {  	_ =	swait.ge [sflag:s24], $0x800  }
0x33: {  	[sflag:s24] =	ssyncset.done $0x0  }
0x34: {  	s19 =	rddreg [dreg:$0x10];
	[sflag:s24] =	ssyncadd.s32 $0xFFFFF800  }
0x35: {  	[spmem:s19] =	stream.linear.scatter [tilespmem:s23], [sflag:$0x11], $0x800, $0x38;
	[tilespmem:$0xB800] =	vst v63  }
0x36: {  	_ =	swait.ge [sflag:s24], $0x800  }
0x37: {  	[sflag:s24] =	ssyncset.done $0x0  }
0x38: {  	s20 =	rddreg [dreg:$0x11];
	[sflag:s24] =	ssyncadd.s32 $0xFFFFF800  }
0x39: {  	[spmem:s20] =	stream.linear.scatter [tilespmem:s23], [sflag:$0x11], $0x800, $0x38;
	[tilespmem:$0xB800] =	vst v63  }
0x3a: {  	_ =	swait.ge [sflag:s24], $0x800  }
0x3b: {  	[sflag:s24] =	ssyncset.done $0x0  }
0x3c: {  	[sflag:s24] =	ssyncadd.s32 $0xFFFFF800  }
0x3d: {  	[bflag:$0x0] =	sbarrier.arrive $0xFFFF  }
0x3e: {  	s17 =	simm.s32 $0x0;
	s21 =	rddreg [dreg:$0xa]  }
0x3f: {  	[tilespmem:s17], [sflag:$0x11] =	stream.linear.gather [hbm4b:s21+s17], $0x2800, $0x38;
	[tilespmem:$0xB800] =	vst v63  }
0x40: {  	_ =	swait.ge [sflag:s24], $0x2800  }
0x41: {  	[sflag:s24] =	ssyncset.done $0x0  }
0x42: {  	s8 =	simm.s32 $0x2800;
	s22 =	rddreg [dreg:$0xb];
	[sflag:s24] =	ssyncadd.s32 $0xFFFFD800  }
0x43: {  	[tilespmem:s8], [sflag:$0x11] =	stream.linear.gather [hbm4b:s22+s17], $0x2800, $0x38;
	[tilespmem:$0xB800] =	vst v63  }
0x44: {  	_ =	swait.ge [sflag:s24], $0x2800  }
0x45: {  	p0 =	por $0x0, $0x0;
	[sflag:s24] =	ssyncset.done $0x0  }
0x46: {  	s17 =	simm.s32 @p0 $0x9;
	[sflag:s24] =	ssyncadd.s32 $0xFFFFD800  }
0x47: {  	_ =	swait.ge @p0 [sflag:s17], $0x800  }
0x48: {  	s18 =	simm.s32 @p0 $0x5000;
	s19 =	simm.s32 @p0 $0xA;
	[sflag:s17] =	ssyncset.done @p0 $0x0  }
0x49: {  	s20 =	simm.s32 @p0 $0x80;
	[sflag:s17] =	ssyncadd.s32 @p0 $0xFFFFF800;
	s17 =	simm.s32 @p0 $0x0  }
0x4a: {  	[tilespmem:s18], [sflag:$0x1] =	stream.indirect.gather @p0 [hbm4b:s4+s20], $0x10, s17, s20, $0xb8;
	[tilespmem:$0xB800] =	vst v63  }
0x4b: {  	_ =	swait.ge @p0 [sflag:s19], $0x800  }
0x4c: {  	s17 =	simm.s32 @p0 $0x80;
	[sflag:s19] =	ssyncset.done @p0 $0x0  }
0x4d: {  	s18 =	simm.s32 @p0 $0x5800;
	[sflag:s19] =	ssyncadd.s32 @p0 $0xFFFFF800;
	s19 =	simm.s32 @p0 $0xB  }
0x4e: {  	[tilespmem:s18], [sflag:$0x2] =	stream.indirect.gather @p0 [hbm4b:s4+s20], $0x10, s17, s20, $0xb8;
	[tilespmem:$0xB800] =	vst v63  }
0x4f: {  	_ =	swait.ge @p0 [sflag:s19], $0x800  }
0x50: {  	s17 =	simm.s32 @p0 $0x100;
	[sflag:s19] =	ssyncset.done @p0 $0x0  }
0x51: {  	s18 =	simm.s32 @p0 $0x6000;
	[sflag:s19] =	ssyncadd.s32 @p0 $0xFFFFF800;
	s19 =	simm.s32 @p0 $0xC  }
0x52: {  	[tilespmem:s18], [sflag:$0x3] =	stream.indirect.gather @p0 [hbm4b:s4+s20], $0x10, s17, s20, $0xb8;
	[tilespmem:$0xB800] =	vst v63  }
0x53: {  	_ =	swait.ge @p0 [sflag:s19], $0x800  }
0x54: {  	s17 =	simm.s32 @p0 $0x180;
	[sflag:s19] =	ssyncset.done @p0 $0x0  }
0x55: {  	s18 =	simm.s32 @p0 $0x6800;
	[sflag:s19] =	ssyncadd.s32 @p0 $0xFFFFF800;
	s19 =	simm.s32 @p0 $0xD  }
0x56: {  	[tilespmem:s18], [sflag:$0x4] =	stream.indirect.gather @p0 [hbm4b:s4+s20], $0x10, s17, s20, $0xb8;
	[tilespmem:$0xB800] =	vst v63  }
0x57: {  	_ =	swait.ge @p0 [sflag:s19], $0x800  }
0x58: {  	s17 =	simm.s32 @p0 $0x200;
	[sflag:s19] =	ssyncset.done @p0 $0x0  }
0x59: {  	s18 =	simm.s32 @p0 $0x7000;
	[sflag:s19] =	ssyncadd.s32 @p0 $0xFFFFF800;
	s19 =	simm.s32 @p0 $0xE  }
0x5a: {  	[tilespmem:s18], [sflag:$0x5] =	stream.indirect.gather @p0 [hbm4b:s4+s20], $0x10, s17, s20, $0xb8;
	[tilespmem:$0xB800] =	vst v63  }
0x5b: {  	_ =	swait.ge @p0 [sflag:s19], $0x800  }
0x5c: {  	s17 =	simm.s32 @p0 $0x280;
	[sflag:s19] =	ssyncset.done @p0 $0x0  }
0x5d: {  	s18 =	simm.s32 @p0 $0x7800;
	[sflag:s19] =	ssyncadd.s32 @p0 $0xFFFFF800;
	s19 =	simm.s32 @p0 $0xF  }
0x5e: {  	[tilespmem:s18], [sflag:$0x6] =	stream.indirect.gather @p0 [hbm4b:s4+s20], $0x10, s17, s20, $0xb8;
	[tilespmem:$0xB800] =	vst v63  }
0x5f: {  	_ =	swait.ge @p0 [sflag:s19], $0x800  }
0x60: {  	s17 =	simm.s32 @p0 $0x300;
	[sflag:s19] =	ssyncset.done @p0 $0x0  }
0x61: {  	s18 =	simm.s32 @p0 $0x8000;
	[sflag:s19] =	ssyncadd.s32 @p0 $0xFFFFF800;
	s19 =	simm.s32 @p0 $0x10  }
0x62: {  	[tilespmem:s18], [sflag:$0x7] =	stream.indirect.gather @p0 [hbm4b:s4+s20], $0x10, s17, s20, $0xb8;
	[tilespmem:$0xB800] =	vst v63  }
0x63: {  	_ =	swait.ge @p0 [sflag:s19], $0x800  }
0x64: {  	s17 =	simm.s32 @!p0 $0x5000;
	[sflag:s19] =	ssyncset.done @p0 $0x0  }
0x65: {  	s18 =	simm.s32 @!p0 $0x0;
	[sflag:s19] =	ssyncadd.s32 @p0 $0xFFFFF800;
	s19 =	simm.s32 @!p0 $0x80  }
0x66: {  	[tilespmem:s17], [sflag:$0x1] =	stream.indirect.gather @!p0 [hbm4b:s4+s19], $0x10, s18, s19, $0xb8;
	[tilespmem:$0xB800] =	vst v63  }
0x67: {  	s17 =	simm.s32 @!p0 $0x5800  }
0x68: {  	[tilespmem:s17], [sflag:$0x2] =	stream.indirect.gather @!p0 [hbm4b:s4+s19], $0x10, s19, s19, $0xb8;
	[tilespmem:$0xB800] =	vst v63  }
0x69: {  	s18 =	simm.s32 @!p0 $0x6000;
	s17 =	simm.s32 @!p0 $0x100  }
0x6a: {  	[tilespmem:s18], [sflag:$0x3] =	stream.indirect.gather @!p0 [hbm4b:s4+s19], $0x10, s17, s19, $0xb8;
	[tilespmem:$0xB800] =	vst v63  }
0x6b: {  	s17 =	simm.s32 @!p0 $0x180;
	s18 =	simm.s32 @!p0 $0x6800  }
0x6c: {  	[tilespmem:s18], [sflag:$0x4] =	stream.indirect.gather @!p0 [hbm4b:s4+s19], $0x10, s17, s19, $0xb8;
	[tilespmem:$0xB800] =	vst v63  }
0x6d: {  	s17 =	simm.s32 @!p0 $0x200;
	s18 =	simm.s32 @!p0 $0x7000  }
0x6e: {  	[tilespmem:s18], [sflag:$0x5] =	stream.indirect.gather @!p0 [hbm4b:s4+s19], $0x10, s17, s19, $0xb8;
	[tilespmem:$0xB800] =	vst v63  }
0x6f: {  	s17 =	simm.s32 @!p0 $0x280;
	s18 =	simm.s32 @!p0 $0x7800  }
0x70: {  	[tilespmem:s18], [sflag:$0x6] =	stream.indirect.gather @!p0 [hbm4b:s4+s19], $0x10, s17, s19, $0xb8;
	[tilespmem:$0xB800] =	vst v63  }
0x71: {  	s17 =	simm.s32 @!p0 $0x300;
	s18 =	simm.s32 @!p0 $0x8000  }
0x72: {  	[tilespmem:s18], [sflag:$0x7] =	stream.indirect.gather @!p0 [hbm4b:s4+s19], $0x10, s17, s19, $0xb8;
	[tilespmem:$0xB800] =	vst v63  }
0x73: {  	s9 =	simm.s32 $0x380  }
0x74: {  	[tilespmem:s28], [sflag:$0x8] =	stream.indirect.gather [hbm4b:s4+s26], $0x10, s9, s26, $0xb8;
	[tilespmem:$0xB800] =	vst v63  }
0x75: {  	_ =	swait.ge [sflag:s29], $0x800  }
0x76: {  	[sflag:s29] =	ssyncset.done $0x0  }
0x77: {  	s10 =	simm.s32 $0x2800;
	[sflag:s29] =	ssyncadd.s32 $0xFFFFF800  }
0x78: {  	[spmem:s2] =	stream.indirect.scatter.add.f32 [tilespmem:s23], [sflag:$0x9], $0x10, s10, s26, $0xb8;
	[tilespmem:$0xB800] =	vst v63  }
0x79: {  	s17 =	simm.s32 @p0 $0x80;
	_ =	swait.ge [sflag:s30], $0x800  }
0x7a: {  	s17 =	simm.s32 @!p0 $0x80;
	[sflag:s30] =	ssyncset.done $0x0  }
0x7b: {  	s17 =	sadd.s32 $0x2800, s17;
	s11 =	rddreg [dreg:$0x3];
	[sflag:s30] =	ssyncadd.s32 $0xFFFFF800  }
0x7c: {  	[spmem:s2] =	stream.indirect.scatter.add.f32 [tilespmem:s11], [sflag:$0xA], $0x10, s17, s26, $0xb8;
	[tilespmem:$0xB800] =	vst v63  }
0x7d: {  	s17 =	simm.s32 @p0 $0x100;
	_ =	swait.ge [sflag:s31], $0x800  }
0x7e: {  	s17 =	simm.s32 @!p0 $0x100;
	[sflag:s31] =	ssyncset.done $0x0  }
0x7f: {  	s12 =	rddreg [dreg:$0x4];
	s17 =	sadd.s32 $0x2800, s17;
	[sflag:s31] =	ssyncadd.s32 $0xFFFFF800  }
0x80: {  	[spmem:s2] =	stream.indirect.scatter.add.f32 [tilespmem:s12], [sflag:$0xB], $0x10, s17, s26, $0xb8;
	[tilespmem:$0xB800] =	vst v63  }
0x81: {  	s17 =	simm.s32 @p0 $0x180;
	_ =	swait.ge [sflag:s1], $0x800  }
0x82: {  	s17 =	simm.s32 @!p0 $0x180;
	[sflag:s1] =	ssyncset.done $0x0  }
0x83: {  	s19 =	rddreg [dreg:$0x5];
	s17 =	sadd.s32 $0x2800, s17;
	[sflag:s1] =	ssyncadd.s32 $0xFFFFF800  }
0x84: {  	[spmem:s2] =	stream.indirect.scatter.add.f32 [tilespmem:s19], [sflag:$0xC], $0x10, s17, s26, $0xb8;
	[tilespmem:$0xB800] =	vst v63  }
0x85: {  	s17 =	simm.s32 @p0 $0x200;
	_ =	swait.ge [sflag:s0], $0x800  }
0x86: {  	s17 =	simm.s32 @!p0 $0x200;
	[sflag:s0] =	ssyncset.done $0x0  }
0x87: {  	s20 =	rddreg [dreg:$0x6];
	s17 =	sadd.s32 $0x2800, s17;
	[sflag:s0] =	ssyncadd.s32 $0xFFFFF800  }
0x88: {  	[spmem:s2] =	stream.indirect.scatter.add.f32 [tilespmem:s20], [sflag:$0xD], $0x10, s17, s26, $0xb8;
	[tilespmem:$0xB800] =	vst v63  }
0x89: {  	s17 =	simm.s32 @p0 $0x280;
	_ =	swait.ge [sflag:s25], $0x800  }
0x8a: {  	s17 =	simm.s32 @!p0 $0x280;
	[sflag:s25] =	ssyncset.done $0x0  }
0x8b: {  	s21 =	rddreg [dreg:$0x7];
	s17 =	sadd.s32 $0x2800, s17;
	[sflag:s25] =	ssyncadd.s32 $0xFFFFF800  }
0x8c: {  	[spmem:s2] =	stream.indirect.scatter.add.f32 [tilespmem:s21], [sflag:$0xE], $0x10, s17, s26, $0xb8;
	[tilespmem:$0xB800] =	vst v63  }
0x8d: {  	s17 =	simm.s32 $0x300;
	_ =	swait.ge [sflag:s6], $0x800  }
0x8e: {  	s18 =	simm.s32 $0x1000;
	s17 =	simm.s32 @!p0 $0x300;
	[sflag:s6] =	ssyncset.done $0x0  }
0x8f: {  	s22 =	rddreg [dreg:$0x8];
	s17 =	sadd.s32 $0x2800, s17;
	[sflag:s6] =	ssyncadd.s32 $0xFFFFF800  }
0x90: {  	[spmem:s2] =	stream.indirect.scatter.add.f32 [tilespmem:s22], [sflag:$0xF], $0x10, s17, s26, $0xb8;
	[tilespmem:$0xB800] =	vst v63  }
0x91: {  	s19 =	simm.s32 $0x2000;
	s21 =	simm.s32 $0x2B80;
	_ =	swait.ge [sflag:s7], $0x800  }
0x92: {  	p0 =	por $0x1, $0x1;
	s17 =	simm.s32 $0x700;
	[sflag:s7] =	ssyncset.done $0x0  }
.LBB2_4:
0x93: {  	s22 =	simm.s32 @p0 $0x9;
	[sflag:s7] =	ssyncadd.s32 $0xFFFFF800  }
0x94: {  	[spmem:s2] =	stream.indirect.scatter.add.f32 [tilespmem:s28], [sflag:$0x10], $0x10, s21, s26, $0xb8;
	[tilespmem:$0xB800] =	vst v63  }
0x95: {  	_ =	swait.ge @p0 [sflag:s22], $0x800  }
0x96: {  	s5 =	simm.s32 @p0 $0x5000;
	s8 =	simm.s32 @p0 $0xA;
	[sflag:s22] =	ssyncset.done @p0 $0x0  }
0x97: {  	s21 =	simm.s32 @p0 $0x80;
	[sflag:s22] =	ssyncadd.s32 @p0 $0xFFFFF800;
	s22 =	sshra.s32 @p0 s18, $0x2  }
0x98: {  	[tilespmem:s5], [sflag:$0x1] =	stream.indirect.gather @p0 [hbm4b:s4+s21], $0x10, s22, s21, $0xb8;
	[tilespmem:$0xB800] =	vst v63  }
0x99: {  	_ =	swait.ge @p0 [sflag:s8], $0x800  }
0x9a: {  	s12 =	simm.s32 @p0 $0xB;
	s5 =	sadd.s32 @p0 $0x80, s22;
	[sflag:s8] =	ssyncset.done @p0 $0x0  }
0x9b: {  	s9 =	sadd.s32 @p0 $0x100, s22;
	[sflag:s8] =	ssyncadd.s32 @p0 $0xFFFFF800;
	s8 =	simm.s32 @p0 $0x5800  }
0x9c: {  	[tilespmem:s8], [sflag:$0x2] =	stream.indirect.gather @p0 [hbm4b:s4+s21], $0x10, s5, s21, $0xb8;
	[tilespmem:$0xB800] =	vst v63  }
0x9d: {  	s10 =	sadd.s32 @p0 $0x180, s22;
	s11 =	sadd.s32 @p0 $0x200, s22;
	_ =	swait.ge @p0 [sflag:s12], $0x800  }
0x9e: {  	s5 =	sadd.s32 @p0 $0x280, s22;
	s8 =	sadd.s32 @p0 $0x300, s22;
	[sflag:s12] =	ssyncset.done @p0 $0x0  }
0x9f: {  	s22 =	simm.s32 @p0 $0xC;
	[sflag:s12] =	ssyncadd.s32 @p0 $0xFFFFF800;
	s12 =	simm.s32 @p0 $0x6000  }
0xa0: {  	[tilespmem:s12], [sflag:$0x3] =	stream.indirect.gather @p0 [hbm4b:s4+s21], $0x10, s9, s21, $0xb8;
	[tilespmem:$0xB800] =	vst v63  }
0xa1: {  	_ =	swait.ge @p0 [sflag:s22], $0x800  }
0xa2: {  	[sflag:s22] =	ssyncset.done @p0 $0x0  }
0xa3: {  	s9 =	simm.s32 @p0 $0x6800;
	s12 =	simm.s32 @p0 $0xD;
	[sflag:s22] =	ssyncadd.s32 @p0 $0xFFFFF800  }
0xa4: {  	[tilespmem:s9], [sflag:$0x4] =	stream.indirect.gather @p0 [hbm4b:s4+s21], $0x10, s10, s21, $0xb8;
	[tilespmem:$0xB800] =	vst v63  }
0xa5: {  	_ =	swait.ge @p0 [sflag:s12], $0x800  }
0xa6: {  	[sflag:s12] =	ssyncset.done @p0 $0x0  }
0xa7: {  	s9 =	simm.s32 @p0 $0x7000;
	s10 =	simm.s32 @p0 $0xE;
	[sflag:s12] =	ssyncadd.s32 @p0 $0xFFFFF800  }
0xa8: {  	[tilespmem:s9], [sflag:$0x5] =	stream.indirect.gather @p0 [hbm4b:s4+s21], $0x10, s11, s21, $0xb8;
	[tilespmem:$0xB800] =	vst v63  }
0xa9: {  	_ =	swait.ge @p0 [sflag:s10], $0x800  }
0xaa: {  	[sflag:s10] =	ssyncset.done @p0 $0x0  }
0xab: {  	s9 =	simm.s32 @p0 $0x7800;
	[sflag:s10] =	ssyncadd.s32 @p0 $0xFFFFF800;
	s10 =	simm.s32 @p0 $0xF  }
0xac: {  	[tilespmem:s9], [sflag:$0x6] =	stream.indirect.gather @p0 [hbm4b:s4+s21], $0x10, s5, s21, $0xb8;
	[tilespmem:$0xB800] =	vst v63  }
0xad: {  	_ =	swait.ge @p0 [sflag:s10], $0x800  }
0xae: {  	[sflag:s10] =	ssyncset.done @p0 $0x0  }
0xaf: {  	s5 =	simm.s32 @p0 $0x8000;
	s9 =	simm.s32 @p0 $0x10;
	[sflag:s10] =	ssyncadd.s32 @p0 $0xFFFFF800  }
0xb0: {  	[tilespmem:s5], [sflag:$0x7] =	stream.indirect.gather @p0 [hbm4b:s4+s21], $0x10, s8, s21, $0xb8;
	[tilespmem:$0xB800] =	vst v63  }
0xb1: {  	_ =	swait.ge @p0 [sflag:s9], $0x800  }
0xb2: {  	s5 =	simm.s32 @!p0 $0x5000;
	[sflag:s9] =	ssyncset.done @p0 $0x0  }
0xb3: {  	s8 =	sshra.s32 @!p0 s18, $0x2;
	[sflag:s9] =	ssyncadd.s32 @p0 $0xFFFFF800;
	s9 =	simm.s32 @!p0 $0x80  }
0xb4: {  	[tilespmem:s5], [sflag:$0x1] =	stream.indirect.gather @!p0 [hbm4b:s4+s9], $0x10, s8, s9, $0xb8;
	[tilespmem:$0xB800] =	vst v63  }
0xb5: {  	s5 =	simm.s32 @!p0 $0x5800  }
0xb6: {  	[tilespmem:s5], [sflag:$0x2] =	stream.indirect.gather @!p0 [hbm4b:s4+s9], $0x10, s9, s9, $0xb8;
	[tilespmem:$0xB800] =	vst v63  }
0xb7: {  	s8 =	simm.s32 @!p0 $0x6000;
	s5 =	simm.s32 @!p0 $0x100  }
0xb8: {  	[tilespmem:s8], [sflag:$0x3] =	stream.indirect.gather @!p0 [hbm4b:s4+s9], $0x10, s5, s9, $0xb8;
	[tilespmem:$0xB800] =	vst v63  }
0xb9: {  	s5 =	simm.s32 @!p0 $0x180;
	s8 =	simm.s32 @!p0 $0x6800  }
0xba: {  	[tilespmem:s8], [sflag:$0x4] =	stream.indirect.gather @!p0 [hbm4b:s4+s9], $0x10, s5, s9, $0xb8;
	[tilespmem:$0xB800] =	vst v63  }
0xbb: {  	s5 =	simm.s32 @!p0 $0x200;
	s8 =	simm.s32 @!p0 $0x7000  }
0xbc: {  	[tilespmem:s8], [sflag:$0x5] =	stream.indirect.gather @!p0 [hbm4b:s4+s9], $0x10, s5, s9, $0xb8;
	[tilespmem:$0xB800] =	vst v63  }
0xbd: {  	s5 =	simm.s32 @!p0 $0x280;
	s8 =	simm.s32 @!p0 $0x7800  }
0xbe: {  	[tilespmem:s8], [sflag:$0x6] =	stream.indirect.gather @!p0 [hbm4b:s4+s9], $0x10, s5, s9, $0xb8;
	[tilespmem:$0xB800] =	vst v63  }
0xbf: {  	s21 =	sshra.s32 s18, $0x2;
	s5 =	simm.s32 @!p0 $0x300;
	s8 =	simm.s32 @!p0 $0x8000  }
0xc0: {  	[tilespmem:s8], [sflag:$0x7] =	stream.indirect.gather @!p0 [hbm4b:s4+s9], $0x10, s5, s9, $0xb8;
	[tilespmem:$0xB800] =	vst v63  }
0xc1: {  	s22 =	sadd.s32 $0x380, s21  }
0xc2: {  	[tilespmem:s28], [sflag:$0x8] =	stream.indirect.gather [hbm4b:s4+s26], $0x10, s22, s26, $0xb8;
	[tilespmem:$0xB800] =	vst v63  }
0xc3: {  	_ =	swait.ge [sflag:s29], $0x800  }
0xc4: {  	[sflag:s29] =	ssyncset.done $0x0  }
0xc5: {  	s8 =	sadd.s32 $0x2800, s21;
	[sflag:s29] =	ssyncadd.s32 $0xFFFFF800  }
0xc6: {  	[spmem:s2] =	stream.indirect.scatter.add.f32 [tilespmem:s23], [sflag:$0x9], $0x10, s8, s26, $0xb8;
	[tilespmem:$0xB800] =	vst v63  }
0xc7: {  	s5 =	sadd.s32 @p0 $0xFFFFFD80, s17;
	_ =	swait.ge [sflag:s30], $0x800  }
0xc8: {  	s5 =	simm.s32 @!p0 $0x80;
	[sflag:s30] =	ssyncset.done $0x0  }
0xc9: {  	s5 =	sadd.s32 $0x2800, s5;
	s9 =	rddreg [dreg:$0x3];
	[sflag:s30] =	ssyncadd.s32 $0xFFFFF800  }
0xca: {  	[spmem:s2] =	stream.indirect.scatter.add.f32 [tilespmem:s9], [sflag:$0xA], $0x10, s5, s26, $0xb8;
	[tilespmem:$0xB800] =	vst v63  }
0xcb: {  	s5 =	sadd.s32 @p0 $0xFFFFFE00, s17;
	_ =	swait.ge [sflag:s31], $0x800  }
0xcc: {  	s5 =	simm.s32 @!p0 $0x100;
	[sflag:s31] =	ssyncset.done $0x0  }
0xcd: {  	s10 =	rddreg [dreg:$0x4];
	s5 =	sadd.s32 $0x2800, s5;
	[sflag:s31] =	ssyncadd.s32 $0xFFFFF800  }
0xce: {  	[spmem:s2] =	stream.indirect.scatter.add.f32 [tilespmem:s10], [sflag:$0xB], $0x10, s5, s26, $0xb8;
	[tilespmem:$0xB800] =	vst v63  }
0xcf: {  	s5 =	sadd.s32 @p0 $0xFFFFFE80, s17;
	_ =	swait.ge [sflag:s1], $0x800  }
0xd0: {  	s5 =	simm.s32 @!p0 $0x180;
	[sflag:s1] =	ssyncset.done $0x0  }
0xd1: {  	s11 =	rddreg [dreg:$0x5];
	s5 =	sadd.s32 $0x2800, s5;
	[sflag:s1] =	ssyncadd.s32 $0xFFFFF800  }
0xd2: {  	[spmem:s2] =	stream.indirect.scatter.add.f32 [tilespmem:s11], [sflag:$0xC], $0x10, s5, s26, $0xb8;
	[tilespmem:$0xB800] =	vst v63  }
0xd3: {  	s5 =	sadd.s32 @p0 $0xFFFFFF00, s17;
	_ =	swait.ge [sflag:s0], $0x800  }
0xd4: {  	s20 =	smov.u32 s19;
	s5 =	simm.s32 @!p0 $0x200;
	[sflag:s0] =	ssyncset.done $0x0  }
0xd5: {  	s12 =	rddreg [dreg:$0x6];
	s5 =	sadd.s32 $0x2800, s5;
	[sflag:s0] =	ssyncadd.s32 $0xFFFFF800  }
0xd6: {  	[spmem:s2] =	stream.indirect.scatter.add.f32 [tilespmem:s12], [sflag:$0xD], $0x10, s5, s26, $0xb8;
	[tilespmem:$0xB800] =	vst v63  }
0xd7: {  	s19 =	sadd.s32 $0x1000, s19;
	s5 =	sadd.s32 @p0 $0xFFFFFF80, s17;
	_ =	swait.ge [sflag:s25], $0x800  }
0xd8: {  	s18 =	smov.u32 s20;
	s5 =	simm.s32 @!p0 $0x280;
	[sflag:s25] =	ssyncset.done $0x0  }
0xd9: {  	s20 =	rddreg [dreg:$0x7];
	s5 =	sadd.s32 $0x2800, s5;
	[sflag:s25] =	ssyncadd.s32 $0xFFFFF800  }
0xda: {  	[spmem:s2] =	stream.indirect.scatter.add.f32 [tilespmem:s20], [sflag:$0xE], $0x10, s5, s26, $0xb8;
	[tilespmem:$0xB800] =	vst v63  }
0xdb: {  	p1 =	sne.s32 s19, $0xA000;
	s8 =	smov.u32 s17;
	_ =	swait.ge [sflag:s6], $0x800  }
.Ltmp1:
0xdc: {  	s8 =	simm.s32 @!p0 $0x300;
	[sflag:s6] =	ssyncset.done $0x0;
	(pc) =	sbr.rel @p1 .LBB2_4-.Ltmp1, $4  }
0xdd: {  	s8 =	sadd.s32 $0x2800, s8;
	s22 =	rddreg [dreg:$0x8];
	[sflag:s6] =	ssyncadd.s32 $0xFFFFF800  }
0xde: {  	[spmem:s2] =	stream.indirect.scatter.add.f32 [tilespmem:s22], [sflag:$0xF], $0x10, s8, s26, $0xb8;
	[tilespmem:$0xB800] =	vst v63  }
0xdf: {  	s21 =	sadd.s32 $0x2B80, s21;
	_ =	swait.ge [sflag:s7], $0x800  }
0xe0: {  	s17 =	sadd.s32 $0x400, s17;
	p0 =	sne.s32 s18, $0x0;
	[sflag:s7] =	ssyncset.done $0x0  }
0xe1: {  	s5 =	simm.s32 @p0 $0x9;
	[sflag:s7] =	ssyncadd.s32 $0xFFFFF800  }
0xe2: {  	[spmem:s2] =	stream.indirect.scatter.add.f32 [tilespmem:s28], [sflag:$0x10], $0x10, s21, s26, $0xb8;
	[tilespmem:$0xB800] =	vst v63  }
0xe3: {  	_ =	swait.ge @p0 [sflag:s5], $0x800  }
0xe4: {  	s8 =	simm.s32 @p0 $0x5000;
	s9 =	simm.s32 @p0 $0xA;
	[sflag:s5] =	ssyncset.done @p0 $0x0  }
0xe5: {  	s10 =	simm.s32 @p0 $0x80;
	[sflag:s5] =	ssyncadd.s32 @p0 $0xFFFFF800;
	s5 =	sshra.s32 @p0 s18, $0x2  }
0xe6: {  	[tilespmem:s8], [sflag:$0x1] =	stream.indirect.gather @p0 [hbm4b:s4+s10], $0x10, s5, s10, $0xb8;
	[tilespmem:$0xB800] =	vst v63  }
0xe7: {  	_ =	swait.ge @p0 [sflag:s9], $0x800  }
0xe8: {  	[sflag:s9] =	ssyncset.done @p0 $0x0  }
0xe9: {  	s8 =	sadd.s32 @p0 $0x80, s5;
	[sflag:s9] =	ssyncadd.s32 @p0 $0xFFFFF800;
	s9 =	simm.s32 @p0 $0x5800  }
0xea: {  	[tilespmem:s9], [sflag:$0x2] =	stream.indirect.gather @p0 [hbm4b:s4+s10], $0x10, s8, s10, $0xb8;
	[tilespmem:$0xB800] =	vst v63  }
0xeb: {  	s8 =	simm.s32 @p0 $0xB  }
0xec: {  	_ =	swait.ge @p0 [sflag:s8], $0x800  }
0xed: {  	[sflag:s8] =	ssyncset.done @p0 $0x0  }
0xee: {  	s9 =	sadd.s32 @p0 $0x100, s5;
	[sflag:s8] =	ssyncadd.s32 @p0 $0xFFFFF800;
	s8 =	simm.s32 @p0 $0x6000  }
0xef: {  	[tilespmem:s8], [sflag:$0x3] =	stream.indirect.gather @p0 [hbm4b:s4+s10], $0x10, s9, s10, $0xb8;
	[tilespmem:$0xB800] =	vst v63  }
0xf0: {  	s8 =	simm.s32 @p0 $0xC  }
0xf1: {  	_ =	swait.ge @p0 [sflag:s8], $0x800  }
0xf2: {  	[sflag:s8] =	ssyncset.done @p0 $0x0  }
0xf3: {  	s9 =	sadd.s32 @p0 $0x180, s5;
	[sflag:s8] =	ssyncadd.s32 @p0 $0xFFFFF800;
	s8 =	simm.s32 @p0 $0x6800  }
0xf4: {  	[tilespmem:s8], [sflag:$0x4] =	stream.indirect.gather @p0 [hbm4b:s4+s10], $0x10, s9, s10, $0xb8;
	[tilespmem:$0xB800] =	vst v63  }
0xf5: {  	s8 =	simm.s32 @p0 $0xD  }
0xf6: {  	_ =	swait.ge @p0 [sflag:s8], $0x800  }
0xf7: {  	[sflag:s8] =	ssyncset.done @p0 $0x0  }
0xf8: {  	s9 =	sadd.s32 @p0 $0x200, s5;
	[sflag:s8] =	ssyncadd.s32 @p0 $0xFFFFF800;
	s8 =	simm.s32 @p0 $0x7000  }
0xf9: {  	[tilespmem:s8], [sflag:$0x5] =	stream.indirect.gather @p0 [hbm4b:s4+s10], $0x10, s9, s10, $0xb8;
	[tilespmem:$0xB800] =	vst v63  }
0xfa: {  	s8 =	simm.s32 @p0 $0xE  }
0xfb: {  	_ =	swait.ge @p0 [sflag:s8], $0x800  }
0xfc: {  	[sflag:s8] =	ssyncset.done @p0 $0x0  }
0xfd: {  	s9 =	sadd.s32 @p0 $0x280, s5;
	[sflag:s8] =	ssyncadd.s32 @p0 $0xFFFFF800;
	s8 =	simm.s32 @p0 $0x7800  }
0xfe: {  	[tilespmem:s8], [sflag:$0x6] =	stream.indirect.gather @p0 [hbm4b:s4+s10], $0x10, s9, s10, $0xb8;
	[tilespmem:$0xB800] =	vst v63  }
0xff: {  	s8 =	simm.s32 @p0 $0xF  }
0x100: {  	_ =	swait.ge @p0 [sflag:s8], $0x800  }
0x101: {  	[sflag:s8] =	ssyncset.done @p0 $0x0  }
0x102: {  	s5 =	sadd.s32 @p0 $0x300, s5;
	[sflag:s8] =	ssyncadd.s32 @p0 $0xFFFFF800;
	s8 =	simm.s32 @p0 $0x8000  }
0x103: {  	[tilespmem:s8], [sflag:$0x7] =	stream.indirect.gather @p0 [hbm4b:s4+s10], $0x10, s5, s10, $0xb8;
	[tilespmem:$0xB800] =	vst v63  }
0x104: {  	s5 =	simm.s32 @p0 $0x10  }
0x105: {  	_ =	swait.ge @p0 [sflag:s5], $0x800  }
0x106: {  	s9 =	simm.s32 @!p0 $0x80;
	[sflag:s5] =	ssyncset.done @p0 $0x0  }
0x107: {  	s8 =	simm.s32 @!p0 $0x5000;
	[sflag:s5] =	ssyncadd.s32 @p0 $0xFFFFF800;
	s5 =	sshra.s32 @!p0 s18, $0x2  }
0x108: {  	[tilespmem:s8], [sflag:$0x1] =	stream.indirect.gather @!p0 [hbm4b:s4+s9], $0x10, s5, s9, $0xb8;
	[tilespmem:$0xB800] =	vst v63  }
0x109: {  	s5 =	simm.s32 @!p0 $0x5800  }
0x10a: {  	[tilespmem:s5], [sflag:$0x2] =	stream.indirect.gather @!p0 [hbm4b:s4+s9], $0x10, s9, s9, $0xb8;
	[tilespmem:$0xB800] =	vst v63  }
0x10b: {  	s8 =	simm.s32 @!p0 $0x6000;
	s5 =	simm.s32 @!p0 $0x100  }
0x10c: {  	[tilespmem:s8], [sflag:$0x3] =	stream.indirect.gather @!p0 [hbm4b:s4+s9], $0x10, s5, s9, $0xb8;
	[tilespmem:$0xB800] =	vst v63  }
0x10d: {  	s5 =	simm.s32 @!p0 $0x180;
	s8 =	simm.s32 @!p0 $0x6800  }
0x10e: {  	[tilespmem:s8], [sflag:$0x4] =	stream.indirect.gather @!p0 [hbm4b:s4+s9], $0x10, s5, s9, $0xb8;
	[tilespmem:$0xB800] =	vst v63  }
0x10f: {  	s5 =	simm.s32 @!p0 $0x200;
	s8 =	simm.s32 @!p0 $0x7000  }
0x110: {  	[tilespmem:s8], [sflag:$0x5] =	stream.indirect.gather @!p0 [hbm4b:s4+s9], $0x10, s5, s9, $0xb8;
	[tilespmem:$0xB800] =	vst v63  }
0x111: {  	s5 =	simm.s32 @!p0 $0x280;
	s8 =	simm.s32 @!p0 $0x7800  }
0x112: {  	[tilespmem:s8], [sflag:$0x6] =	stream.indirect.gather @!p0 [hbm4b:s4+s9], $0x10, s5, s9, $0xb8;
	[tilespmem:$0xB800] =	vst v63  }
0x113: {  	s5 =	simm.s32 @!p0 $0x300;
	s8 =	simm.s32 @!p0 $0x8000  }
0x114: {  	[tilespmem:s8], [sflag:$0x7] =	stream.indirect.gather @!p0 [hbm4b:s4+s9], $0x10, s5, s9, $0xb8;
	[tilespmem:$0xB800] =	vst v63  }
0x115: {  	s5 =	sshra.s32 s18, $0x2  }
0x116: {  	s18 =	sadd.s32 $0x380, s5  }
0x117: {  	[tilespmem:s28], [sflag:$0x8] =	stream.indirect.gather [hbm4b:s4+s26], $0x10, s18, s26, $0xb8;
	[tilespmem:$0xB800] =	vst v63  }
0x118: {  	_ =	swait.ge [sflag:s29], $0x800  }
0x119: {  	[sflag:s29] =	ssyncset.done $0x0  }
0x11a: {  	s19 =	sadd.s32 $0x2800, s5;
	[sflag:s29] =	ssyncadd.s32 $0xFFFFF800  }
0x11b: {  	[spmem:s2] =	stream.indirect.scatter.add.f32 [tilespmem:s23], [sflag:$0x9], $0x10, s19, s26, $0xb8;
	[tilespmem:$0xB800] =	vst v63  }
0x11c: {  	s8 =	sadd.s32 @p0 $0xFFFFFD80, s17;
	_ =	swait.ge [sflag:s30], $0x800  }
0x11d: {  	s8 =	simm.s32 @!p0 $0x80;
	[sflag:s30] =	ssyncset.done $0x0  }
0x11e: {  	s8 =	sadd.s32 $0x2800, s8;
	s20 =	rddreg [dreg:$0x3];
	[sflag:s30] =	ssyncadd.s32 $0xFFFFF800  }
0x11f: {  	[spmem:s2] =	stream.indirect.scatter.add.f32 [tilespmem:s20], [sflag:$0xA], $0x10, s8, s26, $0xb8;
	[tilespmem:$0xB800] =	vst v63  }
0x120: {  	s8 =	sadd.s32 @p0 $0xFFFFFE00, s17;
	_ =	swait.ge [sflag:s31], $0x800  }
0x121: {  	s8 =	simm.s32 @!p0 $0x100;
	[sflag:s31] =	ssyncset.done $0x0  }
0x122: {  	s21 =	rddreg [dreg:$0x4];
	s8 =	sadd.s32 $0x2800, s8;
	[sflag:s31] =	ssyncadd.s32 $0xFFFFF800  }
0x123: {  	[spmem:s2] =	stream.indirect.scatter.add.f32 [tilespmem:s21], [sflag:$0xB], $0x10, s8, s26, $0xb8;
	[tilespmem:$0xB800] =	vst v63  }
0x124: {  	s8 =	sadd.s32 @p0 $0xFFFFFE80, s17;
	_ =	swait.ge [sflag:s1], $0x800  }
0x125: {  	s8 =	simm.s32 @!p0 $0x180;
	[sflag:s1] =	ssyncset.done $0x0  }
0x126: {  	s22 =	rddreg [dreg:$0x5];
	s8 =	sadd.s32 $0x2800, s8;
	[sflag:s1] =	ssyncadd.s32 $0xFFFFF800  }
0x127: {  	[spmem:s2] =	stream.indirect.scatter.add.f32 [tilespmem:s22], [sflag:$0xC], $0x10, s8, s26, $0xb8;
	[tilespmem:$0xB800] =	vst v63  }
0x128: {  	s8 =	sadd.s32 @p0 $0xFFFFFF00, s17;
	_ =	swait.ge [sflag:s0], $0x800  }
0x129: {  	s8 =	simm.s32 @!p0 $0x200;
	[sflag:s0] =	ssyncset.done $0x0  }
0x12a: {  	s10 =	rddreg [dreg:$0x6];
	s8 =	sadd.s32 $0x2800, s8;
	[sflag:s0] =	ssyncadd.s32 $0xFFFFF800  }
0x12b: {  	[spmem:s2] =	stream.indirect.scatter.add.f32 [tilespmem:s10], [sflag:$0xD], $0x10, s8, s26, $0xb8;
	[tilespmem:$0xB800] =	vst v63  }
0x12c: {  	s8 =	sadd.s32 @p0 $0xFFFFFF80, s17;
	_ =	swait.ge [sflag:s25], $0x800  }
0x12d: {  	s8 =	simm.s32 @!p0 $0x280;
	[sflag:s25] =	ssyncset.done $0x0  }
0x12e: {  	s11 =	rddreg [dreg:$0x7];
	s8 =	sadd.s32 $0x2800, s8;
	[sflag:s25] =	ssyncadd.s32 $0xFFFFF800  }
0x12f: {  	[spmem:s2] =	stream.indirect.scatter.add.f32 [tilespmem:s11], [sflag:$0xE], $0x10, s8, s26, $0xb8;
	[tilespmem:$0xB800] =	vst v63  }
0x130: {  	_ =	swait.ge [sflag:s6], $0x800  }
0x131: {  	s17 =	simm.s32 @!p0 $0x300;
	[sflag:s6] =	ssyncset.done $0x0  }
0x132: {  	s17 =	sadd.s32 $0x2800, s17;
	s12 =	rddreg [dreg:$0x8];
	[sflag:s6] =	ssyncadd.s32 $0xFFFFF800  }
0x133: {  	[spmem:s2] =	stream.indirect.scatter.add.f32 [tilespmem:s12], [sflag:$0xF], $0x10, s17, s26, $0xb8;
	[tilespmem:$0xB800] =	vst v63  }
0x134: {  	_ =	swait.ge [sflag:s7], $0x800  }
0x135: {  	[sflag:s7] =	ssyncset.done $0x0  }
0x136: {  	s5 =	sadd.s32 $0x2B80, s5;
	s18 =	simm.s32 $0x9;
	[sflag:s7] =	ssyncadd.s32 $0xFFFFF800  }
0x137: {  	[spmem:s2] =	stream.indirect.scatter.add.f32 [tilespmem:s28], [sflag:$0x10], $0x10, s5, s26, $0xb8;
	[tilespmem:$0xB800] =	vst v63  }
0x138: {  	_ =	swait.ge [sflag:s18], $0x800  }
0x139: {  	[sflag:s18] =	ssyncset.done $0x0  }
0x13a: {  	s19 =	simm.s32 $0xA;
	[sflag:s18] =	ssyncadd.s32 $0xFFFFF800  }
0x13b: {  	_ =	swait.ge [sflag:s19], $0x800  }
0x13c: {  	[sflag:s19] =	ssyncset.done $0x0  }
0x13d: {  	s20 =	simm.s32 $0xB;
	[sflag:s19] =	ssyncadd.s32 $0xFFFFF800  }
0x13e: {  	_ =	swait.ge [sflag:s20], $0x800  }
0x13f: {  	[sflag:s20] =	ssyncset.done $0x0  }
0x140: {  	s21 =	simm.s32 $0xC;
	[sflag:s20] =	ssyncadd.s32 $0xFFFFF800  }
0x141: {  	_ =	swait.ge [sflag:s21], $0x800  }
0x142: {  	[sflag:s21] =	ssyncset.done $0x0  }
0x143: {  	s22 =	simm.s32 $0xD;
	[sflag:s21] =	ssyncadd.s32 $0xFFFFF800  }
0x144: {  	_ =	swait.ge [sflag:s22], $0x800  }
0x145: {  	[sflag:s22] =	ssyncset.done $0x0  }
0x146: {  	[sflag:s22] =	ssyncadd.s32 $0xFFFFF800  }
0x147: {  	_ =	swait.ge [sflag:s13], $0x800  }
0x148: {  	[sflag:s13] =	ssyncset.done $0x0  }
0x149: {  	[sflag:s13] =	ssyncadd.s32 $0xFFFFF800  }
0x14a: {  	_ =	swait.ge [sflag:s14], $0x800  }
0x14b: {  	[sflag:s14] =	ssyncset.done $0x0  }
0x14c: {  	[sflag:s14] =	ssyncadd.s32 $0xFFFFF800  }
0x14d: {  	_ =	swait.ge [sflag:s15], $0x800  }
0x14e: {  	[sflag:s15] =	ssyncset.done $0x0  }
0x14f: {  	[sflag:s15] =	ssyncadd.s32 $0xFFFFF800  }
0x150: {  	[bflag:$0x0] =	sbarrier.arrive $0xFFFF  }
0x151: {  	s8 =	rddreg [dreg:$0xc]  }
0x152: {  	[tilespmem:s23], [sflag:$0x11] =	stream.linear.gather [spmem:s8], $0x800, $0x38;
	[tilespmem:$0xB800] =	vst v63  }
0x153: {  	_ =	swait.ge [sflag:s24], $0x800  }
0x154: {  	[sflag:s24] =	ssyncset.done $0x0  }
0x155: {  	s9 =	rddreg [dreg:$0x12];
	[sflag:s24] =	ssyncadd.s32 $0xFFFFF800  }
0x156: {  	[hbm4b:s9+s3] =	stream.linear.scatter [tilespmem:s23], [sflag:$0x11], $0x800, $0x38;
	[tilespmem:$0xB800] =	vst v63  }
0x157: {  	_ =	swait.ge [sflag:s24], $0x800  }
0x158: {  	[sflag:s24] =	ssyncset.done $0x0  }
0x159: {  	s10 =	rddreg [dreg:$0x13];
	[sflag:s24] =	ssyncadd.s32 $0xFFFFF800  }
0x15a: {  	[tilespmem:s23], [sflag:$0x11] =	stream.linear.gather [spmem:s10], $0x800, $0x38;
	[tilespmem:$0xB800] =	vst v63  }
0x15b: {  	_ =	swait.ge [sflag:s24], $0x800  }
0x15c: {  	[sflag:s24] =	ssyncset.done $0x0  }
0x15d: {  	s11 =	rddreg [dreg:$0x14];
	[sflag:s24] =	ssyncadd.s32 $0xFFFFF800  }
0x15e: {  	[hbm4b:s11+s3] =	stream.linear.scatter [tilespmem:s23], [sflag:$0x11], $0x800, $0x38;
	[tilespmem:$0xB800] =	vst v63  }
0x15f: {  	_ =	swait.ge [sflag:s24], $0x800  }
0x160: {  	[sflag:s24] =	ssyncset.done $0x0  }
0x161: {  	s12 =	rddreg [dreg:$0x15];
	[sflag:s24] =	ssyncadd.s32 $0xFFFFF800  }
0x162: {  	[tilespmem:s23], [sflag:$0x11] =	stream.linear.gather [spmem:s12], $0x800, $0x38;
	[tilespmem:$0xB800] =	vst v63  }
0x163: {  	_ =	swait.ge [sflag:s24], $0x800  }
0x164: {  	[sflag:s24] =	ssyncset.done $0x0  }
0x165: {  	s17 =	rddreg [dreg:$0x16];
	[sflag:s24] =	ssyncadd.s32 $0xFFFFF800  }
0x166: {  	[hbm4b:s17+s3] =	stream.linear.scatter [tilespmem:s23], [sflag:$0x11], $0x800, $0x38;
	[tilespmem:$0xB800] =	vst v63  }
0x167: {  	_ =	swait.ge [sflag:s24], $0x800  }
0x168: {  	[sflag:s24] =	ssyncset.done $0x0  }
0x169: {  	s18 =	rddreg [dreg:$0x17];
	[sflag:s24] =	ssyncadd.s32 $0xFFFFF800  }
0x16a: {  	[tilespmem:s23], [sflag:$0x11] =	stream.linear.gather [spmem:s18], $0x800, $0x38;
	[tilespmem:$0xB800] =	vst v63  }
0x16b: {  	_ =	swait.ge [sflag:s24], $0x800  }
0x16c: {  	[sflag:s24] =	ssyncset.done $0x0  }
0x16d: {  	s19 =	rddreg [dreg:$0x18];
	[sflag:s24] =	ssyncadd.s32 $0xFFFFF800  }
0x16e: {  	[hbm4b:s19+s3] =	stream.linear.scatter [tilespmem:s23], [sflag:$0x11], $0x800, $0x38;
	[tilespmem:$0xB800] =	vst v63  }
0x16f: {  	_ =	swait.ge [sflag:s24], $0x800  }
0x170: {  	[sflag:s24] =	ssyncset.done $0x0  }
0x171: {  	s20 =	rddreg [dreg:$0x19];
	[sflag:s24] =	ssyncadd.s32 $0xFFFFF800  }
0x172: {  	[tilespmem:s23], [sflag:$0x11] =	stream.linear.gather [spmem:s20], $0x800, $0x38;
	[tilespmem:$0xB800] =	vst v63  }
0x173: {  	_ =	swait.ge [sflag:s24], $0x800  }
0x174: {  	[sflag:s24] =	ssyncset.done $0x0  }
0x175: {  	s21 =	rddreg [dreg:$0x1a];
	[sflag:s24] =	ssyncadd.s32 $0xFFFFF800  }
0x176: {  	[hbm4b:s21+s3] =	stream.linear.scatter [tilespmem:s23], [sflag:$0x11], $0x800, $0x38;
	[tilespmem:$0xB800] =	vst v63  }
0x177: {  	_ =	swait.ge [sflag:s24], $0x800  }
0x178: {  	s16 =	sadd.s32 $0x1, s16;
	s22 =	rddreg [dreg:$0xd]  }
0x179: {  	p0 =	sne.s32 s16, s22  }
.Ltmp2:
0x17a: {  	_ = 	snop;
	(pc) =	sbr.rel @p0 .LBB2_1-.Ltmp2, $3  }
0x17b: {  	_ =	sdelay $0x1  }
0x17c: {  	[sflag:s24] =	ssyncset.done $0x0  }
0x17d: {  	[sflag:s24] =	ssyncadd.s32 $0xFFFFF800  }
0x17e: {  	_ =	sfence.sel $0x180000  }
0x17f: {  	[bflag:$0x0] =	sbarrier.arrive $0xFFFF  }
0x180: {  	_ =	strace $0x9000004D  }
0x181: {  	s0 =	stileid.u32;
	[bflag:$0x2] =	sbarrier.arrive $0xFFFF  }
0x182: {  	p0 =	sne.s32 s0, $0x0;
	s0 =	rddreg [dreg:$0x2]  }
0x183: {  	s0 =	sadd.s32 @!p0 $0x100000, s0  }
0x184: {  	[sflag:s0] =	ssyncadd.tile.s32 @!p0 $0x1;
	_ =	shalt  }
.Lfunc_end2:
_tile_overlayer_lowered:
.L_overlay_start_2:
0x185: {  	(tag) =	ssettag $0x2  }
0x186: {  	s0 =	rddreg [dreg:$0x0];
	s2 =	stileid.u32  }
0x187: {  	s1 =	rddreg [dreg:$0x1];
	p0 =	sne.s32 s2, $0x0  }
0x188: {  	s3 =	rddreg [dreg:$0x2];
	[bflag:$0x3] =	sbarrier.arrive $0xFFFF;
	s2 =	simm.s32 @!p0 $0x1C11  }
0x189: {  	[timem:s3], [sflag:s2] =	dma.local @!p0 [hbm:s0], s1  }
0x18a: {  	s0 =	simm.s32 @!p0 $0x11  }
0x18b: {  	_ =	swait.ge @!p0 [sflag:s0], s1  }
0x18c: {  	s1 =	ssub.s32 @!p0 $0x0, s1;
	[sflag:s0] =	ssyncset.done @!p0 $0x0  }
0x18d: {  	[sflag:s0] =	ssyncadd.s32 @!p0 s1  }
0x18e: {  	[bflag:$0x3] =	sbarrier.arrive $0xFFFF  }
0x18f: {  	_ =	shalt  }

// kernel: kernel.8.cloned.1.call-start
scs
__scs_entry_jumppad:
0x0: {  	(pc) =	sbr.rel $0x88, $3  }
0x1: {  	(tag) =	ssettag $0x0;
	lr =	simm.s32 $0x1  }
0x2: {  	[smem:$0x3F9B] =	sst lr;
	_ =	strace $0xD0000000  }
0x3: {  	_ = 	snop  }
0x4: {  	_ = 	snop  }
0x5: {  	_ = 	snop  }
0x6: {  	_ = 	snop  }
0x7: {  	_ = 	snop  }
__scs_overlays_trampoline_lowered:
0x8: {  	[smem:$0x3FAA] =	sst s0  }
0x9: {  	[smem:$0x3FAB] =	sst s1  }
0xa: {  	[smem:$0x3FAC] =	sst s2  }
0xb: {  	[smem:$0x3FAD] =	sst s3  }
0xc: {  	[smem:$0x3FAE] =	sst s4  }
0xd: {  	[smem:$0x3FAF] =	sst s5  }
0xe: {  	[smem:$0x3FB0] =	sst s6  }
0xf: {  	[smem:$0x3FB1] =	sst s7  }
0x10: {  	[smem:$0x3FB2] =	sst s8  }
0x11: {  	[smem:$0x3FB3] =	sst s9;
	s0 =	simm.s32 @!p0 $0x0  }
0x12: {  	s1 =	sld [smem:$0x3F99];
	s0 =	simm.s32 @p0 $0x1  }
0x13: {  	[smem:$0x3FB4] =	sst s0;
	s0 =	simm.s32 @!p1 $0x0  }
0x14: {  	s2 =	sld [smem:$0x3F98];
	s0 =	simm.s32 @p1 $0x1  }
0x15: {  	[smem:$0x3FB5] =	sst s0;
	s0 =	simm.s32 @!p2 $0x0  }
0x16: {  	s3 =	sld [smem:$0x3FDB];
	s0 =	simm.s32 @p2 $0x1  }
0x17: {  	s4 =	simm.s32 $0x1BF5;
	[smem:$0x3FB7] =	sst s0  }
0x18: {  	s0 =	sld [smem:$0x3F9A];
	_ =	swait.ge [sflag:s4], $0x0  }
0x19: {  	s7 =	sld [smem:$0x3F9B]  }
0x1a: {  	s8 =	sadd.s32 $0xFFFFE003, lr  }
0x1b: {  	s9 =	sadd.s32 $0xFFFFFEF7, lr;
	s5 =	simm.s32 $0xFFFFFFFF;
	p2 =	slt.u32 s8, $0xFFFFF086  }
0x1c: {  	p1 =	slt.u32 s9, $0xF7A;
	s5 =	simm.s32 @!p2 $0x0  }
0x1d: {  	s5 =	simm.s32 @p1 $0x1;
	p0 =	seq.s32 s7, s2  }
0x1e: {  	s7 =	smul.u32 @!p0 $0xF7A, s2;
	p2 =	seq.s32 @!p0 s5, $0x0  }
0x1f: {  	s9 =	smul.u32 $0xF7A, s1;
	s8 =	simm.s32 @!p0 $0x1BF5;
	p2 =	por !p2, p0  }
0x20: {  	[sflag:s8] =	ssyncset.s32 @!p0 $0xFFFFF086;
	s6 =	sadd.s32 @!p0 s3, s7;
	s7 =	simm.s32 @!p0 $0x108  }
0x21: {  	s3 =	sadd.s32 s3, s9;
	s6 =	sadd.s32 @!p0 $0x88, s6;
	s7 =	simm.s32 @p2 $0x1082  }
0x22: {  	[simem:s7], [sflag:s8] =	dma.local @!p0 [hbm:s6], $0xF7A  }
0x23: {  	s9 =	sor.u32 $0xD0000000, s2;
	s6 =	simm.s32 $0x108;
	_ =	swait.ge @!p0 [sflag:s8], $0x0  }
0x24: {  	s3 =	sadd.s32 $0x88, s3;
	s6 =	simm.s32 @!p1 $0x1082;
	[sflag:s4] =	ssyncset.s32 $0xFFFFF086  }
0x25: {  	[simem:s6], [sflag:s4] =	dma.local [hbm:s3], $0xF7A  }
0x26: {  	[smem:$0x3F9B] =	sst s1;
	(tag) =	ssettag s2;
	_ =	strace s9  }
0x27: {  	s1 =	sld [smem:$0x3FAB]  }
0x28: {  	s2 =	sld [smem:$0x3FAC]  }
0x29: {  	s4 =	sld [smem:$0x3FAE]  }
0x2a: {  	p0 =	seq.s32 s5, $0x0;
	s5 =	sld [smem:$0x3FAF]  }
0x2b: {  	s6 =	sld [smem:$0x3FB0]  }
0x2c: {  	s7 =	sld [smem:$0x3FB1]  }
0x2d: {  	s3 =	simm.s32 $0x108;
	s8 =	sld [smem:$0x3FB2]  }
0x2e: {  	s3 =	simm.s32 @!p0 $0x1082;
	s9 =	sld [smem:$0x3FB3]  }
0x2f: {  	lr =	sadd.s32 s0, s3;
	s0 =	sld [smem:$0x3FAA]  }
0x30: {  	s3 =	sld [smem:$0x3FAD]  }
0x31: {  	[smem:$0x3FB6] =	sst s10  }
0x32: {  	s10 =	sld [smem:$0x3FB4];
	_ =	sdelay $0x3  }
0x33: {  	p0 =	seq.s32 s10, $0x1;
	s10 =	sld [smem:$0x3FB6];
	_ =	sdelay $0x3  }
0x34: {  	[smem:$0x3FB6] =	sst s10  }
0x35: {  	s10 =	sld [smem:$0x3FB5];
	_ =	sdelay $0x3  }
0x36: {  	p1 =	seq.s32 s10, $0x1;
	s10 =	sld [smem:$0x3FB6];
	_ =	sdelay $0x3  }
0x37: {  	[smem:$0x3FB6] =	sst s10  }
0x38: {  	s10 =	sld [smem:$0x3FB7]  }
0x39: {  	_ = 	snop;
	(pc) =	sbr.ind lr, $3  }
0x3a: {  	_ = 	snop  }
0x3b: {  	_ = 	snop  }
0x3c: {  	p2 =	seq.s32 s10, $0x1;
	s10 =	sld [smem:$0x3FB6]  }
0x3d: {  	_ =	shalt  }
0x3e: {  	_ =	shalt  }
0x3f: {  	_ =	shalt  }
0x40: {  	_ =	shalt  }
0x41: {  	_ =	shalt  }
0x42: {  	_ =	shalt  }
0x43: {  	_ =	shalt  }
0x44: {  	_ =	shalt  }
0x45: {  	_ =	shalt  }
0x46: {  	_ =	shalt  }
0x47: {  	_ =	shalt  }
0x48: {  	_ =	shalt  }
0x49: {  	_ =	shalt  }
0x4a: {  	_ =	shalt  }
0x4b: {  	_ =	shalt  }
0x4c: {  	_ =	shalt  }
0x4d: {  	_ =	shalt  }
0x4e: {  	_ =	shalt  }
0x4f: {  	_ =	shalt  }
0x50: {  	_ =	shalt  }
0x51: {  	_ =	shalt  }
0x52: {  	_ =	shalt  }
0x53: {  	_ =	shalt  }
0x54: {  	_ =	shalt  }
0x55: {  	_ =	shalt  }
0x56: {  	_ =	shalt  }
0x57: {  	_ =	shalt  }
0x58: {  	_ =	shalt  }
0x59: {  	_ =	shalt  }
0x5a: {  	_ =	shalt  }
0x5b: {  	_ =	shalt  }
0x5c: {  	_ =	shalt  }
0x5d: {  	_ =	shalt  }
0x5e: {  	_ =	shalt  }
0x5f: {  	_ =	shalt  }
0x60: {  	_ =	shalt  }
0x61: {  	_ =	shalt  }
0x62: {  	_ =	shalt  }
0x63: {  	_ =	shalt  }
0x64: {  	_ =	shalt  }
0x65: {  	_ =	shalt  }
0x66: {  	_ =	shalt  }
0x67: {  	_ =	shalt  }
0x68: {  	_ =	shalt  }
0x69: {  	_ =	shalt  }
0x6a: {  	_ =	shalt  }
0x6b: {  	_ =	shalt  }
0x6c: {  	_ =	shalt  }
0x6d: {  	_ =	shalt  }
0x6e: {  	_ =	shalt  }
0x6f: {  	_ =	shalt  }
0x70: {  	_ =	shalt  }
0x71: {  	_ =	shalt  }
0x72: {  	_ =	shalt  }
0x73: {  	_ =	shalt  }
0x74: {  	_ =	shalt  }
0x75: {  	_ =	shalt  }
0x76: {  	_ =	shalt  }
0x77: {  	_ =	shalt  }
0x78: {  	_ =	shalt  }
0x79: {  	_ =	shalt  }
0x7a: {  	_ =	shalt  }
0x7b: {  	_ =	shalt  }
0x7c: {  	_ =	shalt  }
0x7d: {  	_ =	shalt  }
0x7e: {  	_ =	shalt  }
0x7f: {  	_ =	shalt  }
0x80: {  	_ =	shalt  }
0x81: {  	_ =	shalt  }
0x82: {  	_ =	shalt  }
0x83: {  	_ =	shalt  }
0x84: {  	_ =	shalt  }
0x85: {  	_ =	shalt  }
0x86: {  	_ =	shalt  }
0x87: {  	_ =	shalt  }
.Lfunc_end0:
.L_simem_size_0:
called_computation_lowered:
.L_overlay_start_0:
0x88: {  	s2 =	sld [smem:$0x3FD9]  }
0x89: {  	s3 =	sld [smem:$0x3FFE];
	_ =	sdelay $0x1  }
0x8a: {  	s1 =	srdreg.scid  }
0x8b: {  	s0 =	sand.u32 $0x1, s1  }
0x8c: {  	s16 =	sshll.u32 s0, $0xA;
	s2 =	sadd.s32 s3, s2  }
0x8d: {  	s2 =	sadd.s32 s2, s16  }
0x8e: {  	[smem:$0x3FC2] =	sst s2  }
0x8f: {  	_ = 	snop  }
0x90: {  	(tm) =	ssettm $0x1  }
0x91: {  	s17 =	sld [smem:$0x3FFB];
	_ =	sdelay $0x3  }
0x92: {  	_ =	strace s17  }
0x93: {  	s2 =	sld [smem:$0x3FFC];
	_ =	sdelay $0x3  }
0x94: {  	_ =	strace s2  }
0x95: {  	s2 =	sld [smem:$0x3FFD];
	_ =	sdelay $0x3  }
0x96: {  	_ =	strace s2  }
0x97: {  	_ =	strace $0x8FFFFFFF  }
0x98: {  	s18 =	sld [smem:$0x3FDB];
	_ =	sdelay $0x1  }
0x99: {  	s19 =	simm.s32 $_scs_section_size  }
0x9a: {  	s4 =	simm.s32 $_size__tile_overlayer_lowered;
	s5 =	simm.s32 $_tile_overlayer_lowered  }
0x9b: {  	s22 =	simm.s32 $0x1BFF;
	s21 =	sshll.u32 s5, $0x1;
	s2 =	sadd.s32 s19, s18  }
0x9c: {  	s6 =	simm.s32 $0x0;
	s20 =	sshll.u32 s4, $0x1;
	s4 =	sadd.s32 s21, s2  }
0x9d: {  	[timem:s6], [sflag:s22] =	dma.local [hbm:s4], s20  }
0x9e: {  	_ =	swait.ge [sflag:s22], s20  }
0x9f: {  	s3 =	ssub.s32 $0x0, s20;
	[sflag:s22] =	ssyncset.done $0x0  }
0xa0: {  	[sflag:s22] =	ssyncadd.s32 s3;
	_ =	sdelay $0x1  }
0xa1: {  	s23 =	simm.s32 $0x1B8B  }
0xa2: {  	_ =	swait.ge [sflag:s23], $0x1  }
0xa3: {  	[sflag:s23] =	ssyncset.done $0x0  }
0xa4: {  	s25 =	simm.s32 $0x1B8E;
	s24 =	sld [smem:$0x3FFE];
	[sflag:s23] =	ssyncadd.s32 $0xFFFFFFFF  }
0xa5: {  	s26 =	simm.s32 $execute0_lowered;
	[smem:$0x3FD2] =	sst s25  }
0xa6: {  	s4 =	sshll.u32 s26, $0x1;
	_ =	strace $0x80000046;
	[dreg:$0x1] =	wrdreg $0xFFFFFFFF  }
0xa7: {  	s28 =	simm.s32 $_size_execute0_lowered;
	s2 =	sadd.s32 s2, s4;
	[dreg:$0x0] =	wrdreg $0x0  }
0xa8: {  	s4 =	sshll.u32 s28, $0x1;
	[dreg:$0x2] =	wrdreg s2  }
0xa9: {  	[dreg:$0x3] =	wrdreg s4  }
0xaa: {  	[dreg:$0x4] =	wrdreg $0xC0  }
0xab: {  	_ =	task [dreg:s6], $0x5FFFF  }
0xac: {  	[dreg:$0x1] =	wrdreg $0xFFFFFFFF  }
0xad: {  	[dreg:$0x0] =	wrdreg $0x60  }
0xae: {  	[dreg:$0x2] =	wrdreg s24  }
0xaf: {  	[dreg:$0x3] =	wrdreg $0xE5400  }
0xb0: {  	[dreg:$0x4] =	wrdreg $0x9  }
0xb1: {  	_ =	task.clear_ibuf [dreg:s6], $0x5FFFF;
	_ =	strace $0x90000046  }
0xb2: {  	s29 =	simm.s32 $0x9;
	_ =	strace $0x80000048  }
0xb3: {  	_ =	swait.ge [sflag:s29], $0x1  }
0xb4: {  	[sflag:s29] =	ssyncadd.s32 $0xFFFFFFFF  }
0xb5: {  	_ =	strace $0x90000048  }
0xb6: {  	_ =	sfence  }
0xb7: {  	s30 =	sld [smem:$0x0];
	_ =	sdelay $0x2  }
0xb8: {  	s31 =	sshll.u32 s1, $0xD;
	s1 =	sshrl.u32 s1, $0x2  }
0xb9: {  	s3 =	sand.u32 $0x4000, s31;
	s1 =	sadd.s32 s1, s30  }
0xba: {  	s0 =	sor.u32 s3, s0;
	s1 =	sshll.u32 s1, $0x11  }
0xbb: {  	s0 =	sor.u32 s1, s0  }
0xbc: {  	s0 =	sadd.s32 $0x8F2B, s0  }
0xbd: {  	[sflag:s0] =	ssyncadd.remote.s32 $0x1  }
0xbe: {  	_ =	sfence.sel $0xFFFF  }
0xbf: {  	[dreg:$0x0] =	wrdreg $0xFFFFFFFF;
	(pc) =	sbr.abs _section_cstart, $3  }
0xc0: {  	[dreg:$0x1] =	wrdreg $0xFFFFFFFF  }
0xc1: {  	_ =	task.clear_ibuf [dreg:s6], $0x2FFFF;
	_ =	strace $0x9FFFFFFF  }
0xc2: {  	(tm) =	ssettm $0x7FFFFFFF  }
0xc3: {  	_ =	shalt  }
tec
execute0_lowered:
.L_overlay_start_1:
0x0: {  	(tag) =	ssettag $0x1  }
0x1: {  	s0 =	srdreg.scid;
	s4 =	rddreg [dreg:$0x0]  }
0x2: {  	s2 =	rddreg [dreg:$0x1];
	s1 =	stileid.u32  }
0x3: {  	s3 =	simm.s32 $0x0;
	s14 =	simm.s32 $0x80;
	s15 =	simm.s32 $0x5000  }
0x4: {  	s16 =	simm.s32 $0x100;
	s17 =	simm.s32 $0x180;
	s18 =	simm.s32 $0x200  }
0x5: {  	s19 =	simm.s32 $0x280;
	s20 =	simm.s32 $0x300;
	s21 =	simm.s32 $0x380  }
0x6: {  	s22 =	simm.s32 $0x1;
	s23 =	simm.s32 $0x8000;
	s24 =	simm.s32 $0xE400  }
0x7: {  	s5 =	sand.u32 $0x1, s0;
	s0 =	rddreg [dreg:$0x2];
	s28 =	smul.u32 $0xA000, s1  }
0x8: {  	s25 =	simm.s32 $0x9400;
	[smem:$0x7FF] =	sst s3;
	s11 =	smul.u32 $0x5000, s1  }
0x9: {  	s26 =	sadd.s32 $0x2400, s4;
	s12 =	smul.u32 $0xA00, s1;
	s6 =	sshll.u32 s5, $0x4  }
0xa: {  	_ =	strace $0x80000047;
	s5 =	ssub.s32 $0x2, s5;
	s6 =	sor.u32 s1, s6  }
0xb: {  	s29 =	sshrl.u32 s5, $0x1;
	s30 =	sshrl.u32 s28, $0x2;
	s7 =	smul.u32 $0xA00, s6  }
0xc: {  	s31 =	sshrl.u32 s11, $0x3;
	s11 =	simm.s32 $0x5800;
	s8 =	smul.u32 $0x1400, s6  }
0xd: {  	s13 =	ssub.s32 s5, s29;
	s5 =	sadd.s32 s26, s12;
	s6 =	sadd.s32 s26, s31  }
0xe: {  	s12 =	simm.s32 $0x2;
	s26 =	simm.s32 $0x0;
	s6 =	sadd.s32 $0x500, s6  }
0xf: {  	s9 =	sadd.s32 s7, s4;
	s10 =	sshrl.u32 s8, $0x3;
	s7 =	sadd.s32 s8, s2  }
0x10: {  	v2 =	vlaneseq.u32;
	s10 =	sadd.s32 s10, s4;
	s4 =	sadd.s32 s30, s2;
	s9 =	sadd.s32 $0x16400, s9  }
0x11: {  	v0 =	vimm.f32 $1.000000000e+00;
	v1 =	vimm.f32 $0.0e+00;
	v2 =	vmul.u32 $0x10, v2;
	s8 =	sadd.s32 $0x2A400, s10;
	s10 =	smax.u32 s13, $0x1;
	s13 =	simm.s32 $0x2800  }
.LBB2_1:
0x12: {  	s28 =	simm.s32 $0x0  }
.LBB2_2:
0x13: {  	p0 =	sne.s32 s28, $0x1FC0  }
.Ltmp0:
0x14: {  	_ = 	snop;
	(pc) =	sbr.rel @p0 .LBB2_2-.Ltmp0, $3  }
0x15: {  	_ =	sdelay $0x1  }
0x16: {  	s29 =	sshra.s32 s28, $0x2  }
0x17: {  	s28 =	sadd.s32 $0x40, s28;
	[tilespmem:s29+$0x5000] =	vst v0  }
0x18: {  	s28 =	simm.s32 $0x40;
	s29 =	simm.s32 $0x0  }
.LBB2_4:
0x19: {  	p0 =	sne.s32 s28, $0x9FC0;
	[tilespmem:s29+$0x5800] =	vst v1;
	s29 =	smov.u32 s28;
	s28 =	sadd.s32 $0x40, s28  }
.Ltmp1:
0x1a: {  	(pc) =	sbr.rel @p0 .LBB2_4-.Ltmp1, $2  }
0x1b: {  	_ =	sdelay $0x2  }
0x1c: {  	s29 =	sshra.s32 s29, $0x2  }
0x1d: {  	[tilespmem:s29+$0x5800] =	vst v1  }
0x1e: {  	[spmem:s4] =	stream.linear.scatter [tilespmem:s11], [sflag:$0x2], $0x2800, $0x38;
	[tilespmem:$0x10D40] =	vst v63  }
0x1f: {  	_ =	swait.ge [sflag:s12], $0x2800  }
0x20: {  	[sflag:s12] =	ssyncset.done $0x0  }
0x21: {  	[sflag:s12] =	ssyncadd.s32 $0xFFFFD800  }
0x22: {  	[bflag:$0x0] =	sbarrier.arrive $0xFFFF  }
0x23: {  	[tilespmem:s3], [sflag:$0x2] =	stream.linear.gather [hbm4b:s5+s3], $0x2800, $0x38;
	[tilespmem:$0x10D40] =	vst v63  }
0x24: {  	_ =	swait.ge [sflag:s12], $0x2800  }
0x25: {  	[sflag:s12] =	ssyncset.done $0x0  }
0x26: {  	[sflag:s12] =	ssyncadd.s32 $0xFFFFD800  }
0x27: {  	[tilespmem:s13], [sflag:$0x2] =	stream.linear.gather [hbm4b:s6+s3], $0x2800, $0x38;
	[tilespmem:$0x10D40] =	vst v63  }
0x28: {  	_ =	swait.ge [sflag:s12], $0x2800  }
0x29: {  	[sflag:s12] =	ssyncset.done $0x0  }
0x2a: {  	[sflag:s12] =	ssyncadd.s32 $0xFFFFD800  }
0x2b: {  	[spmem:s2] =	stream.indirect.scatter.add.f32 [tilespmem:s15], [sflag:$0x1], $0x10, s3, s14, $0xb8;
	[tilespmem:$0x10D40] =	vst v63  }
0x2c: {  	_ = 	snop  }
0x2d: {  	[spmem:s2] =	stream.indirect.scatter.add.f32 [tilespmem:s15], [sflag:$0x1], $0x10, s14, s14, $0xb8;
	[tilespmem:$0x10D40] =	vst v63  }
0x2e: {  	_ = 	snop  }
0x2f: {  	[spmem:s2] =	stream.indirect.scatter.add.f32 [tilespmem:s15], [sflag:$0x1], $0x10, s16, s14, $0xb8;
	[tilespmem:$0x10D40] =	vst v63  }
0x30: {  	_ = 	snop  }
0x31: {  	[spmem:s2] =	stream.indirect.scatter.add.f32 [tilespmem:s15], [sflag:$0x1], $0x10, s17, s14, $0xb8;
	[tilespmem:$0x10D40] =	vst v63  }
0x32: {  	_ = 	snop  }
0x33: {  	[spmem:s2] =	stream.indirect.scatter.add.f32 [tilespmem:s15], [sflag:$0x1], $0x10, s18, s14, $0xb8;
	[tilespmem:$0x10D40] =	vst v63  }
0x34: {  	_ = 	snop  }
0x35: {  	[spmem:s2] =	stream.indirect.scatter.add.f32 [tilespmem:s15], [sflag:$0x1], $0x10, s19, s14, $0xb8;
	[tilespmem:$0x10D40] =	vst v63  }
0x36: {  	_ = 	snop  }
0x37: {  	[spmem:s2] =	stream.indirect.scatter.add.f32 [tilespmem:s15], [sflag:$0x1], $0x10, s20, s14, $0xb8;
	[tilespmem:$0x10D40] =	vst v63  }
0x38: {  	_ = 	snop  }
0x39: {  	[spmem:s2] =	stream.indirect.scatter.add.f32 [tilespmem:s15], [sflag:$0x1], $0x10, s21, s14, $0xb8;
	[tilespmem:$0x10D40] =	vst v63  }
0x3a: {  	_ =	swait.ge [sflag:s22], $0x800  }
0x3b: {  	[sflag:s22] =	ssyncset.done $0x0  }
0x3c: {  	s28 =	simm.s32 $0x1200;
	s29 =	simm.s32 $0x400;
	[sflag:s22] =	ssyncadd.s32 $0xFFFFF800  }
.LBB2_6:
0x3d: {  	[spmem:s2] =	stream.indirect.scatter.add.f32 [tilespmem:s15], [sflag:$0x1], $0x10, s29, s14, $0xb8;
	[tilespmem:$0x10D40] =	vst v63  }
0x3e: {  	s29 =	smov.u32 s28;
	p0 =	sne.s32 s28, $0x13E00  }
.Ltmp2:
0x3f: {  	s28 =	sadd.s32 $0x200, s28;
	(pc) =	sbr.rel @p0 .LBB2_6-.Ltmp2, $4  }
0x40: {  	_ = 	snop  }
0x41: {  	_ =	swait.ge [sflag:s22], $0x800  }
0x42: {  	[sflag:s22] =	ssyncset.done $0x0  }
0x43: {  	s29 =	sshra.s32 s29, $0x2;
	[sflag:s22] =	ssyncadd.s32 $0xFFFFF800  }
0x44: {  	[spmem:s2] =	stream.indirect.scatter.add.f32 [tilespmem:s15], [sflag:$0x1], $0x10, s29, s14, $0xb8;
	[tilespmem:$0x10D40] =	vst v63  }
0x45: {  	_ =	swait.ge [sflag:s22], $0x800  }
0x46: {  	[sflag:s22] =	ssyncset.done $0x0  }
0x47: {  	[sflag:s22] =	ssyncadd.s32 $0xFFFFF800  }
0x48: {  	_ =	swait.ge [sflag:s22], $0x800  }
0x49: {  	[sflag:s22] =	ssyncset.done $0x0  }
0x4a: {  	[sflag:s22] =	ssyncadd.s32 $0xFFFFF800  }
0x4b: {  	_ =	swait.ge [sflag:s22], $0x800  }
0x4c: {  	[sflag:s22] =	ssyncset.done $0x0  }
0x4d: {  	[sflag:s22] =	ssyncadd.s32 $0xFFFFF800  }
0x4e: {  	_ =	swait.ge [sflag:s22], $0x800  }
0x4f: {  	[sflag:s22] =	ssyncset.done $0x0  }
0x50: {  	[sflag:s22] =	ssyncadd.s32 $0xFFFFF800  }
0x51: {  	_ =	swait.ge [sflag:s22], $0x800  }
0x52: {  	[sflag:s22] =	ssyncset.done $0x0  }
0x53: {  	[sflag:s22] =	ssyncadd.s32 $0xFFFFF800  }
0x54: {  	_ =	swait.ge [sflag:s22], $0x800  }
0x55: {  	[sflag:s22] =	ssyncset.done $0x0  }
0x56: {  	[sflag:s22] =	ssyncadd.s32 $0xFFFFF800  }
0x57: {  	_ =	swait.ge [sflag:s22], $0x800  }
0x58: {  	[sflag:s22] =	ssyncset.done $0x0  }
0x59: {  	[sflag:s22] =	ssyncadd.s32 $0xFFFFF800  }
0x5a: {  	s28 =	simm.s32 $0x0;
	_ =	swait.ge [sflag:s22], $0x800  }
0x5b: {  	v3 =	vmov s28;
	[sflag:s22] =	ssyncset.done $0x0  }
0x5c: {  	v3 =	vshll.u32 v3, $0x4;
	[sflag:s22] =	ssyncadd.s32 $0xFFFFF800  }
0x5d: {  	v3 =	vor.u32 v2, v3;
	[bflag:$0x0] =	sbarrier.arrive $0xFFFF  }
0x5e: {  	[tilespmem:s23], [sflag:$0x2] =	stream.linear.gather [spmem:s7], $0x1400, $0x38;
	[tilespmem:$0x10D40] =	vst v63  }
0x5f: {  	_ =	swait.ge [sflag:s12], $0x1400  }
0x60: {  	[sflag:s12] =	ssyncset.done $0x0  }
0x61: {  	[sflag:s12] =	ssyncadd.s32 $0xFFFFEC00  }
0x62: {  	v3 =	vld.idx.msk [tilespmem:v3+s23+$0x0], $0xffff;
	_ =	sdelay $0x4  }
0x63: {  	v3 =	vadd.f32 $1.000000000e+00, v3;
	_ =	sdelay $0x1  }
0x64: {  	v4 =	vmul.f32 $2.500000000e-01, v3  }
0x65: {  	vm9 =	vgt.f32 v3, $2.000000000e+00  }
0x66: {  	v3 =	vsel vm9, v4, v3  }
0x67: {  	v4 =	vmul.f32 $2.500000000e-01, v3  }
0x68: {  	vm7 =	vgt.f32 v3, $2.000000000e+00  }
0x69: {  	v3 =	vsel vm7, v4, v3  }
0x6a: {  	v4 =	vmul.f32 $2.500000000e-01, v3  }
0x6b: {  	vm8 =	vgt.f32 v3, $2.000000000e+00  }
0x6c: {  	v3 =	vsel vm8, v4, v3  }
0x6d: {  	v4 =	vmul.f32 $2.500000000e-01, v3  }
0x6e: {  	vm5 =	vgt.f32 v3, $2.000000000e+00  }
0x6f: {  	v3 =	vsel vm5, v4, v3  }
0x70: {  	v4 =	vmul.f32 $2.500000000e-01, v3  }
0x71: {  	vm6 =	vgt.f32 v3, $2.000000000e+00  }
0x72: {  	v3 =	vsel vm6, v4, v3  }
0x73: {  	v4 =	vmul.f32 $2.500000000e-01, v3  }
0x74: {  	vm3 =	vgt.f32 v3, $2.000000000e+00  }
0x75: {  	v3 =	vsel vm3, v4, v3  }
0x76: {  	v4 =	vmul.f32 $2.500000000e-01, v3  }
0x77: {  	vm4 =	vgt.f32 v3, $2.000000000e+00  }
0x78: {  	v3 =	vsel vm4, v4, v3  }
0x79: {  	v4 =	vmul.f32 $2.500000000e-01, v3  }
0x7a: {  	vm1 =	vgt.f32 v3, $2.000000000e+00  }
0x7b: {  	v3 =	vsel vm1, v4, v3  }
0x7c: {  	v4 =	vmul.f32 $2.500000000e-01, v3  }
0x7d: {  	vm2 =	vgt.f32 v3, $2.000000000e+00  }
0x7e: {  	v3 =	vsel vm2, v4, v3  }
0x7f: {  	v4 =	vmul.f32 $2.500000000e-01, v3  }
0x80: {  	vm0 =	vgt.f32 v3, $2.000000000e+00  }
0x81: {  	v3 =	vsel vm0, v4, v3  }
0x82: {  	v3 =	vmul.f32 $5.000000000e-01, v3;
	_ =	sdelay $0x1  }
0x83: {  	v4 =	vsub.f32 $1.500000000e+00, v3;
	_ =	sdelay $0x1  }
0x84: {  	v5 =	vmul.f32 v4, v3;
	_ =	sdelay $0x1  }
0x85: {  	v5 =	vmul.f32 v5, v4;
	_ =	sdelay $0x1  }
0x86: {  	v6 =	vsel vm9, $0x3F000000, v0;
	v5 =	vsub.f32 $1.500000000e+00, v5  }
0x87: {  	v7 =	vmul.f32 $5.000000000e-01, v6  }
0x88: {  	v4 =	vmul.f32 v5, v4  }
0x89: {  	v5 =	vsel vm7, v7, v6  }
0x8a: {  	v6 =	vmul.f32 $5.000000000e-01, v5;
	v7 =	vmul.f32 v4, v3;
	_ =	sdelay $0x1  }
0x8b: {  	v5 =	vsel vm8, v6, v5;
	v6 =	vmul.f32 v7, v4  }
0x8c: {  	v7 =	vmul.f32 $5.000000000e-01, v5  }
0x8d: {  	v6 =	vsub.f32 $1.500000000e+00, v6  }
0x8e: {  	v5 =	vsel vm5, v7, v5  }
0x8f: {  	v4 =	vmul.f32 v6, v4;
	v6 =	vmul.f32 $5.000000000e-01, v5;
	_ =	sdelay $0x1  }
0x90: {  	v5 =	vsel vm6, v6, v5;
	v6 =	vmul.f32 v4, v3;
	_ =	sdelay $0x1  }
0x91: {  	v6 =	vmul.f32 v6, v4  }
0x92: {  	v7 =	vmul.f32 $5.000000000e-01, v5  }
0x93: {  	v6 =	vsub.f32 $1.500000000e+00, v6  }
0x94: {  	v5 =	vsel vm3, v7, v5  }
0x95: {  	v7 =	vmul.f32 $5.000000000e-01, v5;
	v4 =	vmul.f32 v6, v4;
	_ =	sdelay $0x1  }
0x96: {  	v5 =	vsel vm4, v7, v5;
	v3 =	vmul.f32 v4, v3  }
0x97: {  	v6 =	vmul.f32 $5.000000000e-01, v5  }
0x98: {  	v3 =	vmul.f32 v3, v4  }
0x99: {  	v5 =	vsel vm1, v6, v5  }
0x9a: {  	v6 =	vmul.f32 $5.000000000e-01, v5;
	v3 =	vsub.f32 $1.500000000e+00, v3  }
0x9b: {  	s29 =	simm.s32 $0x10  }
0x9c: {  	v5 =	vsel vm2, v6, v5;
	v4 =	vmul.f32 v3, v4;
	v3 =	vmov s29  }
0x9d: {  	v6 =	vmul.f32 $5.000000000e-01, v5;
	v3 =	vshll.u32 v3, $0x4  }
0x9e: {  	v3 =	vor.u32 v2, v3  }
0x9f: {  	v5 =	vsel vm0, v6, v5  }
0xa0: {  	s30 =	simm.s32 $0x20;
	s29 =	simm.s32 $0xE400;
	v4 =	vmul.f32 v4, v5  }
.LBB2_8:
0xa1: {  	p0 =	sne.s32 s30, $0x130  }
0xa2: {  	s31 =	smov.u32 s30;
	s30 =	sadd.s32 $0x10, s30;
	[tilespmem:s29+$0x0] =	vst v4;
	s29 =	sadd.s32 $0x10, s29  }
0xa3: {  	v3 =	vld.idx.msk [tilespmem:v3+s23+$0x0], $0xffff;
	_ =	sdelay $0x5  }
0xa4: {  	v3 =	vadd.f32 $1.000000000e+00, v3;
	_ =	sdelay $0x1  }
0xa5: {  	v4 =	vmul.f32 $2.500000000e-01, v3  }
0xa6: {  	vm0 =	vgt.f32 v3, $2.000000000e+00  }
0xa7: {  	v3 =	vsel vm0, v4, v3;
	v4 =	vsel vm0, $0x3F000000, v0  }
0xa8: {  	v5 =	vmul.f32 $2.500000000e-01, v3;
	v6 =	vmul.f32 $5.000000000e-01, v4  }
0xa9: {  	vm0 =	vgt.f32 v3, $2.000000000e+00  }
0xaa: {  	v3 =	vsel vm0, v5, v3;
	v4 =	vsel vm0, v6, v4  }
0xab: {  	v5 =	vmul.f32 $2.500000000e-01, v3;
	v6 =	vmul.f32 $5.000000000e-01, v4  }
0xac: {  	vm0 =	vgt.f32 v3, $2.000000000e+00  }
0xad: {  	v3 =	vsel vm0, v5, v3;
	v4 =	vsel vm0, v6, v4  }
0xae: {  	v5 =	vmul.f32 $2.500000000e-01, v3;
	v6 =	vmul.f32 $5.000000000e-01, v4  }
0xaf: {  	vm0 =	vgt.f32 v3, $2.000000000e+00  }
0xb0: {  	v3 =	vsel vm0, v5, v3;
	v4 =	vsel vm0, v6, v4  }
0xb1: {  	v5 =	vmul.f32 $2.500000000e-01, v3;
	v6 =	vmul.f32 $5.000000000e-01, v4  }
0xb2: {  	vm0 =	vgt.f32 v3, $2.000000000e+00  }
0xb3: {  	v3 =	vsel vm0, v5, v3;
	v4 =	vsel vm0, v6, v4  }
0xb4: {  	v5 =	vmul.f32 $2.500000000e-01, v3;
	v6 =	vmul.f32 $5.000000000e-01, v4  }
0xb5: {  	vm0 =	vgt.f32 v3, $2.000000000e+00  }
0xb6: {  	v3 =	vsel vm0, v5, v3;
	v4 =	vsel vm0, v6, v4  }
0xb7: {  	v5 =	vmul.f32 $2.500000000e-01, v3;
	v6 =	vmul.f32 $5.000000000e-01, v4  }
0xb8: {  	vm0 =	vgt.f32 v3, $2.000000000e+00  }
0xb9: {  	v3 =	vsel vm0, v5, v3;
	v4 =	vsel vm0, v6, v4  }
0xba: {  	v5 =	vmul.f32 $2.500000000e-01, v3;
	v6 =	vmul.f32 $5.000000000e-01, v4  }
0xbb: {  	vm0 =	vgt.f32 v3, $2.000000000e+00  }
0xbc: {  	v3 =	vsel vm0, v5, v3;
	v4 =	vsel vm0, v6, v4  }
0xbd: {  	v5 =	vmul.f32 $2.500000000e-01, v3;
	v6 =	vmul.f32 $5.000000000e-01, v4  }
0xbe: {  	vm0 =	vgt.f32 v3, $2.000000000e+00  }
0xbf: {  	v3 =	vsel vm0, v5, v3;
	v4 =	vsel vm0, v6, v4  }
0xc0: {  	v5 =	vmul.f32 $2.500000000e-01, v3;
	v6 =	vmul.f32 $5.000000000e-01, v4  }
0xc1: {  	vm0 =	vgt.f32 v3, $2.000000000e+00  }
0xc2: {  	v3 =	vsel vm0, v5, v3;
	v4 =	vsel vm0, v6, v4  }
0xc3: {  	v3 =	vmul.f32 $5.000000000e-01, v3;
	_ =	sdelay $0x1  }
0xc4: {  	v5 =	vsub.f32 $1.500000000e+00, v3;
	_ =	sdelay $0x1  }
0xc5: {  	v6 =	vmul.f32 v5, v3;
	_ =	sdelay $0x1  }
0xc6: {  	v6 =	vmul.f32 v6, v5;
	_ =	sdelay $0x1  }
0xc7: {  	v6 =	vsub.f32 $1.500000000e+00, v6;
	_ =	sdelay $0x1  }
0xc8: {  	v5 =	vmul.f32 v6, v5;
	_ =	sdelay $0x1  }
0xc9: {  	v6 =	vmul.f32 v5, v3;
	_ =	sdelay $0x1  }
0xca: {  	v6 =	vmul.f32 v6, v5;
	_ =	sdelay $0x1  }
0xcb: {  	v6 =	vsub.f32 $1.500000000e+00, v6;
	_ =	sdelay $0x1  }
0xcc: {  	v5 =	vmul.f32 v6, v5;
	_ =	sdelay $0x1  }
0xcd: {  	v6 =	vmul.f32 v5, v3;
	_ =	sdelay $0x1  }
0xce: {  	v6 =	vmul.f32 v6, v5;
	_ =	sdelay $0x1  }
0xcf: {  	v6 =	vsub.f32 $1.500000000e+00, v6;
	_ =	sdelay $0x1  }
0xd0: {  	v5 =	vmul.f32 v6, v5;
	_ =	sdelay $0x1  }
0xd1: {  	v3 =	vmul.f32 v5, v3;
	_ =	sdelay $0x1  }
0xd2: {  	v3 =	vmul.f32 v3, v5;
	_ =	sdelay $0x1  }
.Ltmp3:
0xd3: {  	v6 =	vmov s31;
	v7 =	vsub.f32 $1.500000000e+00, v3;
	(pc) =	sbr.rel @p0 .LBB2_8-.Ltmp3, $3  }
0xd4: {  	v3 =	vshll.u32 v6, $0x4  }
0xd5: {  	v3 =	vor.u32 v2, v3;
	v5 =	vmul.f32 v7, v5;
	_ =	sdelay $0x1  }
0xd6: {  	v4 =	vmul.f32 v5, v4  }
0xd7: {  	_ =	sdelay $0x2  }
0xd8: {  	[tilespmem:s29+$0x0] =	vst v4  }
0xd9: {  	v3 =	vld.idx.msk [tilespmem:v3+s23+$0x0], $0xffff;
	_ =	sdelay $0x4  }
0xda: {  	v3 =	vadd.f32 $1.000000000e+00, v3;
	_ =	sdelay $0x1  }
0xdb: {  	v4 =	vmul.f32 $2.500000000e-01, v3  }
0xdc: {  	vm9 =	vgt.f32 v3, $2.000000000e+00  }
0xdd: {  	v3 =	vsel vm9, v4, v3  }
0xde: {  	v4 =	vmul.f32 $2.500000000e-01, v3  }
0xdf: {  	vm7 =	vgt.f32 v3, $2.000000000e+00  }
0xe0: {  	v3 =	vsel vm7, v4, v3  }
0xe1: {  	v4 =	vmul.f32 $2.500000000e-01, v3  }
0xe2: {  	vm8 =	vgt.f32 v3, $2.000000000e+00  }
0xe3: {  	v3 =	vsel vm8, v4, v3  }
0xe4: {  	v4 =	vmul.f32 $2.500000000e-01, v3  }
0xe5: {  	vm5 =	vgt.f32 v3, $2.000000000e+00  }
0xe6: {  	v3 =	vsel vm5, v4, v3  }
0xe7: {  	v4 =	vmul.f32 $2.500000000e-01, v3  }
0xe8: {  	vm6 =	vgt.f32 v3, $2.000000000e+00  }
0xe9: {  	v3 =	vsel vm6, v4, v3  }
0xea: {  	v4 =	vmul.f32 $2.500000000e-01, v3  }
0xeb: {  	vm3 =	vgt.f32 v3, $2.000000000e+00  }
0xec: {  	v3 =	vsel vm3, v4, v3  }
0xed: {  	v4 =	vmul.f32 $2.500000000e-01, v3  }
0xee: {  	vm4 =	vgt.f32 v3, $2.000000000e+00  }
0xef: {  	v3 =	vsel vm4, v4, v3  }
0xf0: {  	v4 =	vmul.f32 $2.500000000e-01, v3  }
0xf1: {  	vm1 =	vgt.f32 v3, $2.000000000e+00  }
0xf2: {  	v3 =	vsel vm1, v4, v3  }
0xf3: {  	v4 =	vmul.f32 $2.500000000e-01, v3  }
0xf4: {  	vm2 =	vgt.f32 v3, $2.000000000e+00  }
0xf5: {  	v3 =	vsel vm2, v4, v3  }
0xf6: {  	v4 =	vmul.f32 $2.500000000e-01, v3  }
0xf7: {  	vm0 =	vgt.f32 v3, $2.000000000e+00  }
0xf8: {  	v3 =	vsel vm0, v4, v3  }
0xf9: {  	v3 =	vmul.f32 $5.000000000e-01, v3;
	_ =	sdelay $0x1  }
0xfa: {  	v4 =	vsub.f32 $1.500000000e+00, v3;
	_ =	sdelay $0x1  }
0xfb: {  	v5 =	vmul.f32 v4, v3;
	_ =	sdelay $0x1  }
0xfc: {  	v5 =	vmul.f32 v5, v4;
	_ =	sdelay $0x1  }
0xfd: {  	v6 =	vsel vm9, $0x3F000000, v0;
	v5 =	vsub.f32 $1.500000000e+00, v5  }
0xfe: {  	v7 =	vmul.f32 $5.000000000e-01, v6  }
0xff: {  	v4 =	vmul.f32 v5, v4  }
0x100: {  	v5 =	vsel vm7, v7, v6  }
0x101: {  	v6 =	vmul.f32 $5.000000000e-01, v5;
	v7 =	vmul.f32 v4, v3;
	_ =	sdelay $0x1  }
0x102: {  	v5 =	vsel vm8, v6, v5;
	v6 =	vmul.f32 v7, v4  }
0x103: {  	v7 =	vmul.f32 $5.000000000e-01, v5  }
0x104: {  	v6 =	vsub.f32 $1.500000000e+00, v6  }
0x105: {  	v5 =	vsel vm5, v7, v5  }
0x106: {  	v4 =	vmul.f32 v6, v4;
	v6 =	vmul.f32 $5.000000000e-01, v5;
	_ =	sdelay $0x1  }
0x107: {  	v5 =	vsel vm6, v6, v5;
	v6 =	vmul.f32 v4, v3  }
0x108: {  	v7 =	vmul.f32 $5.000000000e-01, v5  }
0x109: {  	v6 =	vmul.f32 v6, v4  }
0x10a: {  	v5 =	vsel vm3, v7, v5  }
0x10b: {  	v7 =	vmul.f32 $5.000000000e-01, v5;
	v6 =	vsub.f32 $1.500000000e+00, v6;
	_ =	sdelay $0x1  }
0x10c: {  	v5 =	vsel vm4, v7, v5;
	v4 =	vmul.f32 v6, v4  }
0x10d: {  	v6 =	vmul.f32 $5.000000000e-01, v5  }
0x10e: {  	v3 =	vmul.f32 v4, v3  }
0x10f: {  	v5 =	vsel vm1, v6, v5  }
0x110: {  	v6 =	vmul.f32 $5.000000000e-01, v5;
	v3 =	vmul.f32 v3, v4;
	_ =	sdelay $0x1  }
0x111: {  	v5 =	vsel vm2, v6, v5;
	v3 =	vsub.f32 $1.500000000e+00, v3  }
0x112: {  	v6 =	vmul.f32 $5.000000000e-01, v5  }
0x113: {  	v3 =	vmul.f32 v3, v4;
	v4 =	vmov s28  }
0x114: {  	v5 =	vsel vm0, v6, v5  }
0x115: {  	v3 =	vmul.f32 v3, v5  }
0x116: {  	s29 =	sadd.s32 $0x10, s29  }
0x117: {  	[tilespmem:s29+$0x0] =	vst v3  }
0x118: {  	v3 =	vld.idx.msk [tilespmem:v4+s24+$0x0], $0xffff;
	_ =	sdelay $0x3  }
0x119: {  	s31 =	simm.s32 $0x1;
	s29 =	simm.s32 $0x0  }
0x11a: {  	s30 =	sand.u32 $0x7FC0, s28;
	v4 =	vmov s31;
	[tilespmem:s29+$0x8000] =	vst v3  }
0x11b: {  	s29 =	simm.s32 $0x2;
	[tilespmem:s30+$0x9400] =	vst v3  }
.LBB2_10:
0x11c: {  	p0 =	sne.s32 s29, $0x13F;
	[tilespmem:s30+$0x9410] =	vst v3  }
0x11d: {  	[tilespmem:s30+$0x9420] =	vst v3  }
0x11e: {  	[tilespmem:s30+$0x9430] =	vst v3  }
0x11f: {  	v3 =	vld.idx.msk [tilespmem:v4+s24+$0x0], $0xffff;
	_ =	sdelay $0x2  }
.Ltmp4:
0x120: {  	(pc) =	sbr.rel @p0 .LBB2_10-.Ltmp4, $4  }
0x121: {  	s28 =	sadd.s32 $0x40, s28  }
0x122: {  	s30 =	sshra.s32 s28, $0x2  }
0x123: {  	v4 =	vmov s29;
	[tilespmem:s30+$0x8000] =	vst v3;
	s30 =	sand.u32 $0x7FC0, s28  }
0x124: {  	s29 =	sadd.s32 $0x1, s29;
	[tilespmem:s30+$0x9400] =	vst v3  }
0x125: {  	_ = 	snop  }
0x126: {  	[tilespmem:s30+$0x9410] =	vst v3  }
0x127: {  	[tilespmem:s30+$0x9420] =	vst v3  }
0x128: {  	[tilespmem:s30+$0x9430] =	vst v3  }
0x129: {  	v3 =	vld.idx.msk [tilespmem:v4+s24+$0x0], $0xffff;
	_ =	sdelay $0x2  }
0x12a: {  	s28 =	sadd.s32 $0x40, s28  }
0x12b: {  	s29 =	sshra.s32 s28, $0x2  }
0x12c: {  	s28 =	sand.u32 $0x7FC0, s28;
	[tilespmem:s29+$0x8000] =	vst v3  }
0x12d: {  	[tilespmem:s28+$0x9400] =	vst v3  }
0x12e: {  	[tilespmem:s28+$0x9410] =	vst v3  }
0x12f: {  	[tilespmem:s28+$0x9420] =	vst v3  }
0x130: {  	[tilespmem:s28+$0x9430] =	vst v3  }
0x131: {  	[hbm4b:s8+s3] =	stream.linear.scatter [tilespmem:s23], [sflag:$0x2], $0x1400, $0x38;
	[tilespmem:$0x10D40] =	vst v63  }
0x132: {  	s26 =	sadd.s32 $0x1, s26;
	_ =	swait.ge [sflag:s12], $0x1400  }
0x133: {  	p0 =	sne.s32 s26, s10;
	[sflag:s12] =	ssyncset.done $0x0  }
.Ltmp5:
0x134: {  	[sflag:s12] =	ssyncadd.s32 $0xFFFFEC00;
	(pc) =	sbr.rel @p0 .LBB2_1-.Ltmp5, $4  }
0x135: {  	[hbm4b:s9+s3] =	stream.linear.scatter [tilespmem:s25], [sflag:$0x2], $0x5000, $0x38;
	[tilespmem:$0x10D40] =	vst v63  }
0x136: {  	_ =	swait.ge [sflag:s12], $0x5000  }
0x137: {  	[sflag:s12] =	ssyncset.done $0x0  }
0x138: {  	[sflag:s12] =	ssyncadd.s32 $0xFFFFB000  }
0x139: {  	_ =	sfence.sel $0x180000  }
0x13a: {  	[bflag:$0x0] =	sbarrier.arrive $0xFFFF  }
0x13b: {  	p0 =	sne.s32 s1, $0x0;
	_ =	strace $0x90000047  }
0x13c: {  	s0 =	sadd.s32 @!p0 $0x100000, s0;
	[bflag:$0x2] =	sbarrier.arrive $0xFFFF  }
0x13d: {  	[sflag:s0] =	ssyncadd.tile.s32 @!p0 $0x1;
	_ =	shalt  }
.Lfunc_end2:
_tile_overlayer_lowered:
.L_overlay_start_2:
0x13e: {  	(tag) =	ssettag $0x2  }
0x13f: {  	s0 =	rddreg [dreg:$0x0];
	s2 =	stileid.u32  }
0x140: {  	s1 =	rddreg [dreg:$0x1];
	p0 =	sne.s32 s2, $0x0  }
0x141: {  	s3 =	rddreg [dreg:$0x2];
	[bflag:$0x3] =	sbarrier.arrive $0xFFFF;
	s2 =	simm.s32 @!p0 $0x1C02  }
0x142: {  	[timem:s3], [sflag:s2] =	dma.local @!p0 [hbm:s0], s1  }
0x143: {  	s0 =	simm.s32 @!p0 $0x2  }
0x144: {  	_ =	swait.ge @!p0 [sflag:s0], s1  }
0x145: {  	s1 =	ssub.s32 @!p0 $0x0, s1;
	[sflag:s0] =	ssyncset.done @!p0 $0x0  }
0x146: {  	[sflag:s0] =	ssyncadd.s32 @!p0 s1  }
0x147: {  	[bflag:$0x3] =	sbarrier.arrive $0xFFFF  }
0x148: {  	_ =	shalt  }

</sc_bundles>
